<compile_context>
chip_gen: v7x
topology: tpu7x:2x2x1
jax: 0.10.2.dev20260603
libtpu: 0.0.44.dev20260713+nightly
codegen_flags: <defaults>
</compile_context>

<pallas_src>
import jax
import jax.numpy as jnp
from jax import lax
from jax.experimental import pallas as pl
from jax.experimental.pallas import tpu as pltpu
from jax.experimental.pallas import tpu_sc as plsc

N_NODES = 50000
DIM = 64
HALF = 32
N_LAYERS = 3
N_EDGES = 800000

N_TILES = 16
N_CORES = 2

SCAT = 128
EDGES_PER_TILE = 51200
CPT = EDGES_PER_TILE // SCAT
NE_PAD = EDGES_PER_TILE * N_TILES

NRING = 4
NIRING = 8

ROWS_PER_TILE = 3200
N_PAD = ROWS_PER_TILE * N_TILES
RCH = 128
NRCH = ROWS_PER_TILE // RCH

ACC_OFF = 0
OUT_OFF = RCH
ZERO_OFF = 2 * RCH

DUMMY_ROW = N_NODES


def _body(col_hbm, row_hbm, emb_hbm, out_hbm, xbuf_hbm,
          acc, degacc, colb, rowb, ring, ones_v, d2_buf,
          gsem, ssem, isem):
    c = lax.axis_index("c")
    s = lax.axis_index("s")
    r0 = s * ROWS_PER_TILE
    g0 = c * N_PAD + r0

    def _zero_region(off):
        def _z(r, carry):
            ring[off + r, pl.ds(0, 16)] = jnp.zeros((16,), jnp.float32)
            ring[off + r, pl.ds(16, 16)] = jnp.zeros((16,), jnp.float32)
            return carry
        lax.fori_loop(0, RCH, _z, 0)

    for i in range(SCAT // 16):
        ones_v[pl.ds(i * 16, 16)] = jnp.full((16,), 1.0, jnp.float32)

    def _zd(i, carry):
        d2_buf[pl.ds(i * 16, 16)] = jnp.zeros((16,), jnp.float32)
        return carry
    lax.fori_loop(0, ROWS_PER_TILE // 16, _zd, 0)

    _zero_region(ZERO_OFF)

    def _init_chunk(k, carry):
        stage = ring.at[pl.ds(ACC_OFF, RCH)]
        pltpu.sync_copy(emb_hbm.at[pl.ds(g0 + k * RCH, RCH)], stage)
        pltpu.sync_copy(stage, xbuf_hbm.at[pl.ds(g0 + k * RCH, RCH)])
        pltpu.sync_copy(stage, out_hbm.at[pl.ds(g0 + k * RCH, RCH)])
        pltpu.sync_copy(ring.at[pl.ds(ZERO_OFF, RCH)],
                        acc.at[pl.ds(r0 + k * RCH, RCH)])
        return carry
    lax.fori_loop(0, NRCH, _init_chunk, 0)
    pltpu.sync_copy(d2_buf, degacc.at[pl.ds(r0, ROWS_PER_TILE)])
    plsc.subcore_barrier()

    for l in range(N_LAYERS):
        last = l == N_LAYERS - 1
        layer0 = l == 0
        cb0 = c * NE_PAD + s * EDGES_PER_TILE
        rb0 = s * CPT

        def _drain_rows(n_chunks, semm):
            pltpu.make_async_copy(emb_hbm.at[pl.ds(0, n_chunks * SCAT)],
                                  ring.at[pl.ds(0, n_chunks * SCAT)],
                                  semm).wait()

        def _drain_idx(n_rows, semm):
            pltpu.make_async_copy(row_hbm.at[pl.ds(0, n_rows)],
                                  rowb.at[pl.ds(0, n_rows)], semm).wait()

        GSZ = 2 * SCAT
        pltpu.sync_copy(col_hbm.at[pl.ds(cb0, GSZ)], colb.at[pl.ds(0, GSZ)])
        pltpu.sync_copy(row_hbm.at[pl.ds(rb0, 2)], rowb.at[pl.ds(0, 2)])
        pltpu.async_copy(col_hbm.at[pl.ds(cb0 + GSZ, GSZ)],
                         colb.at[pl.ds(GSZ, GSZ)], isem)
        pltpu.async_copy(row_hbm.at[pl.ds(rb0 + 2, 2)],
                         rowb.at[pl.ds(2, 2)], isem)
        pltpu.async_copy(xbuf_hbm.at[colb.at[pl.ds(0, GSZ)]],
                         ring.at[pl.ds(0, GSZ)], gsem)

        NGRP = CPT // 2

        def _edge(g, carry, _layer0=layer0, _cb0=cb0, _rb0=rb0):
            a = 2 * g
            ghalf = lax.rem(g, 2) * GSZ
            @pl.when(g > 0)
            def _():
                _drain_rows(2, ssem)
                if _layer0:
                    _drain_idx(2, ssem)
            @pl.when(g + 1 < NGRP)
            def _():
                _drain_idx(4, isem)
                bg1 = lax.rem(g + 1, 4) * GSZ
                pltpu.async_copy(xbuf_hbm.at[colb.at[pl.ds(bg1, GSZ)]],
                                 ring.at[pl.ds(lax.rem(g + 1, 2) * GSZ,
                                               GSZ)], gsem)
            _drain_rows(2, gsem)
            @pl.when(g + 2 < NGRP)
            def _():
                bc2 = lax.rem(g + 2, 4) * GSZ
                pltpu.async_copy(col_hbm.at[pl.ds(_cb0 + (a + 4) * SCAT,
                                                  GSZ)],
                                 colb.at[pl.ds(bc2, GSZ)], isem)
                br2 = lax.rem(a + 4, NIRING)
                pltpu.async_copy(row_hbm.at[pl.ds(_rb0 + a + 4, 2)],
                                 rowb.at[pl.ds(br2, 2)], isem)
            for m in range(2):
                bm = lax.rem(a + m, NIRING)
                pltpu.async_copy(ring.at[pl.ds(ghalf + m * SCAT, SCAT)],
                                 acc.at[rowb.at[bm]], ssem, add=True)
                if _layer0:
                    pltpu.async_copy(ones_v, degacc.at[rowb.at[bm]],
                                     ssem, add=True)
            return carry
        lax.fori_loop(0, NGRP, _edge, 0)
        _drain_rows(2, ssem)
        if layer0:
            _drain_idx(2, ssem)
        plsc.subcore_barrier()

        if layer0:
            pltpu.sync_copy(degacc.at[pl.ds(r0, ROWS_PER_TILE)], d2_buf)

            def _d2(i, carry):
                d = d2_buf[pl.ds(i * 16, 16)]
                d2_buf[pl.ds(i * 16, 16)] = jnp.where(
                    d > 0.0, 1.0 / d, jnp.zeros((16,), jnp.float32))
                return carry
            lax.fori_loop(0, ROWS_PER_TILE // 16, _d2, 0)

        if not last:
            _zero_region(ZERO_OFF)

        def _scale_chunk(k, carry, _last=last):
            gr = g0 + k * RCH
            ar = r0 + k * RCH
            pltpu.sync_copy(acc.at[pl.ds(ar, RCH)],
                            ring.at[pl.ds(ACC_OFF, RCH)])
            pltpu.sync_copy(out_hbm.at[pl.ds(gr, RCH)],
                            ring.at[pl.ds(OUT_OFF, RCH)])

            def _srow(i, carry2, _k=k):
                base = i * 16
                dvec = d2_buf[pl.ds(_k * RCH + base, 16)]
                for rr in range(16):
                    r = base + rr
                    dd = dvec[rr]
                    for h in range(HALF // 16):
                        v = ring[ACC_OFF + r, pl.ds(h * 16, 16)] * dd
                        ring[ACC_OFF + r, pl.ds(h * 16, 16)] = v
                        o = ring[OUT_OFF + r, pl.ds(h * 16, 16)] + v
                        if _last:
                            o = o * 0.25
                        ring[OUT_OFF + r, pl.ds(h * 16, 16)] = o
                return carry2
            lax.fori_loop(0, RCH // 16, _srow, 0)
            pltpu.sync_copy(ring.at[pl.ds(OUT_OFF, RCH)],
                            out_hbm.at[pl.ds(gr, RCH)])
            if not _last:
                pltpu.sync_copy(ring.at[pl.ds(ACC_OFF, RCH)],
                                xbuf_hbm.at[pl.ds(gr, RCH)])
                pltpu.sync_copy(ring.at[pl.ds(ZERO_OFF, RCH)],
                                acc.at[pl.ds(ar, RCH)])
            return carry
        lax.fori_loop(0, NRCH, _scale_chunk, 0)
        if not last:
            plsc.subcore_barrier()


@jax.jit
def kernel(edge_index, embedding_weight):
    row = edge_index[0].astype(jnp.int32)
    col = edge_index[1].astype(jnp.int32)
    npad = NE_PAD - N_EDGES
    row_p = jnp.concatenate(
        [row, jnp.full((npad,), DUMMY_ROW, jnp.int32)]).reshape(-1, SCAT)
    col_p = jnp.concatenate([col, jnp.zeros((npad,), jnp.int32)])
    col2 = jnp.concatenate([col_p, col_p + N_PAD])

    zrows = jnp.zeros((N_PAD - N_NODES, HALF), jnp.float32)
    emb = jnp.concatenate([
        embedding_weight[:, :HALF], zrows,
        embedding_weight[:, HALF:], zrows], axis=0)

    mesh = plsc.VectorSubcoreMesh(core_axis_name="c", subcore_axis_name="s")
    out, _ = pl.kernel(
        _body,
        mesh=mesh,
        compiler_params=pltpu.CompilerParams(use_tc_tiling_on_sc=False),
        out_type=(
            jax.ShapeDtypeStruct((2 * N_PAD, HALF), jnp.float32),
            jax.ShapeDtypeStruct((2 * N_PAD, HALF), jnp.float32),
        ),
        scratch_types=[
            pltpu.VMEM_SHARED((N_PAD, HALF), jnp.float32),
            pltpu.VMEM_SHARED((N_PAD,), jnp.float32),
            pltpu.VMEM((4 * 2 * SCAT,), jnp.int32),
            pltpu.VMEM((NIRING, SCAT), jnp.int32),
            pltpu.VMEM((NRING * SCAT, HALF), jnp.float32),
            pltpu.VMEM((SCAT,), jnp.float32),
            pltpu.VMEM((ROWS_PER_TILE,), jnp.float32),
            pltpu.SemaphoreType.DMA,
            pltpu.SemaphoreType.DMA,
            pltpu.SemaphoreType.DMA,
        ],
    )(col2, row_p, emb)
    return jnp.concatenate(
        [out[:N_NODES], out[N_PAD:N_PAD + N_NODES]], axis=1)

# --- scband reference (transcript-rebuilt; emitter-appended) ---
"""Pipeline reference for scband-light-gcn-9380208574850 (READ-ONLY COPY).

The authoritative reference and input builder live on the scoring server;
editing this copy changes nothing except your own understanding.
"""

import jax, jax.numpy as jnp
import numpy as np

NUM_NODES = 50000
EMBED_DIM = 64
NUM_LAYERS = 3
NUM_EDGES = 800000


def setup_inputs(seed: int = 0) -> dict:
    key = jax.random.key(seed)
    k1, k2 = jax.random.split(key)
    edge_index = jax.random.randint(k1, (2, NUM_EDGES), 0, NUM_NODES, dtype=jnp.int64 if jax.config.jax_enable_x64 else jnp.int32)
    # xavier_uniform init for embedding weight [NUM_NODES, EMBED_DIM]
    limit = float(np.sqrt(6.0 / (NUM_NODES + EMBED_DIM)))
    embedding_weight = jax.random.uniform(k2, (NUM_NODES, EMBED_DIM), dtype=jnp.float32, minval=-limit, maxval=limit)
    return {"edge_index": edge_index, "embedding_weight": embedding_weight}


def reference(edge_index, embedding_weight):
    x = embedding_weight
    row = edge_index[0]
    col = edge_index[1]
    num_nodes = x.shape[0]
    deg = jnp.bincount(row, minlength=num_nodes, length=num_nodes).astype(jnp.float32)
    deg_inv_sqrt = jnp.power(deg, -0.5)
    deg_inv_sqrt = jnp.where(jnp.isinf(deg_inv_sqrt), 0.0, deg_inv_sqrt)
    all_embeddings = [x]
    for _ in range(NUM_LAYERS):
        m = deg_inv_sqrt[row][:, None] * x[col]
        x = jnp.zeros_like(x).at[row].add(m)
        x = x * deg_inv_sqrt[:, None]
        all_embeddings.append(x)
    return jnp.mean(jnp.stack(all_embeddings, axis=0), axis=0)

if __name__ == "__main__":
    import jax
    _d = setup_inputs()
    print(jax.jit(kernel)(*tuple(_d.values())))

</pallas_src>

<mosaic_0001>
#map = affine_map<(d0, d1) -> (0)>
#map1 = affine_map<(d0, d1) -> (0, 0)>
module attributes {stable_mosaic.version = 14 : i64} {
  func.func @_body(%arg0: i32, %arg1: i32, %arg2: memref<1638400xi32, #tpu.memory_space<hbm>>, %arg3: memref<6400x128xi32, #tpu.memory_space<hbm>>, %arg4: memref<102400x32xf32, #tpu.memory_space<hbm>>, %arg5: memref<102400x32xf32, #tpu.memory_space<hbm>>, %arg6: memref<102400x32xf32, #tpu.memory_space<hbm>>, %arg7: memref<51200x32xf32, #tpu.memory_space<vmem_shared>>, %arg8: memref<51200xf32, #tpu.memory_space<vmem_shared>>, %arg9: memref<1024xi32, #tpu.memory_space<vmem>>, %arg10: memref<8x128xi32, #tpu.memory_space<vmem>>, %arg11: memref<512x32xf32, #tpu.memory_space<vmem>>, %arg12: memref<128xf32, #tpu.memory_space<vmem>>, %arg13: memref<3200xf32, #tpu.memory_space<vmem>>, %arg14: memref<!tpu.dma_semaphore, #tpu.memory_space<semaphore_mem>>, %arg15: memref<!tpu.dma_semaphore, #tpu.memory_space<semaphore_mem>>, %arg16: memref<!tpu.dma_semaphore, #tpu.memory_space<semaphore_mem>>) attributes {dimension_semantics = [#tpu.dimension_semantics<core_parallel>, #tpu.dimension_semantics<subcore_parallel>], iteration_bounds = array<i64: 2, 16>, scalar_prefetch = 0 : i64, scratch_operands = 10 : i64, tpu.core_type = #tpu.core_type<sc_vector_subcore>, window_params = [{transform_indices = #map}, {transform_indices = #map1}, {transform_indices = #map1}, {transform_indices = #map1}, {transform_indices = #map1}]} {
    %mul3A = arith.constant 3200 : i32
    %mul3A_0 = arith.muli %arg1, %mul3A : i32
    %mul3A_1 = arith.constant 51200 : i32
    %mul3A_2 = arith.muli %arg0, %mul3A_1 : i32
    %add3A = arith.addi %mul3A_2, %mul3A_0 : i32
    %broadcast_in_dim3A = arith.constant 1.000000e+00 : f32
    %broadcast_in_dim3A_3 = vector.broadcast %broadcast_in_dim3A : f32 to vector<16xf32>
    %swap3A = arith.constant 0 : index
    %swap3A_4 = tpu.vector_load %arg12[%swap3A] {strides = array<i32>} : memref<128xf32, #tpu.memory_space<vmem>>, vector<16xf32>,
    %swap3A_5 = vector.shape_cast %swap3A_4 : vector<16xf32> to vector<16xf32>
    %swap3A_6 = vector.shape_cast %broadcast_in_dim3A_3 : vector<16xf32> to vector<16xf32>
    tpu.vector_store %arg12[%swap3A], %swap3A_6 {strides = array<i32>} : memref<128xf32, #tpu.memory_space<vmem>>, vector<16xf32>,
    %broadcast_in_dim3A_7 = arith.constant 1.000000e+00 : f32
    %broadcast_in_dim3A_8 = vector.broadcast %broadcast_in_dim3A_7 : f32 to vector<16xf32>
    %swap3A_9 = arith.constant 16 : index
    %swap3A_10 = tpu.vector_load %arg12[%swap3A_9] {strides = array<i32>} : memref<128xf32, #tpu.memory_space<vmem>>, vector<16xf32>,
    %swap3A_11 = vector.shape_cast %swap3A_10 : vector<16xf32> to vector<16xf32>
    %swap3A_12 = vector.shape_cast %broadcast_in_dim3A_8 : vector<16xf32> to vector<16xf32>
    tpu.vector_store %arg12[%swap3A_9], %swap3A_12 {strides = array<i32>} : memref<128xf32, #tpu.memory_space<vmem>>, vector<16xf32>,
    %broadcast_in_dim3A_13 = arith.constant 1.000000e+00 : f32
    %broadcast_in_dim3A_14 = vector.broadcast %broadcast_in_dim3A_13 : f32 to vector<16xf32>
    %swap3A_15 = arith.constant 32 : index
    %swap3A_16 = tpu.vector_load %arg12[%swap3A_15] {strides = array<i32>} : memref<128xf32, #tpu.memory_space<vmem>>, vector<16xf32>,
    %swap3A_17 = vector.shape_cast %swap3A_16 : vector<16xf32> to vector<16xf32>
    %swap3A_18 = vector.shape_cast %broadcast_in_dim3A_14 : vector<16xf32> to vector<16xf32>
    tpu.vector_store %arg12[%swap3A_15], %swap3A_18 {strides = array<i32>} : memref<128xf32, #tpu.memory_space<vmem>>, vector<16xf32>,
    %broadcast_in_dim3A_19 = arith.constant 1.000000e+00 : f32
    %broadcast_in_dim3A_20 = vector.broadcast %broadcast_in_dim3A_19 : f32 to vector<16xf32>
    %swap3A_21 = arith.constant 48 : index
    %swap3A_22 = tpu.vector_load %arg12[%swap3A_21] {strides = array<i32>} : memref<128xf32, #tpu.memory_space<vmem>>, vector<16xf32>,
    %swap3A_23 = vector.shape_cast %swap3A_22 : vector<16xf32> to vector<16xf32>
    %swap3A_24 = vector.shape_cast %broadcast_in_dim3A_20 : vector<16xf32> to vector<16xf32>
    tpu.vector_store %arg12[%swap3A_21], %swap3A_24 {strides = array<i32>} : memref<128xf32, #tpu.memory_space<vmem>>, vector<16xf32>,
    %broadcast_in_dim3A_25 = arith.constant 1.000000e+00 : f32
    %broadcast_in_dim3A_26 = vector.broadcast %broadcast_in_dim3A_25 : f32 to vector<16xf32>
    %swap3A_27 = arith.constant 64 : index
    %swap3A_28 = tpu.vector_load %arg12[%swap3A_27] {strides = array<i32>} : memref<128xf32, #tpu.memory_space<vmem>>, vector<16xf32>,
    %swap3A_29 = vector.shape_cast %swap3A_28 : vector<16xf32> to vector<16xf32>
    %swap3A_30 = vector.shape_cast %broadcast_in_dim3A_26 : vector<16xf32> to vector<16xf32>
    tpu.vector_store %arg12[%swap3A_27], %swap3A_30 {strides = array<i32>} : memref<128xf32, #tpu.memory_space<vmem>>, vector<16xf32>,
    %broadcast_in_dim3A_31 = arith.constant 1.000000e+00 : f32
    %broadcast_in_dim3A_32 = vector.broadcast %broadcast_in_dim3A_31 : f32 to vector<16xf32>
    %swap3A_33 = arith.constant 80 : index
    %swap3A_34 = tpu.vector_load %arg12[%swap3A_33] {strides = array<i32>} : memref<128xf32, #tpu.memory_space<vmem>>, vector<16xf32>,
    %swap3A_35 = vector.shape_cast %swap3A_34 : vector<16xf32> to vector<16xf32>
    %swap3A_36 = vector.shape_cast %broadcast_in_dim3A_32 : vector<16xf32> to vector<16xf32>
    tpu.vector_store %arg12[%swap3A_33], %swap3A_36 {strides = array<i32>} : memref<128xf32, #tpu.memory_space<vmem>>, vector<16xf32>,
    %broadcast_in_dim3A_37 = arith.constant 1.000000e+00 : f32
    %broadcast_in_dim3A_38 = vector.broadcast %broadcast_in_dim3A_37 : f32 to vector<16xf32>
    %swap3A_39 = arith.constant 96 : index
    %swap3A_40 = tpu.vector_load %arg12[%swap3A_39] {strides = array<i32>} : memref<128xf32, #tpu.memory_space<vmem>>, vector<16xf32>,
    %swap3A_41 = vector.shape_cast %swap3A_40 : vector<16xf32> to vector<16xf32>
    %swap3A_42 = vector.shape_cast %broadcast_in_dim3A_38 : vector<16xf32> to vector<16xf32>
    tpu.vector_store %arg12[%swap3A_39], %swap3A_42 {strides = array<i32>} : memref<128xf32, #tpu.memory_space<vmem>>, vector<16xf32>,
    %broadcast_in_dim3A_43 = arith.constant 1.000000e+00 : f32
    %broadcast_in_dim3A_44 = vector.broadcast %broadcast_in_dim3A_43 : f32 to vector<16xf32>
    %swap3A_45 = arith.constant 112 : index
    %swap3A_46 = tpu.vector_load %arg12[%swap3A_45] {strides = array<i32>} : memref<128xf32, #tpu.memory_space<vmem>>, vector<16xf32>,
    %swap3A_47 = vector.shape_cast %swap3A_46 : vector<16xf32> to vector<16xf32>
    %swap3A_48 = vector.shape_cast %broadcast_in_dim3A_44 : vector<16xf32> to vector<16xf32>
    tpu.vector_store %arg12[%swap3A_45], %swap3A_48 {strides = array<i32>} : memref<128xf32, #tpu.memory_space<vmem>>, vector<16xf32>,
    %scan3A = arith.constant 0 : i32
    %scan3A_49 = arith.constant 0 : i32
    %scan3A_50 = arith.constant 200 : i32
    %scan3A_51 = arith.addi %scan3A_49, %scan3A_50 : i32
    %scan3A_52 = arith.constant 1 : i32
    scf.for %scan3A_276 = %scan3A_49 to %scan3A_51 step %scan3A_52  : i32 {
      %broadcast_in_dim3A_277 = arith.constant 0.000000e+00 : f32
      %broadcast_in_dim3A_278 = vector.broadcast %broadcast_in_dim3A_277 : f32 to vector<16xf32>
      %mul3A_279 = arith.constant 16 : i32
      %mul3A_280 = arith.muli %scan3A_276, %mul3A_279 : i32
      %swap3A_281 = arith.index_cast %mul3A_280 : i32 to index
      %swap3A_282 = tpu.vector_load %arg13[%swap3A_281] {strides = array<i32>} : memref<3200xf32, #tpu.memory_space<vmem>>, vector<16xf32>,
      %swap3A_283 = vector.shape_cast %swap3A_282 : vector<16xf32> to vector<16xf32>
      %swap3A_284 = vector.shape_cast %broadcast_in_dim3A_278 : vector<16xf32> to vector<16xf32>
      tpu.vector_store %arg13[%swap3A_281], %swap3A_284 {strides = array<i32>} : memref<3200xf32, #tpu.memory_space<vmem>>, vector<16xf32>,
    }
    %scan3A_53 = arith.constant 200 : i32
    %scan3A_54 = arith.constant 0 : i32
    %scan3A_55 = arith.constant 0 : i32
    %scan3A_56 = arith.constant 128 : i32
    %scan3A_57 = arith.addi %scan3A_55, %scan3A_56 : i32
    %scan3A_58 = arith.constant 1 : i32
    scf.for %scan3A_276 = %scan3A_55 to %scan3A_57 step %scan3A_58  : i32 {
      %broadcast_in_dim3A_277 = arith.constant 0.000000e+00 : f32
      %broadcast_in_dim3A_278 = vector.broadcast %broadcast_in_dim3A_277 : f32 to vector<16xf32>
      %add3A_279 = arith.constant 256 : i32
      %add3A_280 = arith.addi %add3A_279, %scan3A_276 : i32
      %swap3A_281 = arith.index_cast %add3A_280 : i32 to index
      %swap3A_282 = arith.constant 0 : index
      %swap3A_283 = tpu.vector_load %arg11[%swap3A_281, %swap3A_282] {strides = array<i32>} : memref<512x32xf32, #tpu.memory_space<vmem>>, vector<1x16xf32>,
      %swap3A_284 = vector.shape_cast %swap3A_283 : vector<1x16xf32> to vector<16xf32>
      %swap3A_285 = vector.shape_cast %broadcast_in_dim3A_278 : vector<16xf32> to vector<1x16xf32>
      tpu.vector_store %arg11[%swap3A_281, %swap3A_282], %swap3A_285 {strides = array<i32>} : memref<512x32xf32, #tpu.memory_space<vmem>>, vector<1x16xf32>,
      %broadcast_in_dim3A_286 = arith.constant 0.000000e+00 : f32
      %broadcast_in_dim3A_287 = vector.broadcast %broadcast_in_dim3A_286 : f32 to vector<16xf32>
      %add3A_288 = arith.constant 256 : i32
      %add3A_289 = arith.addi %add3A_288, %scan3A_276 : i32
      %swap3A_290 = arith.index_cast %add3A_289 : i32 to index
      %swap3A_291 = arith.constant 16 : index
      %swap3A_292 = tpu.vector_load %arg11[%swap3A_290, %swap3A_291] {strides = array<i32>} : memref<512x32xf32, #tpu.memory_space<vmem>>, vector<1x16xf32>,
      %swap3A_293 = vector.shape_cast %swap3A_292 : vector<1x16xf32> to vector<16xf32>
      %swap3A_294 = vector.shape_cast %broadcast_in_dim3A_287 : vector<16xf32> to vector<1x16xf32>
      tpu.vector_store %arg11[%swap3A_290, %swap3A_291], %swap3A_294 {strides = array<i32>} : memref<512x32xf32, #tpu.memory_space<vmem>>, vector<1x16xf32>,
    }
    %scan3A_59 = arith.constant 128 : i32
    %scan3A_60 = arith.constant 0 : i32
    %scan3A_61 = arith.constant 0 : i32
    %scan3A_62 = arith.constant 25 : i32
    %scan3A_63 = arith.addi %scan3A_61, %scan3A_62 : i32
    %scan3A_64 = arith.constant 1 : i32
    scf.for %scan3A_276 = %scan3A_61 to %scan3A_63 step %scan3A_64  : i32 {
      %mul3A_277 = arith.constant 128 : i32
      %mul3A_278 = arith.muli %scan3A_276, %mul3A_277 : i32
      %add3A_279 = arith.addi %add3A, %mul3A_278 : i32
      "tpu.region"() ({
        %run_scoped3A = tpu.sem_alloc : memref<!tpu.dma_semaphore, #tpu.memory_space<semaphore_mem>>
        %dma_start3A_289 = arith.constant 0 : i32
        %dma_start3A_290 = arith.constant 0 : i32
        %dma_start3A_291 = tpu.memref_slice %arg11[%dma_start3A_289, %dma_start3A_290] : memref<512x32xf32, #tpu.memory_space<vmem>> -> memref<128x32xf32, #tpu.memory_space<vmem>>
        %dma_start3A_292 = arith.constant 0 : i32
        %dma_start3A_293 = tpu.memref_slice %arg4[%add3A_279, %dma_start3A_292] : memref<102400x32xf32, #tpu.memory_space<hbm>> -> memref<128x32xf32, #tpu.memory_space<hbm>>
        %dma_start3A_294 = arith.constant 0 : i32
        %dma_start3A_295 = arith.constant 0 : i32
        %dma_start3A_296 = tpu.memref_slice %arg11[%dma_start3A_294, %dma_start3A_295] : memref<512x32xf32, #tpu.memory_space<vmem>> -> memref<128x32xf32, #tpu.memory_space<vmem>>
        %dma_start3A_297 = arith.constant 0 : i32
        %dma_start3A_298 = tpu.memref_slice %arg4[%add3A_279, %dma_start3A_297] : memref<102400x32xf32, #tpu.memory_space<hbm>> -> memref<128x32xf32, #tpu.memory_space<hbm>>
        tpu.enqueue_dma source(%dma_start3A_298 : memref<128x32xf32, #tpu.memory_space<hbm>>) target(%dma_start3A_296 : memref<128x32xf32, #tpu.memory_space<vmem>>) target_semaphore(%run_scoped3A : memref<!tpu.dma_semaphore, #tpu.memory_space<semaphore_mem>>)
        %dma_wait3A_299 = arith.constant 0 : i32
        %dma_wait3A_300 = arith.constant 0 : i32
        %dma_wait3A_301 = tpu.memref_slice %arg11[%dma_wait3A_299, %dma_wait3A_300] : memref<512x32xf32, #tpu.memory_space<vmem>> -> memref<128x32xf32, #tpu.memory_space<vmem>>
        %dma_wait3A_302 = arith.constant 0 : i32
        %dma_wait3A_303 = tpu.memref_slice %arg4[%add3A_279, %dma_wait3A_302] : memref<102400x32xf32, #tpu.memory_space<hbm>> -> memref<128x32xf32, #tpu.memory_space<hbm>>
        %dma_wait3A_304 = arith.constant 0 : i32
        %dma_wait3A_305 = arith.constant 0 : i32
        %dma_wait3A_306 = tpu.memref_slice %arg11[%dma_wait3A_304, %dma_wait3A_305] : memref<512x32xf32, #tpu.memory_space<vmem>> -> memref<128x32xf32, #tpu.memory_space<vmem>>
        %dma_wait3A_307 = arith.constant 0 : i32
        %dma_wait3A_308 = tpu.memref_slice %arg4[%add3A_279, %dma_wait3A_307] : memref<102400x32xf32, #tpu.memory_space<hbm>> -> memref<128x32xf32, #tpu.memory_space<hbm>>
        tpu.wait_dma2 semaphore(%run_scoped3A : memref<!tpu.dma_semaphore, #tpu.memory_space<semaphore_mem>>) src(%dma_wait3A_308 : memref<128x32xf32, #tpu.memory_space<hbm>>) dst(%dma_wait3A_306 : memref<128x32xf32, #tpu.memory_space<vmem>>)
        tpu.yield
      }) : () -> ()
      %mul3A_280 = arith.constant 128 : i32
      %mul3A_281 = arith.muli %scan3A_276, %mul3A_280 : i32
      %add3A_282 = arith.addi %add3A, %mul3A_281 : i32
      "tpu.region"() ({
        %run_scoped3A = tpu.sem_alloc : memref<!tpu.dma_semaphore, #tpu.memory_space<semaphore_mem>>
        %dma_start3A_289 = arith.constant 0 : i32
        %dma_start3A_290 = arith.constant 0 : i32
        %dma_start3A_291 = tpu.memref_slice %arg11[%dma_start3A_289, %dma_start3A_290] : memref<512x32xf32, #tpu.memory_space<vmem>> -> memref<128x32xf32, #tpu.memory_space<vmem>>
        %dma_start3A_292 = arith.constant 0 : i32
        %dma_start3A_293 = tpu.memref_slice %arg6[%add3A_282, %dma_start3A_292] : memref<102400x32xf32, #tpu.memory_space<hbm>> -> memref<128x32xf32, #tpu.memory_space<hbm>>
        %dma_start3A_294 = arith.constant 0 : i32
        %dma_start3A_295 = tpu.memref_slice %arg6[%add3A_282, %dma_start3A_294] : memref<102400x32xf32, #tpu.memory_space<hbm>> -> memref<128x32xf32, #tpu.memory_space<hbm>>
        %dma_start3A_296 = arith.constant 0 : i32
        %dma_start3A_297 = arith.constant 0 : i32
        %dma_start3A_298 = tpu.memref_slice %arg11[%dma_start3A_296, %dma_start3A_297] : memref<512x32xf32, #tpu.memory_space<vmem>> -> memref<128x32xf32, #tpu.memory_space<vmem>>
        tpu.enqueue_dma source(%dma_start3A_298 : memref<128x32xf32, #tpu.memory_space<vmem>>) target(%dma_start3A_295 : memref<128x32xf32, #tpu.memory_space<hbm>>) target_semaphore(%run_scoped3A : memref<!tpu.dma_semaphore, #tpu.memory_space<semaphore_mem>>)
        %dma_wait3A_299 = arith.constant 0 : i32
        %dma_wait3A_300 = arith.constant 0 : i32
        %dma_wait3A_301 = tpu.memref_slice %arg11[%dma_wait3A_299, %dma_wait3A_300] : memref<512x32xf32, #tpu.memory_space<vmem>> -> memref<128x32xf32, #tpu.memory_space<vmem>>
        %dma_wait3A_302 = arith.constant 0 : i32
        %dma_wait3A_303 = tpu.memref_slice %arg6[%add3A_282, %dma_wait3A_302] : memref<102400x32xf32, #tpu.memory_space<hbm>> -> memref<128x32xf32, #tpu.memory_space<hbm>>
        %dma_wait3A_304 = arith.constant 0 : i32
        %dma_wait3A_305 = tpu.memref_slice %arg6[%add3A_282, %dma_wait3A_304] : memref<102400x32xf32, #tpu.memory_space<hbm>> -> memref<128x32xf32, #tpu.memory_space<hbm>>
        %dma_wait3A_306 = arith.constant 0 : i32
        %dma_wait3A_307 = arith.constant 0 : i32
        %dma_wait3A_308 = tpu.memref_slice %arg11[%dma_wait3A_306, %dma_wait3A_307] : memref<512x32xf32, #tpu.memory_space<vmem>> -> memref<128x32xf32, #tpu.memory_space<vmem>>
        tpu.wait_dma2 semaphore(%run_scoped3A : memref<!tpu.dma_semaphore, #tpu.memory_space<semaphore_mem>>) src(%dma_wait3A_308 : memref<128x32xf32, #tpu.memory_space<vmem>>) dst(%dma_wait3A_305 : memref<128x32xf32, #tpu.memory_space<hbm>>)
        tpu.yield
      }) : () -> ()
      %mul3A_283 = arith.constant 128 : i32
      %mul3A_284 = arith.muli %scan3A_276, %mul3A_283 : i32
      %add3A_285 = arith.addi %add3A, %mul3A_284 : i32
      "tpu.region"() ({
        %run_scoped3A = tpu.sem_alloc : memref<!tpu.dma_semaphore, #tpu.memory_space<semaphore_mem>>
        %dma_start3A_289 = arith.constant 0 : i32
        %dma_start3A_290 = arith.constant 0 : i32
        %dma_start3A_291 = tpu.memref_slice %arg11[%dma_start3A_289, %dma_start3A_290] : memref<512x32xf32, #tpu.memory_space<vmem>> -> memref<128x32xf32, #tpu.memory_space<vmem>>
        %dma_start3A_292 = arith.constant 0 : i32
        %dma_start3A_293 = tpu.memref_slice %arg5[%add3A_285, %dma_start3A_292] : memref<102400x32xf32, #tpu.memory_space<hbm>> -> memref<128x32xf32, #tpu.memory_space<hbm>>
        %dma_start3A_294 = arith.constant 0 : i32
        %dma_start3A_295 = tpu.memref_slice %arg5[%add3A_285, %dma_start3A_294] : memref<102400x32xf32, #tpu.memory_space<hbm>> -> memref<128x32xf32, #tpu.memory_space<hbm>>
        %dma_start3A_296 = arith.constant 0 : i32
        %dma_start3A_297 = arith.constant 0 : i32
        %dma_start3A_298 = tpu.memref_slice %arg11[%dma_start3A_296, %dma_start3A_297] : memref<512x32xf32, #tpu.memory_space<vmem>> -> memref<128x32xf32, #tpu.memory_space<vmem>>
        tpu.enqueue_dma source(%dma_start3A_298 : memref<128x32xf32, #tpu.memory_space<vmem>>) target(%dma_start3A_295 : memref<128x32xf32, #tpu.memory_space<hbm>>) target_semaphore(%run_scoped3A : memref<!tpu.dma_semaphore, #tpu.memory_space<semaphore_mem>>)
        %dma_wait3A_299 = arith.constant 0 : i32
        %dma_wait3A_300 = arith.constant 0 : i32
        %dma_wait3A_301 = tpu.memref_slice %arg11[%dma_wait3A_299, %dma_wait3A_300] : memref<512x32xf32, #tpu.memory_space<vmem>> -> memref<128x32xf32, #tpu.memory_space<vmem>>
        %dma_wait3A_302 = arith.constant 0 : i32
        %dma_wait3A_303 = tpu.memref_slice %arg5[%add3A_285, %dma_wait3A_302] : memref<102400x32xf32, #tpu.memory_space<hbm>> -> memref<128x32xf32, #tpu.memory_space<hbm>>
        %dma_wait3A_304 = arith.constant 0 : i32
        %dma_wait3A_305 = tpu.memref_slice %arg5[%add3A_285, %dma_wait3A_304] : memref<102400x32xf32, #tpu.memory_space<hbm>> -> memref<128x32xf32, #tpu.memory_space<hbm>>
        %dma_wait3A_306 = arith.constant 0 : i32
        %dma_wait3A_307 = arith.constant 0 : i32
        %dma_wait3A_308 = tpu.memref_slice %arg11[%dma_wait3A_306, %dma_wait3A_307] : memref<512x32xf32, #tpu.memory_space<vmem>> -> memref<128x32xf32, #tpu.memory_space<vmem>>
        tpu.wait_dma2 semaphore(%run_scoped3A : memref<!tpu.dma_semaphore, #tpu.memory_space<semaphore_mem>>) src(%dma_wait3A_308 : memref<128x32xf32, #tpu.memory_space<vmem>>) dst(%dma_wait3A_305 : memref<128x32xf32, #tpu.memory_space<hbm>>)
        tpu.yield
      }) : () -> ()
      %mul3A_286 = arith.constant 128 : i32
      %mul3A_287 = arith.muli %scan3A_276, %mul3A_286 : i32
      %add3A_288 = arith.addi %mul3A_0, %mul3A_287 : i32
      "tpu.region"() ({
        %run_scoped3A = tpu.sem_alloc : memref<!tpu.dma_semaphore, #tpu.memory_space<semaphore_mem>>
        %dma_start3A_289 = arith.constant 256 : i32
        %dma_start3A_290 = arith.constant 0 : i32
        %dma_start3A_291 = tpu.memref_slice %arg11[%dma_start3A_289, %dma_start3A_290] : memref<512x32xf32, #tpu.memory_space<vmem>> -> memref<128x32xf32, #tpu.memory_space<vmem>>
        %dma_start3A_292 = arith.constant 0 : i32
        %dma_start3A_293 = tpu.memref_slice %arg7[%add3A_288, %dma_start3A_292] : memref<51200x32xf32, #tpu.memory_space<vmem_shared>> -> memref<128x32xf32, #tpu.memory_space<vmem_shared>>
        %dma_start3A_294 = arith.constant 0 : i32
        %dma_start3A_295 = tpu.memref_slice %arg7[%add3A_288, %dma_start3A_294] : memref<51200x32xf32, #tpu.memory_space<vmem_shared>> -> memref<128x32xf32, #tpu.memory_space<vmem_shared>>
        %dma_start3A_296 = arith.constant 256 : i32
        %dma_start3A_297 = arith.constant 0 : i32
        %dma_start3A_298 = tpu.memref_slice %arg11[%dma_start3A_296, %dma_start3A_297] : memref<512x32xf32, #tpu.memory_space<vmem>> -> memref<128x32xf32, #tpu.memory_space<vmem>>
        tpu.enqueue_dma source(%dma_start3A_298 : memref<128x32xf32, #tpu.memory_space<vmem>>) target(%dma_start3A_295 : memref<128x32xf32, #tpu.memory_space<vmem_shared>>) target_semaphore(%run_scoped3A : memref<!tpu.dma_semaphore, #tpu.memory_space<semaphore_mem>>)
        %dma_wait3A_299 = arith.constant 256 : i32
        %dma_wait3A_300 = arith.constant 0 : i32
        %dma_wait3A_301 = tpu.memref_slice %arg11[%dma_wait3A_299, %dma_wait3A_300] : memref<512x32xf32, #tpu.memory_space<vmem>> -> memref<128x32xf32, #tpu.memory_space<vmem>>
        %dma_wait3A_302 = arith.constant 0 : i32
        %dma_wait3A_303 = tpu.memref_slice %arg7[%add3A_288, %dma_wait3A_302] : memref<51200x32xf32, #tpu.memory_space<vmem_shared>> -> memref<128x32xf32, #tpu.memory_space<vmem_shared>>
        %dma_wait3A_304 = arith.constant 0 : i32
        %dma_wait3A_305 = tpu.memref_slice %arg7[%add3A_288, %dma_wait3A_304] : memref<51200x32xf32, #tpu.memory_space<vmem_shared>> -> memref<128x32xf32, #tpu.memory_space<vmem_shared>>
        %dma_wait3A_306 = arith.constant 256 : i32
        %dma_wait3A_307 = arith.constant 0 : i32
        %dma_wait3A_308 = tpu.memref_slice %arg11[%dma_wait3A_306, %dma_wait3A_307] : memref<512x32xf32, #tpu.memory_space<vmem>> -> memref<128x32xf32, #tpu.memory_space<vmem>>
        tpu.wait_dma2 semaphore(%run_scoped3A : memref<!tpu.dma_semaphore, #tpu.memory_space<semaphore_mem>>) src(%dma_wait3A_308 : memref<128x32xf32, #tpu.memory_space<vmem>>) dst(%dma_wait3A_305 : memref<128x32xf32, #tpu.memory_space<vmem_shared>>)
        tpu.yield
      }) : () -> ()
    }
    %scan3A_65 = arith.constant 25 : i32
    "tpu.region"() ({
      %run_scoped3A = tpu.sem_alloc : memref<!tpu.dma_semaphore, #tpu.memory_space<semaphore_mem>>
      %dma_start3A_276 = tpu.memref_slice %arg8[%mul3A_0] : memref<51200xf32, #tpu.memory_space<vmem_shared>> -> memref<3200xf32, #tpu.memory_space<vmem_shared>>
      %dma_start3A_277 = tpu.memref_slice %arg8[%mul3A_0] : memref<51200xf32, #tpu.memory_space<vmem_shared>> -> memref<3200xf32, #tpu.memory_space<vmem_shared>>
      tpu.enqueue_dma source(%arg13 : memref<3200xf32, #tpu.memory_space<vmem>>) target(%dma_start3A_277 : memref<3200xf32, #tpu.memory_space<vmem_shared>>) target_semaphore(%run_scoped3A : memref<!tpu.dma_semaphore, #tpu.memory_space<semaphore_mem>>)
      %dma_wait3A_278 = tpu.memref_slice %arg8[%mul3A_0] : memref<51200xf32, #tpu.memory_space<vmem_shared>> -> memref<3200xf32, #tpu.memory_space<vmem_shared>>
      %dma_wait3A_279 = tpu.memref_slice %arg8[%mul3A_0] : memref<51200xf32, #tpu.memory_space<vmem_shared>> -> memref<3200xf32, #tpu.memory_space<vmem_shared>>
      tpu.wait_dma2 semaphore(%run_scoped3A : memref<!tpu.dma_semaphore, #tpu.memory_space<semaphore_mem>>) src(%arg13 : memref<3200xf32, #tpu.memory_space<vmem>>) dst(%dma_wait3A_279 : memref<3200xf32, #tpu.memory_space<vmem_shared>>)
      tpu.yield
    }) : () -> ()
    %barrier3A = arith.constant 0 : index
    tpu.barrier barrier_id(%barrier3A)
    %mul3A_66 = arith.constant 819200 : i32
    %mul3A_67 = arith.muli %arg0, %mul3A_66 : i32
    %mul3A_68 = arith.constant 51200 : i32
    %mul3A_69 = arith.muli %arg1, %mul3A_68 : i32
    %add3A_70 = arith.addi %mul3A_67, %mul3A_69 : i32
    %mul3A_71 = arith.constant 400 : i32
    %mul3A_72 = arith.muli %arg1, %mul3A_71 : i32
    "tpu.region"() ({
      %run_scoped3A = tpu.sem_alloc : memref<!tpu.dma_semaphore, #tpu.memory_space<semaphore_mem>>
      %dma_start3A_276 = arith.constant 0 : i32
      %dma_start3A_277 = tpu.memref_slice %arg9[%dma_start3A_276] : memref<1024xi32, #tpu.memory_space<vmem>> -> memref<256xi32, #tpu.memory_space<vmem>>
      %dma_start3A_278 = tpu.memref_slice %arg2[%add3A_70] : memref<1638400xi32, #tpu.memory_space<hbm>> -> memref<256xi32, #tpu.memory_space<hbm>>
      %dma_start3A_279 = arith.constant 0 : i32
      %dma_start3A_280 = tpu.memref_slice %arg9[%dma_start3A_279] : memref<1024xi32, #tpu.memory_space<vmem>> -> memref<256xi32, #tpu.memory_space<vmem>>
      %dma_start3A_281 = tpu.memref_slice %arg2[%add3A_70] : memref<1638400xi32, #tpu.memory_space<hbm>> -> memref<256xi32, #tpu.memory_space<hbm>>
      tpu.enqueue_dma source(%dma_start3A_281 : memref<256xi32, #tpu.memory_space<hbm>>) target(%dma_start3A_280 : memref<256xi32, #tpu.memory_space<vmem>>) target_semaphore(%run_scoped3A : memref<!tpu.dma_semaphore, #tpu.memory_space<semaphore_mem>>)
      %dma_wait3A_282 = arith.constant 0 : i32
      %dma_wait3A_283 = tpu.memref_slice %arg9[%dma_wait3A_282] : memref<1024xi32, #tpu.memory_space<vmem>> -> memref<256xi32, #tpu.memory_space<vmem>>
      %dma_wait3A_284 = tpu.memref_slice %arg2[%add3A_70] : memref<1638400xi32, #tpu.memory_space<hbm>> -> memref<256xi32, #tpu.memory_space<hbm>>
      %dma_wait3A_285 = arith.constant 0 : i32
      %dma_wait3A_286 = tpu.memref_slice %arg9[%dma_wait3A_285] : memref<1024xi32, #tpu.memory_space<vmem>> -> memref<256xi32, #tpu.memory_space<vmem>>
      %dma_wait3A_287 = tpu.memref_slice %arg2[%add3A_70] : memref<1638400xi32, #tpu.memory_space<hbm>> -> memref<256xi32, #tpu.memory_space<hbm>>
      tpu.wait_dma2 semaphore(%run_scoped3A : memref<!tpu.dma_semaphore, #tpu.memory_space<semaphore_mem>>) src(%dma_wait3A_287 : memref<256xi32, #tpu.memory_space<hbm>>) dst(%dma_wait3A_286 : memref<256xi32, #tpu.memory_space<vmem>>)
      tpu.yield
    }) : () -> ()
    "tpu.region"() ({
      %run_scoped3A = tpu.sem_alloc : memref<!tpu.dma_semaphore, #tpu.memory_space<semaphore_mem>>
      %dma_start3A_276 = arith.constant 0 : i32
      %dma_start3A_277 = arith.constant 0 : i32
      %dma_start3A_278 = tpu.memref_slice %arg10[%dma_start3A_276, %dma_start3A_277] : memref<8x128xi32, #tpu.memory_space<vmem>> -> memref<2x128xi32, #tpu.memory_space<vmem>>
      %dma_start3A_279 = arith.constant 0 : i32
      %dma_start3A_280 = tpu.memref_slice %arg3[%mul3A_72, %dma_start3A_279] : memref<6400x128xi32, #tpu.memory_space<hbm>> -> memref<2x128xi32, #tpu.memory_space<hbm>>
      %dma_start3A_281 = arith.constant 0 : i32
      %dma_start3A_282 = arith.constant 0 : i32
      %dma_start3A_283 = tpu.memref_slice %arg10[%dma_start3A_281, %dma_start3A_282] : memref<8x128xi32, #tpu.memory_space<vmem>> -> memref<2x128xi32, #tpu.memory_space<vmem>>
      %dma_start3A_284 = arith.constant 0 : i32
      %dma_start3A_285 = tpu.memref_slice %arg3[%mul3A_72, %dma_start3A_284] : memref<6400x128xi32, #tpu.memory_space<hbm>> -> memref<2x128xi32, #tpu.memory_space<hbm>>
      tpu.enqueue_dma source(%dma_start3A_285 : memref<2x128xi32, #tpu.memory_space<hbm>>) target(%dma_start3A_283 : memref<2x128xi32, #tpu.memory_space<vmem>>) target_semaphore(%run_scoped3A : memref<!tpu.dma_semaphore, #tpu.memory_space<semaphore_mem>>)
      %dma_wait3A_286 = arith.constant 0 : i32
      %dma_wait3A_287 = arith.constant 0 : i32
      %dma_wait3A_288 = tpu.memref_slice %arg10[%dma_wait3A_286, %dma_wait3A_287] : memref<8x128xi32, #tpu.memory_space<vmem>> -> memref<2x128xi32, #tpu.memory_space<vmem>>
      %dma_wait3A_289 = arith.constant 0 : i32
      %dma_wait3A_290 = tpu.memref_slice %arg3[%mul3A_72, %dma_wait3A_289] : memref<6400x128xi32, #tpu.memory_space<hbm>> -> memref<2x128xi32, #tpu.memory_space<hbm>>
      %dma_wait3A_291 = arith.constant 0 : i32
      %dma_wait3A_292 = arith.constant 0 : i32
      %dma_wait3A_293 = tpu.memref_slice %arg10[%dma_wait3A_291, %dma_wait3A_292] : memref<8x128xi32, #tpu.memory_space<vmem>> -> memref<2x128xi32, #tpu.memory_space<vmem>>
      %dma_wait3A_294 = arith.constant 0 : i32
      %dma_wait3A_295 = tpu.memref_slice %arg3[%mul3A_72, %dma_wait3A_294] : memref<6400x128xi32, #tpu.memory_space<hbm>> -> memref<2x128xi32, #tpu.memory_space<hbm>>
      tpu.wait_dma2 semaphore(%run_scoped3A : memref<!tpu.dma_semaphore, #tpu.memory_space<semaphore_mem>>) src(%dma_wait3A_295 : memref<2x128xi32, #tpu.memory_space<hbm>>) dst(%dma_wait3A_293 : memref<2x128xi32, #tpu.memory_space<vmem>>)
      tpu.yield
    }) : () -> ()
    %add3A_73 = arith.constant 256 : i32
    %add3A_74 = arith.addi %add3A_70, %add3A_73 : i32
    %dma_start3A = arith.constant 256 : i32
    %dma_start3A_75 = tpu.memref_slice %arg9[%dma_start3A] : memref<1024xi32, #tpu.memory_space<vmem>> -> memref<256xi32, #tpu.memory_space<vmem>>
    %dma_start3A_76 = tpu.memref_slice %arg2[%add3A_74] : memref<1638400xi32, #tpu.memory_space<hbm>> -> memref<256xi32, #tpu.memory_space<hbm>>
    %dma_start3A_77 = arith.constant 256 : i32
    %dma_start3A_78 = tpu.memref_slice %arg9[%dma_start3A_77] : memref<1024xi32, #tpu.memory_space<vmem>> -> memref<256xi32, #tpu.memory_space<vmem>>
    %dma_start3A_79 = tpu.memref_slice %arg2[%add3A_74] : memref<1638400xi32, #tpu.memory_space<hbm>> -> memref<256xi32, #tpu.memory_space<hbm>>
    tpu.enqueue_dma source(%dma_start3A_79 : memref<256xi32, #tpu.memory_space<hbm>>) target(%dma_start3A_78 : memref<256xi32, #tpu.memory_space<vmem>>) target_semaphore(%arg16 : memref<!tpu.dma_semaphore, #tpu.memory_space<semaphore_mem>>)
    %add3A_80 = arith.constant 2 : i32
    %add3A_81 = arith.addi %mul3A_72, %add3A_80 : i32
    %dma_start3A_82 = arith.constant 2 : i32
    %dma_start3A_83 = arith.constant 0 : i32
    %dma_start3A_84 = tpu.memref_slice %arg10[%dma_start3A_82, %dma_start3A_83] : memref<8x128xi32, #tpu.memory_space<vmem>> -> memref<2x128xi32, #tpu.memory_space<vmem>>
    %dma_start3A_85 = arith.constant 0 : i32
    %dma_start3A_86 = tpu.memref_slice %arg3[%add3A_81, %dma_start3A_85] : memref<6400x128xi32, #tpu.memory_space<hbm>> -> memref<2x128xi32, #tpu.memory_space<hbm>>
    %dma_start3A_87 = arith.constant 2 : i32
    %dma_start3A_88 = arith.constant 0 : i32
    %dma_start3A_89 = tpu.memref_slice %arg10[%dma_start3A_87, %dma_start3A_88] : memref<8x128xi32, #tpu.memory_space<vmem>> -> memref<2x128xi32, #tpu.memory_space<vmem>>
    %dma_start3A_90 = arith.constant 0 : i32
    %dma_start3A_91 = tpu.memref_slice %arg3[%add3A_81, %dma_start3A_90] : memref<6400x128xi32, #tpu.memory_space<hbm>> -> memref<2x128xi32, #tpu.memory_space<hbm>>
    tpu.enqueue_dma source(%dma_start3A_91 : memref<2x128xi32, #tpu.memory_space<hbm>>) target(%dma_start3A_89 : memref<2x128xi32, #tpu.memory_space<vmem>>) target_semaphore(%arg16 : memref<!tpu.dma_semaphore, #tpu.memory_space<semaphore_mem>>)
    %dma_start3A_92 = arith.constant 0 : i32
    %dma_start3A_93 = arith.constant 0 : i32
    %dma_start3A_94 = tpu.memref_slice %arg11[%dma_start3A_92, %dma_start3A_93] : memref<512x32xf32, #tpu.memory_space<vmem>> -> memref<256x32xf32, #tpu.memory_space<vmem>>
    %dma_start3A_95 = arith.constant 0 : i32
    %dma_start3A_96 = tpu.memref_slice %arg9[%dma_start3A_95] : memref<1024xi32, #tpu.memory_space<vmem>> -> memref<256xi32, #tpu.memory_space<vmem>>
    %dma_start3A_97 = arith.constant 0 : i32
    %dma_start3A_98 = arith.constant 0 : i32
    %dma_start3A_99 = tpu.memref_slice %arg6[%dma_start3A_97, %dma_start3A_98] : memref<102400x32xf32, #tpu.memory_space<hbm>> -> memref<102400x32xf32, #tpu.memory_space<hbm>>
    tpu.enqueue_indirect_dma source(%dma_start3A_99 : memref<102400x32xf32, #tpu.memory_space<hbm>>) target(%dma_start3A_94 : memref<256x32xf32, #tpu.memory_space<vmem>>) offsets(%dma_start3A_96 : memref<256xi32, #tpu.memory_space<vmem>>) semaphore(%arg14 : memref<!tpu.dma_semaphore, #tpu.memory_space<semaphore_mem>>)
    %scan3A_100 = arith.constant 0 : i32
    %scan3A_101 = arith.constant 0 : i32
    %scan3A_102 = arith.constant 200 : i32
    %scan3A_103 = arith.addi %scan3A_101, %scan3A_102 : i32
    %scan3A_104 = arith.constant 1 : i32
    scf.for %scan3A_276 = %scan3A_101 to %scan3A_103 step %scan3A_104  : i32 {
      %mul3A_277 = arith.constant 2 : i32
      %mul3A_278 = arith.muli %mul3A_277, %scan3A_276 : i32
      %rem3A = arith.constant 2 : i32
      %rem3A_279 = arith.remsi %scan3A_276, %rem3A : i32
      %mul3A_280 = arith.constant 256 : i32
      %mul3A_281 = arith.muli %rem3A_279, %mul3A_280 : i32
      %gt3A = arith.constant 0 : i32
      %gt3A_282 = arith.cmpi sgt, %scan3A_276, %gt3A : i32
      %convert_element_type3A = arith.extui %gt3A_282 : i1 to i32
      %cond3A = arith.constant 0 : i32
      %cond3A_283 = arith.cmpi ne, %convert_element_type3A, %cond3A : i32
      scf.if %cond3A_283 {
        %dma_wait3A_347 = arith.constant 0 : i32
        %dma_wait3A_348 = arith.constant 0 : i32
        %dma_wait3A_349 = tpu.memref_slice %arg11[%dma_wait3A_347, %dma_wait3A_348] : memref<512x32xf32, #tpu.memory_space<vmem>> -> memref<256x32xf32, #tpu.memory_space<vmem>>
        %dma_wait3A_350 = arith.constant 0 : i32
        %dma_wait3A_351 = arith.constant 0 : i32
        %dma_wait3A_352 = tpu.memref_slice %arg4[%dma_wait3A_350, %dma_wait3A_351] : memref<102400x32xf32, #tpu.memory_space<hbm>> -> memref<256x32xf32, #tpu.memory_space<hbm>>
        %dma_wait3A_353 = arith.constant 0 : i32
        %dma_wait3A_354 = arith.constant 0 : i32
        %dma_wait3A_355 = tpu.memref_slice %arg11[%dma_wait3A_353, %dma_wait3A_354] : memref<512x32xf32, #tpu.memory_space<vmem>> -> memref<256x32xf32, #tpu.memory_space<vmem>>
        %dma_wait3A_356 = arith.constant 0 : i32
        %dma_wait3A_357 = arith.constant 0 : i32
        %dma_wait3A_358 = tpu.memref_slice %arg4[%dma_wait3A_356, %dma_wait3A_357] : memref<102400x32xf32, #tpu.memory_space<hbm>> -> memref<256x32xf32, #tpu.memory_space<hbm>>
        tpu.wait_dma2 semaphore(%arg15 : memref<!tpu.dma_semaphore, #tpu.memory_space<semaphore_mem>>) src(%dma_wait3A_358 : memref<256x32xf32, #tpu.memory_space<hbm>>) dst(%dma_wait3A_355 : memref<256x32xf32, #tpu.memory_space<vmem>>)
        %dma_wait3A_359 = arith.constant 0 : i32
        %dma_wait3A_360 = arith.constant 0 : i32
        %dma_wait3A_361 = tpu.memref_slice %arg10[%dma_wait3A_359, %dma_wait3A_360] : memref<8x128xi32, #tpu.memory_space<vmem>> -> memref<2x128xi32, #tpu.memory_space<vmem>>
        %dma_wait3A_362 = arith.constant 0 : i32
        %dma_wait3A_363 = arith.constant 0 : i32
        %dma_wait3A_364 = tpu.memref_slice %arg3[%dma_wait3A_362, %dma_wait3A_363] : memref<6400x128xi32, #tpu.memory_space<hbm>> -> memref<2x128xi32, #tpu.memory_space<hbm>>
        %dma_wait3A_365 = arith.constant 0 : i32
        %dma_wait3A_366 = arith.constant 0 : i32
        %dma_wait3A_367 = tpu.memref_slice %arg10[%dma_wait3A_365, %dma_wait3A_366] : memref<8x128xi32, #tpu.memory_space<vmem>> -> memref<2x128xi32, #tpu.memory_space<vmem>>
        %dma_wait3A_368 = arith.constant 0 : i32
        %dma_wait3A_369 = arith.constant 0 : i32
        %dma_wait3A_370 = tpu.memref_slice %arg3[%dma_wait3A_368, %dma_wait3A_369] : memref<6400x128xi32, #tpu.memory_space<hbm>> -> memref<2x128xi32, #tpu.memory_space<hbm>>
        tpu.wait_dma2 semaphore(%arg15 : memref<!tpu.dma_semaphore, #tpu.memory_space<semaphore_mem>>) src(%dma_wait3A_370 : memref<2x128xi32, #tpu.memory_space<hbm>>) dst(%dma_wait3A_367 : memref<2x128xi32, #tpu.memory_space<vmem>>)
      } else {
      }
      %add3A_284 = arith.constant 1 : i32
      %add3A_285 = arith.addi %scan3A_276, %add3A_284 : i32
      %lt3A = arith.constant 200 : i32
      %lt3A_286 = arith.cmpi slt, %add3A_285, %lt3A : i32
      %convert_element_type3A_287 = arith.extui %lt3A_286 : i1 to i32
      %cond3A_288 = arith.constant 0 : i32
      %cond3A_289 = arith.cmpi ne, %convert_element_type3A_287, %cond3A_288 : i32
      scf.if %cond3A_289 {
        %dma_wait3A_347 = arith.constant 0 : i32
        %dma_wait3A_348 = arith.constant 0 : i32
        %dma_wait3A_349 = tpu.memref_slice %arg10[%dma_wait3A_347, %dma_wait3A_348] : memref<8x128xi32, #tpu.memory_space<vmem>> -> memref<4x128xi32, #tpu.memory_space<vmem>>
        %dma_wait3A_350 = arith.constant 0 : i32
        %dma_wait3A_351 = arith.constant 0 : i32
        %dma_wait3A_352 = tpu.memref_slice %arg3[%dma_wait3A_350, %dma_wait3A_351] : memref<6400x128xi32, #tpu.memory_space<hbm>> -> memref<4x128xi32, #tpu.memory_space<hbm>>
        %dma_wait3A_353 = arith.constant 0 : i32
        %dma_wait3A_354 = arith.constant 0 : i32
        %dma_wait3A_355 = tpu.memref_slice %arg10[%dma_wait3A_353, %dma_wait3A_354] : memref<8x128xi32, #tpu.memory_space<vmem>> -> memref<4x128xi32, #tpu.memory_space<vmem>>
        %dma_wait3A_356 = arith.constant 0 : i32
        %dma_wait3A_357 = arith.constant 0 : i32
        %dma_wait3A_358 = tpu.memref_slice %arg3[%dma_wait3A_356, %dma_wait3A_357] : memref<6400x128xi32, #tpu.memory_space<hbm>> -> memref<4x128xi32, #tpu.memory_space<hbm>>
        tpu.wait_dma2 semaphore(%arg16 : memref<!tpu.dma_semaphore, #tpu.memory_space<semaphore_mem>>) src(%dma_wait3A_358 : memref<4x128xi32, #tpu.memory_space<hbm>>) dst(%dma_wait3A_355 : memref<4x128xi32, #tpu.memory_space<vmem>>)
        %add3A_359 = arith.constant 1 : i32
        %add3A_360 = arith.addi %scan3A_276, %add3A_359 : i32
        %rem3A_361 = arith.constant 4 : i32
        %rem3A_362 = arith.remsi %add3A_360, %rem3A_361 : i32
        %mul3A_363 = arith.constant 256 : i32
        %mul3A_364 = arith.muli %rem3A_362, %mul3A_363 : i32
        %add3A_365 = arith.constant 1 : i32
        %add3A_366 = arith.addi %scan3A_276, %add3A_365 : i32
        %rem3A_367 = arith.constant 2 : i32
        %rem3A_368 = arith.remsi %add3A_366, %rem3A_367 : i32
        %mul3A_369 = arith.constant 256 : i32
        %mul3A_370 = arith.muli %rem3A_368, %mul3A_369 : i32
        %dma_start3A_371 = arith.constant 0 : i32
        %dma_start3A_372 = tpu.memref_slice %arg11[%mul3A_370, %dma_start3A_371] : memref<512x32xf32, #tpu.memory_space<vmem>> -> memref<256x32xf32, #tpu.memory_space<vmem>>
        %dma_start3A_373 = tpu.memref_slice %arg9[%mul3A_364] : memref<1024xi32, #tpu.memory_space<vmem>> -> memref<256xi32, #tpu.memory_space<vmem>>
        %dma_start3A_374 = arith.constant 0 : i32
        %dma_start3A_375 = arith.constant 0 : i32
        %dma_start3A_376 = tpu.memref_slice %arg6[%dma_start3A_374, %dma_start3A_375] : memref<102400x32xf32, #tpu.memory_space<hbm>> -> memref<102400x32xf32, #tpu.memory_space<hbm>>
        tpu.enqueue_indirect_dma source(%dma_start3A_376 : memref<102400x32xf32, #tpu.memory_space<hbm>>) target(%dma_start3A_372 : memref<256x32xf32, #tpu.memory_space<vmem>>) offsets(%dma_start3A_373 : memref<256xi32, #tpu.memory_space<vmem>>) semaphore(%arg14 : memref<!tpu.dma_semaphore, #tpu.memory_space<semaphore_mem>>)
      } else {
      }
      %dma_wait3A_290 = arith.constant 0 : i32
      %dma_wait3A_291 = arith.constant 0 : i32
      %dma_wait3A_292 = tpu.memref_slice %arg11[%dma_wait3A_290, %dma_wait3A_291] : memref<512x32xf32, #tpu.memory_space<vmem>> -> memref<256x32xf32, #tpu.memory_space<vmem>>
      %dma_wait3A_293 = arith.constant 0 : i32
      %dma_wait3A_294 = arith.constant 0 : i32
      %dma_wait3A_295 = tpu.memref_slice %arg4[%dma_wait3A_293, %dma_wait3A_294] : memref<102400x32xf32, #tpu.memory_space<hbm>> -> memref<256x32xf32, #tpu.memory_space<hbm>>
      %dma_wait3A_296 = arith.constant 0 : i32
      %dma_wait3A_297 = arith.constant 0 : i32
      %dma_wait3A_298 = tpu.memref_slice %arg11[%dma_wait3A_296, %dma_wait3A_297] : memref<512x32xf32, #tpu.memory_space<vmem>> -> memref<256x32xf32, #tpu.memory_space<vmem>>
      %dma_wait3A_299 = arith.constant 0 : i32
      %dma_wait3A_300 = arith.constant 0 : i32
      %dma_wait3A_301 = tpu.memref_slice %arg4[%dma_wait3A_299, %dma_wait3A_300] : memref<102400x32xf32, #tpu.memory_space<hbm>> -> memref<256x32xf32, #tpu.memory_space<hbm>>
      tpu.wait_dma2 semaphore(%arg14 : memref<!tpu.dma_semaphore, #tpu.memory_space<semaphore_mem>>) src(%dma_wait3A_301 : memref<256x32xf32, #tpu.memory_space<hbm>>) dst(%dma_wait3A_298 : memref<256x32xf32, #tpu.memory_space<vmem>>)
      %add3A_302 = arith.constant 2 : i32
      %add3A_303 = arith.addi %scan3A_276, %add3A_302 : i32
      %lt3A_304 = arith.constant 200 : i32
      %lt3A_305 = arith.cmpi slt, %add3A_303, %lt3A_304 : i32
      %convert_element_type3A_306 = arith.extui %lt3A_305 : i1 to i32
      %cond3A_307 = arith.constant 0 : i32
      %cond3A_308 = arith.cmpi ne, %convert_element_type3A_306, %cond3A_307 : i32
      scf.if %cond3A_308 {
        %add3A_347 = arith.constant 2 : i32
        %add3A_348 = arith.addi %scan3A_276, %add3A_347 : i32
        %rem3A_349 = arith.constant 4 : i32
        %rem3A_350 = arith.remsi %add3A_348, %rem3A_349 : i32
        %mul3A_351 = arith.constant 256 : i32
        %mul3A_352 = arith.muli %rem3A_350, %mul3A_351 : i32
        %add3A_353 = arith.constant 4 : i32
        %add3A_354 = arith.addi %mul3A_278, %add3A_353 : i32
        %mul3A_355 = arith.constant 128 : i32
        %mul3A_356 = arith.muli %add3A_354, %mul3A_355 : i32
        %add3A_357 = arith.addi %add3A_70, %mul3A_356 : i32
        %dma_start3A_358 = tpu.memref_slice %arg9[%mul3A_352] : memref<1024xi32, #tpu.memory_space<vmem>> -> memref<256xi32, #tpu.memory_space<vmem>>
        %dma_start3A_359 = tpu.memref_slice %arg2[%add3A_357] : memref<1638400xi32, #tpu.memory_space<hbm>> -> memref<256xi32, #tpu.memory_space<hbm>>
        %dma_start3A_360 = tpu.memref_slice %arg9[%mul3A_352] : memref<1024xi32, #tpu.memory_space<vmem>> -> memref<256xi32, #tpu.memory_space<vmem>>
        %dma_start3A_361 = tpu.memref_slice %arg2[%add3A_357] : memref<1638400xi32, #tpu.memory_space<hbm>> -> memref<256xi32, #tpu.memory_space<hbm>>
        tpu.enqueue_dma source(%dma_start3A_361 : memref<256xi32, #tpu.memory_space<hbm>>) target(%dma_start3A_360 : memref<256xi32, #tpu.memory_space<vmem>>) target_semaphore(%arg16 : memref<!tpu.dma_semaphore, #tpu.memory_space<semaphore_mem>>)
        %add3A_362 = arith.constant 4 : i32
        %add3A_363 = arith.addi %mul3A_278, %add3A_362 : i32
        %rem3A_364 = arith.constant 8 : i32
        %rem3A_365 = arith.remsi %add3A_363, %rem3A_364 : i32
        %add3A_366 = arith.addi %mul3A_72, %mul3A_278 : i32
        %add3A_367 = arith.constant 4 : i32
        %add3A_368 = arith.addi %add3A_366, %add3A_367 : i32
        %dma_start3A_369 = arith.constant 0 : i32
        %dma_start3A_370 = tpu.memref_slice %arg10[%rem3A_365, %dma_start3A_369] : memref<8x128xi32, #tpu.memory_space<vmem>> -> memref<2x128xi32, #tpu.memory_space<vmem>>
        %dma_start3A_371 = arith.constant 0 : i32
        %dma_start3A_372 = tpu.memref_slice %arg3[%add3A_368, %dma_start3A_371] : memref<6400x128xi32, #tpu.memory_space<hbm>> -> memref<2x128xi32, #tpu.memory_space<hbm>>
        %dma_start3A_373 = arith.constant 0 : i32
        %dma_start3A_374 = tpu.memref_slice %arg10[%rem3A_365, %dma_start3A_373] : memref<8x128xi32, #tpu.memory_space<vmem>> -> memref<2x128xi32, #tpu.memory_space<vmem>>
        %dma_start3A_375 = arith.constant 0 : i32
        %dma_start3A_376 = tpu.memref_slice %arg3[%add3A_368, %dma_start3A_375] : memref<6400x128xi32, #tpu.memory_space<hbm>> -> memref<2x128xi32, #tpu.memory_space<hbm>>
        tpu.enqueue_dma source(%dma_start3A_376 : memref<2x128xi32, #tpu.memory_space<hbm>>) target(%dma_start3A_374 : memref<2x128xi32, #tpu.memory_space<vmem>>) target_semaphore(%arg16 : memref<!tpu.dma_semaphore, #tpu.memory_space<semaphore_mem>>)
      } else {
      }
      %add3A_309 = arith.constant 0 : i32
      %add3A_310 = arith.addi %mul3A_278, %add3A_309 : i32
      %rem3A_311 = arith.constant 8 : i32
      %rem3A_312 = arith.remsi %add3A_310, %rem3A_311 : i32
      %add3A_313 = arith.constant 0 : i32
      %add3A_314 = arith.addi %mul3A_281, %add3A_313 : i32
      %dma_start3A_315 = arith.constant 0 : i32
      %dma_start3A_316 = tpu.memref_slice %arg11[%add3A_314, %dma_start3A_315] : memref<512x32xf32, #tpu.memory_space<vmem>> -> memref<128x32xf32, #tpu.memory_space<vmem>>
      %dma_start3A_317 = arith.constant 0 : i32
      %dma_start3A_318 = tpu.memref_slice %arg10[%rem3A_312, %dma_start3A_317] : memref<8x128xi32, #tpu.memory_space<vmem>> -> memref<1x128xi32, #tpu.memory_space<vmem>>
      %dma_start3A_319 = tpu.memref_squeeze %dma_start3A_318 : memref<1x128xi32, #tpu.memory_space<vmem>> -> memref<128xi32, #tpu.memory_space<vmem>>
      %dma_start3A_320 = arith.constant 0 : i32
      %dma_start3A_321 = arith.constant 0 : i32
      %dma_start3A_322 = tpu.memref_slice %arg7[%dma_start3A_320, %dma_start3A_321] : memref<51200x32xf32, #tpu.memory_space<vmem_shared>> -> memref<51200x32xf32, #tpu.memory_space<vmem_shared>>
      tpu.enqueue_indirect_dma source(%dma_start3A_316 : memref<128x32xf32, #tpu.memory_space<vmem>>) target(%dma_start3A_322 : memref<51200x32xf32, #tpu.memory_space<vmem_shared>>) offsets(%dma_start3A_319 : memref<128xi32, #tpu.memory_space<vmem>>) semaphore(%arg15 : memref<!tpu.dma_semaphore, #tpu.memory_space<semaphore_mem>>) {add = true}
      %dma_start3A_323 = arith.constant 0 : i32
      %dma_start3A_324 = tpu.memref_slice %arg10[%rem3A_312, %dma_start3A_323] : memref<8x128xi32, #tpu.memory_space<vmem>> -> memref<1x128xi32, #tpu.memory_space<vmem>>
      %dma_start3A_325 = tpu.memref_squeeze %dma_start3A_324 : memref<1x128xi32, #tpu.memory_space<vmem>> -> memref<128xi32, #tpu.memory_space<vmem>>
      %dma_start3A_326 = arith.constant 0 : i32
      %dma_start3A_327 = tpu.memref_slice %arg8[%dma_start3A_326] : memref<51200xf32, #tpu.memory_space<vmem_shared>> -> memref<51200xf32, #tpu.memory_space<vmem_shared>>
      tpu.enqueue_indirect_dma source(%arg12 : memref<128xf32, #tpu.memory_space<vmem>>) target(%dma_start3A_327 : memref<51200xf32, #tpu.memory_space<vmem_shared>>) offsets(%dma_start3A_325 : memref<128xi32, #tpu.memory_space<vmem>>) semaphore(%arg15 : memref<!tpu.dma_semaphore, #tpu.memory_space<semaphore_mem>>) {add = true}
      %add3A_328 = arith.constant 1 : i32
      %add3A_329 = arith.addi %mul3A_278, %add3A_328 : i32
      %rem3A_330 = arith.constant 8 : i32
      %rem3A_331 = arith.remsi %add3A_329, %rem3A_330 : i32
      %add3A_332 = arith.constant 128 : i32
      %add3A_333 = arith.addi %mul3A_281, %add3A_332 : i32
      %dma_start3A_334 = arith.constant 0 : i32
      %dma_start3A_335 = tpu.memref_slice %arg11[%add3A_333, %dma_start3A_334] : memref<512x32xf32, #tpu.memory_space<vmem>> -> memref<128x32xf32, #tpu.memory_space<vmem>>
      %dma_start3A_336 = arith.constant 0 : i32
      %dma_start3A_337 = tpu.memref_slice %arg10[%rem3A_331, %dma_start3A_336] : memref<8x128xi32, #tpu.memory_space<vmem>> -> memref<1x128xi32, #tpu.memory_space<vmem>>
      %dma_start3A_338 = tpu.memref_squeeze %dma_start3A_337 : memref<1x128xi32, #tpu.memory_space<vmem>> -> memref<128xi32, #tpu.memory_space<vmem>>
      %dma_start3A_339 = arith.constant 0 : i32
      %dma_start3A_340 = arith.constant 0 : i32
      %dma_start3A_341 = tpu.memref_slice %arg7[%dma_start3A_339, %dma_start3A_340] : memref<51200x32xf32, #tpu.memory_space<vmem_shared>> -> memref<51200x32xf32, #tpu.memory_space<vmem_shared>>
      tpu.enqueue_indirect_dma source(%dma_start3A_335 : memref<128x32xf32, #tpu.memory_space<vmem>>) target(%dma_start3A_341 : memref<51200x32xf32, #tpu.memory_space<vmem_shared>>) offsets(%dma_start3A_338 : memref<128xi32, #tpu.memory_space<vmem>>) semaphore(%arg15 : memref<!tpu.dma_semaphore, #tpu.memory_space<semaphore_mem>>) {add = true}
      %dma_start3A_342 = arith.constant 0 : i32
      %dma_start3A_343 = tpu.memref_slice %arg10[%rem3A_331, %dma_start3A_342] : memref<8x128xi32, #tpu.memory_space<vmem>> -> memref<1x128xi32, #tpu.memory_space<vmem>>
      %dma_start3A_344 = tpu.memref_squeeze %dma_start3A_343 : memref<1x128xi32, #tpu.memory_space<vmem>> -> memref<128xi32, #tpu.memory_space<vmem>>
      %dma_start3A_345 = arith.constant 0 : i32
      %dma_start3A_346 = tpu.memref_slice %arg8[%dma_start3A_345] : memref<51200xf32, #tpu.memory_space<vmem_shared>> -> memref<51200xf32, #tpu.memory_space<vmem_shared>>
      tpu.enqueue_indirect_dma source(%arg12 : memref<128xf32, #tpu.memory_space<vmem>>) target(%dma_start3A_346 : memref<51200xf32, #tpu.memory_space<vmem_shared>>) offsets(%dma_start3A_344 : memref<128xi32, #tpu.memory_space<vmem>>) semaphore(%arg15 : memref<!tpu.dma_semaphore, #tpu.memory_space<semaphore_mem>>) {add = true}
    }
    %scan3A_105 = arith.constant 200 : i32
    %dma_wait3A = arith.constant 0 : i32
    %dma_wait3A_106 = arith.constant 0 : i32
    %dma_wait3A_107 = tpu.memref_slice %arg11[%dma_wait3A, %dma_wait3A_106] : memref<512x32xf32, #tpu.memory_space<vmem>> -> memref<256x32xf32, #tpu.memory_space<vmem>>
    %dma_wait3A_108 = arith.constant 0 : i32
    %dma_wait3A_109 = arith.constant 0 : i32
    %dma_wait3A_110 = tpu.memref_slice %arg4[%dma_wait3A_108, %dma_wait3A_109] : memref<102400x32xf32, #tpu.memory_space<hbm>> -> memref<256x32xf32, #tpu.memory_space<hbm>>
    %dma_wait3A_111 = arith.constant 0 : i32
    %dma_wait3A_112 = arith.constant 0 : i32
    %dma_wait3A_113 = tpu.memref_slice %arg11[%dma_wait3A_111, %dma_wait3A_112] : memref<512x32xf32, #tpu.memory_space<vmem>> -> memref<256x32xf32, #tpu.memory_space<vmem>>
    %dma_wait3A_114 = arith.constant 0 : i32
    %dma_wait3A_115 = arith.constant 0 : i32
    %dma_wait3A_116 = tpu.memref_slice %arg4[%dma_wait3A_114, %dma_wait3A_115] : memref<102400x32xf32, #tpu.memory_space<hbm>> -> memref<256x32xf32, #tpu.memory_space<hbm>>
    tpu.wait_dma2 semaphore(%arg15 : memref<!tpu.dma_semaphore, #tpu.memory_space<semaphore_mem>>) src(%dma_wait3A_116 : memref<256x32xf32, #tpu.memory_space<hbm>>) dst(%dma_wait3A_113 : memref<256x32xf32, #tpu.memory_space<vmem>>)
    %dma_wait3A_117 = arith.constant 0 : i32
    %dma_wait3A_118 = arith.constant 0 : i32
    %dma_wait3A_119 = tpu.memref_slice %arg10[%dma_wait3A_117, %dma_wait3A_118] : memref<8x128xi32, #tpu.memory_space<vmem>> -> memref<2x128xi32, #tpu.memory_space<vmem>>
    %dma_wait3A_120 = arith.constant 0 : i32
    %dma_wait3A_121 = arith.constant 0 : i32
    %dma_wait3A_122 = tpu.memref_slice %arg3[%dma_wait3A_120, %dma_wait3A_121] : memref<6400x128xi32, #tpu.memory_space<hbm>> -> memref<2x128xi32, #tpu.memory_space<hbm>>
    %dma_wait3A_123 = arith.constant 0 : i32
    %dma_wait3A_124 = arith.constant 0 : i32
    %dma_wait3A_125 = tpu.memref_slice %arg10[%dma_wait3A_123, %dma_wait3A_124] : memref<8x128xi32, #tpu.memory_space<vmem>> -> memref<2x128xi32, #tpu.memory_space<vmem>>
    %dma_wait3A_126 = arith.constant 0 : i32
    %dma_wait3A_127 = arith.constant 0 : i32
    %dma_wait3A_128 = tpu.memref_slice %arg3[%dma_wait3A_126, %dma_wait3A_127] : memref<6400x128xi32, #tpu.memory_space<hbm>> -> memref<2x128xi32, #tpu.memory_space<hbm>>
    tpu.wait_dma2 semaphore(%arg15 : memref<!tpu.dma_semaphore, #tpu.memory_space<semaphore_mem>>) src(%dma_wait3A_128 : memref<2x128xi32, #tpu.memory_space<hbm>>) dst(%dma_wait3A_125 : memref<2x128xi32, #tpu.memory_space<vmem>>)
    %barrier3A_129 = arith.constant 0 : index
    tpu.barrier barrier_id(%barrier3A_129)
    "tpu.region"() ({
      %run_scoped3A = tpu.sem_alloc : memref<!tpu.dma_semaphore, #tpu.memory_space<semaphore_mem>>
      %dma_start3A_276 = tpu.memref_slice %arg8[%mul3A_0] : memref<51200xf32, #tpu.memory_space<vmem_shared>> -> memref<3200xf32, #tpu.memory_space<vmem_shared>>
      %dma_start3A_277 = tpu.memref_slice %arg8[%mul3A_0] : memref<51200xf32, #tpu.memory_space<vmem_shared>> -> memref<3200xf32, #tpu.memory_space<vmem_shared>>
      tpu.enqueue_dma source(%dma_start3A_277 : memref<3200xf32, #tpu.memory_space<vmem_shared>>) target(%arg13 : memref<3200xf32, #tpu.memory_space<vmem>>) target_semaphore(%run_scoped3A : memref<!tpu.dma_semaphore, #tpu.memory_space<semaphore_mem>>)
      %dma_wait3A_278 = tpu.memref_slice %arg8[%mul3A_0] : memref<51200xf32, #tpu.memory_space<vmem_shared>> -> memref<3200xf32, #tpu.memory_space<vmem_shared>>
      %dma_wait3A_279 = tpu.memref_slice %arg8[%mul3A_0] : memref<51200xf32, #tpu.memory_space<vmem_shared>> -> memref<3200xf32, #tpu.memory_space<vmem_shared>>
      tpu.wait_dma2 semaphore(%run_scoped3A : memref<!tpu.dma_semaphore, #tpu.memory_space<semaphore_mem>>) src(%dma_wait3A_279 : memref<3200xf32, #tpu.memory_space<vmem_shared>>) dst(%arg13 : memref<3200xf32, #tpu.memory_space<vmem>>)
      tpu.yield
    }) : () -> ()
    %scan3A_130 = arith.constant 0 : i32
    %scan3A_131 = arith.constant 0 : i32
    %scan3A_132 = arith.constant 200 : i32
    %scan3A_133 = arith.addi %scan3A_131, %scan3A_132 : i32
    %scan3A_134 = arith.constant 1 : i32
    scf.for %scan3A_276 = %scan3A_131 to %scan3A_133 step %scan3A_134  : i32 {
      %mul3A_277 = arith.constant 16 : i32
      %mul3A_278 = arith.muli %scan3A_276, %mul3A_277 : i32
      %get3A = arith.index_cast %mul3A_278 : i32 to index
      %get3A_279 = tpu.vector_load %arg13[%get3A] {strides = array<i32>} : memref<3200xf32, #tpu.memory_space<vmem>>, vector<16xf32>,
      %get3A_280 = vector.shape_cast %get3A_279 : vector<16xf32> to vector<16xf32>
      %gt3A = arith.constant 0.000000e+00 : f32
      %gt3A_281 = vector.broadcast %gt3A : f32 to vector<16xf32>
      %gt3A_282 = arith.cmpf ogt, %get3A_280, %gt3A_281 : vector<16xf32>
      %div3A = arith.constant 1.000000e+00 : f32
      %div3A_283 = vector.broadcast %div3A : f32 to vector<16xf32>
      %div3A_284 = arith.divf %div3A_283, %get3A_280 : vector<16xf32>
      %broadcast_in_dim3A_285 = arith.constant 0.000000e+00 : f32
      %broadcast_in_dim3A_286 = vector.broadcast %broadcast_in_dim3A_285 : f32 to vector<16xf32>
      %select_n3A = arith.select %gt3A_282, %div3A_284, %broadcast_in_dim3A_286 : vector<16xi1>, vector<16xf32>
      %mul3A_287 = arith.constant 16 : i32
      %mul3A_288 = arith.muli %scan3A_276, %mul3A_287 : i32
      %swap3A_289 = arith.index_cast %mul3A_288 : i32 to index
      %swap3A_290 = tpu.vector_load %arg13[%swap3A_289] {strides = array<i32>} : memref<3200xf32, #tpu.memory_space<vmem>>, vector<16xf32>,
      %swap3A_291 = vector.shape_cast %swap3A_290 : vector<16xf32> to vector<16xf32>
      %swap3A_292 = vector.shape_cast %select_n3A : vector<16xf32> to vector<16xf32>
      tpu.vector_store %arg13[%swap3A_289], %swap3A_292 {strides = array<i32>} : memref<3200xf32, #tpu.memory_space<vmem>>, vector<16xf32>,
    }
    %scan3A_135 = arith.constant 200 : i32
    %scan3A_136 = arith.constant 0 : i32
    %scan3A_137 = arith.constant 0 : i32
    %scan3A_138 = arith.constant 128 : i32
    %scan3A_139 = arith.addi %scan3A_137, %scan3A_138 : i32
    %scan3A_140 = arith.constant 1 : i32
    scf.for %scan3A_276 = %scan3A_137 to %scan3A_139 step %scan3A_140  : i32 {
      %broadcast_in_dim3A_277 = arith.constant 0.000000e+00 : f32
      %broadcast_in_dim3A_278 = vector.broadcast %broadcast_in_dim3A_277 : f32 to vector<16xf32>
      %add3A_279 = arith.constant 256 : i32
      %add3A_280 = arith.addi %add3A_279, %scan3A_276 : i32
      %swap3A_281 = arith.index_cast %add3A_280 : i32 to index
      %swap3A_282 = arith.constant 0 : index
      %swap3A_283 = tpu.vector_load %arg11[%swap3A_281, %swap3A_282] {strides = array<i32>} : memref<512x32xf32, #tpu.memory_space<vmem>>, vector<1x16xf32>,
      %swap3A_284 = vector.shape_cast %swap3A_283 : vector<1x16xf32> to vector<16xf32>
      %swap3A_285 = vector.shape_cast %broadcast_in_dim3A_278 : vector<16xf32> to vector<1x16xf32>
      tpu.vector_store %arg11[%swap3A_281, %swap3A_282], %swap3A_285 {strides = array<i32>} : memref<512x32xf32, #tpu.memory_space<vmem>>, vector<1x16xf32>,
      %broadcast_in_dim3A_286 = arith.constant 0.000000e+00 : f32
      %broadcast_in_dim3A_287 = vector.broadcast %broadcast_in_dim3A_286 : f32 to vector<16xf32>
      %add3A_288 = arith.constant 256 : i32
      %add3A_289 = arith.addi %add3A_288, %scan3A_276 : i32
      %swap3A_290 = arith.index_cast %add3A_289 : i32 to index
      %swap3A_291 = arith.constant 16 : index
      %swap3A_292 = tpu.vector_load %arg11[%swap3A_290, %swap3A_291] {strides = array<i32>} : memref<512x32xf32, #tpu.memory_space<vmem>>, vector<1x16xf32>,
      %swap3A_293 = vector.shape_cast %swap3A_292 : vector<1x16xf32> to vector<16xf32>
      %swap3A_294 = vector.shape_cast %broadcast_in_dim3A_287 : vector<16xf32> to vector<1x16xf32>
      tpu.vector_store %arg11[%swap3A_290, %swap3A_291], %swap3A_294 {strides = array<i32>} : memref<512x32xf32, #tpu.memory_space<vmem>>, vector<1x16xf32>,
    }
    %scan3A_141 = arith.constant 128 : i32
    %scan3A_142 = arith.constant 0 : i32
    %scan3A_143 = arith.constant 0 : i32
    %scan3A_144 = arith.constant 25 : i32
    %scan3A_145 = arith.addi %scan3A_143, %scan3A_144 : i32
    %scan3A_146 = arith.constant 1 : i32
    scf.for %scan3A_276 = %scan3A_143 to %scan3A_145 step %scan3A_146  : i32 {
      %mul3A_277 = arith.constant 128 : i32
      %mul3A_278 = arith.muli %scan3A_276, %mul3A_277 : i32
      %add3A_279 = arith.addi %add3A, %mul3A_278 : i32
      %mul3A_280 = arith.constant 128 : i32
      %mul3A_281 = arith.muli %scan3A_276, %mul3A_280 : i32
      %add3A_282 = arith.addi %mul3A_0, %mul3A_281 : i32
      "tpu.region"() ({
        %run_scoped3A = tpu.sem_alloc : memref<!tpu.dma_semaphore, #tpu.memory_space<semaphore_mem>>
        %dma_start3A_289 = arith.constant 0 : i32
        %dma_start3A_290 = arith.constant 0 : i32
        %dma_start3A_291 = tpu.memref_slice %arg11[%dma_start3A_289, %dma_start3A_290] : memref<512x32xf32, #tpu.memory_space<vmem>> -> memref<128x32xf32, #tpu.memory_space<vmem>>
        %dma_start3A_292 = arith.constant 0 : i32
        %dma_start3A_293 = tpu.memref_slice %arg7[%add3A_282, %dma_start3A_292] : memref<51200x32xf32, #tpu.memory_space<vmem_shared>> -> memref<128x32xf32, #tpu.memory_space<vmem_shared>>
        %dma_start3A_294 = arith.constant 0 : i32
        %dma_start3A_295 = arith.constant 0 : i32
        %dma_start3A_296 = tpu.memref_slice %arg11[%dma_start3A_294, %dma_start3A_295] : memref<512x32xf32, #tpu.memory_space<vmem>> -> memref<128x32xf32, #tpu.memory_space<vmem>>
        %dma_start3A_297 = arith.constant 0 : i32
        %dma_start3A_298 = tpu.memref_slice %arg7[%add3A_282, %dma_start3A_297] : memref<51200x32xf32, #tpu.memory_space<vmem_shared>> -> memref<128x32xf32, #tpu.memory_space<vmem_shared>>
        tpu.enqueue_dma source(%dma_start3A_298 : memref<128x32xf32, #tpu.memory_space<vmem_shared>>) target(%dma_start3A_296 : memref<128x32xf32, #tpu.memory_space<vmem>>) target_semaphore(%run_scoped3A : memref<!tpu.dma_semaphore, #tpu.memory_space<semaphore_mem>>)
        %dma_wait3A_299 = arith.constant 0 : i32
        %dma_wait3A_300 = arith.constant 0 : i32
        %dma_wait3A_301 = tpu.memref_slice %arg11[%dma_wait3A_299, %dma_wait3A_300] : memref<512x32xf32, #tpu.memory_space<vmem>> -> memref<128x32xf32, #tpu.memory_space<vmem>>
        %dma_wait3A_302 = arith.constant 0 : i32
        %dma_wait3A_303 = tpu.memref_slice %arg7[%add3A_282, %dma_wait3A_302] : memref<51200x32xf32, #tpu.memory_space<vmem_shared>> -> memref<128x32xf32, #tpu.memory_space<vmem_shared>>
        %dma_wait3A_304 = arith.constant 0 : i32
        %dma_wait3A_305 = arith.constant 0 : i32
        %dma_wait3A_306 = tpu.memref_slice %arg11[%dma_wait3A_304, %dma_wait3A_305] : memref<512x32xf32, #tpu.memory_space<vmem>> -> memref<128x32xf32, #tpu.memory_space<vmem>>
        %dma_wait3A_307 = arith.constant 0 : i32
        %dma_wait3A_308 = tpu.memref_slice %arg7[%add3A_282, %dma_wait3A_307] : memref<51200x32xf32, #tpu.memory_space<vmem_shared>> -> memref<128x32xf32, #tpu.memory_space<vmem_shared>>
        tpu.wait_dma2 semaphore(%run_scoped3A : memref<!tpu.dma_semaphore, #tpu.memory_space<semaphore_mem>>) src(%dma_wait3A_308 : memref<128x32xf32, #tpu.memory_space<vmem_shared>>) dst(%dma_wait3A_306 : memref<128x32xf32, #tpu.memory_space<vmem>>)
        tpu.yield
      }) : () -> ()
      "tpu.region"() ({
        %run_scoped3A = tpu.sem_alloc : memref<!tpu.dma_semaphore, #tpu.memory_space<semaphore_mem>>
        %dma_start3A_289 = arith.constant 128 : i32
        %dma_start3A_290 = arith.constant 0 : i32
        %dma_start3A_291 = tpu.memref_slice %arg11[%dma_start3A_289, %dma_start3A_290] : memref<512x32xf32, #tpu.memory_space<vmem>> -> memref<128x32xf32, #tpu.memory_space<vmem>>
        %dma_start3A_292 = arith.constant 0 : i32
        %dma_start3A_293 = tpu.memref_slice %arg5[%add3A_279, %dma_start3A_292] : memref<102400x32xf32, #tpu.memory_space<hbm>> -> memref<128x32xf32, #tpu.memory_space<hbm>>
        %dma_start3A_294 = arith.constant 128 : i32
        %dma_start3A_295 = arith.constant 0 : i32
        %dma_start3A_296 = tpu.memref_slice %arg11[%dma_start3A_294, %dma_start3A_295] : memref<512x32xf32, #tpu.memory_space<vmem>> -> memref<128x32xf32, #tpu.memory_space<vmem>>
        %dma_start3A_297 = arith.constant 0 : i32
        %dma_start3A_298 = tpu.memref_slice %arg5[%add3A_279, %dma_start3A_297] : memref<102400x32xf32, #tpu.memory_space<hbm>> -> memref<128x32xf32, #tpu.memory_space<hbm>>
        tpu.enqueue_dma source(%dma_start3A_298 : memref<128x32xf32, #tpu.memory_space<hbm>>) target(%dma_start3A_296 : memref<128x32xf32, #tpu.memory_space<vmem>>) target_semaphore(%run_scoped3A : memref<!tpu.dma_semaphore, #tpu.memory_space<semaphore_mem>>)
        %dma_wait3A_299 = arith.constant 128 : i32
        %dma_wait3A_300 = arith.constant 0 : i32
        %dma_wait3A_301 = tpu.memref_slice %arg11[%dma_wait3A_299, %dma_wait3A_300] : memref<512x32xf32, #tpu.memory_space<vmem>> -> memref<128x32xf32, #tpu.memory_space<vmem>>
        %dma_wait3A_302 = arith.constant 0 : i32
        %dma_wait3A_303 = tpu.memref_slice %arg5[%add3A_279, %dma_wait3A_302] : memref<102400x32xf32, #tpu.memory_space<hbm>> -> memref<128x32xf32, #tpu.memory_space<hbm>>
        %dma_wait3A_304 = arith.constant 128 : i32
        %dma_wait3A_305 = arith.constant 0 : i32
        %dma_wait3A_306 = tpu.memref_slice %arg11[%dma_wait3A_304, %dma_wait3A_305] : memref<512x32xf32, #tpu.memory_space<vmem>> -> memref<128x32xf32, #tpu.memory_space<vmem>>
        %dma_wait3A_307 = arith.constant 0 : i32
        %dma_wait3A_308 = tpu.memref_slice %arg5[%add3A_279, %dma_wait3A_307] : memref<102400x32xf32, #tpu.memory_space<hbm>> -> memref<128x32xf32, #tpu.memory_space<hbm>>
        tpu.wait_dma2 semaphore(%run_scoped3A : memref<!tpu.dma_semaphore, #tpu.memory_space<semaphore_mem>>) src(%dma_wait3A_308 : memref<128x32xf32, #tpu.memory_space<hbm>>) dst(%dma_wait3A_306 : memref<128x32xf32, #tpu.memory_space<vmem>>)
        tpu.yield
      }) : () -> ()
      %scan3A_283 = arith.constant 0 : i32
      %scan3A_284 = arith.constant 0 : i32
      %scan3A_285 = arith.constant 8 : i32
      %scan3A_286 = arith.addi %scan3A_284, %scan3A_285 : i32
      %scan3A_287 = arith.constant 1 : i32
      scf.for %scan3A_289 = %scan3A_284 to %scan3A_286 step %scan3A_287  : i32 {
        %mul3A_290 = arith.constant 16 : i32
        %mul3A_291 = arith.muli %scan3A_289, %mul3A_290 : i32
        %mul3A_292 = arith.constant 128 : i32
        %mul3A_293 = arith.muli %scan3A_276, %mul3A_292 : i32
        %add3A_294 = arith.addi %mul3A_293, %mul3A_291 : i32
        %get3A = arith.index_cast %add3A_294 : i32 to index
        %get3A_295 = tpu.vector_load %arg13[%get3A] {strides = array<i32>} : memref<3200xf32, #tpu.memory_space<vmem>>, vector<16xf32>,
        %get3A_296 = vector.shape_cast %get3A_295 : vector<16xf32> to vector<16xf32>
        %add3A_297 = arith.constant 0 : i32
        %add3A_298 = arith.addi %mul3A_291, %add3A_297 : i32
        %slice3A = vector.extract_strided_slice %get3A_296 {offsets = [0], sizes = [1], strides = [1]} : vector<16xf32> to vector<1xf32>
        %squeeze3A = vector.extract %slice3A[0] : f32 from vector<1xf32>
        %add3A_299 = arith.constant 0 : i32
        %add3A_300 = arith.addi %add3A_299, %add3A_298 : i32
        %get3A_301 = arith.index_cast %add3A_300 : i32 to index
        %get3A_302 = arith.constant 0 : index
        %get3A_303 = tpu.vector_load %arg11[%get3A_301, %get3A_302] {strides = array<i32>} : memref<512x32xf32, #tpu.memory_space<vmem>>, vector<1x16xf32>,
        %get3A_304 = vector.shape_cast %get3A_303 : vector<1x16xf32> to vector<16xf32>
        %mul3A_305 = vector.broadcast %squeeze3A : f32 to vector<16xf32>
        %mul3A_306 = arith.mulf %get3A_304, %mul3A_305 : vector<16xf32>
        %add3A_307 = arith.constant 0 : i32
        %add3A_308 = arith.addi %add3A_307, %add3A_298 : i32
        %swap3A_309 = arith.index_cast %add3A_308 : i32 to index
        %swap3A_310 = arith.constant 0 : index
        %swap3A_311 = tpu.vector_load %arg11[%swap3A_309, %swap3A_310] {strides = array<i32>} : memref<512x32xf32, #tpu.memory_space<vmem>>, vector<1x16xf32>,
        %swap3A_312 = vector.shape_cast %swap3A_311 : vector<1x16xf32> to vector<16xf32>
        %swap3A_313 = vector.shape_cast %mul3A_306 : vector<16xf32> to vector<1x16xf32>
        tpu.vector_store %arg11[%swap3A_309, %swap3A_310], %swap3A_313 {strides = array<i32>} : memref<512x32xf32, #tpu.memory_space<vmem>>, vector<1x16xf32>,
        %add3A_314 = arith.constant 128 : i32
        %add3A_315 = arith.addi %add3A_314, %add3A_298 : i32
        %get3A_316 = arith.index_cast %add3A_315 : i32 to index
        %get3A_317 = arith.constant 0 : index
        %get3A_318 = tpu.vector_load %arg11[%get3A_316, %get3A_317] {strides = array<i32>} : memref<512x32xf32, #tpu.memory_space<vmem>>, vector<1x16xf32>,
        %get3A_319 = vector.shape_cast %get3A_318 : vector<1x16xf32> to vector<16xf32>
        %add3A_320 = arith.addf %get3A_319, %mul3A_306 : vector<16xf32>
        %add3A_321 = arith.constant 128 : i32
        %add3A_322 = arith.addi %add3A_321, %add3A_298 : i32
        %swap3A_323 = arith.index_cast %add3A_322 : i32 to index
        %swap3A_324 = arith.constant 0 : index
        %swap3A_325 = tpu.vector_load %arg11[%swap3A_323, %swap3A_324] {strides = array<i32>} : memref<512x32xf32, #tpu.memory_space<vmem>>, vector<1x16xf32>,
        %swap3A_326 = vector.shape_cast %swap3A_325 : vector<1x16xf32> to vector<16xf32>
        %swap3A_327 = vector.shape_cast %add3A_320 : vector<16xf32> to vector<1x16xf32>
        tpu.vector_store %arg11[%swap3A_323, %swap3A_324], %swap3A_327 {strides = array<i32>} : memref<512x32xf32, #tpu.memory_space<vmem>>, vector<1x16xf32>,
        %add3A_328 = arith.constant 0 : i32
        %add3A_329 = arith.addi %add3A_328, %add3A_298 : i32
        %get3A_330 = arith.index_cast %add3A_329 : i32 to index
        %get3A_331 = arith.constant 16 : index
        %get3A_332 = tpu.vector_load %arg11[%get3A_330, %get3A_331] {strides = array<i32>} : memref<512x32xf32, #tpu.memory_space<vmem>>, vector<1x16xf32>,
        %get3A_333 = vector.shape_cast %get3A_332 : vector<1x16xf32> to vector<16xf32>
        %mul3A_334 = vector.broadcast %squeeze3A : f32 to vector<16xf32>
        %mul3A_335 = arith.mulf %get3A_333, %mul3A_334 : vector<16xf32>
        %add3A_336 = arith.constant 0 : i32
        %add3A_337 = arith.addi %add3A_336, %add3A_298 : i32
        %swap3A_338 = arith.index_cast %add3A_337 : i32 to index
        %swap3A_339 = arith.constant 16 : index
        %swap3A_340 = tpu.vector_load %arg11[%swap3A_338, %swap3A_339] {strides = array<i32>} : memref<512x32xf32, #tpu.memory_space<vmem>>, vector<1x16xf32>,
        %swap3A_341 = vector.shape_cast %swap3A_340 : vector<1x16xf32> to vector<16xf32>
        %swap3A_342 = vector.shape_cast %mul3A_335 : vector<16xf32> to vector<1x16xf32>
        tpu.vector_store %arg11[%swap3A_338, %swap3A_339], %swap3A_342 {strides = array<i32>} : memref<512x32xf32, #tpu.memory_space<vmem>>, vector<1x16xf32>,
        %add3A_343 = arith.constant 128 : i32
        %add3A_344 = arith.addi %add3A_343, %add3A_298 : i32
        %get3A_345 = arith.index_cast %add3A_344 : i32 to index
        %get3A_346 = arith.constant 16 : index
        %get3A_347 = tpu.vector_load %arg11[%get3A_345, %get3A_346] {strides = array<i32>} : memref<512x32xf32, #tpu.memory_space<vmem>>, vector<1x16xf32>,
        %get3A_348 = vector.shape_cast %get3A_347 : vector<1x16xf32> to vector<16xf32>
        %add3A_349 = arith.addf %get3A_348, %mul3A_335 : vector<16xf32>
        %add3A_350 = arith.constant 128 : i32
        %add3A_351 = arith.addi %add3A_350, %add3A_298 : i32
        %swap3A_352 = arith.index_cast %add3A_351 : i32 to index
        %swap3A_353 = arith.constant 16 : index
        %swap3A_354 = tpu.vector_load %arg11[%swap3A_352, %swap3A_353] {strides = array<i32>} : memref<512x32xf32, #tpu.memory_space<vmem>>, vector<1x16xf32>,
        %swap3A_355 = vector.shape_cast %swap3A_354 : vector<1x16xf32> to vector<16xf32>
        %swap3A_356 = vector.shape_cast %add3A_349 : vector<16xf32> to vector<1x16xf32>
        tpu.vector_store %arg11[%swap3A_352, %swap3A_353], %swap3A_356 {strides = array<i32>} : memref<512x32xf32, #tpu.memory_space<vmem>>, vector<1x16xf32>,
        %add3A_357 = arith.constant 1 : i32
        %add3A_358 = arith.addi %mul3A_291, %add3A_357 : i32
        %slice3A_359 = vector.extract_strided_slice %get3A_296 {offsets = [1], sizes = [1], strides = [1]} : vector<16xf32> to vector<1xf32>
        %squeeze3A_360 = vector.extract %slice3A_359[0] : f32 from vector<1xf32>
        %add3A_361 = arith.constant 0 : i32
        %add3A_362 = arith.addi %add3A_361, %add3A_358 : i32
        %get3A_363 = arith.index_cast %add3A_362 : i32 to index
        %get3A_364 = arith.constant 0 : index
        %get3A_365 = tpu.vector_load %arg11[%get3A_363, %get3A_364] {strides = array<i32>} : memref<512x32xf32, #tpu.memory_space<vmem>>, vector<1x16xf32>,
        %get3A_366 = vector.shape_cast %get3A_365 : vector<1x16xf32> to vector<16xf32>
        %mul3A_367 = vector.broadcast %squeeze3A_360 : f32 to vector<16xf32>
        %mul3A_368 = arith.mulf %get3A_366, %mul3A_367 : vector<16xf32>
        %add3A_369 = arith.constant 0 : i32
        %add3A_370 = arith.addi %add3A_369, %add3A_358 : i32
        %swap3A_371 = arith.index_cast %add3A_370 : i32 to index
        %swap3A_372 = arith.constant 0 : index
        %swap3A_373 = tpu.vector_load %arg11[%swap3A_371, %swap3A_372] {strides = array<i32>} : memref<512x32xf32, #tpu.memory_space<vmem>>, vector<1x16xf32>,
        %swap3A_374 = vector.shape_cast %swap3A_373 : vector<1x16xf32> to vector<16xf32>
        %swap3A_375 = vector.shape_cast %mul3A_368 : vector<16xf32> to vector<1x16xf32>
        tpu.vector_store %arg11[%swap3A_371, %swap3A_372], %swap3A_375 {strides = array<i32>} : memref<512x32xf32, #tpu.memory_space<vmem>>, vector<1x16xf32>,
        %add3A_376 = arith.constant 128 : i32
        %add3A_377 = arith.addi %add3A_376, %add3A_358 : i32
        %get3A_378 = arith.index_cast %add3A_377 : i32 to index
        %get3A_379 = arith.constant 0 : index
        %get3A_380 = tpu.vector_load %arg11[%get3A_378, %get3A_379] {strides = array<i32>} : memref<512x32xf32, #tpu.memory_space<vmem>>, vector<1x16xf32>,
        %get3A_381 = vector.shape_cast %get3A_380 : vector<1x16xf32> to vector<16xf32>
        %add3A_382 = arith.addf %get3A_381, %mul3A_368 : vector<16xf32>
        %add3A_383 = arith.constant 128 : i32
        %add3A_384 = arith.addi %add3A_383, %add3A_358 : i32
        %swap3A_385 = arith.index_cast %add3A_384 : i32 to index
        %swap3A_386 = arith.constant 0 : index
        %swap3A_387 = tpu.vector_load %arg11[%swap3A_385, %swap3A_386] {strides = array<i32>} : memref<512x32xf32, #tpu.memory_space<vmem>>, vector<1x16xf32>,
        %swap3A_388 = vector.shape_cast %swap3A_387 : vector<1x16xf32> to vector<16xf32>
        %swap3A_389 = vector.shape_cast %add3A_382 : vector<16xf32> to vector<1x16xf32>
        tpu.vector_store %arg11[%swap3A_385, %swap3A_386], %swap3A_389 {strides = array<i32>} : memref<512x32xf32, #tpu.memory_space<vmem>>, vector<1x16xf32>,
        %add3A_390 = arith.constant 0 : i32
        %add3A_391 = arith.addi %add3A_390, %add3A_358 : i32
        %get3A_392 = arith.index_cast %add3A_391 : i32 to index
        %get3A_393 = arith.constant 16 : index
        %get3A_394 = tpu.vector_load %arg11[%get3A_392, %get3A_393] {strides = array<i32>} : memref<512x32xf32, #tpu.memory_space<vmem>>, vector<1x16xf32>,
        %get3A_395 = vector.shape_cast %get3A_394 : vector<1x16xf32> to vector<16xf32>
        %mul3A_396 = vector.broadcast %squeeze3A_360 : f32 to vector<16xf32>
        %mul3A_397 = arith.mulf %get3A_395, %mul3A_396 : vector<16xf32>
        %add3A_398 = arith.constant 0 : i32
        %add3A_399 = arith.addi %add3A_398, %add3A_358 : i32
        %swap3A_400 = arith.index_cast %add3A_399 : i32 to index
        %swap3A_401 = arith.constant 16 : index
        %swap3A_402 = tpu.vector_load %arg11[%swap3A_400, %swap3A_401] {strides = array<i32>} : memref<512x32xf32, #tpu.memory_space<vmem>>, vector<1x16xf32>,
        %swap3A_403 = vector.shape_cast %swap3A_402 : vector<1x16xf32> to vector<16xf32>
        %swap3A_404 = vector.shape_cast %mul3A_397 : vector<16xf32> to vector<1x16xf32>
        tpu.vector_store %arg11[%swap3A_400, %swap3A_401], %swap3A_404 {strides = array<i32>} : memref<512x32xf32, #tpu.memory_space<vmem>>, vector<1x16xf32>,
        %add3A_405 = arith.constant 128 : i32
        %add3A_406 = arith.addi %add3A_405, %add3A_358 : i32
        %get3A_407 = arith.index_cast %add3A_406 : i32 to index
        %get3A_408 = arith.constant 16 : index
        %get3A_409 = tpu.vector_load %arg11[%get3A_407, %get3A_408] {strides = array<i32>} : memref<512x32xf32, #tpu.memory_space<vmem>>, vector<1x16xf32>,
        %get3A_410 = vector.shape_cast %get3A_409 : vector<1x16xf32> to vector<16xf32>
        %add3A_411 = arith.addf %get3A_410, %mul3A_397 : vector<16xf32>
        %add3A_412 = arith.constant 128 : i32
        %add3A_413 = arith.addi %add3A_412, %add3A_358 : i32
        %swap3A_414 = arith.index_cast %add3A_413 : i32 to index
        %swap3A_415 = arith.constant 16 : index
        %swap3A_416 = tpu.vector_load %arg11[%swap3A_414, %swap3A_415] {strides = array<i32>} : memref<512x32xf32, #tpu.memory_space<vmem>>, vector<1x16xf32>,
        %swap3A_417 = vector.shape_cast %swap3A_416 : vector<1x16xf32> to vector<16xf32>
        %swap3A_418 = vector.shape_cast %add3A_411 : vector<16xf32> to vector<1x16xf32>
        tpu.vector_store %arg11[%swap3A_414, %swap3A_415], %swap3A_418 {strides = array<i32>} : memref<512x32xf32, #tpu.memory_space<vmem>>, vector<1x16xf32>,
        %add3A_419 = arith.constant 2 : i32
        %add3A_420 = arith.addi %mul3A_291, %add3A_419 : i32
        %slice3A_421 = vector.extract_strided_slice %get3A_296 {offsets = [2], sizes = [1], strides = [1]} : vector<16xf32> to vector<1xf32>
        %squeeze3A_422 = vector.extract %slice3A_421[0] : f32 from vector<1xf32>
        %add3A_423 = arith.constant 0 : i32
        %add3A_424 = arith.addi %add3A_423, %add3A_420 : i32
        %get3A_425 = arith.index_cast %add3A_424 : i32 to index
        %get3A_426 = arith.constant 0 : index
        %get3A_427 = tpu.vector_load %arg11[%get3A_425, %get3A_426] {strides = array<i32>} : memref<512x32xf32, #tpu.memory_space<vmem>>, vector<1x16xf32>,
        %get3A_428 = vector.shape_cast %get3A_427 : vector<1x16xf32> to vector<16xf32>
        %mul3A_429 = vector.broadcast %squeeze3A_422 : f32 to vector<16xf32>
        %mul3A_430 = arith.mulf %get3A_428, %mul3A_429 : vector<16xf32>
        %add3A_431 = arith.constant 0 : i32
        %add3A_432 = arith.addi %add3A_431, %add3A_420 : i32
        %swap3A_433 = arith.index_cast %add3A_432 : i32 to index
        %swap3A_434 = arith.constant 0 : index
        %swap3A_435 = tpu.vector_load %arg11[%swap3A_433, %swap3A_434] {strides = array<i32>} : memref<512x32xf32, #tpu.memory_space<vmem>>, vector<1x16xf32>,
        %swap3A_436 = vector.shape_cast %swap3A_435 : vector<1x16xf32> to vector<16xf32>
        %swap3A_437 = vector.shape_cast %mul3A_430 : vector<16xf32> to vector<1x16xf32>
        tpu.vector_store %arg11[%swap3A_433, %swap3A_434], %swap3A_437 {strides = array<i32>} : memref<512x32xf32, #tpu.memory_space<vmem>>, vector<1x16xf32>,
        %add3A_438 = arith.constant 128 : i32
        %add3A_439 = arith.addi %add3A_438, %add3A_420 : i32
        %get3A_440 = arith.index_cast %add3A_439 : i32 to index
        %get3A_441 = arith.constant 0 : index
        %get3A_442 = tpu.vector_load %arg11[%get3A_440, %get3A_441] {strides = array<i32>} : memref<512x32xf32, #tpu.memory_space<vmem>>, vector<1x16xf32>,
        %get3A_443 = vector.shape_cast %get3A_442 : vector<1x16xf32> to vector<16xf32>
        %add3A_444 = arith.addf %get3A_443, %mul3A_430 : vector<16xf32>
        %add3A_445 = arith.constant 128 : i32
        %add3A_446 = arith.addi %add3A_445, %add3A_420 : i32
        %swap3A_447 = arith.index_cast %add3A_446 : i32 to index
        %swap3A_448 = arith.constant 0 : index
        %swap3A_449 = tpu.vector_load %arg11[%swap3A_447, %swap3A_448] {strides = array<i32>} : memref<512x32xf32, #tpu.memory_space<vmem>>, vector<1x16xf32>,
        %swap3A_450 = vector.shape_cast %swap3A_449 : vector<1x16xf32> to vector<16xf32>
        %swap3A_451 = vector.shape_cast %add3A_444 : vector<16xf32> to vector<1x16xf32>
        tpu.vector_store %arg11[%swap3A_447, %swap3A_448], %swap3A_451 {strides = array<i32>} : memref<512x32xf32, #tpu.memory_space<vmem>>, vector<1x16xf32>,
        %add3A_452 = arith.constant 0 : i32
        %add3A_453 = arith.addi %add3A_452, %add3A_420 : i32
        %get3A_454 = arith.index_cast %add3A_453 : i32 to index
        %get3A_455 = arith.constant 16 : index
        %get3A_456 = tpu.vector_load %arg11[%get3A_454, %get3A_455] {strides = array<i32>} : memref<512x32xf32, #tpu.memory_space<vmem>>, vector<1x16xf32>,
        %get3A_457 = vector.shape_cast %get3A_456 : vector<1x16xf32> to vector<16xf32>
        %mul3A_458 = vector.broadcast %squeeze3A_422 : f32 to vector<16xf32>
        %mul3A_459 = arith.mulf %get3A_457, %mul3A_458 : vector<16xf32>
        %add3A_460 = arith.constant 0 : i32
        %add3A_461 = arith.addi %add3A_460, %add3A_420 : i32
        %swap3A_462 = arith.index_cast %add3A_461 : i32 to index
        %swap3A_463 = arith.constant 16 : index
        %swap3A_464 = tpu.vector_load %arg11[%swap3A_462, %swap3A_463] {strides = array<i32>} : memref<512x32xf32, #tpu.memory_space<vmem>>, vector<1x16xf32>,
        %swap3A_465 = vector.shape_cast %swap3A_464 : vector<1x16xf32> to vector<16xf32>
        %swap3A_466 = vector.shape_cast %mul3A_459 : vector<16xf32> to vector<1x16xf32>
        tpu.vector_store %arg11[%swap3A_462, %swap3A_463], %swap3A_466 {strides = array<i32>} : memref<512x32xf32, #tpu.memory_space<vmem>>, vector<1x16xf32>,
        %add3A_467 = arith.constant 128 : i32
        %add3A_468 = arith.addi %add3A_467, %add3A_420 : i32
        %get3A_469 = arith.index_cast %add3A_468 : i32 to index
        %get3A_470 = arith.constant 16 : index
        %get3A_471 = tpu.vector_load %arg11[%get3A_469, %get3A_470] {strides = array<i32>} : memref<512x32xf32, #tpu.memory_space<vmem>>, vector<1x16xf32>,
        %get3A_472 = vector.shape_cast %get3A_471 : vector<1x16xf32> to vector<16xf32>
        %add3A_473 = arith.addf %get3A_472, %mul3A_459 : vector<16xf32>
        %add3A_474 = arith.constant 128 : i32
        %add3A_475 = arith.addi %add3A_474, %add3A_420 : i32
        %swap3A_476 = arith.index_cast %add3A_475 : i32 to index
        %swap3A_477 = arith.constant 16 : index
        %swap3A_478 = tpu.vector_load %arg11[%swap3A_476, %swap3A_477] {strides = array<i32>} : memref<512x32xf32, #tpu.memory_space<vmem>>, vector<1x16xf32>,
        %swap3A_479 = vector.shape_cast %swap3A_478 : vector<1x16xf32> to vector<16xf32>
        %swap3A_480 = vector.shape_cast %add3A_473 : vector<16xf32> to vector<1x16xf32>
        tpu.vector_store %arg11[%swap3A_476, %swap3A_477], %swap3A_480 {strides = array<i32>} : memref<512x32xf32, #tpu.memory_space<vmem>>, vector<1x16xf32>,
        %add3A_481 = arith.constant 3 : i32
        %add3A_482 = arith.addi %mul3A_291, %add3A_481 : i32
        %slice3A_483 = vector.extract_strided_slice %get3A_296 {offsets = [3], sizes = [1], strides = [1]} : vector<16xf32> to vector<1xf32>
        %squeeze3A_484 = vector.extract %slice3A_483[0] : f32 from vector<1xf32>
        %add3A_485 = arith.constant 0 : i32
        %add3A_486 = arith.addi %add3A_485, %add3A_482 : i32
        %get3A_487 = arith.index_cast %add3A_486 : i32 to index
        %get3A_488 = arith.constant 0 : index
        %get3A_489 = tpu.vector_load %arg11[%get3A_487, %get3A_488] {strides = array<i32>} : memref<512x32xf32, #tpu.memory_space<vmem>>, vector<1x16xf32>,
        %get3A_490 = vector.shape_cast %get3A_489 : vector<1x16xf32> to vector<16xf32>
        %mul3A_491 = vector.broadcast %squeeze3A_484 : f32 to vector<16xf32>
        %mul3A_492 = arith.mulf %get3A_490, %mul3A_491 : vector<16xf32>
        %add3A_493 = arith.constant 0 : i32
        %add3A_494 = arith.addi %add3A_493, %add3A_482 : i32
        %swap3A_495 = arith.index_cast %add3A_494 : i32 to index
        %swap3A_496 = arith.constant 0 : index
        %swap3A_497 = tpu.vector_load %arg11[%swap3A_495, %swap3A_496] {strides = array<i32>} : memref<512x32xf32, #tpu.memory_space<vmem>>, vector<1x16xf32>,
        %swap3A_498 = vector.shape_cast %swap3A_497 : vector<1x16xf32> to vector<16xf32>
        %swap3A_499 = vector.shape_cast %mul3A_492 : vector<16xf32> to vector<1x16xf32>
        tpu.vector_store %arg11[%swap3A_495, %swap3A_496], %swap3A_499 {strides = array<i32>} : memref<512x32xf32, #tpu.memory_space<vmem>>, vector<1x16xf32>,
        %add3A_500 = arith.constant 128 : i32
        %add3A_501 = arith.addi %add3A_500, %add3A_482 : i32
        %get3A_502 = arith.index_cast %add3A_501 : i32 to index
        %get3A_503 = arith.constant 0 : index
        %get3A_504 = tpu.vector_load %arg11[%get3A_502, %get3A_503] {strides = array<i32>} : memref<512x32xf32, #tpu.memory_space<vmem>>, vector<1x16xf32>,
        %get3A_505 = vector.shape_cast %get3A_504 : vector<1x16xf32> to vector<16xf32>
        %add3A_506 = arith.addf %get3A_505, %mul3A_492 : vector<16xf32>
        %add3A_507 = arith.constant 128 : i32
        %add3A_508 = arith.addi %add3A_507, %add3A_482 : i32
        %swap3A_509 = arith.index_cast %add3A_508 : i32 to index
        %swap3A_510 = arith.constant 0 : index
        %swap3A_511 = tpu.vector_load %arg11[%swap3A_509, %swap3A_510] {strides = array<i32>} : memref<512x32xf32, #tpu.memory_space<vmem>>, vector<1x16xf32>,
        %swap3A_512 = vector.shape_cast %swap3A_511 : vector<1x16xf32> to vector<16xf32>
        %swap3A_513 = vector.shape_cast %add3A_506 : vector<16xf32> to vector<1x16xf32>
        tpu.vector_store %arg11[%swap3A_509, %swap3A_510], %swap3A_513 {strides = array<i32>} : memref<512x32xf32, #tpu.memory_space<vmem>>, vector<1x16xf32>,
        %add3A_514 = arith.constant 0 : i32
        %add3A_515 = arith.addi %add3A_514, %add3A_482 : i32
        %get3A_516 = arith.index_cast %add3A_515 : i32 to index
        %get3A_517 = arith.constant 16 : index
        %get3A_518 = tpu.vector_load %arg11[%get3A_516, %get3A_517] {strides = array<i32>} : memref<512x32xf32, #tpu.memory_space<vmem>>, vector<1x16xf32>,
        %get3A_519 = vector.shape_cast %get3A_518 : vector<1x16xf32> to vector<16xf32>
        %mul3A_520 = vector.broadcast %squeeze3A_484 : f32 to vector<16xf32>
        %mul3A_521 = arith.mulf %get3A_519, %mul3A_520 : vector<16xf32>
        %add3A_522 = arith.constant 0 : i32
        %add3A_523 = arith.addi %add3A_522, %add3A_482 : i32
        %swap3A_524 = arith.index_cast %add3A_523 : i32 to index
        %swap3A_525 = arith.constant 16 : index
        %swap3A_526 = tpu.vector_load %arg11[%swap3A_524, %swap3A_525] {strides = array<i32>} : memref<512x32xf32, #tpu.memory_space<vmem>>, vector<1x16xf32>,
        %swap3A_527 = vector.shape_cast %swap3A_526 : vector<1x16xf32> to vector<16xf32>
        %swap3A_528 = vector.shape_cast %mul3A_521 : vector<16xf32> to vector<1x16xf32>
        tpu.vector_store %arg11[%swap3A_524, %swap3A_525], %swap3A_528 {strides = array<i32>} : memref<512x32xf32, #tpu.memory_space<vmem>>, vector<1x16xf32>,
        %add3A_529 = arith.constant 128 : i32
        %add3A_530 = arith.addi %add3A_529, %add3A_482 : i32
        %get3A_531 = arith.index_cast %add3A_530 : i32 to index
        %get3A_532 = arith.constant 16 : index
        %get3A_533 = tpu.vector_load %arg11[%get3A_531, %get3A_532] {strides = array<i32>} : memref<512x32xf32, #tpu.memory_space<vmem>>, vector<1x16xf32>,
        %get3A_534 = vector.shape_cast %get3A_533 : vector<1x16xf32> to vector<16xf32>
        %add3A_535 = arith.addf %get3A_534, %mul3A_521 : vector<16xf32>
        %add3A_536 = arith.constant 128 : i32
        %add3A_537 = arith.addi %add3A_536, %add3A_482 : i32
        %swap3A_538 = arith.index_cast %add3A_537 : i32 to index
        %swap3A_539 = arith.constant 16 : index
        %swap3A_540 = tpu.vector_load %arg11[%swap3A_538, %swap3A_539] {strides = array<i32>} : memref<512x32xf32, #tpu.memory_space<vmem>>, vector<1x16xf32>,
        %swap3A_541 = vector.shape_cast %swap3A_540 : vector<1x16xf32> to vector<16xf32>
        %swap3A_542 = vector.shape_cast %add3A_535 : vector<16xf32> to vector<1x16xf32>
        tpu.vector_store %arg11[%swap3A_538, %swap3A_539], %swap3A_542 {strides = array<i32>} : memref<512x32xf32, #tpu.memory_space<vmem>>, vector<1x16xf32>,
        %add3A_543 = arith.constant 4 : i32
        %add3A_544 = arith.addi %mul3A_291, %add3A_543 : i32
        %slice3A_545 = vector.extract_strided_slice %get3A_296 {offsets = [4], sizes = [1], strides = [1]} : vector<16xf32> to vector<1xf32>
        %squeeze3A_546 = vector.extract %slice3A_545[0] : f32 from vector<1xf32>
        %add3A_547 = arith.constant 0 : i32
        %add3A_548 = arith.addi %add3A_547, %add3A_544 : i32
        %get3A_549 = arith.index_cast %add3A_548 : i32 to index
        %get3A_550 = arith.constant 0 : index
        %get3A_551 = tpu.vector_load %arg11[%get3A_549, %get3A_550] {strides = array<i32>} : memref<512x32xf32, #tpu.memory_space<vmem>>, vector<1x16xf32>,
        %get3A_552 = vector.shape_cast %get3A_551 : vector<1x16xf32> to vector<16xf32>
        %mul3A_553 = vector.broadcast %squeeze3A_546 : f32 to vector<16xf32>
        %mul3A_554 = arith.mulf %get3A_552, %mul3A_553 : vector<16xf32>
        %add3A_555 = arith.constant 0 : i32
        %add3A_556 = arith.addi %add3A_555, %add3A_544 : i32
        %swap3A_557 = arith.index_cast %add3A_556 : i32 to index
        %swap3A_558 = arith.constant 0 : index
        %swap3A_559 = tpu.vector_load %arg11[%swap3A_557, %swap3A_558] {strides = array<i32>} : memref<512x32xf32, #tpu.memory_space<vmem>>, vector<1x16xf32>,
        %swap3A_560 = vector.shape_cast %swap3A_559 : vector<1x16xf32> to vector<16xf32>
        %swap3A_561 = vector.shape_cast %mul3A_554 : vector<16xf32> to vector<1x16xf32>
        tpu.vector_store %arg11[%swap3A_557, %swap3A_558], %swap3A_561 {strides = array<i32>} : memref<512x32xf32, #tpu.memory_space<vmem>>, vector<1x16xf32>,
        %add3A_562 = arith.constant 128 : i32
        %add3A_563 = arith.addi %add3A_562, %add3A_544 : i32
        %get3A_564 = arith.index_cast %add3A_563 : i32 to index
        %get3A_565 = arith.constant 0 : index
        %get3A_566 = tpu.vector_load %arg11[%get3A_564, %get3A_565] {strides = array<i32>} : memref<512x32xf32, #tpu.memory_space<vmem>>, vector<1x16xf32>,
        %get3A_567 = vector.shape_cast %get3A_566 : vector<1x16xf32> to vector<16xf32>
        %add3A_568 = arith.addf %get3A_567, %mul3A_554 : vector<16xf32>
        %add3A_569 = arith.constant 128 : i32
        %add3A_570 = arith.addi %add3A_569, %add3A_544 : i32
        %swap3A_571 = arith.index_cast %add3A_570 : i32 to index
        %swap3A_572 = arith.constant 0 : index
        %swap3A_573 = tpu.vector_load %arg11[%swap3A_571, %swap3A_572] {strides = array<i32>} : memref<512x32xf32, #tpu.memory_space<vmem>>, vector<1x16xf32>,
        %swap3A_574 = vector.shape_cast %swap3A_573 : vector<1x16xf32> to vector<16xf32>
        %swap3A_575 = vector.shape_cast %add3A_568 : vector<16xf32> to vector<1x16xf32>
        tpu.vector_store %arg11[%swap3A_571, %swap3A_572], %swap3A_575 {strides = array<i32>} : memref<512x32xf32, #tpu.memory_space<vmem>>, vector<1x16xf32>,
        %add3A_576 = arith.constant 0 : i32
        %add3A_577 = arith.addi %add3A_576, %add3A_544 : i32
        %get3A_578 = arith.index_cast %add3A_577 : i32 to index
        %get3A_579 = arith.constant 16 : index
        %get3A_580 = tpu.vector_load %arg11[%get3A_578, %get3A_579] {strides = array<i32>} : memref<512x32xf32, #tpu.memory_space<vmem>>, vector<1x16xf32>,
        %get3A_581 = vector.shape_cast %get3A_580 : vector<1x16xf32> to vector<16xf32>
        %mul3A_582 = vector.broadcast %squeeze3A_546 : f32 to vector<16xf32>
        %mul3A_583 = arith.mulf %get3A_581, %mul3A_582 : vector<16xf32>
        %add3A_584 = arith.constant 0 : i32
        %add3A_585 = arith.addi %add3A_584, %add3A_544 : i32
        %swap3A_586 = arith.index_cast %add3A_585 : i32 to index
        %swap3A_587 = arith.constant 16 : index
        %swap3A_588 = tpu.vector_load %arg11[%swap3A_586, %swap3A_587] {strides = array<i32>} : memref<512x32xf32, #tpu.memory_space<vmem>>, vector<1x16xf32>,
        %swap3A_589 = vector.shape_cast %swap3A_588 : vector<1x16xf32> to vector<16xf32>
        %swap3A_590 = vector.shape_cast %mul3A_583 : vector<16xf32> to vector<1x16xf32>
        tpu.vector_store %arg11[%swap3A_586, %swap3A_587], %swap3A_590 {strides = array<i32>} : memref<512x32xf32, #tpu.memory_space<vmem>>, vector<1x16xf32>,
        %add3A_591 = arith.constant 128 : i32
        %add3A_592 = arith.addi %add3A_591, %add3A_544 : i32
        %get3A_593 = arith.index_cast %add3A_592 : i32 to index
        %get3A_594 = arith.constant 16 : index
        %get3A_595 = tpu.vector_load %arg11[%get3A_593, %get3A_594] {strides = array<i32>} : memref<512x32xf32, #tpu.memory_space<vmem>>, vector<1x16xf32>,
        %get3A_596 = vector.shape_cast %get3A_595 : vector<1x16xf32> to vector<16xf32>
        %add3A_597 = arith.addf %get3A_596, %mul3A_583 : vector<16xf32>
        %add3A_598 = arith.constant 128 : i32
        %add3A_599 = arith.addi %add3A_598, %add3A_544 : i32
        %swap3A_600 = arith.index_cast %add3A_599 : i32 to index
        %swap3A_601 = arith.constant 16 : index
        %swap3A_602 = tpu.vector_load %arg11[%swap3A_600, %swap3A_601] {strides = array<i32>} : memref<512x32xf32, #tpu.memory_space<vmem>>, vector<1x16xf32>,
        %swap3A_603 = vector.shape_cast %swap3A_602 : vector<1x16xf32> to vector<16xf32>
        %swap3A_604 = vector.shape_cast %add3A_597 : vector<16xf32> to vector<1x16xf32>
        tpu.vector_store %arg11[%swap3A_600, %swap3A_601], %swap3A_604 {strides = array<i32>} : memref<512x32xf32, #tpu.memory_space<vmem>>, vector<1x16xf32>,
        %add3A_605 = arith.constant 5 : i32
        %add3A_606 = arith.addi %mul3A_291, %add3A_605 : i32
        %slice3A_607 = vector.extract_strided_slice %get3A_296 {offsets = [5], sizes = [1], strides = [1]} : vector<16xf32> to vector<1xf32>
        %squeeze3A_608 = vector.extract %slice3A_607[0] : f32 from vector<1xf32>
        %add3A_609 = arith.constant 0 : i32
        %add3A_610 = arith.addi %add3A_609, %add3A_606 : i32
        %get3A_611 = arith.index_cast %add3A_610 : i32 to index
        %get3A_612 = arith.constant 0 : index
        %get3A_613 = tpu.vector_load %arg11[%get3A_611, %get3A_612] {strides = array<i32>} : memref<512x32xf32, #tpu.memory_space<vmem>>, vector<1x16xf32>,
        %get3A_614 = vector.shape_cast %get3A_613 : vector<1x16xf32> to vector<16xf32>
        %mul3A_615 = vector.broadcast %squeeze3A_608 : f32 to vector<16xf32>
        %mul3A_616 = arith.mulf %get3A_614, %mul3A_615 : vector<16xf32>
        %add3A_617 = arith.constant 0 : i32
        %add3A_618 = arith.addi %add3A_617, %add3A_606 : i32
        %swap3A_619 = arith.index_cast %add3A_618 : i32 to index
        %swap3A_620 = arith.constant 0 : index
        %swap3A_621 = tpu.vector_load %arg11[%swap3A_619, %swap3A_620] {strides = array<i32>} : memref<512x32xf32, #tpu.memory_space<vmem>>, vector<1x16xf32>,
        %swap3A_622 = vector.shape_cast %swap3A_621 : vector<1x16xf32> to vector<16xf32>
        %swap3A_623 = vector.shape_cast %mul3A_616 : vector<16xf32> to vector<1x16xf32>
        tpu.vector_store %arg11[%swap3A_619, %swap3A_620], %swap3A_623 {strides = array<i32>} : memref<512x32xf32, #tpu.memory_space<vmem>>, vector<1x16xf32>,
        %add3A_624 = arith.constant 128 : i32
        %add3A_625 = arith.addi %add3A_624, %add3A_606 : i32
        %get3A_626 = arith.index_cast %add3A_625 : i32 to index
        %get3A_627 = arith.constant 0 : index
        %get3A_628 = tpu.vector_load %arg11[%get3A_626, %get3A_627] {strides = array<i32>} : memref<512x32xf32, #tpu.memory_space<vmem>>, vector<1x16xf32>,
        %get3A_629 = vector.shape_cast %get3A_628 : vector<1x16xf32> to vector<16xf32>
        %add3A_630 = arith.addf %get3A_629, %mul3A_616 : vector<16xf32>
        %add3A_631 = arith.constant 128 : i32
        %add3A_632 = arith.addi %add3A_631, %add3A_606 : i32
        %swap3A_633 = arith.index_cast %add3A_632 : i32 to index
        %swap3A_634 = arith.constant 0 : index
        %swap3A_635 = tpu.vector_load %arg11[%swap3A_633, %swap3A_634] {strides = array<i32>} : memref<512x32xf32, #tpu.memory_space<vmem>>, vector<1x16xf32>,
        %swap3A_636 = vector.shape_cast %swap3A_635 : vector<1x16xf32> to vector<16xf32>
        %swap3A_637 = vector.shape_cast %add3A_630 : vector<16xf32> to vector<1x16xf32>
        tpu.vector_store %arg11[%swap3A_633, %swap3A_634], %swap3A_637 {strides = array<i32>} : memref<512x32xf32, #tpu.memory_space<vmem>>, vector<1x16xf32>,
        %add3A_638 = arith.constant 0 : i32
        %add3A_639 = arith.addi %add3A_638, %add3A_606 : i32
        %get3A_640 = arith.index_cast %add3A_639 : i32 to index
        %get3A_641 = arith.constant 16 : index
        %get3A_642 = tpu.vector_load %arg11[%get3A_640, %get3A_641] {strides = array<i32>} : memref<512x32xf32, #tpu.memory_space<vmem>>, vector<1x16xf32>,
        %get3A_643 = vector.shape_cast %get3A_642 : vector<1x16xf32> to vector<16xf32>
        %mul3A_644 = vector.broadcast %squeeze3A_608 : f32 to vector<16xf32>
        %mul3A_645 = arith.mulf %get3A_643, %mul3A_644 : vector<16xf32>
        %add3A_646 = arith.constant 0 : i32
        %add3A_647 = arith.addi %add3A_646, %add3A_606 : i32
        %swap3A_648 = arith.index_cast %add3A_647 : i32 to index
        %swap3A_649 = arith.constant 16 : index
        %swap3A_650 = tpu.vector_load %arg11[%swap3A_648, %swap3A_649] {strides = array<i32>} : memref<512x32xf32, #tpu.memory_space<vmem>>, vector<1x16xf32>,
        %swap3A_651 = vector.shape_cast %swap3A_650 : vector<1x16xf32> to vector<16xf32>
        %swap3A_652 = vector.shape_cast %mul3A_645 : vector<16xf32> to vector<1x16xf32>
        tpu.vector_store %arg11[%swap3A_648, %swap3A_649], %swap3A_652 {strides = array<i32>} : memref<512x32xf32, #tpu.memory_space<vmem>>, vector<1x16xf32>,
        %add3A_653 = arith.constant 128 : i32
        %add3A_654 = arith.addi %add3A_653, %add3A_606 : i32
        %get3A_655 = arith.index_cast %add3A_654 : i32 to index
        %get3A_656 = arith.constant 16 : index
        %get3A_657 = tpu.vector_load %arg11[%get3A_655, %get3A_656] {strides = array<i32>} : memref<512x32xf32, #tpu.memory_space<vmem>>, vector<1x16xf32>,
        %get3A_658 = vector.shape_cast %get3A_657 : vector<1x16xf32> to vector<16xf32>
        %add3A_659 = arith.addf %get3A_658, %mul3A_645 : vector<16xf32>
        %add3A_660 = arith.constant 128 : i32
        %add3A_661 = arith.addi %add3A_660, %add3A_606 : i32
        %swap3A_662 = arith.index_cast %add3A_661 : i32 to index
        %swap3A_663 = arith.constant 16 : index
        %swap3A_664 = tpu.vector_load %arg11[%swap3A_662, %swap3A_663] {strides = array<i32>} : memref<512x32xf32, #tpu.memory_space<vmem>>, vector<1x16xf32>,
        %swap3A_665 = vector.shape_cast %swap3A_664 : vector<1x16xf32> to vector<16xf32>
        %swap3A_666 = vector.shape_cast %add3A_659 : vector<16xf32> to vector<1x16xf32>
        tpu.vector_store %arg11[%swap3A_662, %swap3A_663], %swap3A_666 {strides = array<i32>} : memref<512x32xf32, #tpu.memory_space<vmem>>, vector<1x16xf32>,
        %add3A_667 = arith.constant 6 : i32
        %add3A_668 = arith.addi %mul3A_291, %add3A_667 : i32
        %slice3A_669 = vector.extract_strided_slice %get3A_296 {offsets = [6], sizes = [1], strides = [1]} : vector<16xf32> to vector<1xf32>
        %squeeze3A_670 = vector.extract %slice3A_669[0] : f32 from vector<1xf32>
        %add3A_671 = arith.constant 0 : i32
        %add3A_672 = arith.addi %add3A_671, %add3A_668 : i32
        %get3A_673 = arith.index_cast %add3A_672 : i32 to index
        %get3A_674 = arith.constant 0 : index
        %get3A_675 = tpu.vector_load %arg11[%get3A_673, %get3A_674] {strides = array<i32>} : memref<512x32xf32, #tpu.memory_space<vmem>>, vector<1x16xf32>,
        %get3A_676 = vector.shape_cast %get3A_675 : vector<1x16xf32> to vector<16xf32>
        %mul3A_677 = vector.broadcast %squeeze3A_670 : f32 to vector<16xf32>
        %mul3A_678 = arith.mulf %get3A_676, %mul3A_677 : vector<16xf32>
        %add3A_679 = arith.constant 0 : i32
        %add3A_680 = arith.addi %add3A_679, %add3A_668 : i32
        %swap3A_681 = arith.index_cast %add3A_680 : i32 to index
        %swap3A_682 = arith.constant 0 : index
        %swap3A_683 = tpu.vector_load %arg11[%swap3A_681, %swap3A_682] {strides = array<i32>} : memref<512x32xf32, #tpu.memory_space<vmem>>, vector<1x16xf32>,
        %swap3A_684 = vector.shape_cast %swap3A_683 : vector<1x16xf32> to vector<16xf32>
        %swap3A_685 = vector.shape_cast %mul3A_678 : vector<16xf32> to vector<1x16xf32>
        tpu.vector_store %arg11[%swap3A_681, %swap3A_682], %swap3A_685 {strides = array<i32>} : memref<512x32xf32, #tpu.memory_space<vmem>>, vector<1x16xf32>,
        %add3A_686 = arith.constant 128 : i32
        %add3A_687 = arith.addi %add3A_686, %add3A_668 : i32
        %get3A_688 = arith.index_cast %add3A_687 : i32 to index
        %get3A_689 = arith.constant 0 : index
        %get3A_690 = tpu.vector_load %arg11[%get3A_688, %get3A_689] {strides = array<i32>} : memref<512x32xf32, #tpu.memory_space<vmem>>, vector<1x16xf32>,
        %get3A_691 = vector.shape_cast %get3A_690 : vector<1x16xf32> to vector<16xf32>
        %add3A_692 = arith.addf %get3A_691, %mul3A_678 : vector<16xf32>
        %add3A_693 = arith.constant 128 : i32
        %add3A_694 = arith.addi %add3A_693, %add3A_668 : i32
        %swap3A_695 = arith.index_cast %add3A_694 : i32 to index
        %swap3A_696 = arith.constant 0 : index
        %swap3A_697 = tpu.vector_load %arg11[%swap3A_695, %swap3A_696] {strides = array<i32>} : memref<512x32xf32, #tpu.memory_space<vmem>>, vector<1x16xf32>,
        %swap3A_698 = vector.shape_cast %swap3A_697 : vector<1x16xf32> to vector<16xf32>
        %swap3A_699 = vector.shape_cast %add3A_692 : vector<16xf32> to vector<1x16xf32>
        tpu.vector_store %arg11[%swap3A_695, %swap3A_696], %swap3A_699 {strides = array<i32>} : memref<512x32xf32, #tpu.memory_space<vmem>>, vector<1x16xf32>,
        %add3A_700 = arith.constant 0 : i32
        %add3A_701 = arith.addi %add3A_700, %add3A_668 : i32
        %get3A_702 = arith.index_cast %add3A_701 : i32 to index
        %get3A_703 = arith.constant 16 : index
        %get3A_704 = tpu.vector_load %arg11[%get3A_702, %get3A_703] {strides = array<i32>} : memref<512x32xf32, #tpu.memory_space<vmem>>, vector<1x16xf32>,
        %get3A_705 = vector.shape_cast %get3A_704 : vector<1x16xf32> to vector<16xf32>
        %mul3A_706 = vector.broadcast %squeeze3A_670 : f32 to vector<16xf32>
        %mul3A_707 = arith.mulf %get3A_705, %mul3A_706 : vector<16xf32>
        %add3A_708 = arith.constant 0 : i32
        %add3A_709 = arith.addi %add3A_708, %add3A_668 : i32
        %swap3A_710 = arith.index_cast %add3A_709 : i32 to index
        %swap3A_711 = arith.constant 16 : index
        %swap3A_712 = tpu.vector_load %arg11[%swap3A_710, %swap3A_711] {strides = array<i32>} : memref<512x32xf32, #tpu.memory_space<vmem>>, vector<1x16xf32>,
        %swap3A_713 = vector.shape_cast %swap3A_712 : vector<1x16xf32> to vector<16xf32>
        %swap3A_714 = vector.shape_cast %mul3A_707 : vector<16xf32> to vector<1x16xf32>
        tpu.vector_store %arg11[%swap3A_710, %swap3A_711], %swap3A_714 {strides = array<i32>} : memref<512x32xf32, #tpu.memory_space<vmem>>, vector<1x16xf32>,
        %add3A_715 = arith.constant 128 : i32
        %add3A_716 = arith.addi %add3A_715, %add3A_668 : i32
        %get3A_717 = arith.index_cast %add3A_716 : i32 to index
        %get3A_718 = arith.constant 16 : index
        %get3A_719 = tpu.vector_load %arg11[%get3A_717, %get3A_718] {strides = array<i32>} : memref<512x32xf32, #tpu.memory_space<vmem>>, vector<1x16xf32>,
        %get3A_720 = vector.shape_cast %get3A_719 : vector<1x16xf32> to vector<16xf32>
        %add3A_721 = arith.addf %get3A_720, %mul3A_707 : vector<16xf32>
        %add3A_722 = arith.constant 128 : i32
        %add3A_723 = arith.addi %add3A_722, %add3A_668 : i32
        %swap3A_724 = arith.index_cast %add3A_723 : i32 to index
        %swap3A_725 = arith.constant 16 : index
        %swap3A_726 = tpu.vector_load %arg11[%swap3A_724, %swap3A_725] {strides = array<i32>} : memref<512x32xf32, #tpu.memory_space<vmem>>, vector<1x16xf32>,
        %swap3A_727 = vector.shape_cast %swap3A_726 : vector<1x16xf32> to vector<16xf32>
        %swap3A_728 = vector.shape_cast %add3A_721 : vector<16xf32> to vector<1x16xf32>
        tpu.vector_store %arg11[%swap3A_724, %swap3A_725], %swap3A_728 {strides = array<i32>} : memref<512x32xf32, #tpu.memory_space<vmem>>, vector<1x16xf32>,
        %add3A_729 = arith.constant 7 : i32
        %add3A_730 = arith.addi %mul3A_291, %add3A_729 : i32
        %slice3A_731 = vector.extract_strided_slice %get3A_296 {offsets = [7], sizes = [1], strides = [1]} : vector<16xf32> to vector<1xf32>
        %squeeze3A_732 = vector.extract %slice3A_731[0] : f32 from vector<1xf32>
        %add3A_733 = arith.constant 0 : i32
        %add3A_734 = arith.addi %add3A_733, %add3A_730 : i32
        %get3A_735 = arith.index_cast %add3A_734 : i32 to index
        %get3A_736 = arith.constant 0 : index
        %get3A_737 = tpu.vector_load %arg11[%get3A_735, %get3A_736] {strides = array<i32>} : memref<512x32xf32, #tpu.memory_space<vmem>>, vector<1x16xf32>,
        %get3A_738 = vector.shape_cast %get3A_737 : vector<1x16xf32> to vector<16xf32>
        %mul3A_739 = vector.broadcast %squeeze3A_732 : f32 to vector<16xf32>
        %mul3A_740 = arith.mulf %get3A_738, %mul3A_739 : vector<16xf32>
        %add3A_741 = arith.constant 0 : i32
        %add3A_742 = arith.addi %add3A_741, %add3A_730 : i32
        %swap3A_743 = arith.index_cast %add3A_742 : i32 to index
        %swap3A_744 = arith.constant 0 : index
        %swap3A_745 = tpu.vector_load %arg11[%swap3A_743, %swap3A_744] {strides = array<i32>} : memref<512x32xf32, #tpu.memory_space<vmem>>, vector<1x16xf32>,
        %swap3A_746 = vector.shape_cast %swap3A_745 : vector<1x16xf32> to vector<16xf32>
        %swap3A_747 = vector.shape_cast %mul3A_740 : vector<16xf32> to vector<1x16xf32>
        tpu.vector_store %arg11[%swap3A_743, %swap3A_744], %swap3A_747 {strides = array<i32>} : memref<512x32xf32, #tpu.memory_space<vmem>>, vector<1x16xf32>,
        %add3A_748 = arith.constant 128 : i32
        %add3A_749 = arith.addi %add3A_748, %add3A_730 : i32
        %get3A_750 = arith.index_cast %add3A_749 : i32 to index
        %get3A_751 = arith.constant 0 : index
        %get3A_752 = tpu.vector_load %arg11[%get3A_750, %get3A_751] {strides = array<i32>} : memref<512x32xf32, #tpu.memory_space<vmem>>, vector<1x16xf32>,
        %get3A_753 = vector.shape_cast %get3A_752 : vector<1x16xf32> to vector<16xf32>
        %add3A_754 = arith.addf %get3A_753, %mul3A_740 : vector<16xf32>
        %add3A_755 = arith.constant 128 : i32
        %add3A_756 = arith.addi %add3A_755, %add3A_730 : i32
        %swap3A_757 = arith.index_cast %add3A_756 : i32 to index
        %swap3A_758 = arith.constant 0 : index
        %swap3A_759 = tpu.vector_load %arg11[%swap3A_757, %swap3A_758] {strides = array<i32>} : memref<512x32xf32, #tpu.memory_space<vmem>>, vector<1x16xf32>,
        %swap3A_760 = vector.shape_cast %swap3A_759 : vector<1x16xf32> to vector<16xf32>
        %swap3A_761 = vector.shape_cast %add3A_754 : vector<16xf32> to vector<1x16xf32>
        tpu.vector_store %arg11[%swap3A_757, %swap3A_758], %swap3A_761 {strides = array<i32>} : memref<512x32xf32, #tpu.memory_space<vmem>>, vector<1x16xf32>,
        %add3A_762 = arith.constant 0 : i32
        %add3A_763 = arith.addi %add3A_762, %add3A_730 : i32
        %get3A_764 = arith.index_cast %add3A_763 : i32 to index
        %get3A_765 = arith.constant 16 : index
        %get3A_766 = tpu.vector_load %arg11[%get3A_764, %get3A_765] {strides = array<i32>} : memref<512x32xf32, #tpu.memory_space<vmem>>, vector<1x16xf32>,
        %get3A_767 = vector.shape_cast %get3A_766 : vector<1x16xf32> to vector<16xf32>
        %mul3A_768 = vector.broadcast %squeeze3A_732 : f32 to vector<16xf32>
        %mul3A_769 = arith.mulf %get3A_767, %mul3A_768 : vector<16xf32>
        %add3A_770 = arith.constant 0 : i32
        %add3A_771 = arith.addi %add3A_770, %add3A_730 : i32
        %swap3A_772 = arith.index_cast %add3A_771 : i32 to index
        %swap3A_773 = arith.constant 16 : index
        %swap3A_774 = tpu.vector_load %arg11[%swap3A_772, %swap3A_773] {strides = array<i32>} : memref<512x32xf32, #tpu.memory_space<vmem>>, vector<1x16xf32>,
        %swap3A_775 = vector.shape_cast %swap3A_774 : vector<1x16xf32> to vector<16xf32>
        %swap3A_776 = vector.shape_cast %mul3A_769 : vector<16xf32> to vector<1x16xf32>
        tpu.vector_store %arg11[%swap3A_772, %swap3A_773], %swap3A_776 {strides = array<i32>} : memref<512x32xf32, #tpu.memory_space<vmem>>, vector<1x16xf32>,
        %add3A_777 = arith.constant 128 : i32
        %add3A_778 = arith.addi %add3A_777, %add3A_730 : i32
        %get3A_779 = arith.index_cast %add3A_778 : i32 to index
        %get3A_780 = arith.constant 16 : index
        %get3A_781 = tpu.vector_load %arg11[%get3A_779, %get3A_780] {strides = array<i32>} : memref<512x32xf32, #tpu.memory_space<vmem>>, vector<1x16xf32>,
        %get3A_782 = vector.shape_cast %get3A_781 : vector<1x16xf32> to vector<16xf32>
        %add3A_783 = arith.addf %get3A_782, %mul3A_769 : vector<16xf32>
        %add3A_784 = arith.constant 128 : i32
        %add3A_785 = arith.addi %add3A_784, %add3A_730 : i32
        %swap3A_786 = arith.index_cast %add3A_785 : i32 to index
        %swap3A_787 = arith.constant 16 : index
        %swap3A_788 = tpu.vector_load %arg11[%swap3A_786, %swap3A_787] {strides = array<i32>} : memref<512x32xf32, #tpu.memory_space<vmem>>, vector<1x16xf32>,
        %swap3A_789 = vector.shape_cast %swap3A_788 : vector<1x16xf32> to vector<16xf32>
        %swap3A_790 = vector.shape_cast %add3A_783 : vector<16xf32> to vector<1x16xf32>
        tpu.vector_store %arg11[%swap3A_786, %swap3A_787], %swap3A_790 {strides = array<i32>} : memref<512x32xf32, #tpu.memory_space<vmem>>, vector<1x16xf32>,
        %add3A_791 = arith.constant 8 : i32
        %add3A_792 = arith.addi %mul3A_291, %add3A_791 : i32
        %slice3A_793 = vector.extract_strided_slice %get3A_296 {offsets = [8], sizes = [1], strides = [1]} : vector<16xf32> to vector<1xf32>
        %squeeze3A_794 = vector.extract %slice3A_793[0] : f32 from vector<1xf32>
        %add3A_795 = arith.constant 0 : i32
        %add3A_796 = arith.addi %add3A_795, %add3A_792 : i32
        %get3A_797 = arith.index_cast %add3A_796 : i32 to index
        %get3A_798 = arith.constant 0 : index
        %get3A_799 = tpu.vector_load %arg11[%get3A_797, %get3A_798] {strides = array<i32>} : memref<512x32xf32, #tpu.memory_space<vmem>>, vector<1x16xf32>,
        %get3A_800 = vector.shape_cast %get3A_799 : vector<1x16xf32> to vector<16xf32>
        %mul3A_801 = vector.broadcast %squeeze3A_794 : f32 to vector<16xf32>
        %mul3A_802 = arith.mulf %get3A_800, %mul3A_801 : vector<16xf32>
        %add3A_803 = arith.constant 0 : i32
        %add3A_804 = arith.addi %add3A_803, %add3A_792 : i32
        %swap3A_805 = arith.index_cast %add3A_804 : i32 to index
        %swap3A_806 = arith.constant 0 : index
        %swap3A_807 = tpu.vector_load %arg11[%swap3A_805, %swap3A_806] {strides = array<i32>} : memref<512x32xf32, #tpu.memory_space<vmem>>, vector<1x16xf32>,
        %swap3A_808 = vector.shape_cast %swap3A_807 : vector<1x16xf32> to vector<16xf32>
        %swap3A_809 = vector.shape_cast %mul3A_802 : vector<16xf32> to vector<1x16xf32>
        tpu.vector_store %arg11[%swap3A_805, %swap3A_806], %swap3A_809 {strides = array<i32>} : memref<512x32xf32, #tpu.memory_space<vmem>>, vector<1x16xf32>,
        %add3A_810 = arith.constant 128 : i32
        %add3A_811 = arith.addi %add3A_810, %add3A_792 : i32
        %get3A_812 = arith.index_cast %add3A_811 : i32 to index
        %get3A_813 = arith.constant 0 : index
        %get3A_814 = tpu.vector_load %arg11[%get3A_812, %get3A_813] {strides = array<i32>} : memref<512x32xf32, #tpu.memory_space<vmem>>, vector<1x16xf32>,
        %get3A_815 = vector.shape_cast %get3A_814 : vector<1x16xf32> to vector<16xf32>
        %add3A_816 = arith.addf %get3A_815, %mul3A_802 : vector<16xf32>
        %add3A_817 = arith.constant 128 : i32
        %add3A_818 = arith.addi %add3A_817, %add3A_792 : i32
        %swap3A_819 = arith.index_cast %add3A_818 : i32 to index
        %swap3A_820 = arith.constant 0 : index
        %swap3A_821 = tpu.vector_load %arg11[%swap3A_819, %swap3A_820] {strides = array<i32>} : memref<512x32xf32, #tpu.memory_space<vmem>>, vector<1x16xf32>,
        %swap3A_822 = vector.shape_cast %swap3A_821 : vector<1x16xf32> to vector<16xf32>
        %swap3A_823 = vector.shape_cast %add3A_816 : vector<16xf32> to vector<1x16xf32>
        tpu.vector_store %arg11[%swap3A_819, %swap3A_820], %swap3A_823 {strides = array<i32>} : memref<512x32xf32, #tpu.memory_space<vmem>>, vector<1x16xf32>,
        %add3A_824 = arith.constant 0 : i32
        %add3A_825 = arith.addi %add3A_824, %add3A_792 : i32
        %get3A_826 = arith.index_cast %add3A_825 : i32 to index
        %get3A_827 = arith.constant 16 : index
        %get3A_828 = tpu.vector_load %arg11[%get3A_826, %get3A_827] {strides = array<i32>} : memref<512x32xf32, #tpu.memory_space<vmem>>, vector<1x16xf32>,
        %get3A_829 = vector.shape_cast %get3A_828 : vector<1x16xf32> to vector<16xf32>
        %mul3A_830 = vector.broadcast %squeeze3A_794 : f32 to vector<16xf32>
        %mul3A_831 = arith.mulf %get3A_829, %mul3A_830 : vector<16xf32>
        %add3A_832 = arith.constant 0 : i32
        %add3A_833 = arith.addi %add3A_832, %add3A_792 : i32
        %swap3A_834 = arith.index_cast %add3A_833 : i32 to index
        %swap3A_835 = arith.constant 16 : index
        %swap3A_836 = tpu.vector_load %arg11[%swap3A_834, %swap3A_835] {strides = array<i32>} : memref<512x32xf32, #tpu.memory_space<vmem>>, vector<1x16xf32>,
        %swap3A_837 = vector.shape_cast %swap3A_836 : vector<1x16xf32> to vector<16xf32>
        %swap3A_838 = vector.shape_cast %mul3A_831 : vector<16xf32> to vector<1x16xf32>
        tpu.vector_store %arg11[%swap3A_834, %swap3A_835], %swap3A_838 {strides = array<i32>} : memref<512x32xf32, #tpu.memory_space<vmem>>, vector<1x16xf32>,
        %add3A_839 = arith.constant 128 : i32
        %add3A_840 = arith.addi %add3A_839, %add3A_792 : i32
        %get3A_841 = arith.index_cast %add3A_840 : i32 to index
        %get3A_842 = arith.constant 16 : index
        %get3A_843 = tpu.vector_load %arg11[%get3A_841, %get3A_842] {strides = array<i32>} : memref<512x32xf32, #tpu.memory_space<vmem>>, vector<1x16xf32>,
        %get3A_844 = vector.shape_cast %get3A_843 : vector<1x16xf32> to vector<16xf32>
        %add3A_845 = arith.addf %get3A_844, %mul3A_831 : vector<16xf32>
        %add3A_846 = arith.constant 128 : i32
        %add3A_847 = arith.addi %add3A_846, %add3A_792 : i32
        %swap3A_848 = arith.index_cast %add3A_847 : i32 to index
        %swap3A_849 = arith.constant 16 : index
        %swap3A_850 = tpu.vector_load %arg11[%swap3A_848, %swap3A_849] {strides = array<i32>} : memref<512x32xf32, #tpu.memory_space<vmem>>, vector<1x16xf32>,
        %swap3A_851 = vector.shape_cast %swap3A_850 : vector<1x16xf32> to vector<16xf32>
        %swap3A_852 = vector.shape_cast %add3A_845 : vector<16xf32> to vector<1x16xf32>
        tpu.vector_store %arg11[%swap3A_848, %swap3A_849], %swap3A_852 {strides = array<i32>} : memref<512x32xf32, #tpu.memory_space<vmem>>, vector<1x16xf32>,
        %add3A_853 = arith.constant 9 : i32
        %add3A_854 = arith.addi %mul3A_291, %add3A_853 : i32
        %slice3A_855 = vector.extract_strided_slice %get3A_296 {offsets = [9], sizes = [1], strides = [1]} : vector<16xf32> to vector<1xf32>
        %squeeze3A_856 = vector.extract %slice3A_855[0] : f32 from vector<1xf32>
        %add3A_857 = arith.constant 0 : i32
        %add3A_858 = arith.addi %add3A_857, %add3A_854 : i32
        %get3A_859 = arith.index_cast %add3A_858 : i32 to index
        %get3A_860 = arith.constant 0 : index
        %get3A_861 = tpu.vector_load %arg11[%get3A_859, %get3A_860] {strides = array<i32>} : memref<512x32xf32, #tpu.memory_space<vmem>>, vector<1x16xf32>,
        %get3A_862 = vector.shape_cast %get3A_861 : vector<1x16xf32> to vector<16xf32>
        %mul3A_863 = vector.broadcast %squeeze3A_856 : f32 to vector<16xf32>
        %mul3A_864 = arith.mulf %get3A_862, %mul3A_863 : vector<16xf32>
        %add3A_865 = arith.constant 0 : i32
        %add3A_866 = arith.addi %add3A_865, %add3A_854 : i32
        %swap3A_867 = arith.index_cast %add3A_866 : i32 to index
        %swap3A_868 = arith.constant 0 : index
        %swap3A_869 = tpu.vector_load %arg11[%swap3A_867, %swap3A_868] {strides = array<i32>} : memref<512x32xf32, #tpu.memory_space<vmem>>, vector<1x16xf32>,
        %swap3A_870 = vector.shape_cast %swap3A_869 : vector<1x16xf32> to vector<16xf32>
        %swap3A_871 = vector.shape_cast %mul3A_864 : vector<16xf32> to vector<1x16xf32>
        tpu.vector_store %arg11[%swap3A_867, %swap3A_868], %swap3A_871 {strides = array<i32>} : memref<512x32xf32, #tpu.memory_space<vmem>>, vector<1x16xf32>,
        %add3A_872 = arith.constant 128 : i32
        %add3A_873 = arith.addi %add3A_872, %add3A_854 : i32
        %get3A_874 = arith.index_cast %add3A_873 : i32 to index
        %get3A_875 = arith.constant 0 : index
        %get3A_876 = tpu.vector_load %arg11[%get3A_874, %get3A_875] {strides = array<i32>} : memref<512x32xf32, #tpu.memory_space<vmem>>, vector<1x16xf32>,
        %get3A_877 = vector.shape_cast %get3A_876 : vector<1x16xf32> to vector<16xf32>
        %add3A_878 = arith.addf %get3A_877, %mul3A_864 : vector<16xf32>
        %add3A_879 = arith.constant 128 : i32
        %add3A_880 = arith.addi %add3A_879, %add3A_854 : i32
        %swap3A_881 = arith.index_cast %add3A_880 : i32 to index
        %swap3A_882 = arith.constant 0 : index
        %swap3A_883 = tpu.vector_load %arg11[%swap3A_881, %swap3A_882] {strides = array<i32>} : memref<512x32xf32, #tpu.memory_space<vmem>>, vector<1x16xf32>,
        %swap3A_884 = vector.shape_cast %swap3A_883 : vector<1x16xf32> to vector<16xf32>
        %swap3A_885 = vector.shape_cast %add3A_878 : vector<16xf32> to vector<1x16xf32>
        tpu.vector_store %arg11[%swap3A_881, %swap3A_882], %swap3A_885 {strides = array<i32>} : memref<512x32xf32, #tpu.memory_space<vmem>>, vector<1x16xf32>,
        %add3A_886 = arith.constant 0 : i32
        %add3A_887 = arith.addi %add3A_886, %add3A_854 : i32
        %get3A_888 = arith.index_cast %add3A_887 : i32 to index
        %get3A_889 = arith.constant 16 : index
        %get3A_890 = tpu.vector_load %arg11[%get3A_888, %get3A_889] {strides = array<i32>} : memref<512x32xf32, #tpu.memory_space<vmem>>, vector<1x16xf32>,
        %get3A_891 = vector.shape_cast %get3A_890 : vector<1x16xf32> to vector<16xf32>
        %mul3A_892 = vector.broadcast %squeeze3A_856 : f32 to vector<16xf32>
        %mul3A_893 = arith.mulf %get3A_891, %mul3A_892 : vector<16xf32>
        %add3A_894 = arith.constant 0 : i32
        %add3A_895 = arith.addi %add3A_894, %add3A_854 : i32
        %swap3A_896 = arith.index_cast %add3A_895 : i32 to index
        %swap3A_897 = arith.constant 16 : index
        %swap3A_898 = tpu.vector_load %arg11[%swap3A_896, %swap3A_897] {strides = array<i32>} : memref<512x32xf32, #tpu.memory_space<vmem>>, vector<1x16xf32>,
        %swap3A_899 = vector.shape_cast %swap3A_898 : vector<1x16xf32> to vector<16xf32>
        %swap3A_900 = vector.shape_cast %mul3A_893 : vector<16xf32> to vector<1x16xf32>
        tpu.vector_store %arg11[%swap3A_896, %swap3A_897], %swap3A_900 {strides = array<i32>} : memref<512x32xf32, #tpu.memory_space<vmem>>, vector<1x16xf32>,
        %add3A_901 = arith.constant 128 : i32
        %add3A_902 = arith.addi %add3A_901, %add3A_854 : i32
        %get3A_903 = arith.index_cast %add3A_902 : i32 to index
        %get3A_904 = arith.constant 16 : index
        %get3A_905 = tpu.vector_load %arg11[%get3A_903, %get3A_904] {strides = array<i32>} : memref<512x32xf32, #tpu.memory_space<vmem>>, vector<1x16xf32>,
        %get3A_906 = vector.shape_cast %get3A_905 : vector<1x16xf32> to vector<16xf32>
        %add3A_907 = arith.addf %get3A_906, %mul3A_893 : vector<16xf32>
        %add3A_908 = arith.constant 128 : i32
        %add3A_909 = arith.addi %add3A_908, %add3A_854 : i32
        %swap3A_910 = arith.index_cast %add3A_909 : i32 to index
        %swap3A_911 = arith.constant 16 : index
        %swap3A_912 = tpu.vector_load %arg11[%swap3A_910, %swap3A_911] {strides = array<i32>} : memref<512x32xf32, #tpu.memory_space<vmem>>, vector<1x16xf32>,
        %swap3A_913 = vector.shape_cast %swap3A_912 : vector<1x16xf32> to vector<16xf32>
        %swap3A_914 = vector.shape_cast %add3A_907 : vector<16xf32> to vector<1x16xf32>
        tpu.vector_store %arg11[%swap3A_910, %swap3A_911], %swap3A_914 {strides = array<i32>} : memref<512x32xf32, #tpu.memory_space<vmem>>, vector<1x16xf32>,
        %add3A_915 = arith.constant 10 : i32
        %add3A_916 = arith.addi %mul3A_291, %add3A_915 : i32
        %slice3A_917 = vector.extract_strided_slice %get3A_296 {offsets = [10], sizes = [1], strides = [1]} : vector<16xf32> to vector<1xf32>
        %squeeze3A_918 = vector.extract %slice3A_917[0] : f32 from vector<1xf32>
        %add3A_919 = arith.constant 0 : i32
        %add3A_920 = arith.addi %add3A_919, %add3A_916 : i32
        %get3A_921 = arith.index_cast %add3A_920 : i32 to index
        %get3A_922 = arith.constant 0 : index
        %get3A_923 = tpu.vector_load %arg11[%get3A_921, %get3A_922] {strides = array<i32>} : memref<512x32xf32, #tpu.memory_space<vmem>>, vector<1x16xf32>,
        %get3A_924 = vector.shape_cast %get3A_923 : vector<1x16xf32> to vector<16xf32>
        %mul3A_925 = vector.broadcast %squeeze3A_918 : f32 to vector<16xf32>
        %mul3A_926 = arith.mulf %get3A_924, %mul3A_925 : vector<16xf32>
        %add3A_927 = arith.constant 0 : i32
        %add3A_928 = arith.addi %add3A_927, %add3A_916 : i32
        %swap3A_929 = arith.index_cast %add3A_928 : i32 to index
        %swap3A_930 = arith.constant 0 : index
        %swap3A_931 = tpu.vector_load %arg11[%swap3A_929, %swap3A_930] {strides = array<i32>} : memref<512x32xf32, #tpu.memory_space<vmem>>, vector<1x16xf32>,
        %swap3A_932 = vector.shape_cast %swap3A_931 : vector<1x16xf32> to vector<16xf32>
        %swap3A_933 = vector.shape_cast %mul3A_926 : vector<16xf32> to vector<1x16xf32>
        tpu.vector_store %arg11[%swap3A_929, %swap3A_930], %swap3A_933 {strides = array<i32>} : memref<512x32xf32, #tpu.memory_space<vmem>>, vector<1x16xf32>,
        %add3A_934 = arith.constant 128 : i32
        %add3A_935 = arith.addi %add3A_934, %add3A_916 : i32
        %get3A_936 = arith.index_cast %add3A_935 : i32 to index
        %get3A_937 = arith.constant 0 : index
        %get3A_938 = tpu.vector_load %arg11[%get3A_936, %get3A_937] {strides = array<i32>} : memref<512x32xf32, #tpu.memory_space<vmem>>, vector<1x16xf32>,
        %get3A_939 = vector.shape_cast %get3A_938 : vector<1x16xf32> to vector<16xf32>
        %add3A_940 = arith.addf %get3A_939, %mul3A_926 : vector<16xf32>
        %add3A_941 = arith.constant 128 : i32
        %add3A_942 = arith.addi %add3A_941, %add3A_916 : i32
        %swap3A_943 = arith.index_cast %add3A_942 : i32 to index
        %swap3A_944 = arith.constant 0 : index
        %swap3A_945 = tpu.vector_load %arg11[%swap3A_943, %swap3A_944] {strides = array<i32>} : memref<512x32xf32, #tpu.memory_space<vmem>>, vector<1x16xf32>,
        %swap3A_946 = vector.shape_cast %swap3A_945 : vector<1x16xf32> to vector<16xf32>
        %swap3A_947 = vector.shape_cast %add3A_940 : vector<16xf32> to vector<1x16xf32>
        tpu.vector_store %arg11[%swap3A_943, %swap3A_944], %swap3A_947 {strides = array<i32>} : memref<512x32xf32, #tpu.memory_space<vmem>>, vector<1x16xf32>,
        %add3A_948 = arith.constant 0 : i32
        %add3A_949 = arith.addi %add3A_948, %add3A_916 : i32
        %get3A_950 = arith.index_cast %add3A_949 : i32 to index
        %get3A_951 = arith.constant 16 : index
        %get3A_952 = tpu.vector_load %arg11[%get3A_950, %get3A_951] {strides = array<i32>} : memref<512x32xf32, #tpu.memory_space<vmem>>, vector<1x16xf32>,
        %get3A_953 = vector.shape_cast %get3A_952 : vector<1x16xf32> to vector<16xf32>
        %mul3A_954 = vector.broadcast %squeeze3A_918 : f32 to vector<16xf32>
        %mul3A_955 = arith.mulf %get3A_953, %mul3A_954 : vector<16xf32>
        %add3A_956 = arith.constant 0 : i32
        %add3A_957 = arith.addi %add3A_956, %add3A_916 : i32
        %swap3A_958 = arith.index_cast %add3A_957 : i32 to index
        %swap3A_959 = arith.constant 16 : index
        %swap3A_960 = tpu.vector_load %arg11[%swap3A_958, %swap3A_959] {strides = array<i32>} : memref<512x32xf32, #tpu.memory_space<vmem>>, vector<1x16xf32>,
        %swap3A_961 = vector.shape_cast %swap3A_960 : vector<1x16xf32> to vector<16xf32>
        %swap3A_962 = vector.shape_cast %mul3A_955 : vector<16xf32> to vector<1x16xf32>
        tpu.vector_store %arg11[%swap3A_958, %swap3A_959], %swap3A_962 {strides = array<i32>} : memref<512x32xf32, #tpu.memory_space<vmem>>, vector<1x16xf32>,
        %add3A_963 = arith.constant 128 : i32
        %add3A_964 = arith.addi %add3A_963, %add3A_916 : i32
        %get3A_965 = arith.index_cast %add3A_964 : i32 to index
        %get3A_966 = arith.constant 16 : index
        %get3A_967 = tpu.vector_load %arg11[%get3A_965, %get3A_966] {strides = array<i32>} : memref<512x32xf32, #tpu.memory_space<vmem>>, vector<1x16xf32>,
        %get3A_968 = vector.shape_cast %get3A_967 : vector<1x16xf32> to vector<16xf32>
        %add3A_969 = arith.addf %get3A_968, %mul3A_955 : vector<16xf32>
        %add3A_970 = arith.constant 128 : i32
        %add3A_971 = arith.addi %add3A_970, %add3A_916 : i32
        %swap3A_972 = arith.index_cast %add3A_971 : i32 to index
        %swap3A_973 = arith.constant 16 : index
        %swap3A_974 = tpu.vector_load %arg11[%swap3A_972, %swap3A_973] {strides = array<i32>} : memref<512x32xf32, #tpu.memory_space<vmem>>, vector<1x16xf32>,
        %swap3A_975 = vector.shape_cast %swap3A_974 : vector<1x16xf32> to vector<16xf32>
        %swap3A_976 = vector.shape_cast %add3A_969 : vector<16xf32> to vector<1x16xf32>
        tpu.vector_store %arg11[%swap3A_972, %swap3A_973], %swap3A_976 {strides = array<i32>} : memref<512x32xf32, #tpu.memory_space<vmem>>, vector<1x16xf32>,
        %add3A_977 = arith.constant 11 : i32
        %add3A_978 = arith.addi %mul3A_291, %add3A_977 : i32
        %slice3A_979 = vector.extract_strided_slice %get3A_296 {offsets = [11], sizes = [1], strides = [1]} : vector<16xf32> to vector<1xf32>
        %squeeze3A_980 = vector.extract %slice3A_979[0] : f32 from vector<1xf32>
        %add3A_981 = arith.constant 0 : i32
        %add3A_982 = arith.addi %add3A_981, %add3A_978 : i32
        %get3A_983 = arith.index_cast %add3A_982 : i32 to index
        %get3A_984 = arith.constant 0 : index
        %get3A_985 = tpu.vector_load %arg11[%get3A_983, %get3A_984] {strides = array<i32>} : memref<512x32xf32, #tpu.memory_space<vmem>>, vector<1x16xf32>,
        %get3A_986 = vector.shape_cast %get3A_985 : vector<1x16xf32> to vector<16xf32>
        %mul3A_987 = vector.broadcast %squeeze3A_980 : f32 to vector<16xf32>
        %mul3A_988 = arith.mulf %get3A_986, %mul3A_987 : vector<16xf32>
        %add3A_989 = arith.constant 0 : i32
        %add3A_990 = arith.addi %add3A_989, %add3A_978 : i32
        %swap3A_991 = arith.index_cast %add3A_990 : i32 to index
        %swap3A_992 = arith.constant 0 : index
        %swap3A_993 = tpu.vector_load %arg11[%swap3A_991, %swap3A_992] {strides = array<i32>} : memref<512x32xf32, #tpu.memory_space<vmem>>, vector<1x16xf32>,
        %swap3A_994 = vector.shape_cast %swap3A_993 : vector<1x16xf32> to vector<16xf32>
        %swap3A_995 = vector.shape_cast %mul3A_988 : vector<16xf32> to vector<1x16xf32>
        tpu.vector_store %arg11[%swap3A_991, %swap3A_992], %swap3A_995 {strides = array<i32>} : memref<512x32xf32, #tpu.memory_space<vmem>>, vector<1x16xf32>,
        %add3A_996 = arith.constant 128 : i32
        %add3A_997 = arith.addi %add3A_996, %add3A_978 : i32
        %get3A_998 = arith.index_cast %add3A_997 : i32 to index
        %get3A_999 = arith.constant 0 : index
        %get3A_1000 = tpu.vector_load %arg11[%get3A_998, %get3A_999] {strides = array<i32>} : memref<512x32xf32, #tpu.memory_space<vmem>>, vector<1x16xf32>,
        %get3A_1001 = vector.shape_cast %get3A_1000 : vector<1x16xf32> to vector<16xf32>
        %add3A_1002 = arith.addf %get3A_1001, %mul3A_988 : vector<16xf32>
        %add3A_1003 = arith.constant 128 : i32
        %add3A_1004 = arith.addi %add3A_1003, %add3A_978 : i32
        %swap3A_1005 = arith.index_cast %add3A_1004 : i32 to index
        %swap3A_1006 = arith.constant 0 : index
        %swap3A_1007 = tpu.vector_load %arg11[%swap3A_1005, %swap3A_1006] {strides = array<i32>} : memref<512x32xf32, #tpu.memory_space<vmem>>, vector<1x16xf32>,
        %swap3A_1008 = vector.shape_cast %swap3A_1007 : vector<1x16xf32> to vector<16xf32>
        %swap3A_1009 = vector.shape_cast %add3A_1002 : vector<16xf32> to vector<1x16xf32>
        tpu.vector_store %arg11[%swap3A_1005, %swap3A_1006], %swap3A_1009 {strides = array<i32>} : memref<512x32xf32, #tpu.memory_space<vmem>>, vector<1x16xf32>,
        %add3A_1010 = arith.constant 0 : i32
        %add3A_1011 = arith.addi %add3A_1010, %add3A_978 : i32
        %get3A_1012 = arith.index_cast %add3A_1011 : i32 to index
        %get3A_1013 = arith.constant 16 : index
        %get3A_1014 = tpu.vector_load %arg11[%get3A_1012, %get3A_1013] {strides = array<i32>} : memref<512x32xf32, #tpu.memory_space<vmem>>, vector<1x16xf32>,
        %get3A_1015 = vector.shape_cast %get3A_1014 : vector<1x16xf32> to vector<16xf32>
        %mul3A_1016 = vector.broadcast %squeeze3A_980 : f32 to vector<16xf32>
        %mul3A_1017 = arith.mulf %get3A_1015, %mul3A_1016 : vector<16xf32>
        %add3A_1018 = arith.constant 0 : i32
        %add3A_1019 = arith.addi %add3A_1018, %add3A_978 : i32
        %swap3A_1020 = arith.index_cast %add3A_1019 : i32 to index
        %swap3A_1021 = arith.constant 16 : index
        %swap3A_1022 = tpu.vector_load %arg11[%swap3A_1020, %swap3A_1021] {strides = array<i32>} : memref<512x32xf32, #tpu.memory_space<vmem>>, vector<1x16xf32>,
        %swap3A_1023 = vector.shape_cast %swap3A_1022 : vector<1x16xf32> to vector<16xf32>
        %swap3A_1024 = vector.shape_cast %mul3A_1017 : vector<16xf32> to vector<1x16xf32>
        tpu.vector_store %arg11[%swap3A_1020, %swap3A_1021], %swap3A_1024 {strides = array<i32>} : memref<512x32xf32, #tpu.memory_space<vmem>>, vector<1x16xf32>,
        %add3A_1025 = arith.constant 128 : i32
        %add3A_1026 = arith.addi %add3A_1025, %add3A_978 : i32
        %get3A_1027 = arith.index_cast %add3A_1026 : i32 to index
        %get3A_1028 = arith.constant 16 : index
        %get3A_1029 = tpu.vector_load %arg11[%get3A_1027, %get3A_1028] {strides = array<i32>} : memref<512x32xf32, #tpu.memory_space<vmem>>, vector<1x16xf32>,
        %get3A_1030 = vector.shape_cast %get3A_1029 : vector<1x16xf32> to vector<16xf32>
        %add3A_1031 = arith.addf %get3A_1030, %mul3A_1017 : vector<16xf32>
        %add3A_1032 = arith.constant 128 : i32
        %add3A_1033 = arith.addi %add3A_1032, %add3A_978 : i32
        %swap3A_1034 = arith.index_cast %add3A_1033 : i32 to index
        %swap3A_1035 = arith.constant 16 : index
        %swap3A_1036 = tpu.vector_load %arg11[%swap3A_1034, %swap3A_1035] {strides = array<i32>} : memref<512x32xf32, #tpu.memory_space<vmem>>, vector<1x16xf32>,
        %swap3A_1037 = vector.shape_cast %swap3A_1036 : vector<1x16xf32> to vector<16xf32>
        %swap3A_1038 = vector.shape_cast %add3A_1031 : vector<16xf32> to vector<1x16xf32>
        tpu.vector_store %arg11[%swap3A_1034, %swap3A_1035], %swap3A_1038 {strides = array<i32>} : memref<512x32xf32, #tpu.memory_space<vmem>>, vector<1x16xf32>,
        %add3A_1039 = arith.constant 12 : i32
        %add3A_1040 = arith.addi %mul3A_291, %add3A_1039 : i32
        %slice3A_1041 = vector.extract_strided_slice %get3A_296 {offsets = [12], sizes = [1], strides = [1]} : vector<16xf32> to vector<1xf32>
        %squeeze3A_1042 = vector.extract %slice3A_1041[0] : f32 from vector<1xf32>
        %add3A_1043 = arith.constant 0 : i32
        %add3A_1044 = arith.addi %add3A_1043, %add3A_1040 : i32
        %get3A_1045 = arith.index_cast %add3A_1044 : i32 to index
        %get3A_1046 = arith.constant 0 : index
        %get3A_1047 = tpu.vector_load %arg11[%get3A_1045, %get3A_1046] {strides = array<i32>} : memref<512x32xf32, #tpu.memory_space<vmem>>, vector<1x16xf32>,
        %get3A_1048 = vector.shape_cast %get3A_1047 : vector<1x16xf32> to vector<16xf32>
        %mul3A_1049 = vector.broadcast %squeeze3A_1042 : f32 to vector<16xf32>
        %mul3A_1050 = arith.mulf %get3A_1048, %mul3A_1049 : vector<16xf32>
        %add3A_1051 = arith.constant 0 : i32
        %add3A_1052 = arith.addi %add3A_1051, %add3A_1040 : i32
        %swap3A_1053 = arith.index_cast %add3A_1052 : i32 to index
        %swap3A_1054 = arith.constant 0 : index
        %swap3A_1055 = tpu.vector_load %arg11[%swap3A_1053, %swap3A_1054] {strides = array<i32>} : memref<512x32xf32, #tpu.memory_space<vmem>>, vector<1x16xf32>,
        %swap3A_1056 = vector.shape_cast %swap3A_1055 : vector<1x16xf32> to vector<16xf32>
        %swap3A_1057 = vector.shape_cast %mul3A_1050 : vector<16xf32> to vector<1x16xf32>
        tpu.vector_store %arg11[%swap3A_1053, %swap3A_1054], %swap3A_1057 {strides = array<i32>} : memref<512x32xf32, #tpu.memory_space<vmem>>, vector<1x16xf32>,
        %add3A_1058 = arith.constant 128 : i32
        %add3A_1059 = arith.addi %add3A_1058, %add3A_1040 : i32
        %get3A_1060 = arith.index_cast %add3A_1059 : i32 to index
        %get3A_1061 = arith.constant 0 : index
        %get3A_1062 = tpu.vector_load %arg11[%get3A_1060, %get3A_1061] {strides = array<i32>} : memref<512x32xf32, #tpu.memory_space<vmem>>, vector<1x16xf32>,
        %get3A_1063 = vector.shape_cast %get3A_1062 : vector<1x16xf32> to vector<16xf32>
        %add3A_1064 = arith.addf %get3A_1063, %mul3A_1050 : vector<16xf32>
        %add3A_1065 = arith.constant 128 : i32
        %add3A_1066 = arith.addi %add3A_1065, %add3A_1040 : i32
        %swap3A_1067 = arith.index_cast %add3A_1066 : i32 to index
        %swap3A_1068 = arith.constant 0 : index
        %swap3A_1069 = tpu.vector_load %arg11[%swap3A_1067, %swap3A_1068] {strides = array<i32>} : memref<512x32xf32, #tpu.memory_space<vmem>>, vector<1x16xf32>,
        %swap3A_1070 = vector.shape_cast %swap3A_1069 : vector<1x16xf32> to vector<16xf32>
        %swap3A_1071 = vector.shape_cast %add3A_1064 : vector<16xf32> to vector<1x16xf32>
        tpu.vector_store %arg11[%swap3A_1067, %swap3A_1068], %swap3A_1071 {strides = array<i32>} : memref<512x32xf32, #tpu.memory_space<vmem>>, vector<1x16xf32>,
        %add3A_1072 = arith.constant 0 : i32
        %add3A_1073 = arith.addi %add3A_1072, %add3A_1040 : i32
        %get3A_1074 = arith.index_cast %add3A_1073 : i32 to index
        %get3A_1075 = arith.constant 16 : index
        %get3A_1076 = tpu.vector_load %arg11[%get3A_1074, %get3A_1075] {strides = array<i32>} : memref<512x32xf32, #tpu.memory_space<vmem>>, vector<1x16xf32>,
        %get3A_1077 = vector.shape_cast %get3A_1076 : vector<1x16xf32> to vector<16xf32>
        %mul3A_1078 = vector.broadcast %squeeze3A_1042 : f32 to vector<16xf32>
        %mul3A_1079 = arith.mulf %get3A_1077, %mul3A_1078 : vector<16xf32>
        %add3A_1080 = arith.constant 0 : i32
        %add3A_1081 = arith.addi %add3A_1080, %add3A_1040 : i32
        %swap3A_1082 = arith.index_cast %add3A_1081 : i32 to index
        %swap3A_1083 = arith.constant 16 : index
        %swap3A_1084 = tpu.vector_load %arg11[%swap3A_1082, %swap3A_1083] {strides = array<i32>} : memref<512x32xf32, #tpu.memory_space<vmem>>, vector<1x16xf32>,
        %swap3A_1085 = vector.shape_cast %swap3A_1084 : vector<1x16xf32> to vector<16xf32>
        %swap3A_1086 = vector.shape_cast %mul3A_1079 : vector<16xf32> to vector<1x16xf32>
        tpu.vector_store %arg11[%swap3A_1082, %swap3A_1083], %swap3A_1086 {strides = array<i32>} : memref<512x32xf32, #tpu.memory_space<vmem>>, vector<1x16xf32>,
        %add3A_1087 = arith.constant 128 : i32
        %add3A_1088 = arith.addi %add3A_1087, %add3A_1040 : i32
        %get3A_1089 = arith.index_cast %add3A_1088 : i32 to index
        %get3A_1090 = arith.constant 16 : index
        %get3A_1091 = tpu.vector_load %arg11[%get3A_1089, %get3A_1090] {strides = array<i32>} : memref<512x32xf32, #tpu.memory_space<vmem>>, vector<1x16xf32>,
        %get3A_1092 = vector.shape_cast %get3A_1091 : vector<1x16xf32> to vector<16xf32>
        %add3A_1093 = arith.addf %get3A_1092, %mul3A_1079 : vector<16xf32>
        %add3A_1094 = arith.constant 128 : i32
        %add3A_1095 = arith.addi %add3A_1094, %add3A_1040 : i32
        %swap3A_1096 = arith.index_cast %add3A_1095 : i32 to index
        %swap3A_1097 = arith.constant 16 : index
        %swap3A_1098 = tpu.vector_load %arg11[%swap3A_1096, %swap3A_1097] {strides = array<i32>} : memref<512x32xf32, #tpu.memory_space<vmem>>, vector<1x16xf32>,
        %swap3A_1099 = vector.shape_cast %swap3A_1098 : vector<1x16xf32> to vector<16xf32>
        %swap3A_1100 = vector.shape_cast %add3A_1093 : vector<16xf32> to vector<1x16xf32>
        tpu.vector_store %arg11[%swap3A_1096, %swap3A_1097], %swap3A_1100 {strides = array<i32>} : memref<512x32xf32, #tpu.memory_space<vmem>>, vector<1x16xf32>,
        %add3A_1101 = arith.constant 13 : i32
        %add3A_1102 = arith.addi %mul3A_291, %add3A_1101 : i32
        %slice3A_1103 = vector.extract_strided_slice %get3A_296 {offsets = [13], sizes = [1], strides = [1]} : vector<16xf32> to vector<1xf32>
        %squeeze3A_1104 = vector.extract %slice3A_1103[0] : f32 from vector<1xf32>
        %add3A_1105 = arith.constant 0 : i32
        %add3A_1106 = arith.addi %add3A_1105, %add3A_1102 : i32
        %get3A_1107 = arith.index_cast %add3A_1106 : i32 to index
        %get3A_1108 = arith.constant 0 : index
        %get3A_1109 = tpu.vector_load %arg11[%get3A_1107, %get3A_1108] {strides = array<i32>} : memref<512x32xf32, #tpu.memory_space<vmem>>, vector<1x16xf32>,
        %get3A_1110 = vector.shape_cast %get3A_1109 : vector<1x16xf32> to vector<16xf32>
        %mul3A_1111 = vector.broadcast %squeeze3A_1104 : f32 to vector<16xf32>
        %mul3A_1112 = arith.mulf %get3A_1110, %mul3A_1111 : vector<16xf32>
        %add3A_1113 = arith.constant 0 : i32
        %add3A_1114 = arith.addi %add3A_1113, %add3A_1102 : i32
        %swap3A_1115 = arith.index_cast %add3A_1114 : i32 to index
        %swap3A_1116 = arith.constant 0 : index
        %swap3A_1117 = tpu.vector_load %arg11[%swap3A_1115, %swap3A_1116] {strides = array<i32>} : memref<512x32xf32, #tpu.memory_space<vmem>>, vector<1x16xf32>,
        %swap3A_1118 = vector.shape_cast %swap3A_1117 : vector<1x16xf32> to vector<16xf32>
        %swap3A_1119 = vector.shape_cast %mul3A_1112 : vector<16xf32> to vector<1x16xf32>
        tpu.vector_store %arg11[%swap3A_1115, %swap3A_1116], %swap3A_1119 {strides = array<i32>} : memref<512x32xf32, #tpu.memory_space<vmem>>, vector<1x16xf32>,
        %add3A_1120 = arith.constant 128 : i32
        %add3A_1121 = arith.addi %add3A_1120, %add3A_1102 : i32
        %get3A_1122 = arith.index_cast %add3A_1121 : i32 to index
        %get3A_1123 = arith.constant 0 : index
        %get3A_1124 = tpu.vector_load %arg11[%get3A_1122, %get3A_1123] {strides = array<i32>} : memref<512x32xf32, #tpu.memory_space<vmem>>, vector<1x16xf32>,
        %get3A_1125 = vector.shape_cast %get3A_1124 : vector<1x16xf32> to vector<16xf32>
        %add3A_1126 = arith.addf %get3A_1125, %mul3A_1112 : vector<16xf32>
        %add3A_1127 = arith.constant 128 : i32
        %add3A_1128 = arith.addi %add3A_1127, %add3A_1102 : i32
        %swap3A_1129 = arith.index_cast %add3A_1128 : i32 to index
        %swap3A_1130 = arith.constant 0 : index
        %swap3A_1131 = tpu.vector_load %arg11[%swap3A_1129, %swap3A_1130] {strides = array<i32>} : memref<512x32xf32, #tpu.memory_space<vmem>>, vector<1x16xf32>,
        %swap3A_1132 = vector.shape_cast %swap3A_1131 : vector<1x16xf32> to vector<16xf32>
        %swap3A_1133 = vector.shape_cast %add3A_1126 : vector<16xf32> to vector<1x16xf32>
        tpu.vector_store %arg11[%swap3A_1129, %swap3A_1130], %swap3A_1133 {strides = array<i32>} : memref<512x32xf32, #tpu.memory_space<vmem>>, vector<1x16xf32>,
        %add3A_1134 = arith.constant 0 : i32
        %add3A_1135 = arith.addi %add3A_1134, %add3A_1102 : i32
        %get3A_1136 = arith.index_cast %add3A_1135 : i32 to index
        %get3A_1137 = arith.constant 16 : index
        %get3A_1138 = tpu.vector_load %arg11[%get3A_1136, %get3A_1137] {strides = array<i32>} : memref<512x32xf32, #tpu.memory_space<vmem>>, vector<1x16xf32>,
        %get3A_1139 = vector.shape_cast %get3A_1138 : vector<1x16xf32> to vector<16xf32>
        %mul3A_1140 = vector.broadcast %squeeze3A_1104 : f32 to vector<16xf32>
        %mul3A_1141 = arith.mulf %get3A_1139, %mul3A_1140 : vector<16xf32>
        %add3A_1142 = arith.constant 0 : i32
        %add3A_1143 = arith.addi %add3A_1142, %add3A_1102 : i32
        %swap3A_1144 = arith.index_cast %add3A_1143 : i32 to index
        %swap3A_1145 = arith.constant 16 : index
        %swap3A_1146 = tpu.vector_load %arg11[%swap3A_1144, %swap3A_1145] {strides = array<i32>} : memref<512x32xf32, #tpu.memory_space<vmem>>, vector<1x16xf32>,
        %swap3A_1147 = vector.shape_cast %swap3A_1146 : vector<1x16xf32> to vector<16xf32>
        %swap3A_1148 = vector.shape_cast %mul3A_1141 : vector<16xf32> to vector<1x16xf32>
        tpu.vector_store %arg11[%swap3A_1144, %swap3A_1145], %swap3A_1148 {strides = array<i32>} : memref<512x32xf32, #tpu.memory_space<vmem>>, vector<1x16xf32>,
        %add3A_1149 = arith.constant 128 : i32
        %add3A_1150 = arith.addi %add3A_1149, %add3A_1102 : i32
        %get3A_1151 = arith.index_cast %add3A_1150 : i32 to index
        %get3A_1152 = arith.constant 16 : index
        %get3A_1153 = tpu.vector_load %arg11[%get3A_1151, %get3A_1152] {strides = array<i32>} : memref<512x32xf32, #tpu.memory_space<vmem>>, vector<1x16xf32>,
        %get3A_1154 = vector.shape_cast %get3A_1153 : vector<1x16xf32> to vector<16xf32>
        %add3A_1155 = arith.addf %get3A_1154, %mul3A_1141 : vector<16xf32>
        %add3A_1156 = arith.constant 128 : i32
        %add3A_1157 = arith.addi %add3A_1156, %add3A_1102 : i32
        %swap3A_1158 = arith.index_cast %add3A_1157 : i32 to index
        %swap3A_1159 = arith.constant 16 : index
        %swap3A_1160 = tpu.vector_load %arg11[%swap3A_1158, %swap3A_1159] {strides = array<i32>} : memref<512x32xf32, #tpu.memory_space<vmem>>, vector<1x16xf32>,
        %swap3A_1161 = vector.shape_cast %swap3A_1160 : vector<1x16xf32> to vector<16xf32>
        %swap3A_1162 = vector.shape_cast %add3A_1155 : vector<16xf32> to vector<1x16xf32>
        tpu.vector_store %arg11[%swap3A_1158, %swap3A_1159], %swap3A_1162 {strides = array<i32>} : memref<512x32xf32, #tpu.memory_space<vmem>>, vector<1x16xf32>,
        %add3A_1163 = arith.constant 14 : i32
        %add3A_1164 = arith.addi %mul3A_291, %add3A_1163 : i32
        %slice3A_1165 = vector.extract_strided_slice %get3A_296 {offsets = [14], sizes = [1], strides = [1]} : vector<16xf32> to vector<1xf32>
        %squeeze3A_1166 = vector.extract %slice3A_1165[0] : f32 from vector<1xf32>
        %add3A_1167 = arith.constant 0 : i32
        %add3A_1168 = arith.addi %add3A_1167, %add3A_1164 : i32
        %get3A_1169 = arith.index_cast %add3A_1168 : i32 to index
        %get3A_1170 = arith.constant 0 : index
        %get3A_1171 = tpu.vector_load %arg11[%get3A_1169, %get3A_1170] {strides = array<i32>} : memref<512x32xf32, #tpu.memory_space<vmem>>, vector<1x16xf32>,
        %get3A_1172 = vector.shape_cast %get3A_1171 : vector<1x16xf32> to vector<16xf32>
        %mul3A_1173 = vector.broadcast %squeeze3A_1166 : f32 to vector<16xf32>
        %mul3A_1174 = arith.mulf %get3A_1172, %mul3A_1173 : vector<16xf32>
        %add3A_1175 = arith.constant 0 : i32
        %add3A_1176 = arith.addi %add3A_1175, %add3A_1164 : i32
        %swap3A_1177 = arith.index_cast %add3A_1176 : i32 to index
        %swap3A_1178 = arith.constant 0 : index
        %swap3A_1179 = tpu.vector_load %arg11[%swap3A_1177, %swap3A_1178] {strides = array<i32>} : memref<512x32xf32, #tpu.memory_space<vmem>>, vector<1x16xf32>,
        %swap3A_1180 = vector.shape_cast %swap3A_1179 : vector<1x16xf32> to vector<16xf32>
        %swap3A_1181 = vector.shape_cast %mul3A_1174 : vector<16xf32> to vector<1x16xf32>
        tpu.vector_store %arg11[%swap3A_1177, %swap3A_1178], %swap3A_1181 {strides = array<i32>} : memref<512x32xf32, #tpu.memory_space<vmem>>, vector<1x16xf32>,
        %add3A_1182 = arith.constant 128 : i32
        %add3A_1183 = arith.addi %add3A_1182, %add3A_1164 : i32
        %get3A_1184 = arith.index_cast %add3A_1183 : i32 to index
        %get3A_1185 = arith.constant 0 : index
        %get3A_1186 = tpu.vector_load %arg11[%get3A_1184, %get3A_1185] {strides = array<i32>} : memref<512x32xf32, #tpu.memory_space<vmem>>, vector<1x16xf32>,
        %get3A_1187 = vector.shape_cast %get3A_1186 : vector<1x16xf32> to vector<16xf32>
        %add3A_1188 = arith.addf %get3A_1187, %mul3A_1174 : vector<16xf32>
        %add3A_1189 = arith.constant 128 : i32
        %add3A_1190 = arith.addi %add3A_1189, %add3A_1164 : i32
        %swap3A_1191 = arith.index_cast %add3A_1190 : i32 to index
        %swap3A_1192 = arith.constant 0 : index
        %swap3A_1193 = tpu.vector_load %arg11[%swap3A_1191, %swap3A_1192] {strides = array<i32>} : memref<512x32xf32, #tpu.memory_space<vmem>>, vector<1x16xf32>,
        %swap3A_1194 = vector.shape_cast %swap3A_1193 : vector<1x16xf32> to vector<16xf32>
        %swap3A_1195 = vector.shape_cast %add3A_1188 : vector<16xf32> to vector<1x16xf32>
        tpu.vector_store %arg11[%swap3A_1191, %swap3A_1192], %swap3A_1195 {strides = array<i32>} : memref<512x32xf32, #tpu.memory_space<vmem>>, vector<1x16xf32>,
        %add3A_1196 = arith.constant 0 : i32
        %add3A_1197 = arith.addi %add3A_1196, %add3A_1164 : i32
        %get3A_1198 = arith.index_cast %add3A_1197 : i32 to index
        %get3A_1199 = arith.constant 16 : index
        %get3A_1200 = tpu.vector_load %arg11[%get3A_1198, %get3A_1199] {strides = array<i32>} : memref<512x32xf32, #tpu.memory_space<vmem>>, vector<1x16xf32>,
        %get3A_1201 = vector.shape_cast %get3A_1200 : vector<1x16xf32> to vector<16xf32>
        %mul3A_1202 = vector.broadcast %squeeze3A_1166 : f32 to vector<16xf32>
        %mul3A_1203 = arith.mulf %get3A_1201, %mul3A_1202 : vector<16xf32>
        %add3A_1204 = arith.constant 0 : i32
        %add3A_1205 = arith.addi %add3A_1204, %add3A_1164 : i32
        %swap3A_1206 = arith.index_cast %add3A_1205 : i32 to index
        %swap3A_1207 = arith.constant 16 : index
        %swap3A_1208 = tpu.vector_load %arg11[%swap3A_1206, %swap3A_1207] {strides = array<i32>} : memref<512x32xf32, #tpu.memory_space<vmem>>, vector<1x16xf32>,
        %swap3A_1209 = vector.shape_cast %swap3A_1208 : vector<1x16xf32> to vector<16xf32>
        %swap3A_1210 = vector.shape_cast %mul3A_1203 : vector<16xf32> to vector<1x16xf32>
        tpu.vector_store %arg11[%swap3A_1206, %swap3A_1207], %swap3A_1210 {strides = array<i32>} : memref<512x32xf32, #tpu.memory_space<vmem>>, vector<1x16xf32>,
        %add3A_1211 = arith.constant 128 : i32
        %add3A_1212 = arith.addi %add3A_1211, %add3A_1164 : i32
        %get3A_1213 = arith.index_cast %add3A_1212 : i32 to index
        %get3A_1214 = arith.constant 16 : index
        %get3A_1215 = tpu.vector_load %arg11[%get3A_1213, %get3A_1214] {strides = array<i32>} : memref<512x32xf32, #tpu.memory_space<vmem>>, vector<1x16xf32>,
        %get3A_1216 = vector.shape_cast %get3A_1215 : vector<1x16xf32> to vector<16xf32>
        %add3A_1217 = arith.addf %get3A_1216, %mul3A_1203 : vector<16xf32>
        %add3A_1218 = arith.constant 128 : i32
        %add3A_1219 = arith.addi %add3A_1218, %add3A_1164 : i32
        %swap3A_1220 = arith.index_cast %add3A_1219 : i32 to index
        %swap3A_1221 = arith.constant 16 : index
        %swap3A_1222 = tpu.vector_load %arg11[%swap3A_1220, %swap3A_1221] {strides = array<i32>} : memref<512x32xf32, #tpu.memory_space<vmem>>, vector<1x16xf32>,
        %swap3A_1223 = vector.shape_cast %swap3A_1222 : vector<1x16xf32> to vector<16xf32>
        %swap3A_1224 = vector.shape_cast %add3A_1217 : vector<16xf32> to vector<1x16xf32>
        tpu.vector_store %arg11[%swap3A_1220, %swap3A_1221], %swap3A_1224 {strides = array<i32>} : memref<512x32xf32, #tpu.memory_space<vmem>>, vector<1x16xf32>,
        %add3A_1225 = arith.constant 15 : i32
        %add3A_1226 = arith.addi %mul3A_291, %add3A_1225 : i32
        %slice3A_1227 = vector.extract_strided_slice %get3A_296 {offsets = [15], sizes = [1], strides = [1]} : vector<16xf32> to vector<1xf32>
        %squeeze3A_1228 = vector.extract %slice3A_1227[0] : f32 from vector<1xf32>
        %add3A_1229 = arith.constant 0 : i32
        %add3A_1230 = arith.addi %add3A_1229, %add3A_1226 : i32
        %get3A_1231 = arith.index_cast %add3A_1230 : i32 to index
        %get3A_1232 = arith.constant 0 : index
        %get3A_1233 = tpu.vector_load %arg11[%get3A_1231, %get3A_1232] {strides = array<i32>} : memref<512x32xf32, #tpu.memory_space<vmem>>, vector<1x16xf32>,
        %get3A_1234 = vector.shape_cast %get3A_1233 : vector<1x16xf32> to vector<16xf32>
        %mul3A_1235 = vector.broadcast %squeeze3A_1228 : f32 to vector<16xf32>
        %mul3A_1236 = arith.mulf %get3A_1234, %mul3A_1235 : vector<16xf32>
        %add3A_1237 = arith.constant 0 : i32
        %add3A_1238 = arith.addi %add3A_1237, %add3A_1226 : i32
        %swap3A_1239 = arith.index_cast %add3A_1238 : i32 to index
        %swap3A_1240 = arith.constant 0 : index
        %swap3A_1241 = tpu.vector_load %arg11[%swap3A_1239, %swap3A_1240] {strides = array<i32>} : memref<512x32xf32, #tpu.memory_space<vmem>>, vector<1x16xf32>,
        %swap3A_1242 = vector.shape_cast %swap3A_1241 : vector<1x16xf32> to vector<16xf32>
        %swap3A_1243 = vector.shape_cast %mul3A_1236 : vector<16xf32> to vector<1x16xf32>
        tpu.vector_store %arg11[%swap3A_1239, %swap3A_1240], %swap3A_1243 {strides = array<i32>} : memref<512x32xf32, #tpu.memory_space<vmem>>, vector<1x16xf32>,
        %add3A_1244 = arith.constant 128 : i32
        %add3A_1245 = arith.addi %add3A_1244, %add3A_1226 : i32
        %get3A_1246 = arith.index_cast %add3A_1245 : i32 to index
        %get3A_1247 = arith.constant 0 : index
        %get3A_1248 = tpu.vector_load %arg11[%get3A_1246, %get3A_1247] {strides = array<i32>} : memref<512x32xf32, #tpu.memory_space<vmem>>, vector<1x16xf32>,
        %get3A_1249 = vector.shape_cast %get3A_1248 : vector<1x16xf32> to vector<16xf32>
        %add3A_1250 = arith.addf %get3A_1249, %mul3A_1236 : vector<16xf32>
        %add3A_1251 = arith.constant 128 : i32
        %add3A_1252 = arith.addi %add3A_1251, %add3A_1226 : i32
        %swap3A_1253 = arith.index_cast %add3A_1252 : i32 to index
        %swap3A_1254 = arith.constant 0 : index
        %swap3A_1255 = tpu.vector_load %arg11[%swap3A_1253, %swap3A_1254] {strides = array<i32>} : memref<512x32xf32, #tpu.memory_space<vmem>>, vector<1x16xf32>,
        %swap3A_1256 = vector.shape_cast %swap3A_1255 : vector<1x16xf32> to vector<16xf32>
        %swap3A_1257 = vector.shape_cast %add3A_1250 : vector<16xf32> to vector<1x16xf32>
        tpu.vector_store %arg11[%swap3A_1253, %swap3A_1254], %swap3A_1257 {strides = array<i32>} : memref<512x32xf32, #tpu.memory_space<vmem>>, vector<1x16xf32>,
        %add3A_1258 = arith.constant 0 : i32
        %add3A_1259 = arith.addi %add3A_1258, %add3A_1226 : i32
        %get3A_1260 = arith.index_cast %add3A_1259 : i32 to index
        %get3A_1261 = arith.constant 16 : index
        %get3A_1262 = tpu.vector_load %arg11[%get3A_1260, %get3A_1261] {strides = array<i32>} : memref<512x32xf32, #tpu.memory_space<vmem>>, vector<1x16xf32>,
        %get3A_1263 = vector.shape_cast %get3A_1262 : vector<1x16xf32> to vector<16xf32>
        %mul3A_1264 = vector.broadcast %squeeze3A_1228 : f32 to vector<16xf32>
        %mul3A_1265 = arith.mulf %get3A_1263, %mul3A_1264 : vector<16xf32>
        %add3A_1266 = arith.constant 0 : i32
        %add3A_1267 = arith.addi %add3A_1266, %add3A_1226 : i32
        %swap3A_1268 = arith.index_cast %add3A_1267 : i32 to index
        %swap3A_1269 = arith.constant 16 : index
        %swap3A_1270 = tpu.vector_load %arg11[%swap3A_1268, %swap3A_1269] {strides = array<i32>} : memref<512x32xf32, #tpu.memory_space<vmem>>, vector<1x16xf32>,
        %swap3A_1271 = vector.shape_cast %swap3A_1270 : vector<1x16xf32> to vector<16xf32>
        %swap3A_1272 = vector.shape_cast %mul3A_1265 : vector<16xf32> to vector<1x16xf32>
        tpu.vector_store %arg11[%swap3A_1268, %swap3A_1269], %swap3A_1272 {strides = array<i32>} : memref<512x32xf32, #tpu.memory_space<vmem>>, vector<1x16xf32>,
        %add3A_1273 = arith.constant 128 : i32
        %add3A_1274 = arith.addi %add3A_1273, %add3A_1226 : i32
        %get3A_1275 = arith.index_cast %add3A_1274 : i32 to index
        %get3A_1276 = arith.constant 16 : index
        %get3A_1277 = tpu.vector_load %arg11[%get3A_1275, %get3A_1276] {strides = array<i32>} : memref<512x32xf32, #tpu.memory_space<vmem>>, vector<1x16xf32>,
        %get3A_1278 = vector.shape_cast %get3A_1277 : vector<1x16xf32> to vector<16xf32>
        %add3A_1279 = arith.addf %get3A_1278, %mul3A_1265 : vector<16xf32>
        %add3A_1280 = arith.constant 128 : i32
        %add3A_1281 = arith.addi %add3A_1280, %add3A_1226 : i32
        %swap3A_1282 = arith.index_cast %add3A_1281 : i32 to index
        %swap3A_1283 = arith.constant 16 : index
        %swap3A_1284 = tpu.vector_load %arg11[%swap3A_1282, %swap3A_1283] {strides = array<i32>} : memref<512x32xf32, #tpu.memory_space<vmem>>, vector<1x16xf32>,
        %swap3A_1285 = vector.shape_cast %swap3A_1284 : vector<1x16xf32> to vector<16xf32>
        %swap3A_1286 = vector.shape_cast %add3A_1279 : vector<16xf32> to vector<1x16xf32>
        tpu.vector_store %arg11[%swap3A_1282, %swap3A_1283], %swap3A_1286 {strides = array<i32>} : memref<512x32xf32, #tpu.memory_space<vmem>>, vector<1x16xf32>,
      }
      %scan3A_288 = arith.constant 8 : i32
      "tpu.region"() ({
        %run_scoped3A = tpu.sem_alloc : memref<!tpu.dma_semaphore, #tpu.memory_space<semaphore_mem>>
        %dma_start3A_289 = arith.constant 128 : i32
        %dma_start3A_290 = arith.constant 0 : i32
        %dma_start3A_291 = tpu.memref_slice %arg11[%dma_start3A_289, %dma_start3A_290] : memref<512x32xf32, #tpu.memory_space<vmem>> -> memref<128x32xf32, #tpu.memory_space<vmem>>
        %dma_start3A_292 = arith.constant 0 : i32
        %dma_start3A_293 = tpu.memref_slice %arg5[%add3A_279, %dma_start3A_292] : memref<102400x32xf32, #tpu.memory_space<hbm>> -> memref<128x32xf32, #tpu.memory_space<hbm>>
        %dma_start3A_294 = arith.constant 0 : i32
        %dma_start3A_295 = tpu.memref_slice %arg5[%add3A_279, %dma_start3A_294] : memref<102400x32xf32, #tpu.memory_space<hbm>> -> memref<128x32xf32, #tpu.memory_space<hbm>>
        %dma_start3A_296 = arith.constant 128 : i32
        %dma_start3A_297 = arith.constant 0 : i32
        %dma_start3A_298 = tpu.memref_slice %arg11[%dma_start3A_296, %dma_start3A_297] : memref<512x32xf32, #tpu.memory_space<vmem>> -> memref<128x32xf32, #tpu.memory_space<vmem>>
        tpu.enqueue_dma source(%dma_start3A_298 : memref<128x32xf32, #tpu.memory_space<vmem>>) target(%dma_start3A_295 : memref<128x32xf32, #tpu.memory_space<hbm>>) target_semaphore(%run_scoped3A : memref<!tpu.dma_semaphore, #tpu.memory_space<semaphore_mem>>)
        %dma_wait3A_299 = arith.constant 128 : i32
        %dma_wait3A_300 = arith.constant 0 : i32
        %dma_wait3A_301 = tpu.memref_slice %arg11[%dma_wait3A_299, %dma_wait3A_300] : memref<512x32xf32, #tpu.memory_space<vmem>> -> memref<128x32xf32, #tpu.memory_space<vmem>>
        %dma_wait3A_302 = arith.constant 0 : i32
        %dma_wait3A_303 = tpu.memref_slice %arg5[%add3A_279, %dma_wait3A_302] : memref<102400x32xf32, #tpu.memory_space<hbm>> -> memref<128x32xf32, #tpu.memory_space<hbm>>
        %dma_wait3A_304 = arith.constant 0 : i32
        %dma_wait3A_305 = tpu.memref_slice %arg5[%add3A_279, %dma_wait3A_304] : memref<102400x32xf32, #tpu.memory_space<hbm>> -> memref<128x32xf32, #tpu.memory_space<hbm>>
        %dma_wait3A_306 = arith.constant 128 : i32
        %dma_wait3A_307 = arith.constant 0 : i32
        %dma_wait3A_308 = tpu.memref_slice %arg11[%dma_wait3A_306, %dma_wait3A_307] : memref<512x32xf32, #tpu.memory_space<vmem>> -> memref<128x32xf32, #tpu.memory_space<vmem>>
        tpu.wait_dma2 semaphore(%run_scoped3A : memref<!tpu.dma_semaphore, #tpu.memory_space<semaphore_mem>>) src(%dma_wait3A_308 : memref<128x32xf32, #tpu.memory_space<vmem>>) dst(%dma_wait3A_305 : memref<128x32xf32, #tpu.memory_space<hbm>>)
        tpu.yield
      }) : () -> ()
      "tpu.region"() ({
        %run_scoped3A = tpu.sem_alloc : memref<!tpu.dma_semaphore, #tpu.memory_space<semaphore_mem>>
        %dma_start3A_289 = arith.constant 0 : i32
        %dma_start3A_290 = arith.constant 0 : i32
        %dma_start3A_291 = tpu.memref_slice %arg11[%dma_start3A_289, %dma_start3A_290] : memref<512x32xf32, #tpu.memory_space<vmem>> -> memref<128x32xf32, #tpu.memory_space<vmem>>
        %dma_start3A_292 = arith.constant 0 : i32
        %dma_start3A_293 = tpu.memref_slice %arg6[%add3A_279, %dma_start3A_292] : memref<102400x32xf32, #tpu.memory_space<hbm>> -> memref<128x32xf32, #tpu.memory_space<hbm>>
        %dma_start3A_294 = arith.constant 0 : i32
        %dma_start3A_295 = tpu.memref_slice %arg6[%add3A_279, %dma_start3A_294] : memref<102400x32xf32, #tpu.memory_space<hbm>> -> memref<128x32xf32, #tpu.memory_space<hbm>>
        %dma_start3A_296 = arith.constant 0 : i32
        %dma_start3A_297 = arith.constant 0 : i32
        %dma_start3A_298 = tpu.memref_slice %arg11[%dma_start3A_296, %dma_start3A_297] : memref<512x32xf32, #tpu.memory_space<vmem>> -> memref<128x32xf32, #tpu.memory_space<vmem>>
        tpu.enqueue_dma source(%dma_start3A_298 : memref<128x32xf32, #tpu.memory_space<vmem>>) target(%dma_start3A_295 : memref<128x32xf32, #tpu.memory_space<hbm>>) target_semaphore(%run_scoped3A : memref<!tpu.dma_semaphore, #tpu.memory_space<semaphore_mem>>)
        %dma_wait3A_299 = arith.constant 0 : i32
        %dma_wait3A_300 = arith.constant 0 : i32
        %dma_wait3A_301 = tpu.memref_slice %arg11[%dma_wait3A_299, %dma_wait3A_300] : memref<512x32xf32, #tpu.memory_space<vmem>> -> memref<128x32xf32, #tpu.memory_space<vmem>>
        %dma_wait3A_302 = arith.constant 0 : i32
        %dma_wait3A_303 = tpu.memref_slice %arg6[%add3A_279, %dma_wait3A_302] : memref<102400x32xf32, #tpu.memory_space<hbm>> -> memref<128x32xf32, #tpu.memory_space<hbm>>
        %dma_wait3A_304 = arith.constant 0 : i32
        %dma_wait3A_305 = tpu.memref_slice %arg6[%add3A_279, %dma_wait3A_304] : memref<102400x32xf32, #tpu.memory_space<hbm>> -> memref<128x32xf32, #tpu.memory_space<hbm>>
        %dma_wait3A_306 = arith.constant 0 : i32
        %dma_wait3A_307 = arith.constant 0 : i32
        %dma_wait3A_308 = tpu.memref_slice %arg11[%dma_wait3A_306, %dma_wait3A_307] : memref<512x32xf32, #tpu.memory_space<vmem>> -> memref<128x32xf32, #tpu.memory_space<vmem>>
        tpu.wait_dma2 semaphore(%run_scoped3A : memref<!tpu.dma_semaphore, #tpu.memory_space<semaphore_mem>>) src(%dma_wait3A_308 : memref<128x32xf32, #tpu.memory_space<vmem>>) dst(%dma_wait3A_305 : memref<128x32xf32, #tpu.memory_space<hbm>>)
        tpu.yield
      }) : () -> ()
      "tpu.region"() ({
        %run_scoped3A = tpu.sem_alloc : memref<!tpu.dma_semaphore, #tpu.memory_space<semaphore_mem>>
        %dma_start3A_289 = arith.constant 256 : i32
        %dma_start3A_290 = arith.constant 0 : i32
        %dma_start3A_291 = tpu.memref_slice %arg11[%dma_start3A_289, %dma_start3A_290] : memref<512x32xf32, #tpu.memory_space<vmem>> -> memref<128x32xf32, #tpu.memory_space<vmem>>
        %dma_start3A_292 = arith.constant 0 : i32
        %dma_start3A_293 = tpu.memref_slice %arg7[%add3A_282, %dma_start3A_292] : memref<51200x32xf32, #tpu.memory_space<vmem_shared>> -> memref<128x32xf32, #tpu.memory_space<vmem_shared>>
        %dma_start3A_294 = arith.constant 0 : i32
        %dma_start3A_295 = tpu.memref_slice %arg7[%add3A_282, %dma_start3A_294] : memref<51200x32xf32, #tpu.memory_space<vmem_shared>> -> memref<128x32xf32, #tpu.memory_space<vmem_shared>>
        %dma_start3A_296 = arith.constant 256 : i32
        %dma_start3A_297 = arith.constant 0 : i32
        %dma_start3A_298 = tpu.memref_slice %arg11[%dma_start3A_296, %dma_start3A_297] : memref<512x32xf32, #tpu.memory_space<vmem>> -> memref<128x32xf32, #tpu.memory_space<vmem>>
        tpu.enqueue_dma source(%dma_start3A_298 : memref<128x32xf32, #tpu.memory_space<vmem>>) target(%dma_start3A_295 : memref<128x32xf32, #tpu.memory_space<vmem_shared>>) target_semaphore(%run_scoped3A : memref<!tpu.dma_semaphore, #tpu.memory_space<semaphore_mem>>)
        %dma_wait3A_299 = arith.constant 256 : i32
        %dma_wait3A_300 = arith.constant 0 : i32
        %dma_wait3A_301 = tpu.memref_slice %arg11[%dma_wait3A_299, %dma_wait3A_300] : memref<512x32xf32, #tpu.memory_space<vmem>> -> memref<128x32xf32, #tpu.memory_space<vmem>>
        %dma_wait3A_302 = arith.constant 0 : i32
        %dma_wait3A_303 = tpu.memref_slice %arg7[%add3A_282, %dma_wait3A_302] : memref<51200x32xf32, #tpu.memory_space<vmem_shared>> -> memref<128x32xf32, #tpu.memory_space<vmem_shared>>
        %dma_wait3A_304 = arith.constant 0 : i32
        %dma_wait3A_305 = tpu.memref_slice %arg7[%add3A_282, %dma_wait3A_304] : memref<51200x32xf32, #tpu.memory_space<vmem_shared>> -> memref<128x32xf32, #tpu.memory_space<vmem_shared>>
        %dma_wait3A_306 = arith.constant 256 : i32
        %dma_wait3A_307 = arith.constant 0 : i32
        %dma_wait3A_308 = tpu.memref_slice %arg11[%dma_wait3A_306, %dma_wait3A_307] : memref<512x32xf32, #tpu.memory_space<vmem>> -> memref<128x32xf32, #tpu.memory_space<vmem>>
        tpu.wait_dma2 semaphore(%run_scoped3A : memref<!tpu.dma_semaphore, #tpu.memory_space<semaphore_mem>>) src(%dma_wait3A_308 : memref<128x32xf32, #tpu.memory_space<vmem>>) dst(%dma_wait3A_305 : memref<128x32xf32, #tpu.memory_space<vmem_shared>>)
        tpu.yield
      }) : () -> ()
    }
    %scan3A_147 = arith.constant 25 : i32
    %barrier3A_148 = arith.constant 0 : index
    tpu.barrier barrier_id(%barrier3A_148)
    %mul3A_149 = arith.constant 819200 : i32
    %mul3A_150 = arith.muli %arg0, %mul3A_149 : i32
    %mul3A_151 = arith.constant 51200 : i32
    %mul3A_152 = arith.muli %arg1, %mul3A_151 : i32
    %add3A_153 = arith.addi %mul3A_150, %mul3A_152 : i32
    %mul3A_154 = arith.constant 400 : i32
    %mul3A_155 = arith.muli %arg1, %mul3A_154 : i32
    "tpu.region"() ({
      %run_scoped3A = tpu.sem_alloc : memref<!tpu.dma_semaphore, #tpu.memory_space<semaphore_mem>>
      %dma_start3A_276 = arith.constant 0 : i32
      %dma_start3A_277 = tpu.memref_slice %arg9[%dma_start3A_276] : memref<1024xi32, #tpu.memory_space<vmem>> -> memref<256xi32, #tpu.memory_space<vmem>>
      %dma_start3A_278 = tpu.memref_slice %arg2[%add3A_153] : memref<1638400xi32, #tpu.memory_space<hbm>> -> memref<256xi32, #tpu.memory_space<hbm>>
      %dma_start3A_279 = arith.constant 0 : i32
      %dma_start3A_280 = tpu.memref_slice %arg9[%dma_start3A_279] : memref<1024xi32, #tpu.memory_space<vmem>> -> memref<256xi32, #tpu.memory_space<vmem>>
      %dma_start3A_281 = tpu.memref_slice %arg2[%add3A_153] : memref<1638400xi32, #tpu.memory_space<hbm>> -> memref<256xi32, #tpu.memory_space<hbm>>
      tpu.enqueue_dma source(%dma_start3A_281 : memref<256xi32, #tpu.memory_space<hbm>>) target(%dma_start3A_280 : memref<256xi32, #tpu.memory_space<vmem>>) target_semaphore(%run_scoped3A : memref<!tpu.dma_semaphore, #tpu.memory_space<semaphore_mem>>)
      %dma_wait3A_282 = arith.constant 0 : i32
      %dma_wait3A_283 = tpu.memref_slice %arg9[%dma_wait3A_282] : memref<1024xi32, #tpu.memory_space<vmem>> -> memref<256xi32, #tpu.memory_space<vmem>>
      %dma_wait3A_284 = tpu.memref_slice %arg2[%add3A_153] : memref<1638400xi32, #tpu.memory_space<hbm>> -> memref<256xi32, #tpu.memory_space<hbm>>
      %dma_wait3A_285 = arith.constant 0 : i32
      %dma_wait3A_286 = tpu.memref_slice %arg9[%dma_wait3A_285] : memref<1024xi32, #tpu.memory_space<vmem>> -> memref<256xi32, #tpu.memory_space<vmem>>
      %dma_wait3A_287 = tpu.memref_slice %arg2[%add3A_153] : memref<1638400xi32, #tpu.memory_space<hbm>> -> memref<256xi32, #tpu.memory_space<hbm>>
      tpu.wait_dma2 semaphore(%run_scoped3A : memref<!tpu.dma_semaphore, #tpu.memory_space<semaphore_mem>>) src(%dma_wait3A_287 : memref<256xi32, #tpu.memory_space<hbm>>) dst(%dma_wait3A_286 : memref<256xi32, #tpu.memory_space<vmem>>)
      tpu.yield
    }) : () -> ()
    "tpu.region"() ({
      %run_scoped3A = tpu.sem_alloc : memref<!tpu.dma_semaphore, #tpu.memory_space<semaphore_mem>>
      %dma_start3A_276 = arith.constant 0 : i32
      %dma_start3A_277 = arith.constant 0 : i32
      %dma_start3A_278 = tpu.memref_slice %arg10[%dma_start3A_276, %dma_start3A_277] : memref<8x128xi32, #tpu.memory_space<vmem>> -> memref<2x128xi32, #tpu.memory_space<vmem>>
      %dma_start3A_279 = arith.constant 0 : i32
      %dma_start3A_280 = tpu.memref_slice %arg3[%mul3A_155, %dma_start3A_279] : memref<6400x128xi32, #tpu.memory_space<hbm>> -> memref<2x128xi32, #tpu.memory_space<hbm>>
      %dma_start3A_281 = arith.constant 0 : i32
      %dma_start3A_282 = arith.constant 0 : i32
      %dma_start3A_283 = tpu.memref_slice %arg10[%dma_start3A_281, %dma_start3A_282] : memref<8x128xi32, #tpu.memory_space<vmem>> -> memref<2x128xi32, #tpu.memory_space<vmem>>
      %dma_start3A_284 = arith.constant 0 : i32
      %dma_start3A_285 = tpu.memref_slice %arg3[%mul3A_155, %dma_start3A_284] : memref<6400x128xi32, #tpu.memory_space<hbm>> -> memref<2x128xi32, #tpu.memory_space<hbm>>
      tpu.enqueue_dma source(%dma_start3A_285 : memref<2x128xi32, #tpu.memory_space<hbm>>) target(%dma_start3A_283 : memref<2x128xi32, #tpu.memory_space<vmem>>) target_semaphore(%run_scoped3A : memref<!tpu.dma_semaphore, #tpu.memory_space<semaphore_mem>>)
      %dma_wait3A_286 = arith.constant 0 : i32
      %dma_wait3A_287 = arith.constant 0 : i32
      %dma_wait3A_288 = tpu.memref_slice %arg10[%dma_wait3A_286, %dma_wait3A_287] : memref<8x128xi32, #tpu.memory_space<vmem>> -> memref<2x128xi32, #tpu.memory_space<vmem>>
      %dma_wait3A_289 = arith.constant 0 : i32
      %dma_wait3A_290 = tpu.memref_slice %arg3[%mul3A_155, %dma_wait3A_289] : memref<6400x128xi32, #tpu.memory_space<hbm>> -> memref<2x128xi32, #tpu.memory_space<hbm>>
      %dma_wait3A_291 = arith.constant 0 : i32
      %dma_wait3A_292 = arith.constant 0 : i32
      %dma_wait3A_293 = tpu.memref_slice %arg10[%dma_wait3A_291, %dma_wait3A_292] : memref<8x128xi32, #tpu.memory_space<vmem>> -> memref<2x128xi32, #tpu.memory_space<vmem>>
      %dma_wait3A_294 = arith.constant 0 : i32
      %dma_wait3A_295 = tpu.memref_slice %arg3[%mul3A_155, %dma_wait3A_294] : memref<6400x128xi32, #tpu.memory_space<hbm>> -> memref<2x128xi32, #tpu.memory_space<hbm>>
      tpu.wait_dma2 semaphore(%run_scoped3A : memref<!tpu.dma_semaphore, #tpu.memory_space<semaphore_mem>>) src(%dma_wait3A_295 : memref<2x128xi32, #tpu.memory_space<hbm>>) dst(%dma_wait3A_293 : memref<2x128xi32, #tpu.memory_space<vmem>>)
      tpu.yield
    }) : () -> ()
    %add3A_156 = arith.constant 256 : i32
    %add3A_157 = arith.addi %add3A_153, %add3A_156 : i32
    %dma_start3A_158 = arith.constant 256 : i32
    %dma_start3A_159 = tpu.memref_slice %arg9[%dma_start3A_158] : memref<1024xi32, #tpu.memory_space<vmem>> -> memref<256xi32, #tpu.memory_space<vmem>>
    %dma_start3A_160 = tpu.memref_slice %arg2[%add3A_157] : memref<1638400xi32, #tpu.memory_space<hbm>> -> memref<256xi32, #tpu.memory_space<hbm>>
    %dma_start3A_161 = arith.constant 256 : i32
    %dma_start3A_162 = tpu.memref_slice %arg9[%dma_start3A_161] : memref<1024xi32, #tpu.memory_space<vmem>> -> memref<256xi32, #tpu.memory_space<vmem>>
    %dma_start3A_163 = tpu.memref_slice %arg2[%add3A_157] : memref<1638400xi32, #tpu.memory_space<hbm>> -> memref<256xi32, #tpu.memory_space<hbm>>
    tpu.enqueue_dma source(%dma_start3A_163 : memref<256xi32, #tpu.memory_space<hbm>>) target(%dma_start3A_162 : memref<256xi32, #tpu.memory_space<vmem>>) target_semaphore(%arg16 : memref<!tpu.dma_semaphore, #tpu.memory_space<semaphore_mem>>)
    %add3A_164 = arith.constant 2 : i32
    %add3A_165 = arith.addi %mul3A_155, %add3A_164 : i32
    %dma_start3A_166 = arith.constant 2 : i32
    %dma_start3A_167 = arith.constant 0 : i32
    %dma_start3A_168 = tpu.memref_slice %arg10[%dma_start3A_166, %dma_start3A_167] : memref<8x128xi32, #tpu.memory_space<vmem>> -> memref<2x128xi32, #tpu.memory_space<vmem>>
    %dma_start3A_169 = arith.constant 0 : i32
    %dma_start3A_170 = tpu.memref_slice %arg3[%add3A_165, %dma_start3A_169] : memref<6400x128xi32, #tpu.memory_space<hbm>> -> memref<2x128xi32, #tpu.memory_space<hbm>>
    %dma_start3A_171 = arith.constant 2 : i32
    %dma_start3A_172 = arith.constant 0 : i32
    %dma_start3A_173 = tpu.memref_slice %arg10[%dma_start3A_171, %dma_start3A_172] : memref<8x128xi32, #tpu.memory_space<vmem>> -> memref<2x128xi32, #tpu.memory_space<vmem>>
    %dma_start3A_174 = arith.constant 0 : i32
    %dma_start3A_175 = tpu.memref_slice %arg3[%add3A_165, %dma_start3A_174] : memref<6400x128xi32, #tpu.memory_space<hbm>> -> memref<2x128xi32, #tpu.memory_space<hbm>>
    tpu.enqueue_dma source(%dma_start3A_175 : memref<2x128xi32, #tpu.memory_space<hbm>>) target(%dma_start3A_173 : memref<2x128xi32, #tpu.memory_space<vmem>>) target_semaphore(%arg16 : memref<!tpu.dma_semaphore, #tpu.memory_space<semaphore_mem>>)
    %dma_start3A_176 = arith.constant 0 : i32
    %dma_start3A_177 = arith.constant 0 : i32
    %dma_start3A_178 = tpu.memref_slice %arg11[%dma_start3A_176, %dma_start3A_177] : memref<512x32xf32, #tpu.memory_space<vmem>> -> memref<256x32xf32, #tpu.memory_space<vmem>>
    %dma_start3A_179 = arith.constant 0 : i32
    %dma_start3A_180 = tpu.memref_slice %arg9[%dma_start3A_179] : memref<1024xi32, #tpu.memory_space<vmem>> -> memref<256xi32, #tpu.memory_space<vmem>>
    %dma_start3A_181 = arith.constant 0 : i32
    %dma_start3A_182 = arith.constant 0 : i32
    %dma_start3A_183 = tpu.memref_slice %arg6[%dma_start3A_181, %dma_start3A_182] : memref<102400x32xf32, #tpu.memory_space<hbm>> -> memref<102400x32xf32, #tpu.memory_space<hbm>>
    tpu.enqueue_indirect_dma source(%dma_start3A_183 : memref<102400x32xf32, #tpu.memory_space<hbm>>) target(%dma_start3A_178 : memref<256x32xf32, #tpu.memory_space<vmem>>) offsets(%dma_start3A_180 : memref<256xi32, #tpu.memory_space<vmem>>) semaphore(%arg14 : memref<!tpu.dma_semaphore, #tpu.memory_space<semaphore_mem>>)
    %scan3A_184 = arith.constant 0 : i32
    %scan3A_185 = arith.constant 0 : i32
    %scan3A_186 = arith.constant 200 : i32
    %scan3A_187 = arith.addi %scan3A_185, %scan3A_186 : i32
    %scan3A_188 = arith.constant 1 : i32
    scf.for %scan3A_276 = %scan3A_185 to %scan3A_187 step %scan3A_188  : i32 {
      %mul3A_277 = arith.constant 2 : i32
      %mul3A_278 = arith.muli %mul3A_277, %scan3A_276 : i32
      %rem3A = arith.constant 2 : i32
      %rem3A_279 = arith.remsi %scan3A_276, %rem3A : i32
      %mul3A_280 = arith.constant 256 : i32
      %mul3A_281 = arith.muli %rem3A_279, %mul3A_280 : i32
      %gt3A = arith.constant 0 : i32
      %gt3A_282 = arith.cmpi sgt, %scan3A_276, %gt3A : i32
      %convert_element_type3A = arith.extui %gt3A_282 : i1 to i32
      %cond3A = arith.constant 0 : i32
      %cond3A_283 = arith.cmpi ne, %convert_element_type3A, %cond3A : i32
      scf.if %cond3A_283 {
        %dma_wait3A_337 = arith.constant 0 : i32
        %dma_wait3A_338 = arith.constant 0 : i32
        %dma_wait3A_339 = tpu.memref_slice %arg11[%dma_wait3A_337, %dma_wait3A_338] : memref<512x32xf32, #tpu.memory_space<vmem>> -> memref<256x32xf32, #tpu.memory_space<vmem>>
        %dma_wait3A_340 = arith.constant 0 : i32
        %dma_wait3A_341 = arith.constant 0 : i32
        %dma_wait3A_342 = tpu.memref_slice %arg4[%dma_wait3A_340, %dma_wait3A_341] : memref<102400x32xf32, #tpu.memory_space<hbm>> -> memref<256x32xf32, #tpu.memory_space<hbm>>
        %dma_wait3A_343 = arith.constant 0 : i32
        %dma_wait3A_344 = arith.constant 0 : i32
        %dma_wait3A_345 = tpu.memref_slice %arg11[%dma_wait3A_343, %dma_wait3A_344] : memref<512x32xf32, #tpu.memory_space<vmem>> -> memref<256x32xf32, #tpu.memory_space<vmem>>
        %dma_wait3A_346 = arith.constant 0 : i32
        %dma_wait3A_347 = arith.constant 0 : i32
        %dma_wait3A_348 = tpu.memref_slice %arg4[%dma_wait3A_346, %dma_wait3A_347] : memref<102400x32xf32, #tpu.memory_space<hbm>> -> memref<256x32xf32, #tpu.memory_space<hbm>>
        tpu.wait_dma2 semaphore(%arg15 : memref<!tpu.dma_semaphore, #tpu.memory_space<semaphore_mem>>) src(%dma_wait3A_348 : memref<256x32xf32, #tpu.memory_space<hbm>>) dst(%dma_wait3A_345 : memref<256x32xf32, #tpu.memory_space<vmem>>)
      } else {
      }
      %add3A_284 = arith.constant 1 : i32
      %add3A_285 = arith.addi %scan3A_276, %add3A_284 : i32
      %lt3A = arith.constant 200 : i32
      %lt3A_286 = arith.cmpi slt, %add3A_285, %lt3A : i32
      %convert_element_type3A_287 = arith.extui %lt3A_286 : i1 to i32
      %cond3A_288 = arith.constant 0 : i32
      %cond3A_289 = arith.cmpi ne, %convert_element_type3A_287, %cond3A_288 : i32
      scf.if %cond3A_289 {
        %dma_wait3A_337 = arith.constant 0 : i32
        %dma_wait3A_338 = arith.constant 0 : i32
        %dma_wait3A_339 = tpu.memref_slice %arg10[%dma_wait3A_337, %dma_wait3A_338] : memref<8x128xi32, #tpu.memory_space<vmem>> -> memref<4x128xi32, #tpu.memory_space<vmem>>
        %dma_wait3A_340 = arith.constant 0 : i32
        %dma_wait3A_341 = arith.constant 0 : i32
        %dma_wait3A_342 = tpu.memref_slice %arg3[%dma_wait3A_340, %dma_wait3A_341] : memref<6400x128xi32, #tpu.memory_space<hbm>> -> memref<4x128xi32, #tpu.memory_space<hbm>>
        %dma_wait3A_343 = arith.constant 0 : i32
        %dma_wait3A_344 = arith.constant 0 : i32
        %dma_wait3A_345 = tpu.memref_slice %arg10[%dma_wait3A_343, %dma_wait3A_344] : memref<8x128xi32, #tpu.memory_space<vmem>> -> memref<4x128xi32, #tpu.memory_space<vmem>>
        %dma_wait3A_346 = arith.constant 0 : i32
        %dma_wait3A_347 = arith.constant 0 : i32
        %dma_wait3A_348 = tpu.memref_slice %arg3[%dma_wait3A_346, %dma_wait3A_347] : memref<6400x128xi32, #tpu.memory_space<hbm>> -> memref<4x128xi32, #tpu.memory_space<hbm>>
        tpu.wait_dma2 semaphore(%arg16 : memref<!tpu.dma_semaphore, #tpu.memory_space<semaphore_mem>>) src(%dma_wait3A_348 : memref<4x128xi32, #tpu.memory_space<hbm>>) dst(%dma_wait3A_345 : memref<4x128xi32, #tpu.memory_space<vmem>>)
        %add3A_349 = arith.constant 1 : i32
        %add3A_350 = arith.addi %scan3A_276, %add3A_349 : i32
        %rem3A_351 = arith.constant 4 : i32
        %rem3A_352 = arith.remsi %add3A_350, %rem3A_351 : i32
        %mul3A_353 = arith.constant 256 : i32
        %mul3A_354 = arith.muli %rem3A_352, %mul3A_353 : i32
        %add3A_355 = arith.constant 1 : i32
        %add3A_356 = arith.addi %scan3A_276, %add3A_355 : i32
        %rem3A_357 = arith.constant 2 : i32
        %rem3A_358 = arith.remsi %add3A_356, %rem3A_357 : i32
        %mul3A_359 = arith.constant 256 : i32
        %mul3A_360 = arith.muli %rem3A_358, %mul3A_359 : i32
        %dma_start3A_361 = arith.constant 0 : i32
        %dma_start3A_362 = tpu.memref_slice %arg11[%mul3A_360, %dma_start3A_361] : memref<512x32xf32, #tpu.memory_space<vmem>> -> memref<256x32xf32, #tpu.memory_space<vmem>>
        %dma_start3A_363 = tpu.memref_slice %arg9[%mul3A_354] : memref<1024xi32, #tpu.memory_space<vmem>> -> memref<256xi32, #tpu.memory_space<vmem>>
        %dma_start3A_364 = arith.constant 0 : i32
        %dma_start3A_365 = arith.constant 0 : i32
        %dma_start3A_366 = tpu.memref_slice %arg6[%dma_start3A_364, %dma_start3A_365] : memref<102400x32xf32, #tpu.memory_space<hbm>> -> memref<102400x32xf32, #tpu.memory_space<hbm>>
        tpu.enqueue_indirect_dma source(%dma_start3A_366 : memref<102400x32xf32, #tpu.memory_space<hbm>>) target(%dma_start3A_362 : memref<256x32xf32, #tpu.memory_space<vmem>>) offsets(%dma_start3A_363 : memref<256xi32, #tpu.memory_space<vmem>>) semaphore(%arg14 : memref<!tpu.dma_semaphore, #tpu.memory_space<semaphore_mem>>)
      } else {
      }
      %dma_wait3A_290 = arith.constant 0 : i32
      %dma_wait3A_291 = arith.constant 0 : i32
      %dma_wait3A_292 = tpu.memref_slice %arg11[%dma_wait3A_290, %dma_wait3A_291] : memref<512x32xf32, #tpu.memory_space<vmem>> -> memref<256x32xf32, #tpu.memory_space<vmem>>
      %dma_wait3A_293 = arith.constant 0 : i32
      %dma_wait3A_294 = arith.constant 0 : i32
      %dma_wait3A_295 = tpu.memref_slice %arg4[%dma_wait3A_293, %dma_wait3A_294] : memref<102400x32xf32, #tpu.memory_space<hbm>> -> memref<256x32xf32, #tpu.memory_space<hbm>>
      %dma_wait3A_296 = arith.constant 0 : i32
      %dma_wait3A_297 = arith.constant 0 : i32
      %dma_wait3A_298 = tpu.memref_slice %arg11[%dma_wait3A_296, %dma_wait3A_297] : memref<512x32xf32, #tpu.memory_space<vmem>> -> memref<256x32xf32, #tpu.memory_space<vmem>>
      %dma_wait3A_299 = arith.constant 0 : i32
      %dma_wait3A_300 = arith.constant 0 : i32
      %dma_wait3A_301 = tpu.memref_slice %arg4[%dma_wait3A_299, %dma_wait3A_300] : memref<102400x32xf32, #tpu.memory_space<hbm>> -> memref<256x32xf32, #tpu.memory_space<hbm>>
      tpu.wait_dma2 semaphore(%arg14 : memref<!tpu.dma_semaphore, #tpu.memory_space<semaphore_mem>>) src(%dma_wait3A_301 : memref<256x32xf32, #tpu.memory_space<hbm>>) dst(%dma_wait3A_298 : memref<256x32xf32, #tpu.memory_space<vmem>>)
      %add3A_302 = arith.constant 2 : i32
      %add3A_303 = arith.addi %scan3A_276, %add3A_302 : i32
      %lt3A_304 = arith.constant 200 : i32
      %lt3A_305 = arith.cmpi slt, %add3A_303, %lt3A_304 : i32
      %convert_element_type3A_306 = arith.extui %lt3A_305 : i1 to i32
      %cond3A_307 = arith.constant 0 : i32
      %cond3A_308 = arith.cmpi ne, %convert_element_type3A_306, %cond3A_307 : i32
      scf.if %cond3A_308 {
        %add3A_337 = arith.constant 2 : i32
        %add3A_338 = arith.addi %scan3A_276, %add3A_337 : i32
        %rem3A_339 = arith.constant 4 : i32
        %rem3A_340 = arith.remsi %add3A_338, %rem3A_339 : i32
        %mul3A_341 = arith.constant 256 : i32
        %mul3A_342 = arith.muli %rem3A_340, %mul3A_341 : i32
        %add3A_343 = arith.constant 4 : i32
        %add3A_344 = arith.addi %mul3A_278, %add3A_343 : i32
        %mul3A_345 = arith.constant 128 : i32
        %mul3A_346 = arith.muli %add3A_344, %mul3A_345 : i32
        %add3A_347 = arith.addi %add3A_153, %mul3A_346 : i32
        %dma_start3A_348 = tpu.memref_slice %arg9[%mul3A_342] : memref<1024xi32, #tpu.memory_space<vmem>> -> memref<256xi32, #tpu.memory_space<vmem>>
        %dma_start3A_349 = tpu.memref_slice %arg2[%add3A_347] : memref<1638400xi32, #tpu.memory_space<hbm>> -> memref<256xi32, #tpu.memory_space<hbm>>
        %dma_start3A_350 = tpu.memref_slice %arg9[%mul3A_342] : memref<1024xi32, #tpu.memory_space<vmem>> -> memref<256xi32, #tpu.memory_space<vmem>>
        %dma_start3A_351 = tpu.memref_slice %arg2[%add3A_347] : memref<1638400xi32, #tpu.memory_space<hbm>> -> memref<256xi32, #tpu.memory_space<hbm>>
        tpu.enqueue_dma source(%dma_start3A_351 : memref<256xi32, #tpu.memory_space<hbm>>) target(%dma_start3A_350 : memref<256xi32, #tpu.memory_space<vmem>>) target_semaphore(%arg16 : memref<!tpu.dma_semaphore, #tpu.memory_space<semaphore_mem>>)
        %add3A_352 = arith.constant 4 : i32
        %add3A_353 = arith.addi %mul3A_278, %add3A_352 : i32
        %rem3A_354 = arith.constant 8 : i32
        %rem3A_355 = arith.remsi %add3A_353, %rem3A_354 : i32
        %add3A_356 = arith.addi %mul3A_155, %mul3A_278 : i32
        %add3A_357 = arith.constant 4 : i32
        %add3A_358 = arith.addi %add3A_356, %add3A_357 : i32
        %dma_start3A_359 = arith.constant 0 : i32
        %dma_start3A_360 = tpu.memref_slice %arg10[%rem3A_355, %dma_start3A_359] : memref<8x128xi32, #tpu.memory_space<vmem>> -> memref<2x128xi32, #tpu.memory_space<vmem>>
        %dma_start3A_361 = arith.constant 0 : i32
        %dma_start3A_362 = tpu.memref_slice %arg3[%add3A_358, %dma_start3A_361] : memref<6400x128xi32, #tpu.memory_space<hbm>> -> memref<2x128xi32, #tpu.memory_space<hbm>>
        %dma_start3A_363 = arith.constant 0 : i32
        %dma_start3A_364 = tpu.memref_slice %arg10[%rem3A_355, %dma_start3A_363] : memref<8x128xi32, #tpu.memory_space<vmem>> -> memref<2x128xi32, #tpu.memory_space<vmem>>
        %dma_start3A_365 = arith.constant 0 : i32
        %dma_start3A_366 = tpu.memref_slice %arg3[%add3A_358, %dma_start3A_365] : memref<6400x128xi32, #tpu.memory_space<hbm>> -> memref<2x128xi32, #tpu.memory_space<hbm>>
        tpu.enqueue_dma source(%dma_start3A_366 : memref<2x128xi32, #tpu.memory_space<hbm>>) target(%dma_start3A_364 : memref<2x128xi32, #tpu.memory_space<vmem>>) target_semaphore(%arg16 : memref<!tpu.dma_semaphore, #tpu.memory_space<semaphore_mem>>)
      } else {
      }
      %add3A_309 = arith.constant 0 : i32
      %add3A_310 = arith.addi %mul3A_278, %add3A_309 : i32
      %rem3A_311 = arith.constant 8 : i32
      %rem3A_312 = arith.remsi %add3A_310, %rem3A_311 : i32
      %add3A_313 = arith.constant 0 : i32
      %add3A_314 = arith.addi %mul3A_281, %add3A_313 : i32
      %dma_start3A_315 = arith.constant 0 : i32
      %dma_start3A_316 = tpu.memref_slice %arg11[%add3A_314, %dma_start3A_315] : memref<512x32xf32, #tpu.memory_space<vmem>> -> memref<128x32xf32, #tpu.memory_space<vmem>>
      %dma_start3A_317 = arith.constant 0 : i32
      %dma_start3A_318 = tpu.memref_slice %arg10[%rem3A_312, %dma_start3A_317] : memref<8x128xi32, #tpu.memory_space<vmem>> -> memref<1x128xi32, #tpu.memory_space<vmem>>
      %dma_start3A_319 = tpu.memref_squeeze %dma_start3A_318 : memref<1x128xi32, #tpu.memory_space<vmem>> -> memref<128xi32, #tpu.memory_space<vmem>>
      %dma_start3A_320 = arith.constant 0 : i32
      %dma_start3A_321 = arith.constant 0 : i32
      %dma_start3A_322 = tpu.memref_slice %arg7[%dma_start3A_320, %dma_start3A_321] : memref<51200x32xf32, #tpu.memory_space<vmem_shared>> -> memref<51200x32xf32, #tpu.memory_space<vmem_shared>>
      tpu.enqueue_indirect_dma source(%dma_start3A_316 : memref<128x32xf32, #tpu.memory_space<vmem>>) target(%dma_start3A_322 : memref<51200x32xf32, #tpu.memory_space<vmem_shared>>) offsets(%dma_start3A_319 : memref<128xi32, #tpu.memory_space<vmem>>) semaphore(%arg15 : memref<!tpu.dma_semaphore, #tpu.memory_space<semaphore_mem>>) {add = true}
      %add3A_323 = arith.constant 1 : i32
      %add3A_324 = arith.addi %mul3A_278, %add3A_323 : i32
      %rem3A_325 = arith.constant 8 : i32
      %rem3A_326 = arith.remsi %add3A_324, %rem3A_325 : i32
      %add3A_327 = arith.constant 128 : i32
      %add3A_328 = arith.addi %mul3A_281, %add3A_327 : i32
      %dma_start3A_329 = arith.constant 0 : i32
      %dma_start3A_330 = tpu.memref_slice %arg11[%add3A_328, %dma_start3A_329] : memref<512x32xf32, #tpu.memory_space<vmem>> -> memref<128x32xf32, #tpu.memory_space<vmem>>
      %dma_start3A_331 = arith.constant 0 : i32
      %dma_start3A_332 = tpu.memref_slice %arg10[%rem3A_326, %dma_start3A_331] : memref<8x128xi32, #tpu.memory_space<vmem>> -> memref<1x128xi32, #tpu.memory_space<vmem>>
      %dma_start3A_333 = tpu.memref_squeeze %dma_start3A_332 : memref<1x128xi32, #tpu.memory_space<vmem>> -> memref<128xi32, #tpu.memory_space<vmem>>
      %dma_start3A_334 = arith.constant 0 : i32
      %dma_start3A_335 = arith.constant 0 : i32
      %dma_start3A_336 = tpu.memref_slice %arg7[%dma_start3A_334, %dma_start3A_335] : memref<51200x32xf32, #tpu.memory_space<vmem_shared>> -> memref<51200x32xf32, #tpu.memory_space<vmem_shared>>
      tpu.enqueue_indirect_dma source(%dma_start3A_330 : memref<128x32xf32, #tpu.memory_space<vmem>>) target(%dma_start3A_336 : memref<51200x32xf32, #tpu.memory_space<vmem_shared>>) offsets(%dma_start3A_333 : memref<128xi32, #tpu.memory_space<vmem>>) semaphore(%arg15 : memref<!tpu.dma_semaphore, #tpu.memory_space<semaphore_mem>>) {add = true}
    }
    %scan3A_189 = arith.constant 200 : i32
    %dma_wait3A_190 = arith.constant 0 : i32
    %dma_wait3A_191 = arith.constant 0 : i32
    %dma_wait3A_192 = tpu.memref_slice %arg11[%dma_wait3A_190, %dma_wait3A_191] : memref<512x32xf32, #tpu.memory_space<vmem>> -> memref<256x32xf32, #tpu.memory_space<vmem>>
    %dma_wait3A_193 = arith.constant 0 : i32
    %dma_wait3A_194 = arith.constant 0 : i32
    %dma_wait3A_195 = tpu.memref_slice %arg4[%dma_wait3A_193, %dma_wait3A_194] : memref<102400x32xf32, #tpu.memory_space<hbm>> -> memref<256x32xf32, #tpu.memory_space<hbm>>
    %dma_wait3A_196 = arith.constant 0 : i32
    %dma_wait3A_197 = arith.constant 0 : i32
    %dma_wait3A_198 = tpu.memref_slice %arg11[%dma_wait3A_196, %dma_wait3A_197] : memref<512x32xf32, #tpu.memory_space<vmem>> -> memref<256x32xf32, #tpu.memory_space<vmem>>
    %dma_wait3A_199 = arith.constant 0 : i32
    %dma_wait3A_200 = arith.constant 0 : i32
    %dma_wait3A_201 = tpu.memref_slice %arg4[%dma_wait3A_199, %dma_wait3A_200] : memref<102400x32xf32, #tpu.memory_space<hbm>> -> memref<256x32xf32, #tpu.memory_space<hbm>>
    tpu.wait_dma2 semaphore(%arg15 : memref<!tpu.dma_semaphore, #tpu.memory_space<semaphore_mem>>) src(%dma_wait3A_201 : memref<256x32xf32, #tpu.memory_space<hbm>>) dst(%dma_wait3A_198 : memref<256x32xf32, #tpu.memory_space<vmem>>)
    %barrier3A_202 = arith.constant 0 : index
    tpu.barrier barrier_id(%barrier3A_202)
    %scan3A_203 = arith.constant 0 : i32
    %scan3A_204 = arith.constant 0 : i32
    %scan3A_205 = arith.constant 128 : i32
    %scan3A_206 = arith.addi %scan3A_204, %scan3A_205 : i32
    %scan3A_207 = arith.constant 1 : i32
    scf.for %scan3A_276 = %scan3A_204 to %scan3A_206 step %scan3A_207  : i32 {
      %broadcast_in_dim3A_277 = arith.constant 0.000000e+00 : f32
      %broadcast_in_dim3A_278 = vector.broadcast %broadcast_in_dim3A_277 : f32 to vector<16xf32>
      %add3A_279 = arith.constant 256 : i32
      %add3A_280 = arith.addi %add3A_279, %scan3A_276 : i32
      %swap3A_281 = arith.index_cast %add3A_280 : i32 to index
      %swap3A_282 = arith.constant 0 : index
      %swap3A_283 = tpu.vector_load %arg11[%swap3A_281, %swap3A_282] {strides = array<i32>} : memref<512x32xf32, #tpu.memory_space<vmem>>, vector<1x16xf32>,
      %swap3A_284 = vector.shape_cast %swap3A_283 : vector<1x16xf32> to vector<16xf32>
      %swap3A_285 = vector.shape_cast %broadcast_in_dim3A_278 : vector<16xf32> to vector<1x16xf32>
      tpu.vector_store %arg11[%swap3A_281, %swap3A_282], %swap3A_285 {strides = array<i32>} : memref<512x32xf32, #tpu.memory_space<vmem>>, vector<1x16xf32>,
      %broadcast_in_dim3A_286 = arith.constant 0.000000e+00 : f32
      %broadcast_in_dim3A_287 = vector.broadcast %broadcast_in_dim3A_286 : f32 to vector<16xf32>
      %add3A_288 = arith.constant 256 : i32
      %add3A_289 = arith.addi %add3A_288, %scan3A_276 : i32
      %swap3A_290 = arith.index_cast %add3A_289 : i32 to index
      %swap3A_291 = arith.constant 16 : index
      %swap3A_292 = tpu.vector_load %arg11[%swap3A_290, %swap3A_291] {strides = array<i32>} : memref<512x32xf32, #tpu.memory_space<vmem>>, vector<1x16xf32>,
      %swap3A_293 = vector.shape_cast %swap3A_292 : vector<1x16xf32> to vector<16xf32>
      %swap3A_294 = vector.shape_cast %broadcast_in_dim3A_287 : vector<16xf32> to vector<1x16xf32>
      tpu.vector_store %arg11[%swap3A_290, %swap3A_291], %swap3A_294 {strides = array<i32>} : memref<512x32xf32, #tpu.memory_space<vmem>>, vector<1x16xf32>,
    }
    %scan3A_208 = arith.constant 128 : i32
    %scan3A_209 = arith.constant 0 : i32
    %scan3A_210 = arith.constant 0 : i32
    %scan3A_211 = arith.constant 25 : i32
    %scan3A_212 = arith.addi %scan3A_210, %scan3A_211 : i32
    %scan3A_213 = arith.constant 1 : i32
    scf.for %scan3A_276 = %scan3A_210 to %scan3A_212 step %scan3A_213  : i32 {
      %mul3A_277 = arith.constant 128 : i32
      %mul3A_278 = arith.muli %scan3A_276, %mul3A_277 : i32
      %add3A_279 = arith.addi %add3A, %mul3A_278 : i32
      %mul3A_280 = arith.constant 128 : i32
      %mul3A_281 = arith.muli %scan3A_276, %mul3A_280 : i32
      %add3A_282 = arith.addi %mul3A_0, %mul3A_281 : i32
      "tpu.region"() ({
        %run_scoped3A = tpu.sem_alloc : memref<!tpu.dma_semaphore, #tpu.memory_space<semaphore_mem>>
        %dma_start3A_289 = arith.constant 0 : i32
        %dma_start3A_290 = arith.constant 0 : i32
        %dma_start3A_291 = tpu.memref_slice %arg11[%dma_start3A_289, %dma_start3A_290] : memref<512x32xf32, #tpu.memory_space<vmem>> -> memref<128x32xf32, #tpu.memory_space<vmem>>
        %dma_start3A_292 = arith.constant 0 : i32
        %dma_start3A_293 = tpu.memref_slice %arg7[%add3A_282, %dma_start3A_292] : memref<51200x32xf32, #tpu.memory_space<vmem_shared>> -> memref<128x32xf32, #tpu.memory_space<vmem_shared>>
        %dma_start3A_294 = arith.constant 0 : i32
        %dma_start3A_295 = arith.constant 0 : i32
        %dma_start3A_296 = tpu.memref_slice %arg11[%dma_start3A_294, %dma_start3A_295] : memref<512x32xf32, #tpu.memory_space<vmem>> -> memref<128x32xf32, #tpu.memory_space<vmem>>
        %dma_start3A_297 = arith.constant 0 : i32
        %dma_start3A_298 = tpu.memref_slice %arg7[%add3A_282, %dma_start3A_297] : memref<51200x32xf32, #tpu.memory_space<vmem_shared>> -> memref<128x32xf32, #tpu.memory_space<vmem_shared>>
        tpu.enqueue_dma source(%dma_start3A_298 : memref<128x32xf32, #tpu.memory_space<vmem_shared>>) target(%dma_start3A_296 : memref<128x32xf32, #tpu.memory_space<vmem>>) target_semaphore(%run_scoped3A : memref<!tpu.dma_semaphore, #tpu.memory_space<semaphore_mem>>)
        %dma_wait3A_299 = arith.constant 0 : i32
        %dma_wait3A_300 = arith.constant 0 : i32
        %dma_wait3A_301 = tpu.memref_slice %arg11[%dma_wait3A_299, %dma_wait3A_300] : memref<512x32xf32, #tpu.memory_space<vmem>> -> memref<128x32xf32, #tpu.memory_space<vmem>>
        %dma_wait3A_302 = arith.constant 0 : i32
        %dma_wait3A_303 = tpu.memref_slice %arg7[%add3A_282, %dma_wait3A_302] : memref<51200x32xf32, #tpu.memory_space<vmem_shared>> -> memref<128x32xf32, #tpu.memory_space<vmem_shared>>
        %dma_wait3A_304 = arith.constant 0 : i32
        %dma_wait3A_305 = arith.constant 0 : i32
        %dma_wait3A_306 = tpu.memref_slice %arg11[%dma_wait3A_304, %dma_wait3A_305] : memref<512x32xf32, #tpu.memory_space<vmem>> -> memref<128x32xf32, #tpu.memory_space<vmem>>
        %dma_wait3A_307 = arith.constant 0 : i32
        %dma_wait3A_308 = tpu.memref_slice %arg7[%add3A_282, %dma_wait3A_307] : memref<51200x32xf32, #tpu.memory_space<vmem_shared>> -> memref<128x32xf32, #tpu.memory_space<vmem_shared>>
        tpu.wait_dma2 semaphore(%run_scoped3A : memref<!tpu.dma_semaphore, #tpu.memory_space<semaphore_mem>>) src(%dma_wait3A_308 : memref<128x32xf32, #tpu.memory_space<vmem_shared>>) dst(%dma_wait3A_306 : memref<128x32xf32, #tpu.memory_space<vmem>>)
        tpu.yield
      }) : () -> ()
      "tpu.region"() ({
        %run_scoped3A = tpu.sem_alloc : memref<!tpu.dma_semaphore, #tpu.memory_space<semaphore_mem>>
        %dma_start3A_289 = arith.constant 128 : i32
        %dma_start3A_290 = arith.constant 0 : i32
        %dma_start3A_291 = tpu.memref_slice %arg11[%dma_start3A_289, %dma_start3A_290] : memref<512x32xf32, #tpu.memory_space<vmem>> -> memref<128x32xf32, #tpu.memory_space<vmem>>
        %dma_start3A_292 = arith.constant 0 : i32
        %dma_start3A_293 = tpu.memref_slice %arg5[%add3A_279, %dma_start3A_292] : memref<102400x32xf32, #tpu.memory_space<hbm>> -> memref<128x32xf32, #tpu.memory_space<hbm>>
        %dma_start3A_294 = arith.constant 128 : i32
        %dma_start3A_295 = arith.constant 0 : i32
        %dma_start3A_296 = tpu.memref_slice %arg11[%dma_start3A_294, %dma_start3A_295] : memref<512x32xf32, #tpu.memory_space<vmem>> -> memref<128x32xf32, #tpu.memory_space<vmem>>
        %dma_start3A_297 = arith.constant 0 : i32
        %dma_start3A_298 = tpu.memref_slice %arg5[%add3A_279, %dma_start3A_297] : memref<102400x32xf32, #tpu.memory_space<hbm>> -> memref<128x32xf32, #tpu.memory_space<hbm>>
        tpu.enqueue_dma source(%dma_start3A_298 : memref<128x32xf32, #tpu.memory_space<hbm>>) target(%dma_start3A_296 : memref<128x32xf32, #tpu.memory_space<vmem>>) target_semaphore(%run_scoped3A : memref<!tpu.dma_semaphore, #tpu.memory_space<semaphore_mem>>)
        %dma_wait3A_299 = arith.constant 128 : i32
        %dma_wait3A_300 = arith.constant 0 : i32
        %dma_wait3A_301 = tpu.memref_slice %arg11[%dma_wait3A_299, %dma_wait3A_300] : memref<512x32xf32, #tpu.memory_space<vmem>> -> memref<128x32xf32, #tpu.memory_space<vmem>>
        %dma_wait3A_302 = arith.constant 0 : i32
        %dma_wait3A_303 = tpu.memref_slice %arg5[%add3A_279, %dma_wait3A_302] : memref<102400x32xf32, #tpu.memory_space<hbm>> -> memref<128x32xf32, #tpu.memory_space<hbm>>
        %dma_wait3A_304 = arith.constant 128 : i32
        %dma_wait3A_305 = arith.constant 0 : i32
        %dma_wait3A_306 = tpu.memref_slice %arg11[%dma_wait3A_304, %dma_wait3A_305] : memref<512x32xf32, #tpu.memory_space<vmem>> -> memref<128x32xf32, #tpu.memory_space<vmem>>
        %dma_wait3A_307 = arith.constant 0 : i32
        %dma_wait3A_308 = tpu.memref_slice %arg5[%add3A_279, %dma_wait3A_307] : memref<102400x32xf32, #tpu.memory_space<hbm>> -> memref<128x32xf32, #tpu.memory_space<hbm>>
        tpu.wait_dma2 semaphore(%run_scoped3A : memref<!tpu.dma_semaphore, #tpu.memory_space<semaphore_mem>>) src(%dma_wait3A_308 : memref<128x32xf32, #tpu.memory_space<hbm>>) dst(%dma_wait3A_306 : memref<128x32xf32, #tpu.memory_space<vmem>>)
        tpu.yield
      }) : () -> ()
      %scan3A_283 = arith.constant 0 : i32
      %scan3A_284 = arith.constant 0 : i32
      %scan3A_285 = arith.constant 8 : i32
      %scan3A_286 = arith.addi %scan3A_284, %scan3A_285 : i32
      %scan3A_287 = arith.constant 1 : i32
      scf.for %scan3A_289 = %scan3A_284 to %scan3A_286 step %scan3A_287  : i32 {
        %mul3A_290 = arith.constant 16 : i32
        %mul3A_291 = arith.muli %scan3A_289, %mul3A_290 : i32
        %mul3A_292 = arith.constant 128 : i32
        %mul3A_293 = arith.muli %scan3A_276, %mul3A_292 : i32
        %add3A_294 = arith.addi %mul3A_293, %mul3A_291 : i32
        %get3A = arith.index_cast %add3A_294 : i32 to index
        %get3A_295 = tpu.vector_load %arg13[%get3A] {strides = array<i32>} : memref<3200xf32, #tpu.memory_space<vmem>>, vector<16xf32>,
        %get3A_296 = vector.shape_cast %get3A_295 : vector<16xf32> to vector<16xf32>
        %add3A_297 = arith.constant 0 : i32
        %add3A_298 = arith.addi %mul3A_291, %add3A_297 : i32
        %slice3A = vector.extract_strided_slice %get3A_296 {offsets = [0], sizes = [1], strides = [1]} : vector<16xf32> to vector<1xf32>
        %squeeze3A = vector.extract %slice3A[0] : f32 from vector<1xf32>
        %add3A_299 = arith.constant 0 : i32
        %add3A_300 = arith.addi %add3A_299, %add3A_298 : i32
        %get3A_301 = arith.index_cast %add3A_300 : i32 to index
        %get3A_302 = arith.constant 0 : index
        %get3A_303 = tpu.vector_load %arg11[%get3A_301, %get3A_302] {strides = array<i32>} : memref<512x32xf32, #tpu.memory_space<vmem>>, vector<1x16xf32>,
        %get3A_304 = vector.shape_cast %get3A_303 : vector<1x16xf32> to vector<16xf32>
        %mul3A_305 = vector.broadcast %squeeze3A : f32 to vector<16xf32>
        %mul3A_306 = arith.mulf %get3A_304, %mul3A_305 : vector<16xf32>
        %add3A_307 = arith.constant 0 : i32
        %add3A_308 = arith.addi %add3A_307, %add3A_298 : i32
        %swap3A_309 = arith.index_cast %add3A_308 : i32 to index
        %swap3A_310 = arith.constant 0 : index
        %swap3A_311 = tpu.vector_load %arg11[%swap3A_309, %swap3A_310] {strides = array<i32>} : memref<512x32xf32, #tpu.memory_space<vmem>>, vector<1x16xf32>,
        %swap3A_312 = vector.shape_cast %swap3A_311 : vector<1x16xf32> to vector<16xf32>
        %swap3A_313 = vector.shape_cast %mul3A_306 : vector<16xf32> to vector<1x16xf32>
        tpu.vector_store %arg11[%swap3A_309, %swap3A_310], %swap3A_313 {strides = array<i32>} : memref<512x32xf32, #tpu.memory_space<vmem>>, vector<1x16xf32>,
        %add3A_314 = arith.constant 128 : i32
        %add3A_315 = arith.addi %add3A_314, %add3A_298 : i32
        %get3A_316 = arith.index_cast %add3A_315 : i32 to index
        %get3A_317 = arith.constant 0 : index
        %get3A_318 = tpu.vector_load %arg11[%get3A_316, %get3A_317] {strides = array<i32>} : memref<512x32xf32, #tpu.memory_space<vmem>>, vector<1x16xf32>,
        %get3A_319 = vector.shape_cast %get3A_318 : vector<1x16xf32> to vector<16xf32>
        %add3A_320 = arith.addf %get3A_319, %mul3A_306 : vector<16xf32>
        %add3A_321 = arith.constant 128 : i32
        %add3A_322 = arith.addi %add3A_321, %add3A_298 : i32
        %swap3A_323 = arith.index_cast %add3A_322 : i32 to index
        %swap3A_324 = arith.constant 0 : index
        %swap3A_325 = tpu.vector_load %arg11[%swap3A_323, %swap3A_324] {strides = array<i32>} : memref<512x32xf32, #tpu.memory_space<vmem>>, vector<1x16xf32>,
        %swap3A_326 = vector.shape_cast %swap3A_325 : vector<1x16xf32> to vector<16xf32>
        %swap3A_327 = vector.shape_cast %add3A_320 : vector<16xf32> to vector<1x16xf32>
        tpu.vector_store %arg11[%swap3A_323, %swap3A_324], %swap3A_327 {strides = array<i32>} : memref<512x32xf32, #tpu.memory_space<vmem>>, vector<1x16xf32>,
        %add3A_328 = arith.constant 0 : i32
        %add3A_329 = arith.addi %add3A_328, %add3A_298 : i32
        %get3A_330 = arith.index_cast %add3A_329 : i32 to index
        %get3A_331 = arith.constant 16 : index
        %get3A_332 = tpu.vector_load %arg11[%get3A_330, %get3A_331] {strides = array<i32>} : memref<512x32xf32, #tpu.memory_space<vmem>>, vector<1x16xf32>,
        %get3A_333 = vector.shape_cast %get3A_332 : vector<1x16xf32> to vector<16xf32>
        %mul3A_334 = vector.broadcast %squeeze3A : f32 to vector<16xf32>
        %mul3A_335 = arith.mulf %get3A_333, %mul3A_334 : vector<16xf32>
        %add3A_336 = arith.constant 0 : i32
        %add3A_337 = arith.addi %add3A_336, %add3A_298 : i32
        %swap3A_338 = arith.index_cast %add3A_337 : i32 to index
        %swap3A_339 = arith.constant 16 : index
        %swap3A_340 = tpu.vector_load %arg11[%swap3A_338, %swap3A_339] {strides = array<i32>} : memref<512x32xf32, #tpu.memory_space<vmem>>, vector<1x16xf32>,
        %swap3A_341 = vector.shape_cast %swap3A_340 : vector<1x16xf32> to vector<16xf32>
        %swap3A_342 = vector.shape_cast %mul3A_335 : vector<16xf32> to vector<1x16xf32>
        tpu.vector_store %arg11[%swap3A_338, %swap3A_339], %swap3A_342 {strides = array<i32>} : memref<512x32xf32, #tpu.memory_space<vmem>>, vector<1x16xf32>,
        %add3A_343 = arith.constant 128 : i32
        %add3A_344 = arith.addi %add3A_343, %add3A_298 : i32
        %get3A_345 = arith.index_cast %add3A_344 : i32 to index
        %get3A_346 = arith.constant 16 : index
        %get3A_347 = tpu.vector_load %arg11[%get3A_345, %get3A_346] {strides = array<i32>} : memref<512x32xf32, #tpu.memory_space<vmem>>, vector<1x16xf32>,
        %get3A_348 = vector.shape_cast %get3A_347 : vector<1x16xf32> to vector<16xf32>
        %add3A_349 = arith.addf %get3A_348, %mul3A_335 : vector<16xf32>
        %add3A_350 = arith.constant 128 : i32
        %add3A_351 = arith.addi %add3A_350, %add3A_298 : i32
        %swap3A_352 = arith.index_cast %add3A_351 : i32 to index
        %swap3A_353 = arith.constant 16 : index
        %swap3A_354 = tpu.vector_load %arg11[%swap3A_352, %swap3A_353] {strides = array<i32>} : memref<512x32xf32, #tpu.memory_space<vmem>>, vector<1x16xf32>,
        %swap3A_355 = vector.shape_cast %swap3A_354 : vector<1x16xf32> to vector<16xf32>
        %swap3A_356 = vector.shape_cast %add3A_349 : vector<16xf32> to vector<1x16xf32>
        tpu.vector_store %arg11[%swap3A_352, %swap3A_353], %swap3A_356 {strides = array<i32>} : memref<512x32xf32, #tpu.memory_space<vmem>>, vector<1x16xf32>,
        %add3A_357 = arith.constant 1 : i32
        %add3A_358 = arith.addi %mul3A_291, %add3A_357 : i32
        %slice3A_359 = vector.extract_strided_slice %get3A_296 {offsets = [1], sizes = [1], strides = [1]} : vector<16xf32> to vector<1xf32>
        %squeeze3A_360 = vector.extract %slice3A_359[0] : f32 from vector<1xf32>
        %add3A_361 = arith.constant 0 : i32
        %add3A_362 = arith.addi %add3A_361, %add3A_358 : i32
        %get3A_363 = arith.index_cast %add3A_362 : i32 to index
        %get3A_364 = arith.constant 0 : index
        %get3A_365 = tpu.vector_load %arg11[%get3A_363, %get3A_364] {strides = array<i32>} : memref<512x32xf32, #tpu.memory_space<vmem>>, vector<1x16xf32>,
        %get3A_366 = vector.shape_cast %get3A_365 : vector<1x16xf32> to vector<16xf32>
        %mul3A_367 = vector.broadcast %squeeze3A_360 : f32 to vector<16xf32>
        %mul3A_368 = arith.mulf %get3A_366, %mul3A_367 : vector<16xf32>
        %add3A_369 = arith.constant 0 : i32
        %add3A_370 = arith.addi %add3A_369, %add3A_358 : i32
        %swap3A_371 = arith.index_cast %add3A_370 : i32 to index
        %swap3A_372 = arith.constant 0 : index
        %swap3A_373 = tpu.vector_load %arg11[%swap3A_371, %swap3A_372] {strides = array<i32>} : memref<512x32xf32, #tpu.memory_space<vmem>>, vector<1x16xf32>,
        %swap3A_374 = vector.shape_cast %swap3A_373 : vector<1x16xf32> to vector<16xf32>
        %swap3A_375 = vector.shape_cast %mul3A_368 : vector<16xf32> to vector<1x16xf32>
        tpu.vector_store %arg11[%swap3A_371, %swap3A_372], %swap3A_375 {strides = array<i32>} : memref<512x32xf32, #tpu.memory_space<vmem>>, vector<1x16xf32>,
        %add3A_376 = arith.constant 128 : i32
        %add3A_377 = arith.addi %add3A_376, %add3A_358 : i32
        %get3A_378 = arith.index_cast %add3A_377 : i32 to index
        %get3A_379 = arith.constant 0 : index
        %get3A_380 = tpu.vector_load %arg11[%get3A_378, %get3A_379] {strides = array<i32>} : memref<512x32xf32, #tpu.memory_space<vmem>>, vector<1x16xf32>,
        %get3A_381 = vector.shape_cast %get3A_380 : vector<1x16xf32> to vector<16xf32>
        %add3A_382 = arith.addf %get3A_381, %mul3A_368 : vector<16xf32>
        %add3A_383 = arith.constant 128 : i32
        %add3A_384 = arith.addi %add3A_383, %add3A_358 : i32
        %swap3A_385 = arith.index_cast %add3A_384 : i32 to index
        %swap3A_386 = arith.constant 0 : index
        %swap3A_387 = tpu.vector_load %arg11[%swap3A_385, %swap3A_386] {strides = array<i32>} : memref<512x32xf32, #tpu.memory_space<vmem>>, vector<1x16xf32>,
        %swap3A_388 = vector.shape_cast %swap3A_387 : vector<1x16xf32> to vector<16xf32>
        %swap3A_389 = vector.shape_cast %add3A_382 : vector<16xf32> to vector<1x16xf32>
        tpu.vector_store %arg11[%swap3A_385, %swap3A_386], %swap3A_389 {strides = array<i32>} : memref<512x32xf32, #tpu.memory_space<vmem>>, vector<1x16xf32>,
        %add3A_390 = arith.constant 0 : i32
        %add3A_391 = arith.addi %add3A_390, %add3A_358 : i32
        %get3A_392 = arith.index_cast %add3A_391 : i32 to index
        %get3A_393 = arith.constant 16 : index
        %get3A_394 = tpu.vector_load %arg11[%get3A_392, %get3A_393] {strides = array<i32>} : memref<512x32xf32, #tpu.memory_space<vmem>>, vector<1x16xf32>,
        %get3A_395 = vector.shape_cast %get3A_394 : vector<1x16xf32> to vector<16xf32>
        %mul3A_396 = vector.broadcast %squeeze3A_360 : f32 to vector<16xf32>
        %mul3A_397 = arith.mulf %get3A_395, %mul3A_396 : vector<16xf32>
        %add3A_398 = arith.constant 0 : i32
        %add3A_399 = arith.addi %add3A_398, %add3A_358 : i32
        %swap3A_400 = arith.index_cast %add3A_399 : i32 to index
        %swap3A_401 = arith.constant 16 : index
        %swap3A_402 = tpu.vector_load %arg11[%swap3A_400, %swap3A_401] {strides = array<i32>} : memref<512x32xf32, #tpu.memory_space<vmem>>, vector<1x16xf32>,
        %swap3A_403 = vector.shape_cast %swap3A_402 : vector<1x16xf32> to vector<16xf32>
        %swap3A_404 = vector.shape_cast %mul3A_397 : vector<16xf32> to vector<1x16xf32>
        tpu.vector_store %arg11[%swap3A_400, %swap3A_401], %swap3A_404 {strides = array<i32>} : memref<512x32xf32, #tpu.memory_space<vmem>>, vector<1x16xf32>,
        %add3A_405 = arith.constant 128 : i32
        %add3A_406 = arith.addi %add3A_405, %add3A_358 : i32
        %get3A_407 = arith.index_cast %add3A_406 : i32 to index
        %get3A_408 = arith.constant 16 : index
        %get3A_409 = tpu.vector_load %arg11[%get3A_407, %get3A_408] {strides = array<i32>} : memref<512x32xf32, #tpu.memory_space<vmem>>, vector<1x16xf32>,
        %get3A_410 = vector.shape_cast %get3A_409 : vector<1x16xf32> to vector<16xf32>
        %add3A_411 = arith.addf %get3A_410, %mul3A_397 : vector<16xf32>
        %add3A_412 = arith.constant 128 : i32
        %add3A_413 = arith.addi %add3A_412, %add3A_358 : i32
        %swap3A_414 = arith.index_cast %add3A_413 : i32 to index
        %swap3A_415 = arith.constant 16 : index
        %swap3A_416 = tpu.vector_load %arg11[%swap3A_414, %swap3A_415] {strides = array<i32>} : memref<512x32xf32, #tpu.memory_space<vmem>>, vector<1x16xf32>,
        %swap3A_417 = vector.shape_cast %swap3A_416 : vector<1x16xf32> to vector<16xf32>
        %swap3A_418 = vector.shape_cast %add3A_411 : vector<16xf32> to vector<1x16xf32>
        tpu.vector_store %arg11[%swap3A_414, %swap3A_415], %swap3A_418 {strides = array<i32>} : memref<512x32xf32, #tpu.memory_space<vmem>>, vector<1x16xf32>,
        %add3A_419 = arith.constant 2 : i32
        %add3A_420 = arith.addi %mul3A_291, %add3A_419 : i32
        %slice3A_421 = vector.extract_strided_slice %get3A_296 {offsets = [2], sizes = [1], strides = [1]} : vector<16xf32> to vector<1xf32>
        %squeeze3A_422 = vector.extract %slice3A_421[0] : f32 from vector<1xf32>
        %add3A_423 = arith.constant 0 : i32
        %add3A_424 = arith.addi %add3A_423, %add3A_420 : i32
        %get3A_425 = arith.index_cast %add3A_424 : i32 to index
        %get3A_426 = arith.constant 0 : index
        %get3A_427 = tpu.vector_load %arg11[%get3A_425, %get3A_426] {strides = array<i32>} : memref<512x32xf32, #tpu.memory_space<vmem>>, vector<1x16xf32>,
        %get3A_428 = vector.shape_cast %get3A_427 : vector<1x16xf32> to vector<16xf32>
        %mul3A_429 = vector.broadcast %squeeze3A_422 : f32 to vector<16xf32>
        %mul3A_430 = arith.mulf %get3A_428, %mul3A_429 : vector<16xf32>
        %add3A_431 = arith.constant 0 : i32
        %add3A_432 = arith.addi %add3A_431, %add3A_420 : i32
        %swap3A_433 = arith.index_cast %add3A_432 : i32 to index
        %swap3A_434 = arith.constant 0 : index
        %swap3A_435 = tpu.vector_load %arg11[%swap3A_433, %swap3A_434] {strides = array<i32>} : memref<512x32xf32, #tpu.memory_space<vmem>>, vector<1x16xf32>,
        %swap3A_436 = vector.shape_cast %swap3A_435 : vector<1x16xf32> to vector<16xf32>
        %swap3A_437 = vector.shape_cast %mul3A_430 : vector<16xf32> to vector<1x16xf32>
        tpu.vector_store %arg11[%swap3A_433, %swap3A_434], %swap3A_437 {strides = array<i32>} : memref<512x32xf32, #tpu.memory_space<vmem>>, vector<1x16xf32>,
        %add3A_438 = arith.constant 128 : i32
        %add3A_439 = arith.addi %add3A_438, %add3A_420 : i32
        %get3A_440 = arith.index_cast %add3A_439 : i32 to index
        %get3A_441 = arith.constant 0 : index
        %get3A_442 = tpu.vector_load %arg11[%get3A_440, %get3A_441] {strides = array<i32>} : memref<512x32xf32, #tpu.memory_space<vmem>>, vector<1x16xf32>,
        %get3A_443 = vector.shape_cast %get3A_442 : vector<1x16xf32> to vector<16xf32>
        %add3A_444 = arith.addf %get3A_443, %mul3A_430 : vector<16xf32>
        %add3A_445 = arith.constant 128 : i32
        %add3A_446 = arith.addi %add3A_445, %add3A_420 : i32
        %swap3A_447 = arith.index_cast %add3A_446 : i32 to index
        %swap3A_448 = arith.constant 0 : index
        %swap3A_449 = tpu.vector_load %arg11[%swap3A_447, %swap3A_448] {strides = array<i32>} : memref<512x32xf32, #tpu.memory_space<vmem>>, vector<1x16xf32>,
        %swap3A_450 = vector.shape_cast %swap3A_449 : vector<1x16xf32> to vector<16xf32>
        %swap3A_451 = vector.shape_cast %add3A_444 : vector<16xf32> to vector<1x16xf32>
        tpu.vector_store %arg11[%swap3A_447, %swap3A_448], %swap3A_451 {strides = array<i32>} : memref<512x32xf32, #tpu.memory_space<vmem>>, vector<1x16xf32>,
        %add3A_452 = arith.constant 0 : i32
        %add3A_453 = arith.addi %add3A_452, %add3A_420 : i32
        %get3A_454 = arith.index_cast %add3A_453 : i32 to index
        %get3A_455 = arith.constant 16 : index
        %get3A_456 = tpu.vector_load %arg11[%get3A_454, %get3A_455] {strides = array<i32>} : memref<512x32xf32, #tpu.memory_space<vmem>>, vector<1x16xf32>,
        %get3A_457 = vector.shape_cast %get3A_456 : vector<1x16xf32> to vector<16xf32>
        %mul3A_458 = vector.broadcast %squeeze3A_422 : f32 to vector<16xf32>
        %mul3A_459 = arith.mulf %get3A_457, %mul3A_458 : vector<16xf32>
        %add3A_460 = arith.constant 0 : i32
        %add3A_461 = arith.addi %add3A_460, %add3A_420 : i32
        %swap3A_462 = arith.index_cast %add3A_461 : i32 to index
        %swap3A_463 = arith.constant 16 : index
        %swap3A_464 = tpu.vector_load %arg11[%swap3A_462, %swap3A_463] {strides = array<i32>} : memref<512x32xf32, #tpu.memory_space<vmem>>, vector<1x16xf32>,
        %swap3A_465 = vector.shape_cast %swap3A_464 : vector<1x16xf32> to vector<16xf32>
        %swap3A_466 = vector.shape_cast %mul3A_459 : vector<16xf32> to vector<1x16xf32>
        tpu.vector_store %arg11[%swap3A_462, %swap3A_463], %swap3A_466 {strides = array<i32>} : memref<512x32xf32, #tpu.memory_space<vmem>>, vector<1x16xf32>,
        %add3A_467 = arith.constant 128 : i32
        %add3A_468 = arith.addi %add3A_467, %add3A_420 : i32
        %get3A_469 = arith.index_cast %add3A_468 : i32 to index
        %get3A_470 = arith.constant 16 : index
        %get3A_471 = tpu.vector_load %arg11[%get3A_469, %get3A_470] {strides = array<i32>} : memref<512x32xf32, #tpu.memory_space<vmem>>, vector<1x16xf32>,
        %get3A_472 = vector.shape_cast %get3A_471 : vector<1x16xf32> to vector<16xf32>
        %add3A_473 = arith.addf %get3A_472, %mul3A_459 : vector<16xf32>
        %add3A_474 = arith.constant 128 : i32
        %add3A_475 = arith.addi %add3A_474, %add3A_420 : i32
        %swap3A_476 = arith.index_cast %add3A_475 : i32 to index
        %swap3A_477 = arith.constant 16 : index
        %swap3A_478 = tpu.vector_load %arg11[%swap3A_476, %swap3A_477] {strides = array<i32>} : memref<512x32xf32, #tpu.memory_space<vmem>>, vector<1x16xf32>,
        %swap3A_479 = vector.shape_cast %swap3A_478 : vector<1x16xf32> to vector<16xf32>
        %swap3A_480 = vector.shape_cast %add3A_473 : vector<16xf32> to vector<1x16xf32>
        tpu.vector_store %arg11[%swap3A_476, %swap3A_477], %swap3A_480 {strides = array<i32>} : memref<512x32xf32, #tpu.memory_space<vmem>>, vector<1x16xf32>,
        %add3A_481 = arith.constant 3 : i32
        %add3A_482 = arith.addi %mul3A_291, %add3A_481 : i32
        %slice3A_483 = vector.extract_strided_slice %get3A_296 {offsets = [3], sizes = [1], strides = [1]} : vector<16xf32> to vector<1xf32>
        %squeeze3A_484 = vector.extract %slice3A_483[0] : f32 from vector<1xf32>
        %add3A_485 = arith.constant 0 : i32
        %add3A_486 = arith.addi %add3A_485, %add3A_482 : i32
        %get3A_487 = arith.index_cast %add3A_486 : i32 to index
        %get3A_488 = arith.constant 0 : index
        %get3A_489 = tpu.vector_load %arg11[%get3A_487, %get3A_488] {strides = array<i32>} : memref<512x32xf32, #tpu.memory_space<vmem>>, vector<1x16xf32>,
        %get3A_490 = vector.shape_cast %get3A_489 : vector<1x16xf32> to vector<16xf32>
        %mul3A_491 = vector.broadcast %squeeze3A_484 : f32 to vector<16xf32>
        %mul3A_492 = arith.mulf %get3A_490, %mul3A_491 : vector<16xf32>
        %add3A_493 = arith.constant 0 : i32
        %add3A_494 = arith.addi %add3A_493, %add3A_482 : i32
        %swap3A_495 = arith.index_cast %add3A_494 : i32 to index
        %swap3A_496 = arith.constant 0 : index
        %swap3A_497 = tpu.vector_load %arg11[%swap3A_495, %swap3A_496] {strides = array<i32>} : memref<512x32xf32, #tpu.memory_space<vmem>>, vector<1x16xf32>,
        %swap3A_498 = vector.shape_cast %swap3A_497 : vector<1x16xf32> to vector<16xf32>
        %swap3A_499 = vector.shape_cast %mul3A_492 : vector<16xf32> to vector<1x16xf32>
        tpu.vector_store %arg11[%swap3A_495, %swap3A_496], %swap3A_499 {strides = array<i32>} : memref<512x32xf32, #tpu.memory_space<vmem>>, vector<1x16xf32>,
        %add3A_500 = arith.constant 128 : i32
        %add3A_501 = arith.addi %add3A_500, %add3A_482 : i32
        %get3A_502 = arith.index_cast %add3A_501 : i32 to index
        %get3A_503 = arith.constant 0 : index
        %get3A_504 = tpu.vector_load %arg11[%get3A_502, %get3A_503] {strides = array<i32>} : memref<512x32xf32, #tpu.memory_space<vmem>>, vector<1x16xf32>,
        %get3A_505 = vector.shape_cast %get3A_504 : vector<1x16xf32> to vector<16xf32>
        %add3A_506 = arith.addf %get3A_505, %mul3A_492 : vector<16xf32>
        %add3A_507 = arith.constant 128 : i32
        %add3A_508 = arith.addi %add3A_507, %add3A_482 : i32
        %swap3A_509 = arith.index_cast %add3A_508 : i32 to index
        %swap3A_510 = arith.constant 0 : index
        %swap3A_511 = tpu.vector_load %arg11[%swap3A_509, %swap3A_510] {strides = array<i32>} : memref<512x32xf32, #tpu.memory_space<vmem>>, vector<1x16xf32>,
        %swap3A_512 = vector.shape_cast %swap3A_511 : vector<1x16xf32> to vector<16xf32>
        %swap3A_513 = vector.shape_cast %add3A_506 : vector<16xf32> to vector<1x16xf32>
        tpu.vector_store %arg11[%swap3A_509, %swap3A_510], %swap3A_513 {strides = array<i32>} : memref<512x32xf32, #tpu.memory_space<vmem>>, vector<1x16xf32>,
        %add3A_514 = arith.constant 0 : i32
        %add3A_515 = arith.addi %add3A_514, %add3A_482 : i32
        %get3A_516 = arith.index_cast %add3A_515 : i32 to index
        %get3A_517 = arith.constant 16 : index
        %get3A_518 = tpu.vector_load %arg11[%get3A_516, %get3A_517] {strides = array<i32>} : memref<512x32xf32, #tpu.memory_space<vmem>>, vector<1x16xf32>,
        %get3A_519 = vector.shape_cast %get3A_518 : vector<1x16xf32> to vector<16xf32>
        %mul3A_520 = vector.broadcast %squeeze3A_484 : f32 to vector<16xf32>
        %mul3A_521 = arith.mulf %get3A_519, %mul3A_520 : vector<16xf32>
        %add3A_522 = arith.constant 0 : i32
        %add3A_523 = arith.addi %add3A_522, %add3A_482 : i32
        %swap3A_524 = arith.index_cast %add3A_523 : i32 to index
        %swap3A_525 = arith.constant 16 : index
        %swap3A_526 = tpu.vector_load %arg11[%swap3A_524, %swap3A_525] {strides = array<i32>} : memref<512x32xf32, #tpu.memory_space<vmem>>, vector<1x16xf32>,
        %swap3A_527 = vector.shape_cast %swap3A_526 : vector<1x16xf32> to vector<16xf32>
        %swap3A_528 = vector.shape_cast %mul3A_521 : vector<16xf32> to vector<1x16xf32>
        tpu.vector_store %arg11[%swap3A_524, %swap3A_525], %swap3A_528 {strides = array<i32>} : memref<512x32xf32, #tpu.memory_space<vmem>>, vector<1x16xf32>,
        %add3A_529 = arith.constant 128 : i32
        %add3A_530 = arith.addi %add3A_529, %add3A_482 : i32
        %get3A_531 = arith.index_cast %add3A_530 : i32 to index
        %get3A_532 = arith.constant 16 : index
        %get3A_533 = tpu.vector_load %arg11[%get3A_531, %get3A_532] {strides = array<i32>} : memref<512x32xf32, #tpu.memory_space<vmem>>, vector<1x16xf32>,
        %get3A_534 = vector.shape_cast %get3A_533 : vector<1x16xf32> to vector<16xf32>
        %add3A_535 = arith.addf %get3A_534, %mul3A_521 : vector<16xf32>
        %add3A_536 = arith.constant 128 : i32
        %add3A_537 = arith.addi %add3A_536, %add3A_482 : i32
        %swap3A_538 = arith.index_cast %add3A_537 : i32 to index
        %swap3A_539 = arith.constant 16 : index
        %swap3A_540 = tpu.vector_load %arg11[%swap3A_538, %swap3A_539] {strides = array<i32>} : memref<512x32xf32, #tpu.memory_space<vmem>>, vector<1x16xf32>,
        %swap3A_541 = vector.shape_cast %swap3A_540 : vector<1x16xf32> to vector<16xf32>
        %swap3A_542 = vector.shape_cast %add3A_535 : vector<16xf32> to vector<1x16xf32>
        tpu.vector_store %arg11[%swap3A_538, %swap3A_539], %swap3A_542 {strides = array<i32>} : memref<512x32xf32, #tpu.memory_space<vmem>>, vector<1x16xf32>,
        %add3A_543 = arith.constant 4 : i32
        %add3A_544 = arith.addi %mul3A_291, %add3A_543 : i32
        %slice3A_545 = vector.extract_strided_slice %get3A_296 {offsets = [4], sizes = [1], strides = [1]} : vector<16xf32> to vector<1xf32>
        %squeeze3A_546 = vector.extract %slice3A_545[0] : f32 from vector<1xf32>
        %add3A_547 = arith.constant 0 : i32
        %add3A_548 = arith.addi %add3A_547, %add3A_544 : i32
        %get3A_549 = arith.index_cast %add3A_548 : i32 to index
        %get3A_550 = arith.constant 0 : index
        %get3A_551 = tpu.vector_load %arg11[%get3A_549, %get3A_550] {strides = array<i32>} : memref<512x32xf32, #tpu.memory_space<vmem>>, vector<1x16xf32>,
        %get3A_552 = vector.shape_cast %get3A_551 : vector<1x16xf32> to vector<16xf32>
        %mul3A_553 = vector.broadcast %squeeze3A_546 : f32 to vector<16xf32>
        %mul3A_554 = arith.mulf %get3A_552, %mul3A_553 : vector<16xf32>
        %add3A_555 = arith.constant 0 : i32
        %add3A_556 = arith.addi %add3A_555, %add3A_544 : i32
        %swap3A_557 = arith.index_cast %add3A_556 : i32 to index
        %swap3A_558 = arith.constant 0 : index
        %swap3A_559 = tpu.vector_load %arg11[%swap3A_557, %swap3A_558] {strides = array<i32>} : memref<512x32xf32, #tpu.memory_space<vmem>>, vector<1x16xf32>,
        %swap3A_560 = vector.shape_cast %swap3A_559 : vector<1x16xf32> to vector<16xf32>
        %swap3A_561 = vector.shape_cast %mul3A_554 : vector<16xf32> to vector<1x16xf32>
        tpu.vector_store %arg11[%swap3A_557, %swap3A_558], %swap3A_561 {strides = array<i32>} : memref<512x32xf32, #tpu.memory_space<vmem>>, vector<1x16xf32>,
        %add3A_562 = arith.constant 128 : i32
        %add3A_563 = arith.addi %add3A_562, %add3A_544 : i32
        %get3A_564 = arith.index_cast %add3A_563 : i32 to index
        %get3A_565 = arith.constant 0 : index
        %get3A_566 = tpu.vector_load %arg11[%get3A_564, %get3A_565] {strides = array<i32>} : memref<512x32xf32, #tpu.memory_space<vmem>>, vector<1x16xf32>,
        %get3A_567 = vector.shape_cast %get3A_566 : vector<1x16xf32> to vector<16xf32>
        %add3A_568 = arith.addf %get3A_567, %mul3A_554 : vector<16xf32>
        %add3A_569 = arith.constant 128 : i32
        %add3A_570 = arith.addi %add3A_569, %add3A_544 : i32
        %swap3A_571 = arith.index_cast %add3A_570 : i32 to index
        %swap3A_572 = arith.constant 0 : index
        %swap3A_573 = tpu.vector_load %arg11[%swap3A_571, %swap3A_572] {strides = array<i32>} : memref<512x32xf32, #tpu.memory_space<vmem>>, vector<1x16xf32>,
        %swap3A_574 = vector.shape_cast %swap3A_573 : vector<1x16xf32> to vector<16xf32>
        %swap3A_575 = vector.shape_cast %add3A_568 : vector<16xf32> to vector<1x16xf32>
        tpu.vector_store %arg11[%swap3A_571, %swap3A_572], %swap3A_575 {strides = array<i32>} : memref<512x32xf32, #tpu.memory_space<vmem>>, vector<1x16xf32>,
        %add3A_576 = arith.constant 0 : i32
        %add3A_577 = arith.addi %add3A_576, %add3A_544 : i32
        %get3A_578 = arith.index_cast %add3A_577 : i32 to index
        %get3A_579 = arith.constant 16 : index
        %get3A_580 = tpu.vector_load %arg11[%get3A_578, %get3A_579] {strides = array<i32>} : memref<512x32xf32, #tpu.memory_space<vmem>>, vector<1x16xf32>,
        %get3A_581 = vector.shape_cast %get3A_580 : vector<1x16xf32> to vector<16xf32>
        %mul3A_582 = vector.broadcast %squeeze3A_546 : f32 to vector<16xf32>
        %mul3A_583 = arith.mulf %get3A_581, %mul3A_582 : vector<16xf32>
        %add3A_584 = arith.constant 0 : i32
        %add3A_585 = arith.addi %add3A_584, %add3A_544 : i32
        %swap3A_586 = arith.index_cast %add3A_585 : i32 to index
        %swap3A_587 = arith.constant 16 : index
        %swap3A_588 = tpu.vector_load %arg11[%swap3A_586, %swap3A_587] {strides = array<i32>} : memref<512x32xf32, #tpu.memory_space<vmem>>, vector<1x16xf32>,
        %swap3A_589 = vector.shape_cast %swap3A_588 : vector<1x16xf32> to vector<16xf32>
        %swap3A_590 = vector.shape_cast %mul3A_583 : vector<16xf32> to vector<1x16xf32>
        tpu.vector_store %arg11[%swap3A_586, %swap3A_587], %swap3A_590 {strides = array<i32>} : memref<512x32xf32, #tpu.memory_space<vmem>>, vector<1x16xf32>,
        %add3A_591 = arith.constant 128 : i32
        %add3A_592 = arith.addi %add3A_591, %add3A_544 : i32
        %get3A_593 = arith.index_cast %add3A_592 : i32 to index
        %get3A_594 = arith.constant 16 : index
        %get3A_595 = tpu.vector_load %arg11[%get3A_593, %get3A_594] {strides = array<i32>} : memref<512x32xf32, #tpu.memory_space<vmem>>, vector<1x16xf32>,
        %get3A_596 = vector.shape_cast %get3A_595 : vector<1x16xf32> to vector<16xf32>
        %add3A_597 = arith.addf %get3A_596, %mul3A_583 : vector<16xf32>
        %add3A_598 = arith.constant 128 : i32
        %add3A_599 = arith.addi %add3A_598, %add3A_544 : i32
        %swap3A_600 = arith.index_cast %add3A_599 : i32 to index
        %swap3A_601 = arith.constant 16 : index
        %swap3A_602 = tpu.vector_load %arg11[%swap3A_600, %swap3A_601] {strides = array<i32>} : memref<512x32xf32, #tpu.memory_space<vmem>>, vector<1x16xf32>,
        %swap3A_603 = vector.shape_cast %swap3A_602 : vector<1x16xf32> to vector<16xf32>
        %swap3A_604 = vector.shape_cast %add3A_597 : vector<16xf32> to vector<1x16xf32>
        tpu.vector_store %arg11[%swap3A_600, %swap3A_601], %swap3A_604 {strides = array<i32>} : memref<512x32xf32, #tpu.memory_space<vmem>>, vector<1x16xf32>,
        %add3A_605 = arith.constant 5 : i32
        %add3A_606 = arith.addi %mul3A_291, %add3A_605 : i32
        %slice3A_607 = vector.extract_strided_slice %get3A_296 {offsets = [5], sizes = [1], strides = [1]} : vector<16xf32> to vector<1xf32>
        %squeeze3A_608 = vector.extract %slice3A_607[0] : f32 from vector<1xf32>
        %add3A_609 = arith.constant 0 : i32
        %add3A_610 = arith.addi %add3A_609, %add3A_606 : i32
        %get3A_611 = arith.index_cast %add3A_610 : i32 to index
        %get3A_612 = arith.constant 0 : index
        %get3A_613 = tpu.vector_load %arg11[%get3A_611, %get3A_612] {strides = array<i32>} : memref<512x32xf32, #tpu.memory_space<vmem>>, vector<1x16xf32>,
        %get3A_614 = vector.shape_cast %get3A_613 : vector<1x16xf32> to vector<16xf32>
        %mul3A_615 = vector.broadcast %squeeze3A_608 : f32 to vector<16xf32>
        %mul3A_616 = arith.mulf %get3A_614, %mul3A_615 : vector<16xf32>
        %add3A_617 = arith.constant 0 : i32
        %add3A_618 = arith.addi %add3A_617, %add3A_606 : i32
        %swap3A_619 = arith.index_cast %add3A_618 : i32 to index
        %swap3A_620 = arith.constant 0 : index
        %swap3A_621 = tpu.vector_load %arg11[%swap3A_619, %swap3A_620] {strides = array<i32>} : memref<512x32xf32, #tpu.memory_space<vmem>>, vector<1x16xf32>,
        %swap3A_622 = vector.shape_cast %swap3A_621 : vector<1x16xf32> to vector<16xf32>
        %swap3A_623 = vector.shape_cast %mul3A_616 : vector<16xf32> to vector<1x16xf32>
        tpu.vector_store %arg11[%swap3A_619, %swap3A_620], %swap3A_623 {strides = array<i32>} : memref<512x32xf32, #tpu.memory_space<vmem>>, vector<1x16xf32>,
        %add3A_624 = arith.constant 128 : i32
        %add3A_625 = arith.addi %add3A_624, %add3A_606 : i32
        %get3A_626 = arith.index_cast %add3A_625 : i32 to index
        %get3A_627 = arith.constant 0 : index
        %get3A_628 = tpu.vector_load %arg11[%get3A_626, %get3A_627] {strides = array<i32>} : memref<512x32xf32, #tpu.memory_space<vmem>>, vector<1x16xf32>,
        %get3A_629 = vector.shape_cast %get3A_628 : vector<1x16xf32> to vector<16xf32>
        %add3A_630 = arith.addf %get3A_629, %mul3A_616 : vector<16xf32>
        %add3A_631 = arith.constant 128 : i32
        %add3A_632 = arith.addi %add3A_631, %add3A_606 : i32
        %swap3A_633 = arith.index_cast %add3A_632 : i32 to index
        %swap3A_634 = arith.constant 0 : index
        %swap3A_635 = tpu.vector_load %arg11[%swap3A_633, %swap3A_634] {strides = array<i32>} : memref<512x32xf32, #tpu.memory_space<vmem>>, vector<1x16xf32>,
        %swap3A_636 = vector.shape_cast %swap3A_635 : vector<1x16xf32> to vector<16xf32>
        %swap3A_637 = vector.shape_cast %add3A_630 : vector<16xf32> to vector<1x16xf32>
        tpu.vector_store %arg11[%swap3A_633, %swap3A_634], %swap3A_637 {strides = array<i32>} : memref<512x32xf32, #tpu.memory_space<vmem>>, vector<1x16xf32>,
        %add3A_638 = arith.constant 0 : i32
        %add3A_639 = arith.addi %add3A_638, %add3A_606 : i32
        %get3A_640 = arith.index_cast %add3A_639 : i32 to index
        %get3A_641 = arith.constant 16 : index
        %get3A_642 = tpu.vector_load %arg11[%get3A_640, %get3A_641] {strides = array<i32>} : memref<512x32xf32, #tpu.memory_space<vmem>>, vector<1x16xf32>,
        %get3A_643 = vector.shape_cast %get3A_642 : vector<1x16xf32> to vector<16xf32>
        %mul3A_644 = vector.broadcast %squeeze3A_608 : f32 to vector<16xf32>
        %mul3A_645 = arith.mulf %get3A_643, %mul3A_644 : vector<16xf32>
        %add3A_646 = arith.constant 0 : i32
        %add3A_647 = arith.addi %add3A_646, %add3A_606 : i32
        %swap3A_648 = arith.index_cast %add3A_647 : i32 to index
        %swap3A_649 = arith.constant 16 : index
        %swap3A_650 = tpu.vector_load %arg11[%swap3A_648, %swap3A_649] {strides = array<i32>} : memref<512x32xf32, #tpu.memory_space<vmem>>, vector<1x16xf32>,
        %swap3A_651 = vector.shape_cast %swap3A_650 : vector<1x16xf32> to vector<16xf32>
        %swap3A_652 = vector.shape_cast %mul3A_645 : vector<16xf32> to vector<1x16xf32>
        tpu.vector_store %arg11[%swap3A_648, %swap3A_649], %swap3A_652 {strides = array<i32>} : memref<512x32xf32, #tpu.memory_space<vmem>>, vector<1x16xf32>,
        %add3A_653 = arith.constant 128 : i32
        %add3A_654 = arith.addi %add3A_653, %add3A_606 : i32
        %get3A_655 = arith.index_cast %add3A_654 : i32 to index
        %get3A_656 = arith.constant 16 : index
        %get3A_657 = tpu.vector_load %arg11[%get3A_655, %get3A_656] {strides = array<i32>} : memref<512x32xf32, #tpu.memory_space<vmem>>, vector<1x16xf32>,
        %get3A_658 = vector.shape_cast %get3A_657 : vector<1x16xf32> to vector<16xf32>
        %add3A_659 = arith.addf %get3A_658, %mul3A_645 : vector<16xf32>
        %add3A_660 = arith.constant 128 : i32
        %add3A_661 = arith.addi %add3A_660, %add3A_606 : i32
        %swap3A_662 = arith.index_cast %add3A_661 : i32 to index
        %swap3A_663 = arith.constant 16 : index
        %swap3A_664 = tpu.vector_load %arg11[%swap3A_662, %swap3A_663] {strides = array<i32>} : memref<512x32xf32, #tpu.memory_space<vmem>>, vector<1x16xf32>,
        %swap3A_665 = vector.shape_cast %swap3A_664 : vector<1x16xf32> to vector<16xf32>
        %swap3A_666 = vector.shape_cast %add3A_659 : vector<16xf32> to vector<1x16xf32>
        tpu.vector_store %arg11[%swap3A_662, %swap3A_663], %swap3A_666 {strides = array<i32>} : memref<512x32xf32, #tpu.memory_space<vmem>>, vector<1x16xf32>,
        %add3A_667 = arith.constant 6 : i32
        %add3A_668 = arith.addi %mul3A_291, %add3A_667 : i32
        %slice3A_669 = vector.extract_strided_slice %get3A_296 {offsets = [6], sizes = [1], strides = [1]} : vector<16xf32> to vector<1xf32>
        %squeeze3A_670 = vector.extract %slice3A_669[0] : f32 from vector<1xf32>
        %add3A_671 = arith.constant 0 : i32
        %add3A_672 = arith.addi %add3A_671, %add3A_668 : i32
        %get3A_673 = arith.index_cast %add3A_672 : i32 to index
        %get3A_674 = arith.constant 0 : index
        %get3A_675 = tpu.vector_load %arg11[%get3A_673, %get3A_674] {strides = array<i32>} : memref<512x32xf32, #tpu.memory_space<vmem>>, vector<1x16xf32>,
        %get3A_676 = vector.shape_cast %get3A_675 : vector<1x16xf32> to vector<16xf32>
        %mul3A_677 = vector.broadcast %squeeze3A_670 : f32 to vector<16xf32>
        %mul3A_678 = arith.mulf %get3A_676, %mul3A_677 : vector<16xf32>
        %add3A_679 = arith.constant 0 : i32
        %add3A_680 = arith.addi %add3A_679, %add3A_668 : i32
        %swap3A_681 = arith.index_cast %add3A_680 : i32 to index
        %swap3A_682 = arith.constant 0 : index
        %swap3A_683 = tpu.vector_load %arg11[%swap3A_681, %swap3A_682] {strides = array<i32>} : memref<512x32xf32, #tpu.memory_space<vmem>>, vector<1x16xf32>,
        %swap3A_684 = vector.shape_cast %swap3A_683 : vector<1x16xf32> to vector<16xf32>
        %swap3A_685 = vector.shape_cast %mul3A_678 : vector<16xf32> to vector<1x16xf32>
        tpu.vector_store %arg11[%swap3A_681, %swap3A_682], %swap3A_685 {strides = array<i32>} : memref<512x32xf32, #tpu.memory_space<vmem>>, vector<1x16xf32>,
        %add3A_686 = arith.constant 128 : i32
        %add3A_687 = arith.addi %add3A_686, %add3A_668 : i32
        %get3A_688 = arith.index_cast %add3A_687 : i32 to index
        %get3A_689 = arith.constant 0 : index
        %get3A_690 = tpu.vector_load %arg11[%get3A_688, %get3A_689] {strides = array<i32>} : memref<512x32xf32, #tpu.memory_space<vmem>>, vector<1x16xf32>,
        %get3A_691 = vector.shape_cast %get3A_690 : vector<1x16xf32> to vector<16xf32>
        %add3A_692 = arith.addf %get3A_691, %mul3A_678 : vector<16xf32>
        %add3A_693 = arith.constant 128 : i32
        %add3A_694 = arith.addi %add3A_693, %add3A_668 : i32
        %swap3A_695 = arith.index_cast %add3A_694 : i32 to index
        %swap3A_696 = arith.constant 0 : index
        %swap3A_697 = tpu.vector_load %arg11[%swap3A_695, %swap3A_696] {strides = array<i32>} : memref<512x32xf32, #tpu.memory_space<vmem>>, vector<1x16xf32>,
        %swap3A_698 = vector.shape_cast %swap3A_697 : vector<1x16xf32> to vector<16xf32>
        %swap3A_699 = vector.shape_cast %add3A_692 : vector<16xf32> to vector<1x16xf32>
        tpu.vector_store %arg11[%swap3A_695, %swap3A_696], %swap3A_699 {strides = array<i32>} : memref<512x32xf32, #tpu.memory_space<vmem>>, vector<1x16xf32>,
        %add3A_700 = arith.constant 0 : i32
        %add3A_701 = arith.addi %add3A_700, %add3A_668 : i32
        %get3A_702 = arith.index_cast %add3A_701 : i32 to index
        %get3A_703 = arith.constant 16 : index
        %get3A_704 = tpu.vector_load %arg11[%get3A_702, %get3A_703] {strides = array<i32>} : memref<512x32xf32, #tpu.memory_space<vmem>>, vector<1x16xf32>,
        %get3A_705 = vector.shape_cast %get3A_704 : vector<1x16xf32> to vector<16xf32>
        %mul3A_706 = vector.broadcast %squeeze3A_670 : f32 to vector<16xf32>
        %mul3A_707 = arith.mulf %get3A_705, %mul3A_706 : vector<16xf32>
        %add3A_708 = arith.constant 0 : i32
        %add3A_709 = arith.addi %add3A_708, %add3A_668 : i32
        %swap3A_710 = arith.index_cast %add3A_709 : i32 to index
        %swap3A_711 = arith.constant 16 : index
        %swap3A_712 = tpu.vector_load %arg11[%swap3A_710, %swap3A_711] {strides = array<i32>} : memref<512x32xf32, #tpu.memory_space<vmem>>, vector<1x16xf32>,
        %swap3A_713 = vector.shape_cast %swap3A_712 : vector<1x16xf32> to vector<16xf32>
        %swap3A_714 = vector.shape_cast %mul3A_707 : vector<16xf32> to vector<1x16xf32>
        tpu.vector_store %arg11[%swap3A_710, %swap3A_711], %swap3A_714 {strides = array<i32>} : memref<512x32xf32, #tpu.memory_space<vmem>>, vector<1x16xf32>,
        %add3A_715 = arith.constant 128 : i32
        %add3A_716 = arith.addi %add3A_715, %add3A_668 : i32
        %get3A_717 = arith.index_cast %add3A_716 : i32 to index
        %get3A_718 = arith.constant 16 : index
        %get3A_719 = tpu.vector_load %arg11[%get3A_717, %get3A_718] {strides = array<i32>} : memref<512x32xf32, #tpu.memory_space<vmem>>, vector<1x16xf32>,
        %get3A_720 = vector.shape_cast %get3A_719 : vector<1x16xf32> to vector<16xf32>
        %add3A_721 = arith.addf %get3A_720, %mul3A_707 : vector<16xf32>
        %add3A_722 = arith.constant 128 : i32
        %add3A_723 = arith.addi %add3A_722, %add3A_668 : i32
        %swap3A_724 = arith.index_cast %add3A_723 : i32 to index
        %swap3A_725 = arith.constant 16 : index
        %swap3A_726 = tpu.vector_load %arg11[%swap3A_724, %swap3A_725] {strides = array<i32>} : memref<512x32xf32, #tpu.memory_space<vmem>>, vector<1x16xf32>,
        %swap3A_727 = vector.shape_cast %swap3A_726 : vector<1x16xf32> to vector<16xf32>
        %swap3A_728 = vector.shape_cast %add3A_721 : vector<16xf32> to vector<1x16xf32>
        tpu.vector_store %arg11[%swap3A_724, %swap3A_725], %swap3A_728 {strides = array<i32>} : memref<512x32xf32, #tpu.memory_space<vmem>>, vector<1x16xf32>,
        %add3A_729 = arith.constant 7 : i32
        %add3A_730 = arith.addi %mul3A_291, %add3A_729 : i32
        %slice3A_731 = vector.extract_strided_slice %get3A_296 {offsets = [7], sizes = [1], strides = [1]} : vector<16xf32> to vector<1xf32>
        %squeeze3A_732 = vector.extract %slice3A_731[0] : f32 from vector<1xf32>
        %add3A_733 = arith.constant 0 : i32
        %add3A_734 = arith.addi %add3A_733, %add3A_730 : i32
        %get3A_735 = arith.index_cast %add3A_734 : i32 to index
        %get3A_736 = arith.constant 0 : index
        %get3A_737 = tpu.vector_load %arg11[%get3A_735, %get3A_736] {strides = array<i32>} : memref<512x32xf32, #tpu.memory_space<vmem>>, vector<1x16xf32>,
        %get3A_738 = vector.shape_cast %get3A_737 : vector<1x16xf32> to vector<16xf32>
        %mul3A_739 = vector.broadcast %squeeze3A_732 : f32 to vector<16xf32>
        %mul3A_740 = arith.mulf %get3A_738, %mul3A_739 : vector<16xf32>
        %add3A_741 = arith.constant 0 : i32
        %add3A_742 = arith.addi %add3A_741, %add3A_730 : i32
        %swap3A_743 = arith.index_cast %add3A_742 : i32 to index
        %swap3A_744 = arith.constant 0 : index
        %swap3A_745 = tpu.vector_load %arg11[%swap3A_743, %swap3A_744] {strides = array<i32>} : memref<512x32xf32, #tpu.memory_space<vmem>>, vector<1x16xf32>,
        %swap3A_746 = vector.shape_cast %swap3A_745 : vector<1x16xf32> to vector<16xf32>
        %swap3A_747 = vector.shape_cast %mul3A_740 : vector<16xf32> to vector<1x16xf32>
        tpu.vector_store %arg11[%swap3A_743, %swap3A_744], %swap3A_747 {strides = array<i32>} : memref<512x32xf32, #tpu.memory_space<vmem>>, vector<1x16xf32>,
        %add3A_748 = arith.constant 128 : i32
        %add3A_749 = arith.addi %add3A_748, %add3A_730 : i32
        %get3A_750 = arith.index_cast %add3A_749 : i32 to index
        %get3A_751 = arith.constant 0 : index
        %get3A_752 = tpu.vector_load %arg11[%get3A_750, %get3A_751] {strides = array<i32>} : memref<512x32xf32, #tpu.memory_space<vmem>>, vector<1x16xf32>,
        %get3A_753 = vector.shape_cast %get3A_752 : vector<1x16xf32> to vector<16xf32>
        %add3A_754 = arith.addf %get3A_753, %mul3A_740 : vector<16xf32>
        %add3A_755 = arith.constant 128 : i32
        %add3A_756 = arith.addi %add3A_755, %add3A_730 : i32
        %swap3A_757 = arith.index_cast %add3A_756 : i32 to index
        %swap3A_758 = arith.constant 0 : index
        %swap3A_759 = tpu.vector_load %arg11[%swap3A_757, %swap3A_758] {strides = array<i32>} : memref<512x32xf32, #tpu.memory_space<vmem>>, vector<1x16xf32>,
        %swap3A_760 = vector.shape_cast %swap3A_759 : vector<1x16xf32> to vector<16xf32>
        %swap3A_761 = vector.shape_cast %add3A_754 : vector<16xf32> to vector<1x16xf32>
        tpu.vector_store %arg11[%swap3A_757, %swap3A_758], %swap3A_761 {strides = array<i32>} : memref<512x32xf32, #tpu.memory_space<vmem>>, vector<1x16xf32>,
        %add3A_762 = arith.constant 0 : i32
        %add3A_763 = arith.addi %add3A_762, %add3A_730 : i32
        %get3A_764 = arith.index_cast %add3A_763 : i32 to index
        %get3A_765 = arith.constant 16 : index
        %get3A_766 = tpu.vector_load %arg11[%get3A_764, %get3A_765] {strides = array<i32>} : memref<512x32xf32, #tpu.memory_space<vmem>>, vector<1x16xf32>,
        %get3A_767 = vector.shape_cast %get3A_766 : vector<1x16xf32> to vector<16xf32>
        %mul3A_768 = vector.broadcast %squeeze3A_732 : f32 to vector<16xf32>
        %mul3A_769 = arith.mulf %get3A_767, %mul3A_768 : vector<16xf32>
        %add3A_770 = arith.constant 0 : i32
        %add3A_771 = arith.addi %add3A_770, %add3A_730 : i32
        %swap3A_772 = arith.index_cast %add3A_771 : i32 to index
        %swap3A_773 = arith.constant 16 : index
        %swap3A_774 = tpu.vector_load %arg11[%swap3A_772, %swap3A_773] {strides = array<i32>} : memref<512x32xf32, #tpu.memory_space<vmem>>, vector<1x16xf32>,
        %swap3A_775 = vector.shape_cast %swap3A_774 : vector<1x16xf32> to vector<16xf32>
        %swap3A_776 = vector.shape_cast %mul3A_769 : vector<16xf32> to vector<1x16xf32>
        tpu.vector_store %arg11[%swap3A_772, %swap3A_773], %swap3A_776 {strides = array<i32>} : memref<512x32xf32, #tpu.memory_space<vmem>>, vector<1x16xf32>,
        %add3A_777 = arith.constant 128 : i32
        %add3A_778 = arith.addi %add3A_777, %add3A_730 : i32
        %get3A_779 = arith.index_cast %add3A_778 : i32 to index
        %get3A_780 = arith.constant 16 : index
        %get3A_781 = tpu.vector_load %arg11[%get3A_779, %get3A_780] {strides = array<i32>} : memref<512x32xf32, #tpu.memory_space<vmem>>, vector<1x16xf32>,
        %get3A_782 = vector.shape_cast %get3A_781 : vector<1x16xf32> to vector<16xf32>
        %add3A_783 = arith.addf %get3A_782, %mul3A_769 : vector<16xf32>
        %add3A_784 = arith.constant 128 : i32
        %add3A_785 = arith.addi %add3A_784, %add3A_730 : i32
        %swap3A_786 = arith.index_cast %add3A_785 : i32 to index
        %swap3A_787 = arith.constant 16 : index
        %swap3A_788 = tpu.vector_load %arg11[%swap3A_786, %swap3A_787] {strides = array<i32>} : memref<512x32xf32, #tpu.memory_space<vmem>>, vector<1x16xf32>,
        %swap3A_789 = vector.shape_cast %swap3A_788 : vector<1x16xf32> to vector<16xf32>
        %swap3A_790 = vector.shape_cast %add3A_783 : vector<16xf32> to vector<1x16xf32>
        tpu.vector_store %arg11[%swap3A_786, %swap3A_787], %swap3A_790 {strides = array<i32>} : memref<512x32xf32, #tpu.memory_space<vmem>>, vector<1x16xf32>,
        %add3A_791 = arith.constant 8 : i32
        %add3A_792 = arith.addi %mul3A_291, %add3A_791 : i32
        %slice3A_793 = vector.extract_strided_slice %get3A_296 {offsets = [8], sizes = [1], strides = [1]} : vector<16xf32> to vector<1xf32>
        %squeeze3A_794 = vector.extract %slice3A_793[0] : f32 from vector<1xf32>
        %add3A_795 = arith.constant 0 : i32
        %add3A_796 = arith.addi %add3A_795, %add3A_792 : i32
        %get3A_797 = arith.index_cast %add3A_796 : i32 to index
        %get3A_798 = arith.constant 0 : index
        %get3A_799 = tpu.vector_load %arg11[%get3A_797, %get3A_798] {strides = array<i32>} : memref<512x32xf32, #tpu.memory_space<vmem>>, vector<1x16xf32>,
        %get3A_800 = vector.shape_cast %get3A_799 : vector<1x16xf32> to vector<16xf32>
        %mul3A_801 = vector.broadcast %squeeze3A_794 : f32 to vector<16xf32>
        %mul3A_802 = arith.mulf %get3A_800, %mul3A_801 : vector<16xf32>
        %add3A_803 = arith.constant 0 : i32
        %add3A_804 = arith.addi %add3A_803, %add3A_792 : i32
        %swap3A_805 = arith.index_cast %add3A_804 : i32 to index
        %swap3A_806 = arith.constant 0 : index
        %swap3A_807 = tpu.vector_load %arg11[%swap3A_805, %swap3A_806] {strides = array<i32>} : memref<512x32xf32, #tpu.memory_space<vmem>>, vector<1x16xf32>,
        %swap3A_808 = vector.shape_cast %swap3A_807 : vector<1x16xf32> to vector<16xf32>
        %swap3A_809 = vector.shape_cast %mul3A_802 : vector<16xf32> to vector<1x16xf32>
        tpu.vector_store %arg11[%swap3A_805, %swap3A_806], %swap3A_809 {strides = array<i32>} : memref<512x32xf32, #tpu.memory_space<vmem>>, vector<1x16xf32>,
        %add3A_810 = arith.constant 128 : i32
        %add3A_811 = arith.addi %add3A_810, %add3A_792 : i32
        %get3A_812 = arith.index_cast %add3A_811 : i32 to index
        %get3A_813 = arith.constant 0 : index
        %get3A_814 = tpu.vector_load %arg11[%get3A_812, %get3A_813] {strides = array<i32>} : memref<512x32xf32, #tpu.memory_space<vmem>>, vector<1x16xf32>,
        %get3A_815 = vector.shape_cast %get3A_814 : vector<1x16xf32> to vector<16xf32>
        %add3A_816 = arith.addf %get3A_815, %mul3A_802 : vector<16xf32>
        %add3A_817 = arith.constant 128 : i32
        %add3A_818 = arith.addi %add3A_817, %add3A_792 : i32
        %swap3A_819 = arith.index_cast %add3A_818 : i32 to index
        %swap3A_820 = arith.constant 0 : index
        %swap3A_821 = tpu.vector_load %arg11[%swap3A_819, %swap3A_820] {strides = array<i32>} : memref<512x32xf32, #tpu.memory_space<vmem>>, vector<1x16xf32>,
        %swap3A_822 = vector.shape_cast %swap3A_821 : vector<1x16xf32> to vector<16xf32>
        %swap3A_823 = vector.shape_cast %add3A_816 : vector<16xf32> to vector<1x16xf32>
        tpu.vector_store %arg11[%swap3A_819, %swap3A_820], %swap3A_823 {strides = array<i32>} : memref<512x32xf32, #tpu.memory_space<vmem>>, vector<1x16xf32>,
        %add3A_824 = arith.constant 0 : i32
        %add3A_825 = arith.addi %add3A_824, %add3A_792 : i32
        %get3A_826 = arith.index_cast %add3A_825 : i32 to index
        %get3A_827 = arith.constant 16 : index
        %get3A_828 = tpu.vector_load %arg11[%get3A_826, %get3A_827] {strides = array<i32>} : memref<512x32xf32, #tpu.memory_space<vmem>>, vector<1x16xf32>,
        %get3A_829 = vector.shape_cast %get3A_828 : vector<1x16xf32> to vector<16xf32>
        %mul3A_830 = vector.broadcast %squeeze3A_794 : f32 to vector<16xf32>
        %mul3A_831 = arith.mulf %get3A_829, %mul3A_830 : vector<16xf32>
        %add3A_832 = arith.constant 0 : i32
        %add3A_833 = arith.addi %add3A_832, %add3A_792 : i32
        %swap3A_834 = arith.index_cast %add3A_833 : i32 to index
        %swap3A_835 = arith.constant 16 : index
        %swap3A_836 = tpu.vector_load %arg11[%swap3A_834, %swap3A_835] {strides = array<i32>} : memref<512x32xf32, #tpu.memory_space<vmem>>, vector<1x16xf32>,
        %swap3A_837 = vector.shape_cast %swap3A_836 : vector<1x16xf32> to vector<16xf32>
        %swap3A_838 = vector.shape_cast %mul3A_831 : vector<16xf32> to vector<1x16xf32>
        tpu.vector_store %arg11[%swap3A_834, %swap3A_835], %swap3A_838 {strides = array<i32>} : memref<512x32xf32, #tpu.memory_space<vmem>>, vector<1x16xf32>,
        %add3A_839 = arith.constant 128 : i32
        %add3A_840 = arith.addi %add3A_839, %add3A_792 : i32
        %get3A_841 = arith.index_cast %add3A_840 : i32 to index
        %get3A_842 = arith.constant 16 : index
        %get3A_843 = tpu.vector_load %arg11[%get3A_841, %get3A_842] {strides = array<i32>} : memref<512x32xf32, #tpu.memory_space<vmem>>, vector<1x16xf32>,
        %get3A_844 = vector.shape_cast %get3A_843 : vector<1x16xf32> to vector<16xf32>
        %add3A_845 = arith.addf %get3A_844, %mul3A_831 : vector<16xf32>
        %add3A_846 = arith.constant 128 : i32
        %add3A_847 = arith.addi %add3A_846, %add3A_792 : i32
        %swap3A_848 = arith.index_cast %add3A_847 : i32 to index
        %swap3A_849 = arith.constant 16 : index
        %swap3A_850 = tpu.vector_load %arg11[%swap3A_848, %swap3A_849] {strides = array<i32>} : memref<512x32xf32, #tpu.memory_space<vmem>>, vector<1x16xf32>,
        %swap3A_851 = vector.shape_cast %swap3A_850 : vector<1x16xf32> to vector<16xf32>
        %swap3A_852 = vector.shape_cast %add3A_845 : vector<16xf32> to vector<1x16xf32>
        tpu.vector_store %arg11[%swap3A_848, %swap3A_849], %swap3A_852 {strides = array<i32>} : memref<512x32xf32, #tpu.memory_space<vmem>>, vector<1x16xf32>,
        %add3A_853 = arith.constant 9 : i32
        %add3A_854 = arith.addi %mul3A_291, %add3A_853 : i32
        %slice3A_855 = vector.extract_strided_slice %get3A_296 {offsets = [9], sizes = [1], strides = [1]} : vector<16xf32> to vector<1xf32>
        %squeeze3A_856 = vector.extract %slice3A_855[0] : f32 from vector<1xf32>
        %add3A_857 = arith.constant 0 : i32
        %add3A_858 = arith.addi %add3A_857, %add3A_854 : i32
        %get3A_859 = arith.index_cast %add3A_858 : i32 to index
        %get3A_860 = arith.constant 0 : index
        %get3A_861 = tpu.vector_load %arg11[%get3A_859, %get3A_860] {strides = array<i32>} : memref<512x32xf32, #tpu.memory_space<vmem>>, vector<1x16xf32>,
        %get3A_862 = vector.shape_cast %get3A_861 : vector<1x16xf32> to vector<16xf32>
        %mul3A_863 = vector.broadcast %squeeze3A_856 : f32 to vector<16xf32>
        %mul3A_864 = arith.mulf %get3A_862, %mul3A_863 : vector<16xf32>
        %add3A_865 = arith.constant 0 : i32
        %add3A_866 = arith.addi %add3A_865, %add3A_854 : i32
        %swap3A_867 = arith.index_cast %add3A_866 : i32 to index
        %swap3A_868 = arith.constant 0 : index
        %swap3A_869 = tpu.vector_load %arg11[%swap3A_867, %swap3A_868] {strides = array<i32>} : memref<512x32xf32, #tpu.memory_space<vmem>>, vector<1x16xf32>,
        %swap3A_870 = vector.shape_cast %swap3A_869 : vector<1x16xf32> to vector<16xf32>
        %swap3A_871 = vector.shape_cast %mul3A_864 : vector<16xf32> to vector<1x16xf32>
        tpu.vector_store %arg11[%swap3A_867, %swap3A_868], %swap3A_871 {strides = array<i32>} : memref<512x32xf32, #tpu.memory_space<vmem>>, vector<1x16xf32>,
        %add3A_872 = arith.constant 128 : i32
        %add3A_873 = arith.addi %add3A_872, %add3A_854 : i32
        %get3A_874 = arith.index_cast %add3A_873 : i32 to index
        %get3A_875 = arith.constant 0 : index
        %get3A_876 = tpu.vector_load %arg11[%get3A_874, %get3A_875] {strides = array<i32>} : memref<512x32xf32, #tpu.memory_space<vmem>>, vector<1x16xf32>,
        %get3A_877 = vector.shape_cast %get3A_876 : vector<1x16xf32> to vector<16xf32>
        %add3A_878 = arith.addf %get3A_877, %mul3A_864 : vector<16xf32>
        %add3A_879 = arith.constant 128 : i32
        %add3A_880 = arith.addi %add3A_879, %add3A_854 : i32
        %swap3A_881 = arith.index_cast %add3A_880 : i32 to index
        %swap3A_882 = arith.constant 0 : index
        %swap3A_883 = tpu.vector_load %arg11[%swap3A_881, %swap3A_882] {strides = array<i32>} : memref<512x32xf32, #tpu.memory_space<vmem>>, vector<1x16xf32>,
        %swap3A_884 = vector.shape_cast %swap3A_883 : vector<1x16xf32> to vector<16xf32>
        %swap3A_885 = vector.shape_cast %add3A_878 : vector<16xf32> to vector<1x16xf32>
        tpu.vector_store %arg11[%swap3A_881, %swap3A_882], %swap3A_885 {strides = array<i32>} : memref<512x32xf32, #tpu.memory_space<vmem>>, vector<1x16xf32>,
        %add3A_886 = arith.constant 0 : i32
        %add3A_887 = arith.addi %add3A_886, %add3A_854 : i32
        %get3A_888 = arith.index_cast %add3A_887 : i32 to index
        %get3A_889 = arith.constant 16 : index
        %get3A_890 = tpu.vector_load %arg11[%get3A_888, %get3A_889] {strides = array<i32>} : memref<512x32xf32, #tpu.memory_space<vmem>>, vector<1x16xf32>,
        %get3A_891 = vector.shape_cast %get3A_890 : vector<1x16xf32> to vector<16xf32>
        %mul3A_892 = vector.broadcast %squeeze3A_856 : f32 to vector<16xf32>
        %mul3A_893 = arith.mulf %get3A_891, %mul3A_892 : vector<16xf32>
        %add3A_894 = arith.constant 0 : i32
        %add3A_895 = arith.addi %add3A_894, %add3A_854 : i32
        %swap3A_896 = arith.index_cast %add3A_895 : i32 to index
        %swap3A_897 = arith.constant 16 : index
        %swap3A_898 = tpu.vector_load %arg11[%swap3A_896, %swap3A_897] {strides = array<i32>} : memref<512x32xf32, #tpu.memory_space<vmem>>, vector<1x16xf32>,
        %swap3A_899 = vector.shape_cast %swap3A_898 : vector<1x16xf32> to vector<16xf32>
        %swap3A_900 = vector.shape_cast %mul3A_893 : vector<16xf32> to vector<1x16xf32>
        tpu.vector_store %arg11[%swap3A_896, %swap3A_897], %swap3A_900 {strides = array<i32>} : memref<512x32xf32, #tpu.memory_space<vmem>>, vector<1x16xf32>,
        %add3A_901 = arith.constant 128 : i32
        %add3A_902 = arith.addi %add3A_901, %add3A_854 : i32
        %get3A_903 = arith.index_cast %add3A_902 : i32 to index
        %get3A_904 = arith.constant 16 : index
        %get3A_905 = tpu.vector_load %arg11[%get3A_903, %get3A_904] {strides = array<i32>} : memref<512x32xf32, #tpu.memory_space<vmem>>, vector<1x16xf32>,
        %get3A_906 = vector.shape_cast %get3A_905 : vector<1x16xf32> to vector<16xf32>
        %add3A_907 = arith.addf %get3A_906, %mul3A_893 : vector<16xf32>
        %add3A_908 = arith.constant 128 : i32
        %add3A_909 = arith.addi %add3A_908, %add3A_854 : i32
        %swap3A_910 = arith.index_cast %add3A_909 : i32 to index
        %swap3A_911 = arith.constant 16 : index
        %swap3A_912 = tpu.vector_load %arg11[%swap3A_910, %swap3A_911] {strides = array<i32>} : memref<512x32xf32, #tpu.memory_space<vmem>>, vector<1x16xf32>,
        %swap3A_913 = vector.shape_cast %swap3A_912 : vector<1x16xf32> to vector<16xf32>
        %swap3A_914 = vector.shape_cast %add3A_907 : vector<16xf32> to vector<1x16xf32>
        tpu.vector_store %arg11[%swap3A_910, %swap3A_911], %swap3A_914 {strides = array<i32>} : memref<512x32xf32, #tpu.memory_space<vmem>>, vector<1x16xf32>,
        %add3A_915 = arith.constant 10 : i32
        %add3A_916 = arith.addi %mul3A_291, %add3A_915 : i32
        %slice3A_917 = vector.extract_strided_slice %get3A_296 {offsets = [10], sizes = [1], strides = [1]} : vector<16xf32> to vector<1xf32>
        %squeeze3A_918 = vector.extract %slice3A_917[0] : f32 from vector<1xf32>
        %add3A_919 = arith.constant 0 : i32
        %add3A_920 = arith.addi %add3A_919, %add3A_916 : i32
        %get3A_921 = arith.index_cast %add3A_920 : i32 to index
        %get3A_922 = arith.constant 0 : index
        %get3A_923 = tpu.vector_load %arg11[%get3A_921, %get3A_922] {strides = array<i32>} : memref<512x32xf32, #tpu.memory_space<vmem>>, vector<1x16xf32>,
        %get3A_924 = vector.shape_cast %get3A_923 : vector<1x16xf32> to vector<16xf32>
        %mul3A_925 = vector.broadcast %squeeze3A_918 : f32 to vector<16xf32>
        %mul3A_926 = arith.mulf %get3A_924, %mul3A_925 : vector<16xf32>
        %add3A_927 = arith.constant 0 : i32
        %add3A_928 = arith.addi %add3A_927, %add3A_916 : i32
        %swap3A_929 = arith.index_cast %add3A_928 : i32 to index
        %swap3A_930 = arith.constant 0 : index
        %swap3A_931 = tpu.vector_load %arg11[%swap3A_929, %swap3A_930] {strides = array<i32>} : memref<512x32xf32, #tpu.memory_space<vmem>>, vector<1x16xf32>,
        %swap3A_932 = vector.shape_cast %swap3A_931 : vector<1x16xf32> to vector<16xf32>
        %swap3A_933 = vector.shape_cast %mul3A_926 : vector<16xf32> to vector<1x16xf32>
        tpu.vector_store %arg11[%swap3A_929, %swap3A_930], %swap3A_933 {strides = array<i32>} : memref<512x32xf32, #tpu.memory_space<vmem>>, vector<1x16xf32>,
        %add3A_934 = arith.constant 128 : i32
        %add3A_935 = arith.addi %add3A_934, %add3A_916 : i32
        %get3A_936 = arith.index_cast %add3A_935 : i32 to index
        %get3A_937 = arith.constant 0 : index
        %get3A_938 = tpu.vector_load %arg11[%get3A_936, %get3A_937] {strides = array<i32>} : memref<512x32xf32, #tpu.memory_space<vmem>>, vector<1x16xf32>,
        %get3A_939 = vector.shape_cast %get3A_938 : vector<1x16xf32> to vector<16xf32>
        %add3A_940 = arith.addf %get3A_939, %mul3A_926 : vector<16xf32>
        %add3A_941 = arith.constant 128 : i32
        %add3A_942 = arith.addi %add3A_941, %add3A_916 : i32
        %swap3A_943 = arith.index_cast %add3A_942 : i32 to index
        %swap3A_944 = arith.constant 0 : index
        %swap3A_945 = tpu.vector_load %arg11[%swap3A_943, %swap3A_944] {strides = array<i32>} : memref<512x32xf32, #tpu.memory_space<vmem>>, vector<1x16xf32>,
        %swap3A_946 = vector.shape_cast %swap3A_945 : vector<1x16xf32> to vector<16xf32>
        %swap3A_947 = vector.shape_cast %add3A_940 : vector<16xf32> to vector<1x16xf32>
        tpu.vector_store %arg11[%swap3A_943, %swap3A_944], %swap3A_947 {strides = array<i32>} : memref<512x32xf32, #tpu.memory_space<vmem>>, vector<1x16xf32>,
        %add3A_948 = arith.constant 0 : i32
        %add3A_949 = arith.addi %add3A_948, %add3A_916 : i32
        %get3A_950 = arith.index_cast %add3A_949 : i32 to index
        %get3A_951 = arith.constant 16 : index
        %get3A_952 = tpu.vector_load %arg11[%get3A_950, %get3A_951] {strides = array<i32>} : memref<512x32xf32, #tpu.memory_space<vmem>>, vector<1x16xf32>,
        %get3A_953 = vector.shape_cast %get3A_952 : vector<1x16xf32> to vector<16xf32>
        %mul3A_954 = vector.broadcast %squeeze3A_918 : f32 to vector<16xf32>
        %mul3A_955 = arith.mulf %get3A_953, %mul3A_954 : vector<16xf32>
        %add3A_956 = arith.constant 0 : i32
        %add3A_957 = arith.addi %add3A_956, %add3A_916 : i32
        %swap3A_958 = arith.index_cast %add3A_957 : i32 to index
        %swap3A_959 = arith.constant 16 : index
        %swap3A_960 = tpu.vector_load %arg11[%swap3A_958, %swap3A_959] {strides = array<i32>} : memref<512x32xf32, #tpu.memory_space<vmem>>, vector<1x16xf32>,
        %swap3A_961 = vector.shape_cast %swap3A_960 : vector<1x16xf32> to vector<16xf32>
        %swap3A_962 = vector.shape_cast %mul3A_955 : vector<16xf32> to vector<1x16xf32>
        tpu.vector_store %arg11[%swap3A_958, %swap3A_959], %swap3A_962 {strides = array<i32>} : memref<512x32xf32, #tpu.memory_space<vmem>>, vector<1x16xf32>,
        %add3A_963 = arith.constant 128 : i32
        %add3A_964 = arith.addi %add3A_963, %add3A_916 : i32
        %get3A_965 = arith.index_cast %add3A_964 : i32 to index
        %get3A_966 = arith.constant 16 : index
        %get3A_967 = tpu.vector_load %arg11[%get3A_965, %get3A_966] {strides = array<i32>} : memref<512x32xf32, #tpu.memory_space<vmem>>, vector<1x16xf32>,
        %get3A_968 = vector.shape_cast %get3A_967 : vector<1x16xf32> to vector<16xf32>
        %add3A_969 = arith.addf %get3A_968, %mul3A_955 : vector<16xf32>
        %add3A_970 = arith.constant 128 : i32
        %add3A_971 = arith.addi %add3A_970, %add3A_916 : i32
        %swap3A_972 = arith.index_cast %add3A_971 : i32 to index
        %swap3A_973 = arith.constant 16 : index
        %swap3A_974 = tpu.vector_load %arg11[%swap3A_972, %swap3A_973] {strides = array<i32>} : memref<512x32xf32, #tpu.memory_space<vmem>>, vector<1x16xf32>,
        %swap3A_975 = vector.shape_cast %swap3A_974 : vector<1x16xf32> to vector<16xf32>
        %swap3A_976 = vector.shape_cast %add3A_969 : vector<16xf32> to vector<1x16xf32>
        tpu.vector_store %arg11[%swap3A_972, %swap3A_973], %swap3A_976 {strides = array<i32>} : memref<512x32xf32, #tpu.memory_space<vmem>>, vector<1x16xf32>,
        %add3A_977 = arith.constant 11 : i32
        %add3A_978 = arith.addi %mul3A_291, %add3A_977 : i32
        %slice3A_979 = vector.extract_strided_slice %get3A_296 {offsets = [11], sizes = [1], strides = [1]} : vector<16xf32> to vector<1xf32>
        %squeeze3A_980 = vector.extract %slice3A_979[0] : f32 from vector<1xf32>
        %add3A_981 = arith.constant 0 : i32
        %add3A_982 = arith.addi %add3A_981, %add3A_978 : i32
        %get3A_983 = arith.index_cast %add3A_982 : i32 to index
        %get3A_984 = arith.constant 0 : index
        %get3A_985 = tpu.vector_load %arg11[%get3A_983, %get3A_984] {strides = array<i32>} : memref<512x32xf32, #tpu.memory_space<vmem>>, vector<1x16xf32>,
        %get3A_986 = vector.shape_cast %get3A_985 : vector<1x16xf32> to vector<16xf32>
        %mul3A_987 = vector.broadcast %squeeze3A_980 : f32 to vector<16xf32>
        %mul3A_988 = arith.mulf %get3A_986, %mul3A_987 : vector<16xf32>
        %add3A_989 = arith.constant 0 : i32
        %add3A_990 = arith.addi %add3A_989, %add3A_978 : i32
        %swap3A_991 = arith.index_cast %add3A_990 : i32 to index
        %swap3A_992 = arith.constant 0 : index
        %swap3A_993 = tpu.vector_load %arg11[%swap3A_991, %swap3A_992] {strides = array<i32>} : memref<512x32xf32, #tpu.memory_space<vmem>>, vector<1x16xf32>,
        %swap3A_994 = vector.shape_cast %swap3A_993 : vector<1x16xf32> to vector<16xf32>
        %swap3A_995 = vector.shape_cast %mul3A_988 : vector<16xf32> to vector<1x16xf32>
        tpu.vector_store %arg11[%swap3A_991, %swap3A_992], %swap3A_995 {strides = array<i32>} : memref<512x32xf32, #tpu.memory_space<vmem>>, vector<1x16xf32>,
        %add3A_996 = arith.constant 128 : i32
        %add3A_997 = arith.addi %add3A_996, %add3A_978 : i32
        %get3A_998 = arith.index_cast %add3A_997 : i32 to index
        %get3A_999 = arith.constant 0 : index
        %get3A_1000 = tpu.vector_load %arg11[%get3A_998, %get3A_999] {strides = array<i32>} : memref<512x32xf32, #tpu.memory_space<vmem>>, vector<1x16xf32>,
        %get3A_1001 = vector.shape_cast %get3A_1000 : vector<1x16xf32> to vector<16xf32>
        %add3A_1002 = arith.addf %get3A_1001, %mul3A_988 : vector<16xf32>
        %add3A_1003 = arith.constant 128 : i32
        %add3A_1004 = arith.addi %add3A_1003, %add3A_978 : i32
        %swap3A_1005 = arith.index_cast %add3A_1004 : i32 to index
        %swap3A_1006 = arith.constant 0 : index
        %swap3A_1007 = tpu.vector_load %arg11[%swap3A_1005, %swap3A_1006] {strides = array<i32>} : memref<512x32xf32, #tpu.memory_space<vmem>>, vector<1x16xf32>,
        %swap3A_1008 = vector.shape_cast %swap3A_1007 : vector<1x16xf32> to vector<16xf32>
        %swap3A_1009 = vector.shape_cast %add3A_1002 : vector<16xf32> to vector<1x16xf32>
        tpu.vector_store %arg11[%swap3A_1005, %swap3A_1006], %swap3A_1009 {strides = array<i32>} : memref<512x32xf32, #tpu.memory_space<vmem>>, vector<1x16xf32>,
        %add3A_1010 = arith.constant 0 : i32
        %add3A_1011 = arith.addi %add3A_1010, %add3A_978 : i32
        %get3A_1012 = arith.index_cast %add3A_1011 : i32 to index
        %get3A_1013 = arith.constant 16 : index
        %get3A_1014 = tpu.vector_load %arg11[%get3A_1012, %get3A_1013] {strides = array<i32>} : memref<512x32xf32, #tpu.memory_space<vmem>>, vector<1x16xf32>,
        %get3A_1015 = vector.shape_cast %get3A_1014 : vector<1x16xf32> to vector<16xf32>
        %mul3A_1016 = vector.broadcast %squeeze3A_980 : f32 to vector<16xf32>
        %mul3A_1017 = arith.mulf %get3A_1015, %mul3A_1016 : vector<16xf32>
        %add3A_1018 = arith.constant 0 : i32
        %add3A_1019 = arith.addi %add3A_1018, %add3A_978 : i32
        %swap3A_1020 = arith.index_cast %add3A_1019 : i32 to index
        %swap3A_1021 = arith.constant 16 : index
        %swap3A_1022 = tpu.vector_load %arg11[%swap3A_1020, %swap3A_1021] {strides = array<i32>} : memref<512x32xf32, #tpu.memory_space<vmem>>, vector<1x16xf32>,
        %swap3A_1023 = vector.shape_cast %swap3A_1022 : vector<1x16xf32> to vector<16xf32>
        %swap3A_1024 = vector.shape_cast %mul3A_1017 : vector<16xf32> to vector<1x16xf32>
        tpu.vector_store %arg11[%swap3A_1020, %swap3A_1021], %swap3A_1024 {strides = array<i32>} : memref<512x32xf32, #tpu.memory_space<vmem>>, vector<1x16xf32>,
        %add3A_1025 = arith.constant 128 : i32
        %add3A_1026 = arith.addi %add3A_1025, %add3A_978 : i32
        %get3A_1027 = arith.index_cast %add3A_1026 : i32 to index
        %get3A_1028 = arith.constant 16 : index
        %get3A_1029 = tpu.vector_load %arg11[%get3A_1027, %get3A_1028] {strides = array<i32>} : memref<512x32xf32, #tpu.memory_space<vmem>>, vector<1x16xf32>,
        %get3A_1030 = vector.shape_cast %get3A_1029 : vector<1x16xf32> to vector<16xf32>
        %add3A_1031 = arith.addf %get3A_1030, %mul3A_1017 : vector<16xf32>
        %add3A_1032 = arith.constant 128 : i32
        %add3A_1033 = arith.addi %add3A_1032, %add3A_978 : i32
        %swap3A_1034 = arith.index_cast %add3A_1033 : i32 to index
        %swap3A_1035 = arith.constant 16 : index
        %swap3A_1036 = tpu.vector_load %arg11[%swap3A_1034, %swap3A_1035] {strides = array<i32>} : memref<512x32xf32, #tpu.memory_space<vmem>>, vector<1x16xf32>,
        %swap3A_1037 = vector.shape_cast %swap3A_1036 : vector<1x16xf32> to vector<16xf32>
        %swap3A_1038 = vector.shape_cast %add3A_1031 : vector<16xf32> to vector<1x16xf32>
        tpu.vector_store %arg11[%swap3A_1034, %swap3A_1035], %swap3A_1038 {strides = array<i32>} : memref<512x32xf32, #tpu.memory_space<vmem>>, vector<1x16xf32>,
        %add3A_1039 = arith.constant 12 : i32
        %add3A_1040 = arith.addi %mul3A_291, %add3A_1039 : i32
        %slice3A_1041 = vector.extract_strided_slice %get3A_296 {offsets = [12], sizes = [1], strides = [1]} : vector<16xf32> to vector<1xf32>
        %squeeze3A_1042 = vector.extract %slice3A_1041[0] : f32 from vector<1xf32>
        %add3A_1043 = arith.constant 0 : i32
        %add3A_1044 = arith.addi %add3A_1043, %add3A_1040 : i32
        %get3A_1045 = arith.index_cast %add3A_1044 : i32 to index
        %get3A_1046 = arith.constant 0 : index
        %get3A_1047 = tpu.vector_load %arg11[%get3A_1045, %get3A_1046] {strides = array<i32>} : memref<512x32xf32, #tpu.memory_space<vmem>>, vector<1x16xf32>,
        %get3A_1048 = vector.shape_cast %get3A_1047 : vector<1x16xf32> to vector<16xf32>
        %mul3A_1049 = vector.broadcast %squeeze3A_1042 : f32 to vector<16xf32>
        %mul3A_1050 = arith.mulf %get3A_1048, %mul3A_1049 : vector<16xf32>
        %add3A_1051 = arith.constant 0 : i32
        %add3A_1052 = arith.addi %add3A_1051, %add3A_1040 : i32
        %swap3A_1053 = arith.index_cast %add3A_1052 : i32 to index
        %swap3A_1054 = arith.constant 0 : index
        %swap3A_1055 = tpu.vector_load %arg11[%swap3A_1053, %swap3A_1054] {strides = array<i32>} : memref<512x32xf32, #tpu.memory_space<vmem>>, vector<1x16xf32>,
        %swap3A_1056 = vector.shape_cast %swap3A_1055 : vector<1x16xf32> to vector<16xf32>
        %swap3A_1057 = vector.shape_cast %mul3A_1050 : vector<16xf32> to vector<1x16xf32>
        tpu.vector_store %arg11[%swap3A_1053, %swap3A_1054], %swap3A_1057 {strides = array<i32>} : memref<512x32xf32, #tpu.memory_space<vmem>>, vector<1x16xf32>,
        %add3A_1058 = arith.constant 128 : i32
        %add3A_1059 = arith.addi %add3A_1058, %add3A_1040 : i32
        %get3A_1060 = arith.index_cast %add3A_1059 : i32 to index
        %get3A_1061 = arith.constant 0 : index
        %get3A_1062 = tpu.vector_load %arg11[%get3A_1060, %get3A_1061] {strides = array<i32>} : memref<512x32xf32, #tpu.memory_space<vmem>>, vector<1x16xf32>,
        %get3A_1063 = vector.shape_cast %get3A_1062 : vector<1x16xf32> to vector<16xf32>
        %add3A_1064 = arith.addf %get3A_1063, %mul3A_1050 : vector<16xf32>
        %add3A_1065 = arith.constant 128 : i32
        %add3A_1066 = arith.addi %add3A_1065, %add3A_1040 : i32
        %swap3A_1067 = arith.index_cast %add3A_1066 : i32 to index
        %swap3A_1068 = arith.constant 0 : index
        %swap3A_1069 = tpu.vector_load %arg11[%swap3A_1067, %swap3A_1068] {strides = array<i32>} : memref<512x32xf32, #tpu.memory_space<vmem>>, vector<1x16xf32>,
        %swap3A_1070 = vector.shape_cast %swap3A_1069 : vector<1x16xf32> to vector<16xf32>
        %swap3A_1071 = vector.shape_cast %add3A_1064 : vector<16xf32> to vector<1x16xf32>
        tpu.vector_store %arg11[%swap3A_1067, %swap3A_1068], %swap3A_1071 {strides = array<i32>} : memref<512x32xf32, #tpu.memory_space<vmem>>, vector<1x16xf32>,
        %add3A_1072 = arith.constant 0 : i32
        %add3A_1073 = arith.addi %add3A_1072, %add3A_1040 : i32
        %get3A_1074 = arith.index_cast %add3A_1073 : i32 to index
        %get3A_1075 = arith.constant 16 : index
        %get3A_1076 = tpu.vector_load %arg11[%get3A_1074, %get3A_1075] {strides = array<i32>} : memref<512x32xf32, #tpu.memory_space<vmem>>, vector<1x16xf32>,
        %get3A_1077 = vector.shape_cast %get3A_1076 : vector<1x16xf32> to vector<16xf32>
        %mul3A_1078 = vector.broadcast %squeeze3A_1042 : f32 to vector<16xf32>
        %mul3A_1079 = arith.mulf %get3A_1077, %mul3A_1078 : vector<16xf32>
        %add3A_1080 = arith.constant 0 : i32
        %add3A_1081 = arith.addi %add3A_1080, %add3A_1040 : i32
        %swap3A_1082 = arith.index_cast %add3A_1081 : i32 to index
        %swap3A_1083 = arith.constant 16 : index
        %swap3A_1084 = tpu.vector_load %arg11[%swap3A_1082, %swap3A_1083] {strides = array<i32>} : memref<512x32xf32, #tpu.memory_space<vmem>>, vector<1x16xf32>,
        %swap3A_1085 = vector.shape_cast %swap3A_1084 : vector<1x16xf32> to vector<16xf32>
        %swap3A_1086 = vector.shape_cast %mul3A_1079 : vector<16xf32> to vector<1x16xf32>
        tpu.vector_store %arg11[%swap3A_1082, %swap3A_1083], %swap3A_1086 {strides = array<i32>} : memref<512x32xf32, #tpu.memory_space<vmem>>, vector<1x16xf32>,
        %add3A_1087 = arith.constant 128 : i32
        %add3A_1088 = arith.addi %add3A_1087, %add3A_1040 : i32
        %get3A_1089 = arith.index_cast %add3A_1088 : i32 to index
        %get3A_1090 = arith.constant 16 : index
        %get3A_1091 = tpu.vector_load %arg11[%get3A_1089, %get3A_1090] {strides = array<i32>} : memref<512x32xf32, #tpu.memory_space<vmem>>, vector<1x16xf32>,
        %get3A_1092 = vector.shape_cast %get3A_1091 : vector<1x16xf32> to vector<16xf32>
        %add3A_1093 = arith.addf %get3A_1092, %mul3A_1079 : vector<16xf32>
        %add3A_1094 = arith.constant 128 : i32
        %add3A_1095 = arith.addi %add3A_1094, %add3A_1040 : i32
        %swap3A_1096 = arith.index_cast %add3A_1095 : i32 to index
        %swap3A_1097 = arith.constant 16 : index
        %swap3A_1098 = tpu.vector_load %arg11[%swap3A_1096, %swap3A_1097] {strides = array<i32>} : memref<512x32xf32, #tpu.memory_space<vmem>>, vector<1x16xf32>,
        %swap3A_1099 = vector.shape_cast %swap3A_1098 : vector<1x16xf32> to vector<16xf32>
        %swap3A_1100 = vector.shape_cast %add3A_1093 : vector<16xf32> to vector<1x16xf32>
        tpu.vector_store %arg11[%swap3A_1096, %swap3A_1097], %swap3A_1100 {strides = array<i32>} : memref<512x32xf32, #tpu.memory_space<vmem>>, vector<1x16xf32>,
        %add3A_1101 = arith.constant 13 : i32
        %add3A_1102 = arith.addi %mul3A_291, %add3A_1101 : i32
        %slice3A_1103 = vector.extract_strided_slice %get3A_296 {offsets = [13], sizes = [1], strides = [1]} : vector<16xf32> to vector<1xf32>
        %squeeze3A_1104 = vector.extract %slice3A_1103[0] : f32 from vector<1xf32>
        %add3A_1105 = arith.constant 0 : i32
        %add3A_1106 = arith.addi %add3A_1105, %add3A_1102 : i32
        %get3A_1107 = arith.index_cast %add3A_1106 : i32 to index
        %get3A_1108 = arith.constant 0 : index
        %get3A_1109 = tpu.vector_load %arg11[%get3A_1107, %get3A_1108] {strides = array<i32>} : memref<512x32xf32, #tpu.memory_space<vmem>>, vector<1x16xf32>,
        %get3A_1110 = vector.shape_cast %get3A_1109 : vector<1x16xf32> to vector<16xf32>
        %mul3A_1111 = vector.broadcast %squeeze3A_1104 : f32 to vector<16xf32>
        %mul3A_1112 = arith.mulf %get3A_1110, %mul3A_1111 : vector<16xf32>
        %add3A_1113 = arith.constant 0 : i32
        %add3A_1114 = arith.addi %add3A_1113, %add3A_1102 : i32
        %swap3A_1115 = arith.index_cast %add3A_1114 : i32 to index
        %swap3A_1116 = arith.constant 0 : index
        %swap3A_1117 = tpu.vector_load %arg11[%swap3A_1115, %swap3A_1116] {strides = array<i32>} : memref<512x32xf32, #tpu.memory_space<vmem>>, vector<1x16xf32>,
        %swap3A_1118 = vector.shape_cast %swap3A_1117 : vector<1x16xf32> to vector<16xf32>
        %swap3A_1119 = vector.shape_cast %mul3A_1112 : vector<16xf32> to vector<1x16xf32>
        tpu.vector_store %arg11[%swap3A_1115, %swap3A_1116], %swap3A_1119 {strides = array<i32>} : memref<512x32xf32, #tpu.memory_space<vmem>>, vector<1x16xf32>,
        %add3A_1120 = arith.constant 128 : i32
        %add3A_1121 = arith.addi %add3A_1120, %add3A_1102 : i32
        %get3A_1122 = arith.index_cast %add3A_1121 : i32 to index
        %get3A_1123 = arith.constant 0 : index
        %get3A_1124 = tpu.vector_load %arg11[%get3A_1122, %get3A_1123] {strides = array<i32>} : memref<512x32xf32, #tpu.memory_space<vmem>>, vector<1x16xf32>,
        %get3A_1125 = vector.shape_cast %get3A_1124 : vector<1x16xf32> to vector<16xf32>
        %add3A_1126 = arith.addf %get3A_1125, %mul3A_1112 : vector<16xf32>
        %add3A_1127 = arith.constant 128 : i32
        %add3A_1128 = arith.addi %add3A_1127, %add3A_1102 : i32
        %swap3A_1129 = arith.index_cast %add3A_1128 : i32 to index
        %swap3A_1130 = arith.constant 0 : index
        %swap3A_1131 = tpu.vector_load %arg11[%swap3A_1129, %swap3A_1130] {strides = array<i32>} : memref<512x32xf32, #tpu.memory_space<vmem>>, vector<1x16xf32>,
        %swap3A_1132 = vector.shape_cast %swap3A_1131 : vector<1x16xf32> to vector<16xf32>
        %swap3A_1133 = vector.shape_cast %add3A_1126 : vector<16xf32> to vector<1x16xf32>
        tpu.vector_store %arg11[%swap3A_1129, %swap3A_1130], %swap3A_1133 {strides = array<i32>} : memref<512x32xf32, #tpu.memory_space<vmem>>, vector<1x16xf32>,
        %add3A_1134 = arith.constant 0 : i32
        %add3A_1135 = arith.addi %add3A_1134, %add3A_1102 : i32
        %get3A_1136 = arith.index_cast %add3A_1135 : i32 to index
        %get3A_1137 = arith.constant 16 : index
        %get3A_1138 = tpu.vector_load %arg11[%get3A_1136, %get3A_1137] {strides = array<i32>} : memref<512x32xf32, #tpu.memory_space<vmem>>, vector<1x16xf32>,
        %get3A_1139 = vector.shape_cast %get3A_1138 : vector<1x16xf32> to vector<16xf32>
        %mul3A_1140 = vector.broadcast %squeeze3A_1104 : f32 to vector<16xf32>
        %mul3A_1141 = arith.mulf %get3A_1139, %mul3A_1140 : vector<16xf32>
        %add3A_1142 = arith.constant 0 : i32
        %add3A_1143 = arith.addi %add3A_1142, %add3A_1102 : i32
        %swap3A_1144 = arith.index_cast %add3A_1143 : i32 to index
        %swap3A_1145 = arith.constant 16 : index
        %swap3A_1146 = tpu.vector_load %arg11[%swap3A_1144, %swap3A_1145] {strides = array<i32>} : memref<512x32xf32, #tpu.memory_space<vmem>>, vector<1x16xf32>,
        %swap3A_1147 = vector.shape_cast %swap3A_1146 : vector<1x16xf32> to vector<16xf32>
        %swap3A_1148 = vector.shape_cast %mul3A_1141 : vector<16xf32> to vector<1x16xf32>
        tpu.vector_store %arg11[%swap3A_1144, %swap3A_1145], %swap3A_1148 {strides = array<i32>} : memref<512x32xf32, #tpu.memory_space<vmem>>, vector<1x16xf32>,
        %add3A_1149 = arith.constant 128 : i32
        %add3A_1150 = arith.addi %add3A_1149, %add3A_1102 : i32
        %get3A_1151 = arith.index_cast %add3A_1150 : i32 to index
        %get3A_1152 = arith.constant 16 : index
        %get3A_1153 = tpu.vector_load %arg11[%get3A_1151, %get3A_1152] {strides = array<i32>} : memref<512x32xf32, #tpu.memory_space<vmem>>, vector<1x16xf32>,
        %get3A_1154 = vector.shape_cast %get3A_1153 : vector<1x16xf32> to vector<16xf32>
        %add3A_1155 = arith.addf %get3A_1154, %mul3A_1141 : vector<16xf32>
        %add3A_1156 = arith.constant 128 : i32
        %add3A_1157 = arith.addi %add3A_1156, %add3A_1102 : i32
        %swap3A_1158 = arith.index_cast %add3A_1157 : i32 to index
        %swap3A_1159 = arith.constant 16 : index
        %swap3A_1160 = tpu.vector_load %arg11[%swap3A_1158, %swap3A_1159] {strides = array<i32>} : memref<512x32xf32, #tpu.memory_space<vmem>>, vector<1x16xf32>,
        %swap3A_1161 = vector.shape_cast %swap3A_1160 : vector<1x16xf32> to vector<16xf32>
        %swap3A_1162 = vector.shape_cast %add3A_1155 : vector<16xf32> to vector<1x16xf32>
        tpu.vector_store %arg11[%swap3A_1158, %swap3A_1159], %swap3A_1162 {strides = array<i32>} : memref<512x32xf32, #tpu.memory_space<vmem>>, vector<1x16xf32>,
        %add3A_1163 = arith.constant 14 : i32
        %add3A_1164 = arith.addi %mul3A_291, %add3A_1163 : i32
        %slice3A_1165 = vector.extract_strided_slice %get3A_296 {offsets = [14], sizes = [1], strides = [1]} : vector<16xf32> to vector<1xf32>
        %squeeze3A_1166 = vector.extract %slice3A_1165[0] : f32 from vector<1xf32>
        %add3A_1167 = arith.constant 0 : i32
        %add3A_1168 = arith.addi %add3A_1167, %add3A_1164 : i32
        %get3A_1169 = arith.index_cast %add3A_1168 : i32 to index
        %get3A_1170 = arith.constant 0 : index
        %get3A_1171 = tpu.vector_load %arg11[%get3A_1169, %get3A_1170] {strides = array<i32>} : memref<512x32xf32, #tpu.memory_space<vmem>>, vector<1x16xf32>,
        %get3A_1172 = vector.shape_cast %get3A_1171 : vector<1x16xf32> to vector<16xf32>
        %mul3A_1173 = vector.broadcast %squeeze3A_1166 : f32 to vector<16xf32>
        %mul3A_1174 = arith.mulf %get3A_1172, %mul3A_1173 : vector<16xf32>
        %add3A_1175 = arith.constant 0 : i32
        %add3A_1176 = arith.addi %add3A_1175, %add3A_1164 : i32
        %swap3A_1177 = arith.index_cast %add3A_1176 : i32 to index
        %swap3A_1178 = arith.constant 0 : index
        %swap3A_1179 = tpu.vector_load %arg11[%swap3A_1177, %swap3A_1178] {strides = array<i32>} : memref<512x32xf32, #tpu.memory_space<vmem>>, vector<1x16xf32>,
        %swap3A_1180 = vector.shape_cast %swap3A_1179 : vector<1x16xf32> to vector<16xf32>
        %swap3A_1181 = vector.shape_cast %mul3A_1174 : vector<16xf32> to vector<1x16xf32>
        tpu.vector_store %arg11[%swap3A_1177, %swap3A_1178], %swap3A_1181 {strides = array<i32>} : memref<512x32xf32, #tpu.memory_space<vmem>>, vector<1x16xf32>,
        %add3A_1182 = arith.constant 128 : i32
        %add3A_1183 = arith.addi %add3A_1182, %add3A_1164 : i32
        %get3A_1184 = arith.index_cast %add3A_1183 : i32 to index
        %get3A_1185 = arith.constant 0 : index
        %get3A_1186 = tpu.vector_load %arg11[%get3A_1184, %get3A_1185] {strides = array<i32>} : memref<512x32xf32, #tpu.memory_space<vmem>>, vector<1x16xf32>,
        %get3A_1187 = vector.shape_cast %get3A_1186 : vector<1x16xf32> to vector<16xf32>
        %add3A_1188 = arith.addf %get3A_1187, %mul3A_1174 : vector<16xf32>
        %add3A_1189 = arith.constant 128 : i32
        %add3A_1190 = arith.addi %add3A_1189, %add3A_1164 : i32
        %swap3A_1191 = arith.index_cast %add3A_1190 : i32 to index
        %swap3A_1192 = arith.constant 0 : index
        %swap3A_1193 = tpu.vector_load %arg11[%swap3A_1191, %swap3A_1192] {strides = array<i32>} : memref<512x32xf32, #tpu.memory_space<vmem>>, vector<1x16xf32>,
        %swap3A_1194 = vector.shape_cast %swap3A_1193 : vector<1x16xf32> to vector<16xf32>
        %swap3A_1195 = vector.shape_cast %add3A_1188 : vector<16xf32> to vector<1x16xf32>
        tpu.vector_store %arg11[%swap3A_1191, %swap3A_1192], %swap3A_1195 {strides = array<i32>} : memref<512x32xf32, #tpu.memory_space<vmem>>, vector<1x16xf32>,
        %add3A_1196 = arith.constant 0 : i32
        %add3A_1197 = arith.addi %add3A_1196, %add3A_1164 : i32
        %get3A_1198 = arith.index_cast %add3A_1197 : i32 to index
        %get3A_1199 = arith.constant 16 : index
        %get3A_1200 = tpu.vector_load %arg11[%get3A_1198, %get3A_1199] {strides = array<i32>} : memref<512x32xf32, #tpu.memory_space<vmem>>, vector<1x16xf32>,
        %get3A_1201 = vector.shape_cast %get3A_1200 : vector<1x16xf32> to vector<16xf32>
        %mul3A_1202 = vector.broadcast %squeeze3A_1166 : f32 to vector<16xf32>
        %mul3A_1203 = arith.mulf %get3A_1201, %mul3A_1202 : vector<16xf32>
        %add3A_1204 = arith.constant 0 : i32
        %add3A_1205 = arith.addi %add3A_1204, %add3A_1164 : i32
        %swap3A_1206 = arith.index_cast %add3A_1205 : i32 to index
        %swap3A_1207 = arith.constant 16 : index
        %swap3A_1208 = tpu.vector_load %arg11[%swap3A_1206, %swap3A_1207] {strides = array<i32>} : memref<512x32xf32, #tpu.memory_space<vmem>>, vector<1x16xf32>,
        %swap3A_1209 = vector.shape_cast %swap3A_1208 : vector<1x16xf32> to vector<16xf32>
        %swap3A_1210 = vector.shape_cast %mul3A_1203 : vector<16xf32> to vector<1x16xf32>
        tpu.vector_store %arg11[%swap3A_1206, %swap3A_1207], %swap3A_1210 {strides = array<i32>} : memref<512x32xf32, #tpu.memory_space<vmem>>, vector<1x16xf32>,
        %add3A_1211 = arith.constant 128 : i32
        %add3A_1212 = arith.addi %add3A_1211, %add3A_1164 : i32
        %get3A_1213 = arith.index_cast %add3A_1212 : i32 to index
        %get3A_1214 = arith.constant 16 : index
        %get3A_1215 = tpu.vector_load %arg11[%get3A_1213, %get3A_1214] {strides = array<i32>} : memref<512x32xf32, #tpu.memory_space<vmem>>, vector<1x16xf32>,
        %get3A_1216 = vector.shape_cast %get3A_1215 : vector<1x16xf32> to vector<16xf32>
        %add3A_1217 = arith.addf %get3A_1216, %mul3A_1203 : vector<16xf32>
        %add3A_1218 = arith.constant 128 : i32
        %add3A_1219 = arith.addi %add3A_1218, %add3A_1164 : i32
        %swap3A_1220 = arith.index_cast %add3A_1219 : i32 to index
        %swap3A_1221 = arith.constant 16 : index
        %swap3A_1222 = tpu.vector_load %arg11[%swap3A_1220, %swap3A_1221] {strides = array<i32>} : memref<512x32xf32, #tpu.memory_space<vmem>>, vector<1x16xf32>,
        %swap3A_1223 = vector.shape_cast %swap3A_1222 : vector<1x16xf32> to vector<16xf32>
        %swap3A_1224 = vector.shape_cast %add3A_1217 : vector<16xf32> to vector<1x16xf32>
        tpu.vector_store %arg11[%swap3A_1220, %swap3A_1221], %swap3A_1224 {strides = array<i32>} : memref<512x32xf32, #tpu.memory_space<vmem>>, vector<1x16xf32>,
        %add3A_1225 = arith.constant 15 : i32
        %add3A_1226 = arith.addi %mul3A_291, %add3A_1225 : i32
        %slice3A_1227 = vector.extract_strided_slice %get3A_296 {offsets = [15], sizes = [1], strides = [1]} : vector<16xf32> to vector<1xf32>
        %squeeze3A_1228 = vector.extract %slice3A_1227[0] : f32 from vector<1xf32>
        %add3A_1229 = arith.constant 0 : i32
        %add3A_1230 = arith.addi %add3A_1229, %add3A_1226 : i32
        %get3A_1231 = arith.index_cast %add3A_1230 : i32 to index
        %get3A_1232 = arith.constant 0 : index
        %get3A_1233 = tpu.vector_load %arg11[%get3A_1231, %get3A_1232] {strides = array<i32>} : memref<512x32xf32, #tpu.memory_space<vmem>>, vector<1x16xf32>,
        %get3A_1234 = vector.shape_cast %get3A_1233 : vector<1x16xf32> to vector<16xf32>
        %mul3A_1235 = vector.broadcast %squeeze3A_1228 : f32 to vector<16xf32>
        %mul3A_1236 = arith.mulf %get3A_1234, %mul3A_1235 : vector<16xf32>
        %add3A_1237 = arith.constant 0 : i32
        %add3A_1238 = arith.addi %add3A_1237, %add3A_1226 : i32
        %swap3A_1239 = arith.index_cast %add3A_1238 : i32 to index
        %swap3A_1240 = arith.constant 0 : index
        %swap3A_1241 = tpu.vector_load %arg11[%swap3A_1239, %swap3A_1240] {strides = array<i32>} : memref<512x32xf32, #tpu.memory_space<vmem>>, vector<1x16xf32>,
        %swap3A_1242 = vector.shape_cast %swap3A_1241 : vector<1x16xf32> to vector<16xf32>
        %swap3A_1243 = vector.shape_cast %mul3A_1236 : vector<16xf32> to vector<1x16xf32>
        tpu.vector_store %arg11[%swap3A_1239, %swap3A_1240], %swap3A_1243 {strides = array<i32>} : memref<512x32xf32, #tpu.memory_space<vmem>>, vector<1x16xf32>,
        %add3A_1244 = arith.constant 128 : i32
        %add3A_1245 = arith.addi %add3A_1244, %add3A_1226 : i32
        %get3A_1246 = arith.index_cast %add3A_1245 : i32 to index
        %get3A_1247 = arith.constant 0 : index
        %get3A_1248 = tpu.vector_load %arg11[%get3A_1246, %get3A_1247] {strides = array<i32>} : memref<512x32xf32, #tpu.memory_space<vmem>>, vector<1x16xf32>,
        %get3A_1249 = vector.shape_cast %get3A_1248 : vector<1x16xf32> to vector<16xf32>
        %add3A_1250 = arith.addf %get3A_1249, %mul3A_1236 : vector<16xf32>
        %add3A_1251 = arith.constant 128 : i32
        %add3A_1252 = arith.addi %add3A_1251, %add3A_1226 : i32
        %swap3A_1253 = arith.index_cast %add3A_1252 : i32 to index
        %swap3A_1254 = arith.constant 0 : index
        %swap3A_1255 = tpu.vector_load %arg11[%swap3A_1253, %swap3A_1254] {strides = array<i32>} : memref<512x32xf32, #tpu.memory_space<vmem>>, vector<1x16xf32>,
        %swap3A_1256 = vector.shape_cast %swap3A_1255 : vector<1x16xf32> to vector<16xf32>
        %swap3A_1257 = vector.shape_cast %add3A_1250 : vector<16xf32> to vector<1x16xf32>
        tpu.vector_store %arg11[%swap3A_1253, %swap3A_1254], %swap3A_1257 {strides = array<i32>} : memref<512x32xf32, #tpu.memory_space<vmem>>, vector<1x16xf32>,
        %add3A_1258 = arith.constant 0 : i32
        %add3A_1259 = arith.addi %add3A_1258, %add3A_1226 : i32
        %get3A_1260 = arith.index_cast %add3A_1259 : i32 to index
        %get3A_1261 = arith.constant 16 : index
        %get3A_1262 = tpu.vector_load %arg11[%get3A_1260, %get3A_1261] {strides = array<i32>} : memref<512x32xf32, #tpu.memory_space<vmem>>, vector<1x16xf32>,
        %get3A_1263 = vector.shape_cast %get3A_1262 : vector<1x16xf32> to vector<16xf32>
        %mul3A_1264 = vector.broadcast %squeeze3A_1228 : f32 to vector<16xf32>
        %mul3A_1265 = arith.mulf %get3A_1263, %mul3A_1264 : vector<16xf32>
        %add3A_1266 = arith.constant 0 : i32
        %add3A_1267 = arith.addi %add3A_1266, %add3A_1226 : i32
        %swap3A_1268 = arith.index_cast %add3A_1267 : i32 to index
        %swap3A_1269 = arith.constant 16 : index
        %swap3A_1270 = tpu.vector_load %arg11[%swap3A_1268, %swap3A_1269] {strides = array<i32>} : memref<512x32xf32, #tpu.memory_space<vmem>>, vector<1x16xf32>,
        %swap3A_1271 = vector.shape_cast %swap3A_1270 : vector<1x16xf32> to vector<16xf32>
        %swap3A_1272 = vector.shape_cast %mul3A_1265 : vector<16xf32> to vector<1x16xf32>
        tpu.vector_store %arg11[%swap3A_1268, %swap3A_1269], %swap3A_1272 {strides = array<i32>} : memref<512x32xf32, #tpu.memory_space<vmem>>, vector<1x16xf32>,
        %add3A_1273 = arith.constant 128 : i32
        %add3A_1274 = arith.addi %add3A_1273, %add3A_1226 : i32
        %get3A_1275 = arith.index_cast %add3A_1274 : i32 to index
        %get3A_1276 = arith.constant 16 : index
        %get3A_1277 = tpu.vector_load %arg11[%get3A_1275, %get3A_1276] {strides = array<i32>} : memref<512x32xf32, #tpu.memory_space<vmem>>, vector<1x16xf32>,
        %get3A_1278 = vector.shape_cast %get3A_1277 : vector<1x16xf32> to vector<16xf32>
        %add3A_1279 = arith.addf %get3A_1278, %mul3A_1265 : vector<16xf32>
        %add3A_1280 = arith.constant 128 : i32
        %add3A_1281 = arith.addi %add3A_1280, %add3A_1226 : i32
        %swap3A_1282 = arith.index_cast %add3A_1281 : i32 to index
        %swap3A_1283 = arith.constant 16 : index
        %swap3A_1284 = tpu.vector_load %arg11[%swap3A_1282, %swap3A_1283] {strides = array<i32>} : memref<512x32xf32, #tpu.memory_space<vmem>>, vector<1x16xf32>,
        %swap3A_1285 = vector.shape_cast %swap3A_1284 : vector<1x16xf32> to vector<16xf32>
        %swap3A_1286 = vector.shape_cast %add3A_1279 : vector<16xf32> to vector<1x16xf32>
        tpu.vector_store %arg11[%swap3A_1282, %swap3A_1283], %swap3A_1286 {strides = array<i32>} : memref<512x32xf32, #tpu.memory_space<vmem>>, vector<1x16xf32>,
      }
      %scan3A_288 = arith.constant 8 : i32
      "tpu.region"() ({
        %run_scoped3A = tpu.sem_alloc : memref<!tpu.dma_semaphore, #tpu.memory_space<semaphore_mem>>
        %dma_start3A_289 = arith.constant 128 : i32
        %dma_start3A_290 = arith.constant 0 : i32
        %dma_start3A_291 = tpu.memref_slice %arg11[%dma_start3A_289, %dma_start3A_290] : memref<512x32xf32, #tpu.memory_space<vmem>> -> memref<128x32xf32, #tpu.memory_space<vmem>>
        %dma_start3A_292 = arith.constant 0 : i32
        %dma_start3A_293 = tpu.memref_slice %arg5[%add3A_279, %dma_start3A_292] : memref<102400x32xf32, #tpu.memory_space<hbm>> -> memref<128x32xf32, #tpu.memory_space<hbm>>
        %dma_start3A_294 = arith.constant 0 : i32
        %dma_start3A_295 = tpu.memref_slice %arg5[%add3A_279, %dma_start3A_294] : memref<102400x32xf32, #tpu.memory_space<hbm>> -> memref<128x32xf32, #tpu.memory_space<hbm>>
        %dma_start3A_296 = arith.constant 128 : i32
        %dma_start3A_297 = arith.constant 0 : i32
        %dma_start3A_298 = tpu.memref_slice %arg11[%dma_start3A_296, %dma_start3A_297] : memref<512x32xf32, #tpu.memory_space<vmem>> -> memref<128x32xf32, #tpu.memory_space<vmem>>
        tpu.enqueue_dma source(%dma_start3A_298 : memref<128x32xf32, #tpu.memory_space<vmem>>) target(%dma_start3A_295 : memref<128x32xf32, #tpu.memory_space<hbm>>) target_semaphore(%run_scoped3A : memref<!tpu.dma_semaphore, #tpu.memory_space<semaphore_mem>>)
        %dma_wait3A_299 = arith.constant 128 : i32
        %dma_wait3A_300 = arith.constant 0 : i32
        %dma_wait3A_301 = tpu.memref_slice %arg11[%dma_wait3A_299, %dma_wait3A_300] : memref<512x32xf32, #tpu.memory_space<vmem>> -> memref<128x32xf32, #tpu.memory_space<vmem>>
        %dma_wait3A_302 = arith.constant 0 : i32
        %dma_wait3A_303 = tpu.memref_slice %arg5[%add3A_279, %dma_wait3A_302] : memref<102400x32xf32, #tpu.memory_space<hbm>> -> memref<128x32xf32, #tpu.memory_space<hbm>>
        %dma_wait3A_304 = arith.constant 0 : i32
        %dma_wait3A_305 = tpu.memref_slice %arg5[%add3A_279, %dma_wait3A_304] : memref<102400x32xf32, #tpu.memory_space<hbm>> -> memref<128x32xf32, #tpu.memory_space<hbm>>
        %dma_wait3A_306 = arith.constant 128 : i32
        %dma_wait3A_307 = arith.constant 0 : i32
        %dma_wait3A_308 = tpu.memref_slice %arg11[%dma_wait3A_306, %dma_wait3A_307] : memref<512x32xf32, #tpu.memory_space<vmem>> -> memref<128x32xf32, #tpu.memory_space<vmem>>
        tpu.wait_dma2 semaphore(%run_scoped3A : memref<!tpu.dma_semaphore, #tpu.memory_space<semaphore_mem>>) src(%dma_wait3A_308 : memref<128x32xf32, #tpu.memory_space<vmem>>) dst(%dma_wait3A_305 : memref<128x32xf32, #tpu.memory_space<hbm>>)
        tpu.yield
      }) : () -> ()
      "tpu.region"() ({
        %run_scoped3A = tpu.sem_alloc : memref<!tpu.dma_semaphore, #tpu.memory_space<semaphore_mem>>
        %dma_start3A_289 = arith.constant 0 : i32
        %dma_start3A_290 = arith.constant 0 : i32
        %dma_start3A_291 = tpu.memref_slice %arg11[%dma_start3A_289, %dma_start3A_290] : memref<512x32xf32, #tpu.memory_space<vmem>> -> memref<128x32xf32, #tpu.memory_space<vmem>>
        %dma_start3A_292 = arith.constant 0 : i32
        %dma_start3A_293 = tpu.memref_slice %arg6[%add3A_279, %dma_start3A_292] : memref<102400x32xf32, #tpu.memory_space<hbm>> -> memref<128x32xf32, #tpu.memory_space<hbm>>
        %dma_start3A_294 = arith.constant 0 : i32
        %dma_start3A_295 = tpu.memref_slice %arg6[%add3A_279, %dma_start3A_294] : memref<102400x32xf32, #tpu.memory_space<hbm>> -> memref<128x32xf32, #tpu.memory_space<hbm>>
        %dma_start3A_296 = arith.constant 0 : i32
        %dma_start3A_297 = arith.constant 0 : i32
        %dma_start3A_298 = tpu.memref_slice %arg11[%dma_start3A_296, %dma_start3A_297] : memref<512x32xf32, #tpu.memory_space<vmem>> -> memref<128x32xf32, #tpu.memory_space<vmem>>
        tpu.enqueue_dma source(%dma_start3A_298 : memref<128x32xf32, #tpu.memory_space<vmem>>) target(%dma_start3A_295 : memref<128x32xf32, #tpu.memory_space<hbm>>) target_semaphore(%run_scoped3A : memref<!tpu.dma_semaphore, #tpu.memory_space<semaphore_mem>>)
        %dma_wait3A_299 = arith.constant 0 : i32
        %dma_wait3A_300 = arith.constant 0 : i32
        %dma_wait3A_301 = tpu.memref_slice %arg11[%dma_wait3A_299, %dma_wait3A_300] : memref<512x32xf32, #tpu.memory_space<vmem>> -> memref<128x32xf32, #tpu.memory_space<vmem>>
        %dma_wait3A_302 = arith.constant 0 : i32
        %dma_wait3A_303 = tpu.memref_slice %arg6[%add3A_279, %dma_wait3A_302] : memref<102400x32xf32, #tpu.memory_space<hbm>> -> memref<128x32xf32, #tpu.memory_space<hbm>>
        %dma_wait3A_304 = arith.constant 0 : i32
        %dma_wait3A_305 = tpu.memref_slice %arg6[%add3A_279, %dma_wait3A_304] : memref<102400x32xf32, #tpu.memory_space<hbm>> -> memref<128x32xf32, #tpu.memory_space<hbm>>
        %dma_wait3A_306 = arith.constant 0 : i32
        %dma_wait3A_307 = arith.constant 0 : i32
        %dma_wait3A_308 = tpu.memref_slice %arg11[%dma_wait3A_306, %dma_wait3A_307] : memref<512x32xf32, #tpu.memory_space<vmem>> -> memref<128x32xf32, #tpu.memory_space<vmem>>
        tpu.wait_dma2 semaphore(%run_scoped3A : memref<!tpu.dma_semaphore, #tpu.memory_space<semaphore_mem>>) src(%dma_wait3A_308 : memref<128x32xf32, #tpu.memory_space<vmem>>) dst(%dma_wait3A_305 : memref<128x32xf32, #tpu.memory_space<hbm>>)
        tpu.yield
      }) : () -> ()
      "tpu.region"() ({
        %run_scoped3A = tpu.sem_alloc : memref<!tpu.dma_semaphore, #tpu.memory_space<semaphore_mem>>
        %dma_start3A_289 = arith.constant 256 : i32
        %dma_start3A_290 = arith.constant 0 : i32
        %dma_start3A_291 = tpu.memref_slice %arg11[%dma_start3A_289, %dma_start3A_290] : memref<512x32xf32, #tpu.memory_space<vmem>> -> memref<128x32xf32, #tpu.memory_space<vmem>>
        %dma_start3A_292 = arith.constant 0 : i32
        %dma_start3A_293 = tpu.memref_slice %arg7[%add3A_282, %dma_start3A_292] : memref<51200x32xf32, #tpu.memory_space<vmem_shared>> -> memref<128x32xf32, #tpu.memory_space<vmem_shared>>
        %dma_start3A_294 = arith.constant 0 : i32
        %dma_start3A_295 = tpu.memref_slice %arg7[%add3A_282, %dma_start3A_294] : memref<51200x32xf32, #tpu.memory_space<vmem_shared>> -> memref<128x32xf32, #tpu.memory_space<vmem_shared>>
        %dma_start3A_296 = arith.constant 256 : i32
        %dma_start3A_297 = arith.constant 0 : i32
        %dma_start3A_298 = tpu.memref_slice %arg11[%dma_start3A_296, %dma_start3A_297] : memref<512x32xf32, #tpu.memory_space<vmem>> -> memref<128x32xf32, #tpu.memory_space<vmem>>
        tpu.enqueue_dma source(%dma_start3A_298 : memref<128x32xf32, #tpu.memory_space<vmem>>) target(%dma_start3A_295 : memref<128x32xf32, #tpu.memory_space<vmem_shared>>) target_semaphore(%run_scoped3A : memref<!tpu.dma_semaphore, #tpu.memory_space<semaphore_mem>>)
        %dma_wait3A_299 = arith.constant 256 : i32
        %dma_wait3A_300 = arith.constant 0 : i32
        %dma_wait3A_301 = tpu.memref_slice %arg11[%dma_wait3A_299, %dma_wait3A_300] : memref<512x32xf32, #tpu.memory_space<vmem>> -> memref<128x32xf32, #tpu.memory_space<vmem>>
        %dma_wait3A_302 = arith.constant 0 : i32
        %dma_wait3A_303 = tpu.memref_slice %arg7[%add3A_282, %dma_wait3A_302] : memref<51200x32xf32, #tpu.memory_space<vmem_shared>> -> memref<128x32xf32, #tpu.memory_space<vmem_shared>>
        %dma_wait3A_304 = arith.constant 0 : i32
        %dma_wait3A_305 = tpu.memref_slice %arg7[%add3A_282, %dma_wait3A_304] : memref<51200x32xf32, #tpu.memory_space<vmem_shared>> -> memref<128x32xf32, #tpu.memory_space<vmem_shared>>
        %dma_wait3A_306 = arith.constant 256 : i32
        %dma_wait3A_307 = arith.constant 0 : i32
        %dma_wait3A_308 = tpu.memref_slice %arg11[%dma_wait3A_306, %dma_wait3A_307] : memref<512x32xf32, #tpu.memory_space<vmem>> -> memref<128x32xf32, #tpu.memory_space<vmem>>
        tpu.wait_dma2 semaphore(%run_scoped3A : memref<!tpu.dma_semaphore, #tpu.memory_space<semaphore_mem>>) src(%dma_wait3A_308 : memref<128x32xf32, #tpu.memory_space<vmem>>) dst(%dma_wait3A_305 : memref<128x32xf32, #tpu.memory_space<vmem_shared>>)
        tpu.yield
      }) : () -> ()
    }
    %scan3A_214 = arith.constant 25 : i32
    %barrier3A_215 = arith.constant 0 : index
    tpu.barrier barrier_id(%barrier3A_215)
    %mul3A_216 = arith.constant 819200 : i32
    %mul3A_217 = arith.muli %arg0, %mul3A_216 : i32
    %mul3A_218 = arith.constant 51200 : i32
    %mul3A_219 = arith.muli %arg1, %mul3A_218 : i32
    %add3A_220 = arith.addi %mul3A_217, %mul3A_219 : i32
    %mul3A_221 = arith.constant 400 : i32
    %mul3A_222 = arith.muli %arg1, %mul3A_221 : i32
    "tpu.region"() ({
      %run_scoped3A = tpu.sem_alloc : memref<!tpu.dma_semaphore, #tpu.memory_space<semaphore_mem>>
      %dma_start3A_276 = arith.constant 0 : i32
      %dma_start3A_277 = tpu.memref_slice %arg9[%dma_start3A_276] : memref<1024xi32, #tpu.memory_space<vmem>> -> memref<256xi32, #tpu.memory_space<vmem>>
      %dma_start3A_278 = tpu.memref_slice %arg2[%add3A_220] : memref<1638400xi32, #tpu.memory_space<hbm>> -> memref<256xi32, #tpu.memory_space<hbm>>
      %dma_start3A_279 = arith.constant 0 : i32
      %dma_start3A_280 = tpu.memref_slice %arg9[%dma_start3A_279] : memref<1024xi32, #tpu.memory_space<vmem>> -> memref<256xi32, #tpu.memory_space<vmem>>
      %dma_start3A_281 = tpu.memref_slice %arg2[%add3A_220] : memref<1638400xi32, #tpu.memory_space<hbm>> -> memref<256xi32, #tpu.memory_space<hbm>>
      tpu.enqueue_dma source(%dma_start3A_281 : memref<256xi32, #tpu.memory_space<hbm>>) target(%dma_start3A_280 : memref<256xi32, #tpu.memory_space<vmem>>) target_semaphore(%run_scoped3A : memref<!tpu.dma_semaphore, #tpu.memory_space<semaphore_mem>>)
      %dma_wait3A_282 = arith.constant 0 : i32
      %dma_wait3A_283 = tpu.memref_slice %arg9[%dma_wait3A_282] : memref<1024xi32, #tpu.memory_space<vmem>> -> memref<256xi32, #tpu.memory_space<vmem>>
      %dma_wait3A_284 = tpu.memref_slice %arg2[%add3A_220] : memref<1638400xi32, #tpu.memory_space<hbm>> -> memref<256xi32, #tpu.memory_space<hbm>>
      %dma_wait3A_285 = arith.constant 0 : i32
      %dma_wait3A_286 = tpu.memref_slice %arg9[%dma_wait3A_285] : memref<1024xi32, #tpu.memory_space<vmem>> -> memref<256xi32, #tpu.memory_space<vmem>>
      %dma_wait3A_287 = tpu.memref_slice %arg2[%add3A_220] : memref<1638400xi32, #tpu.memory_space<hbm>> -> memref<256xi32, #tpu.memory_space<hbm>>
      tpu.wait_dma2 semaphore(%run_scoped3A : memref<!tpu.dma_semaphore, #tpu.memory_space<semaphore_mem>>) src(%dma_wait3A_287 : memref<256xi32, #tpu.memory_space<hbm>>) dst(%dma_wait3A_286 : memref<256xi32, #tpu.memory_space<vmem>>)
      tpu.yield
    }) : () -> ()
    "tpu.region"() ({
      %run_scoped3A = tpu.sem_alloc : memref<!tpu.dma_semaphore, #tpu.memory_space<semaphore_mem>>
      %dma_start3A_276 = arith.constant 0 : i32
      %dma_start3A_277 = arith.constant 0 : i32
      %dma_start3A_278 = tpu.memref_slice %arg10[%dma_start3A_276, %dma_start3A_277] : memref<8x128xi32, #tpu.memory_space<vmem>> -> memref<2x128xi32, #tpu.memory_space<vmem>>
      %dma_start3A_279 = arith.constant 0 : i32
      %dma_start3A_280 = tpu.memref_slice %arg3[%mul3A_222, %dma_start3A_279] : memref<6400x128xi32, #tpu.memory_space<hbm>> -> memref<2x128xi32, #tpu.memory_space<hbm>>
      %dma_start3A_281 = arith.constant 0 : i32
      %dma_start3A_282 = arith.constant 0 : i32
      %dma_start3A_283 = tpu.memref_slice %arg10[%dma_start3A_281, %dma_start3A_282] : memref<8x128xi32, #tpu.memory_space<vmem>> -> memref<2x128xi32, #tpu.memory_space<vmem>>
      %dma_start3A_284 = arith.constant 0 : i32
      %dma_start3A_285 = tpu.memref_slice %arg3[%mul3A_222, %dma_start3A_284] : memref<6400x128xi32, #tpu.memory_space<hbm>> -> memref<2x128xi32, #tpu.memory_space<hbm>>
      tpu.enqueue_dma source(%dma_start3A_285 : memref<2x128xi32, #tpu.memory_space<hbm>>) target(%dma_start3A_283 : memref<2x128xi32, #tpu.memory_space<vmem>>) target_semaphore(%run_scoped3A : memref<!tpu.dma_semaphore, #tpu.memory_space<semaphore_mem>>)
      %dma_wait3A_286 = arith.constant 0 : i32
      %dma_wait3A_287 = arith.constant 0 : i32
      %dma_wait3A_288 = tpu.memref_slice %arg10[%dma_wait3A_286, %dma_wait3A_287] : memref<8x128xi32, #tpu.memory_space<vmem>> -> memref<2x128xi32, #tpu.memory_space<vmem>>
      %dma_wait3A_289 = arith.constant 0 : i32
      %dma_wait3A_290 = tpu.memref_slice %arg3[%mul3A_222, %dma_wait3A_289] : memref<6400x128xi32, #tpu.memory_space<hbm>> -> memref<2x128xi32, #tpu.memory_space<hbm>>
      %dma_wait3A_291 = arith.constant 0 : i32
      %dma_wait3A_292 = arith.constant 0 : i32
      %dma_wait3A_293 = tpu.memref_slice %arg10[%dma_wait3A_291, %dma_wait3A_292] : memref<8x128xi32, #tpu.memory_space<vmem>> -> memref<2x128xi32, #tpu.memory_space<vmem>>
      %dma_wait3A_294 = arith.constant 0 : i32
      %dma_wait3A_295 = tpu.memref_slice %arg3[%mul3A_222, %dma_wait3A_294] : memref<6400x128xi32, #tpu.memory_space<hbm>> -> memref<2x128xi32, #tpu.memory_space<hbm>>
      tpu.wait_dma2 semaphore(%run_scoped3A : memref<!tpu.dma_semaphore, #tpu.memory_space<semaphore_mem>>) src(%dma_wait3A_295 : memref<2x128xi32, #tpu.memory_space<hbm>>) dst(%dma_wait3A_293 : memref<2x128xi32, #tpu.memory_space<vmem>>)
      tpu.yield
    }) : () -> ()
    %add3A_223 = arith.constant 256 : i32
    %add3A_224 = arith.addi %add3A_220, %add3A_223 : i32
    %dma_start3A_225 = arith.constant 256 : i32
    %dma_start3A_226 = tpu.memref_slice %arg9[%dma_start3A_225] : memref<1024xi32, #tpu.memory_space<vmem>> -> memref<256xi32, #tpu.memory_space<vmem>>
    %dma_start3A_227 = tpu.memref_slice %arg2[%add3A_224] : memref<1638400xi32, #tpu.memory_space<hbm>> -> memref<256xi32, #tpu.memory_space<hbm>>
    %dma_start3A_228 = arith.constant 256 : i32
    %dma_start3A_229 = tpu.memref_slice %arg9[%dma_start3A_228] : memref<1024xi32, #tpu.memory_space<vmem>> -> memref<256xi32, #tpu.memory_space<vmem>>
    %dma_start3A_230 = tpu.memref_slice %arg2[%add3A_224] : memref<1638400xi32, #tpu.memory_space<hbm>> -> memref<256xi32, #tpu.memory_space<hbm>>
    tpu.enqueue_dma source(%dma_start3A_230 : memref<256xi32, #tpu.memory_space<hbm>>) target(%dma_start3A_229 : memref<256xi32, #tpu.memory_space<vmem>>) target_semaphore(%arg16 : memref<!tpu.dma_semaphore, #tpu.memory_space<semaphore_mem>>)
    %add3A_231 = arith.constant 2 : i32
    %add3A_232 = arith.addi %mul3A_222, %add3A_231 : i32
    %dma_start3A_233 = arith.constant 2 : i32
    %dma_start3A_234 = arith.constant 0 : i32
    %dma_start3A_235 = tpu.memref_slice %arg10[%dma_start3A_233, %dma_start3A_234] : memref<8x128xi32, #tpu.memory_space<vmem>> -> memref<2x128xi32, #tpu.memory_space<vmem>>
    %dma_start3A_236 = arith.constant 0 : i32
    %dma_start3A_237 = tpu.memref_slice %arg3[%add3A_232, %dma_start3A_236] : memref<6400x128xi32, #tpu.memory_space<hbm>> -> memref<2x128xi32, #tpu.memory_space<hbm>>
    %dma_start3A_238 = arith.constant 2 : i32
    %dma_start3A_239 = arith.constant 0 : i32
    %dma_start3A_240 = tpu.memref_slice %arg10[%dma_start3A_238, %dma_start3A_239] : memref<8x128xi32, #tpu.memory_space<vmem>> -> memref<2x128xi32, #tpu.memory_space<vmem>>
    %dma_start3A_241 = arith.constant 0 : i32
    %dma_start3A_242 = tpu.memref_slice %arg3[%add3A_232, %dma_start3A_241] : memref<6400x128xi32, #tpu.memory_space<hbm>> -> memref<2x128xi32, #tpu.memory_space<hbm>>
    tpu.enqueue_dma source(%dma_start3A_242 : memref<2x128xi32, #tpu.memory_space<hbm>>) target(%dma_start3A_240 : memref<2x128xi32, #tpu.memory_space<vmem>>) target_semaphore(%arg16 : memref<!tpu.dma_semaphore, #tpu.memory_space<semaphore_mem>>)
    %dma_start3A_243 = arith.constant 0 : i32
    %dma_start3A_244 = arith.constant 0 : i32
    %dma_start3A_245 = tpu.memref_slice %arg11[%dma_start3A_243, %dma_start3A_244] : memref<512x32xf32, #tpu.memory_space<vmem>> -> memref<256x32xf32, #tpu.memory_space<vmem>>
    %dma_start3A_246 = arith.constant 0 : i32
    %dma_start3A_247 = tpu.memref_slice %arg9[%dma_start3A_246] : memref<1024xi32, #tpu.memory_space<vmem>> -> memref<256xi32, #tpu.memory_space<vmem>>
    %dma_start3A_248 = arith.constant 0 : i32
    %dma_start3A_249 = arith.constant 0 : i32
    %dma_start3A_250 = tpu.memref_slice %arg6[%dma_start3A_248, %dma_start3A_249] : memref<102400x32xf32, #tpu.memory_space<hbm>> -> memref<102400x32xf32, #tpu.memory_space<hbm>>
    tpu.enqueue_indirect_dma source(%dma_start3A_250 : memref<102400x32xf32, #tpu.memory_space<hbm>>) target(%dma_start3A_245 : memref<256x32xf32, #tpu.memory_space<vmem>>) offsets(%dma_start3A_247 : memref<256xi32, #tpu.memory_space<vmem>>) semaphore(%arg14 : memref<!tpu.dma_semaphore, #tpu.memory_space<semaphore_mem>>)
    %scan3A_251 = arith.constant 0 : i32
    %scan3A_252 = arith.constant 0 : i32
    %scan3A_253 = arith.constant 200 : i32
    %scan3A_254 = arith.addi %scan3A_252, %scan3A_253 : i32
    %scan3A_255 = arith.constant 1 : i32
    scf.for %scan3A_276 = %scan3A_252 to %scan3A_254 step %scan3A_255  : i32 {
      %mul3A_277 = arith.constant 2 : i32
      %mul3A_278 = arith.muli %mul3A_277, %scan3A_276 : i32
      %rem3A = arith.constant 2 : i32
      %rem3A_279 = arith.remsi %scan3A_276, %rem3A : i32
      %mul3A_280 = arith.constant 256 : i32
      %mul3A_281 = arith.muli %rem3A_279, %mul3A_280 : i32
      %gt3A = arith.constant 0 : i32
      %gt3A_282 = arith.cmpi sgt, %scan3A_276, %gt3A : i32
      %convert_element_type3A = arith.extui %gt3A_282 : i1 to i32
      %cond3A = arith.constant 0 : i32
      %cond3A_283 = arith.cmpi ne, %convert_element_type3A, %cond3A : i32
      scf.if %cond3A_283 {
        %dma_wait3A_337 = arith.constant 0 : i32
        %dma_wait3A_338 = arith.constant 0 : i32
        %dma_wait3A_339 = tpu.memref_slice %arg11[%dma_wait3A_337, %dma_wait3A_338] : memref<512x32xf32, #tpu.memory_space<vmem>> -> memref<256x32xf32, #tpu.memory_space<vmem>>
        %dma_wait3A_340 = arith.constant 0 : i32
        %dma_wait3A_341 = arith.constant 0 : i32
        %dma_wait3A_342 = tpu.memref_slice %arg4[%dma_wait3A_340, %dma_wait3A_341] : memref<102400x32xf32, #tpu.memory_space<hbm>> -> memref<256x32xf32, #tpu.memory_space<hbm>>
        %dma_wait3A_343 = arith.constant 0 : i32
        %dma_wait3A_344 = arith.constant 0 : i32
        %dma_wait3A_345 = tpu.memref_slice %arg11[%dma_wait3A_343, %dma_wait3A_344] : memref<512x32xf32, #tpu.memory_space<vmem>> -> memref<256x32xf32, #tpu.memory_space<vmem>>
        %dma_wait3A_346 = arith.constant 0 : i32
        %dma_wait3A_347 = arith.constant 0 : i32
        %dma_wait3A_348 = tpu.memref_slice %arg4[%dma_wait3A_346, %dma_wait3A_347] : memref<102400x32xf32, #tpu.memory_space<hbm>> -> memref<256x32xf32, #tpu.memory_space<hbm>>
        tpu.wait_dma2 semaphore(%arg15 : memref<!tpu.dma_semaphore, #tpu.memory_space<semaphore_mem>>) src(%dma_wait3A_348 : memref<256x32xf32, #tpu.memory_space<hbm>>) dst(%dma_wait3A_345 : memref<256x32xf32, #tpu.memory_space<vmem>>)
      } else {
      }
      %add3A_284 = arith.constant 1 : i32
      %add3A_285 = arith.addi %scan3A_276, %add3A_284 : i32
      %lt3A = arith.constant 200 : i32
      %lt3A_286 = arith.cmpi slt, %add3A_285, %lt3A : i32
      %convert_element_type3A_287 = arith.extui %lt3A_286 : i1 to i32
      %cond3A_288 = arith.constant 0 : i32
      %cond3A_289 = arith.cmpi ne, %convert_element_type3A_287, %cond3A_288 : i32
      scf.if %cond3A_289 {
        %dma_wait3A_337 = arith.constant 0 : i32
        %dma_wait3A_338 = arith.constant 0 : i32
        %dma_wait3A_339 = tpu.memref_slice %arg10[%dma_wait3A_337, %dma_wait3A_338] : memref<8x128xi32, #tpu.memory_space<vmem>> -> memref<4x128xi32, #tpu.memory_space<vmem>>
        %dma_wait3A_340 = arith.constant 0 : i32
        %dma_wait3A_341 = arith.constant 0 : i32
        %dma_wait3A_342 = tpu.memref_slice %arg3[%dma_wait3A_340, %dma_wait3A_341] : memref<6400x128xi32, #tpu.memory_space<hbm>> -> memref<4x128xi32, #tpu.memory_space<hbm>>
        %dma_wait3A_343 = arith.constant 0 : i32
        %dma_wait3A_344 = arith.constant 0 : i32
        %dma_wait3A_345 = tpu.memref_slice %arg10[%dma_wait3A_343, %dma_wait3A_344] : memref<8x128xi32, #tpu.memory_space<vmem>> -> memref<4x128xi32, #tpu.memory_space<vmem>>
        %dma_wait3A_346 = arith.constant 0 : i32
        %dma_wait3A_347 = arith.constant 0 : i32
        %dma_wait3A_348 = tpu.memref_slice %arg3[%dma_wait3A_346, %dma_wait3A_347] : memref<6400x128xi32, #tpu.memory_space<hbm>> -> memref<4x128xi32, #tpu.memory_space<hbm>>
        tpu.wait_dma2 semaphore(%arg16 : memref<!tpu.dma_semaphore, #tpu.memory_space<semaphore_mem>>) src(%dma_wait3A_348 : memref<4x128xi32, #tpu.memory_space<hbm>>) dst(%dma_wait3A_345 : memref<4x128xi32, #tpu.memory_space<vmem>>)
        %add3A_349 = arith.constant 1 : i32
        %add3A_350 = arith.addi %scan3A_276, %add3A_349 : i32
        %rem3A_351 = arith.constant 4 : i32
        %rem3A_352 = arith.remsi %add3A_350, %rem3A_351 : i32
        %mul3A_353 = arith.constant 256 : i32
        %mul3A_354 = arith.muli %rem3A_352, %mul3A_353 : i32
        %add3A_355 = arith.constant 1 : i32
        %add3A_356 = arith.addi %scan3A_276, %add3A_355 : i32
        %rem3A_357 = arith.constant 2 : i32
        %rem3A_358 = arith.remsi %add3A_356, %rem3A_357 : i32
        %mul3A_359 = arith.constant 256 : i32
        %mul3A_360 = arith.muli %rem3A_358, %mul3A_359 : i32
        %dma_start3A_361 = arith.constant 0 : i32
        %dma_start3A_362 = tpu.memref_slice %arg11[%mul3A_360, %dma_start3A_361] : memref<512x32xf32, #tpu.memory_space<vmem>> -> memref<256x32xf32, #tpu.memory_space<vmem>>
        %dma_start3A_363 = tpu.memref_slice %arg9[%mul3A_354] : memref<1024xi32, #tpu.memory_space<vmem>> -> memref<256xi32, #tpu.memory_space<vmem>>
        %dma_start3A_364 = arith.constant 0 : i32
        %dma_start3A_365 = arith.constant 0 : i32
        %dma_start3A_366 = tpu.memref_slice %arg6[%dma_start3A_364, %dma_start3A_365] : memref<102400x32xf32, #tpu.memory_space<hbm>> -> memref<102400x32xf32, #tpu.memory_space<hbm>>
        tpu.enqueue_indirect_dma source(%dma_start3A_366 : memref<102400x32xf32, #tpu.memory_space<hbm>>) target(%dma_start3A_362 : memref<256x32xf32, #tpu.memory_space<vmem>>) offsets(%dma_start3A_363 : memref<256xi32, #tpu.memory_space<vmem>>) semaphore(%arg14 : memref<!tpu.dma_semaphore, #tpu.memory_space<semaphore_mem>>)
      } else {
      }
      %dma_wait3A_290 = arith.constant 0 : i32
      %dma_wait3A_291 = arith.constant 0 : i32
      %dma_wait3A_292 = tpu.memref_slice %arg11[%dma_wait3A_290, %dma_wait3A_291] : memref<512x32xf32, #tpu.memory_space<vmem>> -> memref<256x32xf32, #tpu.memory_space<vmem>>
      %dma_wait3A_293 = arith.constant 0 : i32
      %dma_wait3A_294 = arith.constant 0 : i32
      %dma_wait3A_295 = tpu.memref_slice %arg4[%dma_wait3A_293, %dma_wait3A_294] : memref<102400x32xf32, #tpu.memory_space<hbm>> -> memref<256x32xf32, #tpu.memory_space<hbm>>
      %dma_wait3A_296 = arith.constant 0 : i32
      %dma_wait3A_297 = arith.constant 0 : i32
      %dma_wait3A_298 = tpu.memref_slice %arg11[%dma_wait3A_296, %dma_wait3A_297] : memref<512x32xf32, #tpu.memory_space<vmem>> -> memref<256x32xf32, #tpu.memory_space<vmem>>
      %dma_wait3A_299 = arith.constant 0 : i32
      %dma_wait3A_300 = arith.constant 0 : i32
      %dma_wait3A_301 = tpu.memref_slice %arg4[%dma_wait3A_299, %dma_wait3A_300] : memref<102400x32xf32, #tpu.memory_space<hbm>> -> memref<256x32xf32, #tpu.memory_space<hbm>>
      tpu.wait_dma2 semaphore(%arg14 : memref<!tpu.dma_semaphore, #tpu.memory_space<semaphore_mem>>) src(%dma_wait3A_301 : memref<256x32xf32, #tpu.memory_space<hbm>>) dst(%dma_wait3A_298 : memref<256x32xf32, #tpu.memory_space<vmem>>)
      %add3A_302 = arith.constant 2 : i32
      %add3A_303 = arith.addi %scan3A_276, %add3A_302 : i32
      %lt3A_304 = arith.constant 200 : i32
      %lt3A_305 = arith.cmpi slt, %add3A_303, %lt3A_304 : i32
      %convert_element_type3A_306 = arith.extui %lt3A_305 : i1 to i32
      %cond3A_307 = arith.constant 0 : i32
      %cond3A_308 = arith.cmpi ne, %convert_element_type3A_306, %cond3A_307 : i32
      scf.if %cond3A_308 {
        %add3A_337 = arith.constant 2 : i32
        %add3A_338 = arith.addi %scan3A_276, %add3A_337 : i32
        %rem3A_339 = arith.constant 4 : i32
        %rem3A_340 = arith.remsi %add3A_338, %rem3A_339 : i32
        %mul3A_341 = arith.constant 256 : i32
        %mul3A_342 = arith.muli %rem3A_340, %mul3A_341 : i32
        %add3A_343 = arith.constant 4 : i32
        %add3A_344 = arith.addi %mul3A_278, %add3A_343 : i32
        %mul3A_345 = arith.constant 128 : i32
        %mul3A_346 = arith.muli %add3A_344, %mul3A_345 : i32
        %add3A_347 = arith.addi %add3A_220, %mul3A_346 : i32
        %dma_start3A_348 = tpu.memref_slice %arg9[%mul3A_342] : memref<1024xi32, #tpu.memory_space<vmem>> -> memref<256xi32, #tpu.memory_space<vmem>>
        %dma_start3A_349 = tpu.memref_slice %arg2[%add3A_347] : memref<1638400xi32, #tpu.memory_space<hbm>> -> memref<256xi32, #tpu.memory_space<hbm>>
        %dma_start3A_350 = tpu.memref_slice %arg9[%mul3A_342] : memref<1024xi32, #tpu.memory_space<vmem>> -> memref<256xi32, #tpu.memory_space<vmem>>
        %dma_start3A_351 = tpu.memref_slice %arg2[%add3A_347] : memref<1638400xi32, #tpu.memory_space<hbm>> -> memref<256xi32, #tpu.memory_space<hbm>>
        tpu.enqueue_dma source(%dma_start3A_351 : memref<256xi32, #tpu.memory_space<hbm>>) target(%dma_start3A_350 : memref<256xi32, #tpu.memory_space<vmem>>) target_semaphore(%arg16 : memref<!tpu.dma_semaphore, #tpu.memory_space<semaphore_mem>>)
        %add3A_352 = arith.constant 4 : i32
        %add3A_353 = arith.addi %mul3A_278, %add3A_352 : i32
        %rem3A_354 = arith.constant 8 : i32
        %rem3A_355 = arith.remsi %add3A_353, %rem3A_354 : i32
        %add3A_356 = arith.addi %mul3A_222, %mul3A_278 : i32
        %add3A_357 = arith.constant 4 : i32
        %add3A_358 = arith.addi %add3A_356, %add3A_357 : i32
        %dma_start3A_359 = arith.constant 0 : i32
        %dma_start3A_360 = tpu.memref_slice %arg10[%rem3A_355, %dma_start3A_359] : memref<8x128xi32, #tpu.memory_space<vmem>> -> memref<2x128xi32, #tpu.memory_space<vmem>>
        %dma_start3A_361 = arith.constant 0 : i32
        %dma_start3A_362 = tpu.memref_slice %arg3[%add3A_358, %dma_start3A_361] : memref<6400x128xi32, #tpu.memory_space<hbm>> -> memref<2x128xi32, #tpu.memory_space<hbm>>
        %dma_start3A_363 = arith.constant 0 : i32
        %dma_start3A_364 = tpu.memref_slice %arg10[%rem3A_355, %dma_start3A_363] : memref<8x128xi32, #tpu.memory_space<vmem>> -> memref<2x128xi32, #tpu.memory_space<vmem>>
        %dma_start3A_365 = arith.constant 0 : i32
        %dma_start3A_366 = tpu.memref_slice %arg3[%add3A_358, %dma_start3A_365] : memref<6400x128xi32, #tpu.memory_space<hbm>> -> memref<2x128xi32, #tpu.memory_space<hbm>>
        tpu.enqueue_dma source(%dma_start3A_366 : memref<2x128xi32, #tpu.memory_space<hbm>>) target(%dma_start3A_364 : memref<2x128xi32, #tpu.memory_space<vmem>>) target_semaphore(%arg16 : memref<!tpu.dma_semaphore, #tpu.memory_space<semaphore_mem>>)
      } else {
      }
      %add3A_309 = arith.constant 0 : i32
      %add3A_310 = arith.addi %mul3A_278, %add3A_309 : i32
      %rem3A_311 = arith.constant 8 : i32
      %rem3A_312 = arith.remsi %add3A_310, %rem3A_311 : i32
      %add3A_313 = arith.constant 0 : i32
      %add3A_314 = arith.addi %mul3A_281, %add3A_313 : i32
      %dma_start3A_315 = arith.constant 0 : i32
      %dma_start3A_316 = tpu.memref_slice %arg11[%add3A_314, %dma_start3A_315] : memref<512x32xf32, #tpu.memory_space<vmem>> -> memref<128x32xf32, #tpu.memory_space<vmem>>
      %dma_start3A_317 = arith.constant 0 : i32
      %dma_start3A_318 = tpu.memref_slice %arg10[%rem3A_312, %dma_start3A_317] : memref<8x128xi32, #tpu.memory_space<vmem>> -> memref<1x128xi32, #tpu.memory_space<vmem>>
      %dma_start3A_319 = tpu.memref_squeeze %dma_start3A_318 : memref<1x128xi32, #tpu.memory_space<vmem>> -> memref<128xi32, #tpu.memory_space<vmem>>
      %dma_start3A_320 = arith.constant 0 : i32
      %dma_start3A_321 = arith.constant 0 : i32
      %dma_start3A_322 = tpu.memref_slice %arg7[%dma_start3A_320, %dma_start3A_321] : memref<51200x32xf32, #tpu.memory_space<vmem_shared>> -> memref<51200x32xf32, #tpu.memory_space<vmem_shared>>
      tpu.enqueue_indirect_dma source(%dma_start3A_316 : memref<128x32xf32, #tpu.memory_space<vmem>>) target(%dma_start3A_322 : memref<51200x32xf32, #tpu.memory_space<vmem_shared>>) offsets(%dma_start3A_319 : memref<128xi32, #tpu.memory_space<vmem>>) semaphore(%arg15 : memref<!tpu.dma_semaphore, #tpu.memory_space<semaphore_mem>>) {add = true}
      %add3A_323 = arith.constant 1 : i32
      %add3A_324 = arith.addi %mul3A_278, %add3A_323 : i32
      %rem3A_325 = arith.constant 8 : i32
      %rem3A_326 = arith.remsi %add3A_324, %rem3A_325 : i32
      %add3A_327 = arith.constant 128 : i32
      %add3A_328 = arith.addi %mul3A_281, %add3A_327 : i32
      %dma_start3A_329 = arith.constant 0 : i32
      %dma_start3A_330 = tpu.memref_slice %arg11[%add3A_328, %dma_start3A_329] : memref<512x32xf32, #tpu.memory_space<vmem>> -> memref<128x32xf32, #tpu.memory_space<vmem>>
      %dma_start3A_331 = arith.constant 0 : i32
      %dma_start3A_332 = tpu.memref_slice %arg10[%rem3A_326, %dma_start3A_331] : memref<8x128xi32, #tpu.memory_space<vmem>> -> memref<1x128xi32, #tpu.memory_space<vmem>>
      %dma_start3A_333 = tpu.memref_squeeze %dma_start3A_332 : memref<1x128xi32, #tpu.memory_space<vmem>> -> memref<128xi32, #tpu.memory_space<vmem>>
      %dma_start3A_334 = arith.constant 0 : i32
      %dma_start3A_335 = arith.constant 0 : i32
      %dma_start3A_336 = tpu.memref_slice %arg7[%dma_start3A_334, %dma_start3A_335] : memref<51200x32xf32, #tpu.memory_space<vmem_shared>> -> memref<51200x32xf32, #tpu.memory_space<vmem_shared>>
      tpu.enqueue_indirect_dma source(%dma_start3A_330 : memref<128x32xf32, #tpu.memory_space<vmem>>) target(%dma_start3A_336 : memref<51200x32xf32, #tpu.memory_space<vmem_shared>>) offsets(%dma_start3A_333 : memref<128xi32, #tpu.memory_space<vmem>>) semaphore(%arg15 : memref<!tpu.dma_semaphore, #tpu.memory_space<semaphore_mem>>) {add = true}
    }
    %scan3A_256 = arith.constant 200 : i32
    %dma_wait3A_257 = arith.constant 0 : i32
    %dma_wait3A_258 = arith.constant 0 : i32
    %dma_wait3A_259 = tpu.memref_slice %arg11[%dma_wait3A_257, %dma_wait3A_258] : memref<512x32xf32, #tpu.memory_space<vmem>> -> memref<256x32xf32, #tpu.memory_space<vmem>>
    %dma_wait3A_260 = arith.constant 0 : i32
    %dma_wait3A_261 = arith.constant 0 : i32
    %dma_wait3A_262 = tpu.memref_slice %arg4[%dma_wait3A_260, %dma_wait3A_261] : memref<102400x32xf32, #tpu.memory_space<hbm>> -> memref<256x32xf32, #tpu.memory_space<hbm>>
    %dma_wait3A_263 = arith.constant 0 : i32
    %dma_wait3A_264 = arith.constant 0 : i32
    %dma_wait3A_265 = tpu.memref_slice %arg11[%dma_wait3A_263, %dma_wait3A_264] : memref<512x32xf32, #tpu.memory_space<vmem>> -> memref<256x32xf32, #tpu.memory_space<vmem>>
    %dma_wait3A_266 = arith.constant 0 : i32
    %dma_wait3A_267 = arith.constant 0 : i32
    %dma_wait3A_268 = tpu.memref_slice %arg4[%dma_wait3A_266, %dma_wait3A_267] : memref<102400x32xf32, #tpu.memory_space<hbm>> -> memref<256x32xf32, #tpu.memory_space<hbm>>
    tpu.wait_dma2 semaphore(%arg15 : memref<!tpu.dma_semaphore, #tpu.memory_space<semaphore_mem>>) src(%dma_wait3A_268 : memref<256x32xf32, #tpu.memory_space<hbm>>) dst(%dma_wait3A_265 : memref<256x32xf32, #tpu.memory_space<vmem>>)
    %barrier3A_269 = arith.constant 0 : index
    tpu.barrier barrier_id(%barrier3A_269)
    %scan3A_270 = arith.constant 0 : i32
    %scan3A_271 = arith.constant 0 : i32
    %scan3A_272 = arith.constant 25 : i32
    %scan3A_273 = arith.addi %scan3A_271, %scan3A_272 : i32
    %scan3A_274 = arith.constant 1 : i32
    scf.for %scan3A_276 = %scan3A_271 to %scan3A_273 step %scan3A_274  : i32 {
      %mul3A_277 = arith.constant 128 : i32
      %mul3A_278 = arith.muli %scan3A_276, %mul3A_277 : i32
      %add3A_279 = arith.addi %add3A, %mul3A_278 : i32
      %mul3A_280 = arith.constant 128 : i32
      %mul3A_281 = arith.muli %scan3A_276, %mul3A_280 : i32
      %add3A_282 = arith.addi %mul3A_0, %mul3A_281 : i32
      "tpu.region"() ({
        %run_scoped3A = tpu.sem_alloc : memref<!tpu.dma_semaphore, #tpu.memory_space<semaphore_mem>>
        %dma_start3A_289 = arith.constant 0 : i32
        %dma_start3A_290 = arith.constant 0 : i32
        %dma_start3A_291 = tpu.memref_slice %arg11[%dma_start3A_289, %dma_start3A_290] : memref<512x32xf32, #tpu.memory_space<vmem>> -> memref<128x32xf32, #tpu.memory_space<vmem>>
        %dma_start3A_292 = arith.constant 0 : i32
        %dma_start3A_293 = tpu.memref_slice %arg7[%add3A_282, %dma_start3A_292] : memref<51200x32xf32, #tpu.memory_space<vmem_shared>> -> memref<128x32xf32, #tpu.memory_space<vmem_shared>>
        %dma_start3A_294 = arith.constant 0 : i32
        %dma_start3A_295 = arith.constant 0 : i32
        %dma_start3A_296 = tpu.memref_slice %arg11[%dma_start3A_294, %dma_start3A_295] : memref<512x32xf32, #tpu.memory_space<vmem>> -> memref<128x32xf32, #tpu.memory_space<vmem>>
        %dma_start3A_297 = arith.constant 0 : i32
        %dma_start3A_298 = tpu.memref_slice %arg7[%add3A_282, %dma_start3A_297] : memref<51200x32xf32, #tpu.memory_space<vmem_shared>> -> memref<128x32xf32, #tpu.memory_space<vmem_shared>>
        tpu.enqueue_dma source(%dma_start3A_298 : memref<128x32xf32, #tpu.memory_space<vmem_shared>>) target(%dma_start3A_296 : memref<128x32xf32, #tpu.memory_space<vmem>>) target_semaphore(%run_scoped3A : memref<!tpu.dma_semaphore, #tpu.memory_space<semaphore_mem>>)
        %dma_wait3A_299 = arith.constant 0 : i32
        %dma_wait3A_300 = arith.constant 0 : i32
        %dma_wait3A_301 = tpu.memref_slice %arg11[%dma_wait3A_299, %dma_wait3A_300] : memref<512x32xf32, #tpu.memory_space<vmem>> -> memref<128x32xf32, #tpu.memory_space<vmem>>
        %dma_wait3A_302 = arith.constant 0 : i32
        %dma_wait3A_303 = tpu.memref_slice %arg7[%add3A_282, %dma_wait3A_302] : memref<51200x32xf32, #tpu.memory_space<vmem_shared>> -> memref<128x32xf32, #tpu.memory_space<vmem_shared>>
        %dma_wait3A_304 = arith.constant 0 : i32
        %dma_wait3A_305 = arith.constant 0 : i32
        %dma_wait3A_306 = tpu.memref_slice %arg11[%dma_wait3A_304, %dma_wait3A_305] : memref<512x32xf32, #tpu.memory_space<vmem>> -> memref<128x32xf32, #tpu.memory_space<vmem>>
        %dma_wait3A_307 = arith.constant 0 : i32
        %dma_wait3A_308 = tpu.memref_slice %arg7[%add3A_282, %dma_wait3A_307] : memref<51200x32xf32, #tpu.memory_space<vmem_shared>> -> memref<128x32xf32, #tpu.memory_space<vmem_shared>>
        tpu.wait_dma2 semaphore(%run_scoped3A : memref<!tpu.dma_semaphore, #tpu.memory_space<semaphore_mem>>) src(%dma_wait3A_308 : memref<128x32xf32, #tpu.memory_space<vmem_shared>>) dst(%dma_wait3A_306 : memref<128x32xf32, #tpu.memory_space<vmem>>)
        tpu.yield
      }) : () -> ()
      "tpu.region"() ({
        %run_scoped3A = tpu.sem_alloc : memref<!tpu.dma_semaphore, #tpu.memory_space<semaphore_mem>>
        %dma_start3A_289 = arith.constant 128 : i32
        %dma_start3A_290 = arith.constant 0 : i32
        %dma_start3A_291 = tpu.memref_slice %arg11[%dma_start3A_289, %dma_start3A_290] : memref<512x32xf32, #tpu.memory_space<vmem>> -> memref<128x32xf32, #tpu.memory_space<vmem>>
        %dma_start3A_292 = arith.constant 0 : i32
        %dma_start3A_293 = tpu.memref_slice %arg5[%add3A_279, %dma_start3A_292] : memref<102400x32xf32, #tpu.memory_space<hbm>> -> memref<128x32xf32, #tpu.memory_space<hbm>>
        %dma_start3A_294 = arith.constant 128 : i32
        %dma_start3A_295 = arith.constant 0 : i32
        %dma_start3A_296 = tpu.memref_slice %arg11[%dma_start3A_294, %dma_start3A_295] : memref<512x32xf32, #tpu.memory_space<vmem>> -> memref<128x32xf32, #tpu.memory_space<vmem>>
        %dma_start3A_297 = arith.constant 0 : i32
        %dma_start3A_298 = tpu.memref_slice %arg5[%add3A_279, %dma_start3A_297] : memref<102400x32xf32, #tpu.memory_space<hbm>> -> memref<128x32xf32, #tpu.memory_space<hbm>>
        tpu.enqueue_dma source(%dma_start3A_298 : memref<128x32xf32, #tpu.memory_space<hbm>>) target(%dma_start3A_296 : memref<128x32xf32, #tpu.memory_space<vmem>>) target_semaphore(%run_scoped3A : memref<!tpu.dma_semaphore, #tpu.memory_space<semaphore_mem>>)
        %dma_wait3A_299 = arith.constant 128 : i32
        %dma_wait3A_300 = arith.constant 0 : i32
        %dma_wait3A_301 = tpu.memref_slice %arg11[%dma_wait3A_299, %dma_wait3A_300] : memref<512x32xf32, #tpu.memory_space<vmem>> -> memref<128x32xf32, #tpu.memory_space<vmem>>
        %dma_wait3A_302 = arith.constant 0 : i32
        %dma_wait3A_303 = tpu.memref_slice %arg5[%add3A_279, %dma_wait3A_302] : memref<102400x32xf32, #tpu.memory_space<hbm>> -> memref<128x32xf32, #tpu.memory_space<hbm>>
        %dma_wait3A_304 = arith.constant 128 : i32
        %dma_wait3A_305 = arith.constant 0 : i32
        %dma_wait3A_306 = tpu.memref_slice %arg11[%dma_wait3A_304, %dma_wait3A_305] : memref<512x32xf32, #tpu.memory_space<vmem>> -> memref<128x32xf32, #tpu.memory_space<vmem>>
        %dma_wait3A_307 = arith.constant 0 : i32
        %dma_wait3A_308 = tpu.memref_slice %arg5[%add3A_279, %dma_wait3A_307] : memref<102400x32xf32, #tpu.memory_space<hbm>> -> memref<128x32xf32, #tpu.memory_space<hbm>>
        tpu.wait_dma2 semaphore(%run_scoped3A : memref<!tpu.dma_semaphore, #tpu.memory_space<semaphore_mem>>) src(%dma_wait3A_308 : memref<128x32xf32, #tpu.memory_space<hbm>>) dst(%dma_wait3A_306 : memref<128x32xf32, #tpu.memory_space<vmem>>)
        tpu.yield
      }) : () -> ()
      %scan3A_283 = arith.constant 0 : i32
      %scan3A_284 = arith.constant 0 : i32
      %scan3A_285 = arith.constant 8 : i32
      %scan3A_286 = arith.addi %scan3A_284, %scan3A_285 : i32
      %scan3A_287 = arith.constant 1 : i32
      scf.for %scan3A_289 = %scan3A_284 to %scan3A_286 step %scan3A_287  : i32 {
        %mul3A_290 = arith.constant 16 : i32
        %mul3A_291 = arith.muli %scan3A_289, %mul3A_290 : i32
        %mul3A_292 = arith.constant 128 : i32
        %mul3A_293 = arith.muli %scan3A_276, %mul3A_292 : i32
        %add3A_294 = arith.addi %mul3A_293, %mul3A_291 : i32
        %get3A = arith.index_cast %add3A_294 : i32 to index
        %get3A_295 = tpu.vector_load %arg13[%get3A] {strides = array<i32>} : memref<3200xf32, #tpu.memory_space<vmem>>, vector<16xf32>,
        %get3A_296 = vector.shape_cast %get3A_295 : vector<16xf32> to vector<16xf32>
        %add3A_297 = arith.constant 0 : i32
        %add3A_298 = arith.addi %mul3A_291, %add3A_297 : i32
        %slice3A = vector.extract_strided_slice %get3A_296 {offsets = [0], sizes = [1], strides = [1]} : vector<16xf32> to vector<1xf32>
        %squeeze3A = vector.extract %slice3A[0] : f32 from vector<1xf32>
        %add3A_299 = arith.constant 0 : i32
        %add3A_300 = arith.addi %add3A_299, %add3A_298 : i32
        %get3A_301 = arith.index_cast %add3A_300 : i32 to index
        %get3A_302 = arith.constant 0 : index
        %get3A_303 = tpu.vector_load %arg11[%get3A_301, %get3A_302] {strides = array<i32>} : memref<512x32xf32, #tpu.memory_space<vmem>>, vector<1x16xf32>,
        %get3A_304 = vector.shape_cast %get3A_303 : vector<1x16xf32> to vector<16xf32>
        %mul3A_305 = vector.broadcast %squeeze3A : f32 to vector<16xf32>
        %mul3A_306 = arith.mulf %get3A_304, %mul3A_305 : vector<16xf32>
        %add3A_307 = arith.constant 0 : i32
        %add3A_308 = arith.addi %add3A_307, %add3A_298 : i32
        %swap3A_309 = arith.index_cast %add3A_308 : i32 to index
        %swap3A_310 = arith.constant 0 : index
        %swap3A_311 = tpu.vector_load %arg11[%swap3A_309, %swap3A_310] {strides = array<i32>} : memref<512x32xf32, #tpu.memory_space<vmem>>, vector<1x16xf32>,
        %swap3A_312 = vector.shape_cast %swap3A_311 : vector<1x16xf32> to vector<16xf32>
        %swap3A_313 = vector.shape_cast %mul3A_306 : vector<16xf32> to vector<1x16xf32>
        tpu.vector_store %arg11[%swap3A_309, %swap3A_310], %swap3A_313 {strides = array<i32>} : memref<512x32xf32, #tpu.memory_space<vmem>>, vector<1x16xf32>,
        %add3A_314 = arith.constant 128 : i32
        %add3A_315 = arith.addi %add3A_314, %add3A_298 : i32
        %get3A_316 = arith.index_cast %add3A_315 : i32 to index
        %get3A_317 = arith.constant 0 : index
        %get3A_318 = tpu.vector_load %arg11[%get3A_316, %get3A_317] {strides = array<i32>} : memref<512x32xf32, #tpu.memory_space<vmem>>, vector<1x16xf32>,
        %get3A_319 = vector.shape_cast %get3A_318 : vector<1x16xf32> to vector<16xf32>
        %add3A_320 = arith.addf %get3A_319, %mul3A_306 : vector<16xf32>
        %mul3A_321 = arith.constant 2.500000e-01 : f32
        %mul3A_322 = vector.broadcast %mul3A_321 : f32 to vector<16xf32>
        %mul3A_323 = arith.mulf %add3A_320, %mul3A_322 : vector<16xf32>
        %add3A_324 = arith.constant 128 : i32
        %add3A_325 = arith.addi %add3A_324, %add3A_298 : i32
        %swap3A_326 = arith.index_cast %add3A_325 : i32 to index
        %swap3A_327 = arith.constant 0 : index
        %swap3A_328 = tpu.vector_load %arg11[%swap3A_326, %swap3A_327] {strides = array<i32>} : memref<512x32xf32, #tpu.memory_space<vmem>>, vector<1x16xf32>,
        %swap3A_329 = vector.shape_cast %swap3A_328 : vector<1x16xf32> to vector<16xf32>
        %swap3A_330 = vector.shape_cast %mul3A_323 : vector<16xf32> to vector<1x16xf32>
        tpu.vector_store %arg11[%swap3A_326, %swap3A_327], %swap3A_330 {strides = array<i32>} : memref<512x32xf32, #tpu.memory_space<vmem>>, vector<1x16xf32>,
        %add3A_331 = arith.constant 0 : i32
        %add3A_332 = arith.addi %add3A_331, %add3A_298 : i32
        %get3A_333 = arith.index_cast %add3A_332 : i32 to index
        %get3A_334 = arith.constant 16 : index
        %get3A_335 = tpu.vector_load %arg11[%get3A_333, %get3A_334] {strides = array<i32>} : memref<512x32xf32, #tpu.memory_space<vmem>>, vector<1x16xf32>,
        %get3A_336 = vector.shape_cast %get3A_335 : vector<1x16xf32> to vector<16xf32>
        %mul3A_337 = vector.broadcast %squeeze3A : f32 to vector<16xf32>
        %mul3A_338 = arith.mulf %get3A_336, %mul3A_337 : vector<16xf32>
        %add3A_339 = arith.constant 0 : i32
        %add3A_340 = arith.addi %add3A_339, %add3A_298 : i32
        %swap3A_341 = arith.index_cast %add3A_340 : i32 to index
        %swap3A_342 = arith.constant 16 : index
        %swap3A_343 = tpu.vector_load %arg11[%swap3A_341, %swap3A_342] {strides = array<i32>} : memref<512x32xf32, #tpu.memory_space<vmem>>, vector<1x16xf32>,
        %swap3A_344 = vector.shape_cast %swap3A_343 : vector<1x16xf32> to vector<16xf32>
        %swap3A_345 = vector.shape_cast %mul3A_338 : vector<16xf32> to vector<1x16xf32>
        tpu.vector_store %arg11[%swap3A_341, %swap3A_342], %swap3A_345 {strides = array<i32>} : memref<512x32xf32, #tpu.memory_space<vmem>>, vector<1x16xf32>,
        %add3A_346 = arith.constant 128 : i32
        %add3A_347 = arith.addi %add3A_346, %add3A_298 : i32
        %get3A_348 = arith.index_cast %add3A_347 : i32 to index
        %get3A_349 = arith.constant 16 : index
        %get3A_350 = tpu.vector_load %arg11[%get3A_348, %get3A_349] {strides = array<i32>} : memref<512x32xf32, #tpu.memory_space<vmem>>, vector<1x16xf32>,
        %get3A_351 = vector.shape_cast %get3A_350 : vector<1x16xf32> to vector<16xf32>
        %add3A_352 = arith.addf %get3A_351, %mul3A_338 : vector<16xf32>
        %mul3A_353 = arith.constant 2.500000e-01 : f32
        %mul3A_354 = vector.broadcast %mul3A_353 : f32 to vector<16xf32>
        %mul3A_355 = arith.mulf %add3A_352, %mul3A_354 : vector<16xf32>
        %add3A_356 = arith.constant 128 : i32
        %add3A_357 = arith.addi %add3A_356, %add3A_298 : i32
        %swap3A_358 = arith.index_cast %add3A_357 : i32 to index
        %swap3A_359 = arith.constant 16 : index
        %swap3A_360 = tpu.vector_load %arg11[%swap3A_358, %swap3A_359] {strides = array<i32>} : memref<512x32xf32, #tpu.memory_space<vmem>>, vector<1x16xf32>,
        %swap3A_361 = vector.shape_cast %swap3A_360 : vector<1x16xf32> to vector<16xf32>
        %swap3A_362 = vector.shape_cast %mul3A_355 : vector<16xf32> to vector<1x16xf32>
        tpu.vector_store %arg11[%swap3A_358, %swap3A_359], %swap3A_362 {strides = array<i32>} : memref<512x32xf32, #tpu.memory_space<vmem>>, vector<1x16xf32>,
        %add3A_363 = arith.constant 1 : i32
        %add3A_364 = arith.addi %mul3A_291, %add3A_363 : i32
        %slice3A_365 = vector.extract_strided_slice %get3A_296 {offsets = [1], sizes = [1], strides = [1]} : vector<16xf32> to vector<1xf32>
        %squeeze3A_366 = vector.extract %slice3A_365[0] : f32 from vector<1xf32>
        %add3A_367 = arith.constant 0 : i32
        %add3A_368 = arith.addi %add3A_367, %add3A_364 : i32
        %get3A_369 = arith.index_cast %add3A_368 : i32 to index
        %get3A_370 = arith.constant 0 : index
        %get3A_371 = tpu.vector_load %arg11[%get3A_369, %get3A_370] {strides = array<i32>} : memref<512x32xf32, #tpu.memory_space<vmem>>, vector<1x16xf32>,
        %get3A_372 = vector.shape_cast %get3A_371 : vector<1x16xf32> to vector<16xf32>
        %mul3A_373 = vector.broadcast %squeeze3A_366 : f32 to vector<16xf32>
        %mul3A_374 = arith.mulf %get3A_372, %mul3A_373 : vector<16xf32>
        %add3A_375 = arith.constant 0 : i32
        %add3A_376 = arith.addi %add3A_375, %add3A_364 : i32
        %swap3A_377 = arith.index_cast %add3A_376 : i32 to index
        %swap3A_378 = arith.constant 0 : index
        %swap3A_379 = tpu.vector_load %arg11[%swap3A_377, %swap3A_378] {strides = array<i32>} : memref<512x32xf32, #tpu.memory_space<vmem>>, vector<1x16xf32>,
        %swap3A_380 = vector.shape_cast %swap3A_379 : vector<1x16xf32> to vector<16xf32>
        %swap3A_381 = vector.shape_cast %mul3A_374 : vector<16xf32> to vector<1x16xf32>
        tpu.vector_store %arg11[%swap3A_377, %swap3A_378], %swap3A_381 {strides = array<i32>} : memref<512x32xf32, #tpu.memory_space<vmem>>, vector<1x16xf32>,
        %add3A_382 = arith.constant 128 : i32
        %add3A_383 = arith.addi %add3A_382, %add3A_364 : i32
        %get3A_384 = arith.index_cast %add3A_383 : i32 to index
        %get3A_385 = arith.constant 0 : index
        %get3A_386 = tpu.vector_load %arg11[%get3A_384, %get3A_385] {strides = array<i32>} : memref<512x32xf32, #tpu.memory_space<vmem>>, vector<1x16xf32>,
        %get3A_387 = vector.shape_cast %get3A_386 : vector<1x16xf32> to vector<16xf32>
        %add3A_388 = arith.addf %get3A_387, %mul3A_374 : vector<16xf32>
        %mul3A_389 = arith.constant 2.500000e-01 : f32
        %mul3A_390 = vector.broadcast %mul3A_389 : f32 to vector<16xf32>
        %mul3A_391 = arith.mulf %add3A_388, %mul3A_390 : vector<16xf32>
        %add3A_392 = arith.constant 128 : i32
        %add3A_393 = arith.addi %add3A_392, %add3A_364 : i32
        %swap3A_394 = arith.index_cast %add3A_393 : i32 to index
        %swap3A_395 = arith.constant 0 : index
        %swap3A_396 = tpu.vector_load %arg11[%swap3A_394, %swap3A_395] {strides = array<i32>} : memref<512x32xf32, #tpu.memory_space<vmem>>, vector<1x16xf32>,
        %swap3A_397 = vector.shape_cast %swap3A_396 : vector<1x16xf32> to vector<16xf32>
        %swap3A_398 = vector.shape_cast %mul3A_391 : vector<16xf32> to vector<1x16xf32>
        tpu.vector_store %arg11[%swap3A_394, %swap3A_395], %swap3A_398 {strides = array<i32>} : memref<512x32xf32, #tpu.memory_space<vmem>>, vector<1x16xf32>,
        %add3A_399 = arith.constant 0 : i32
        %add3A_400 = arith.addi %add3A_399, %add3A_364 : i32
        %get3A_401 = arith.index_cast %add3A_400 : i32 to index
        %get3A_402 = arith.constant 16 : index
        %get3A_403 = tpu.vector_load %arg11[%get3A_401, %get3A_402] {strides = array<i32>} : memref<512x32xf32, #tpu.memory_space<vmem>>, vector<1x16xf32>,
        %get3A_404 = vector.shape_cast %get3A_403 : vector<1x16xf32> to vector<16xf32>
        %mul3A_405 = vector.broadcast %squeeze3A_366 : f32 to vector<16xf32>
        %mul3A_406 = arith.mulf %get3A_404, %mul3A_405 : vector<16xf32>
        %add3A_407 = arith.constant 0 : i32
        %add3A_408 = arith.addi %add3A_407, %add3A_364 : i32
        %swap3A_409 = arith.index_cast %add3A_408 : i32 to index
        %swap3A_410 = arith.constant 16 : index
        %swap3A_411 = tpu.vector_load %arg11[%swap3A_409, %swap3A_410] {strides = array<i32>} : memref<512x32xf32, #tpu.memory_space<vmem>>, vector<1x16xf32>,
        %swap3A_412 = vector.shape_cast %swap3A_411 : vector<1x16xf32> to vector<16xf32>
        %swap3A_413 = vector.shape_cast %mul3A_406 : vector<16xf32> to vector<1x16xf32>
        tpu.vector_store %arg11[%swap3A_409, %swap3A_410], %swap3A_413 {strides = array<i32>} : memref<512x32xf32, #tpu.memory_space<vmem>>, vector<1x16xf32>,
        %add3A_414 = arith.constant 128 : i32
        %add3A_415 = arith.addi %add3A_414, %add3A_364 : i32
        %get3A_416 = arith.index_cast %add3A_415 : i32 to index
        %get3A_417 = arith.constant 16 : index
        %get3A_418 = tpu.vector_load %arg11[%get3A_416, %get3A_417] {strides = array<i32>} : memref<512x32xf32, #tpu.memory_space<vmem>>, vector<1x16xf32>,
        %get3A_419 = vector.shape_cast %get3A_418 : vector<1x16xf32> to vector<16xf32>
        %add3A_420 = arith.addf %get3A_419, %mul3A_406 : vector<16xf32>
        %mul3A_421 = arith.constant 2.500000e-01 : f32
        %mul3A_422 = vector.broadcast %mul3A_421 : f32 to vector<16xf32>
        %mul3A_423 = arith.mulf %add3A_420, %mul3A_422 : vector<16xf32>
        %add3A_424 = arith.constant 128 : i32
        %add3A_425 = arith.addi %add3A_424, %add3A_364 : i32
        %swap3A_426 = arith.index_cast %add3A_425 : i32 to index
        %swap3A_427 = arith.constant 16 : index
        %swap3A_428 = tpu.vector_load %arg11[%swap3A_426, %swap3A_427] {strides = array<i32>} : memref<512x32xf32, #tpu.memory_space<vmem>>, vector<1x16xf32>,
        %swap3A_429 = vector.shape_cast %swap3A_428 : vector<1x16xf32> to vector<16xf32>
        %swap3A_430 = vector.shape_cast %mul3A_423 : vector<16xf32> to vector<1x16xf32>
        tpu.vector_store %arg11[%swap3A_426, %swap3A_427], %swap3A_430 {strides = array<i32>} : memref<512x32xf32, #tpu.memory_space<vmem>>, vector<1x16xf32>,
        %add3A_431 = arith.constant 2 : i32
        %add3A_432 = arith.addi %mul3A_291, %add3A_431 : i32
        %slice3A_433 = vector.extract_strided_slice %get3A_296 {offsets = [2], sizes = [1], strides = [1]} : vector<16xf32> to vector<1xf32>
        %squeeze3A_434 = vector.extract %slice3A_433[0] : f32 from vector<1xf32>
        %add3A_435 = arith.constant 0 : i32
        %add3A_436 = arith.addi %add3A_435, %add3A_432 : i32
        %get3A_437 = arith.index_cast %add3A_436 : i32 to index
        %get3A_438 = arith.constant 0 : index
        %get3A_439 = tpu.vector_load %arg11[%get3A_437, %get3A_438] {strides = array<i32>} : memref<512x32xf32, #tpu.memory_space<vmem>>, vector<1x16xf32>,
        %get3A_440 = vector.shape_cast %get3A_439 : vector<1x16xf32> to vector<16xf32>
        %mul3A_441 = vector.broadcast %squeeze3A_434 : f32 to vector<16xf32>
        %mul3A_442 = arith.mulf %get3A_440, %mul3A_441 : vector<16xf32>
        %add3A_443 = arith.constant 0 : i32
        %add3A_444 = arith.addi %add3A_443, %add3A_432 : i32
        %swap3A_445 = arith.index_cast %add3A_444 : i32 to index
        %swap3A_446 = arith.constant 0 : index
        %swap3A_447 = tpu.vector_load %arg11[%swap3A_445, %swap3A_446] {strides = array<i32>} : memref<512x32xf32, #tpu.memory_space<vmem>>, vector<1x16xf32>,
        %swap3A_448 = vector.shape_cast %swap3A_447 : vector<1x16xf32> to vector<16xf32>
        %swap3A_449 = vector.shape_cast %mul3A_442 : vector<16xf32> to vector<1x16xf32>
        tpu.vector_store %arg11[%swap3A_445, %swap3A_446], %swap3A_449 {strides = array<i32>} : memref<512x32xf32, #tpu.memory_space<vmem>>, vector<1x16xf32>,
        %add3A_450 = arith.constant 128 : i32
        %add3A_451 = arith.addi %add3A_450, %add3A_432 : i32
        %get3A_452 = arith.index_cast %add3A_451 : i32 to index
        %get3A_453 = arith.constant 0 : index
        %get3A_454 = tpu.vector_load %arg11[%get3A_452, %get3A_453] {strides = array<i32>} : memref<512x32xf32, #tpu.memory_space<vmem>>, vector<1x16xf32>,
        %get3A_455 = vector.shape_cast %get3A_454 : vector<1x16xf32> to vector<16xf32>
        %add3A_456 = arith.addf %get3A_455, %mul3A_442 : vector<16xf32>
        %mul3A_457 = arith.constant 2.500000e-01 : f32
        %mul3A_458 = vector.broadcast %mul3A_457 : f32 to vector<16xf32>
        %mul3A_459 = arith.mulf %add3A_456, %mul3A_458 : vector<16xf32>
        %add3A_460 = arith.constant 128 : i32
        %add3A_461 = arith.addi %add3A_460, %add3A_432 : i32
        %swap3A_462 = arith.index_cast %add3A_461 : i32 to index
        %swap3A_463 = arith.constant 0 : index
        %swap3A_464 = tpu.vector_load %arg11[%swap3A_462, %swap3A_463] {strides = array<i32>} : memref<512x32xf32, #tpu.memory_space<vmem>>, vector<1x16xf32>,
        %swap3A_465 = vector.shape_cast %swap3A_464 : vector<1x16xf32> to vector<16xf32>
        %swap3A_466 = vector.shape_cast %mul3A_459 : vector<16xf32> to vector<1x16xf32>
        tpu.vector_store %arg11[%swap3A_462, %swap3A_463], %swap3A_466 {strides = array<i32>} : memref<512x32xf32, #tpu.memory_space<vmem>>, vector<1x16xf32>,
        %add3A_467 = arith.constant 0 : i32
        %add3A_468 = arith.addi %add3A_467, %add3A_432 : i32
        %get3A_469 = arith.index_cast %add3A_468 : i32 to index
        %get3A_470 = arith.constant 16 : index
        %get3A_471 = tpu.vector_load %arg11[%get3A_469, %get3A_470] {strides = array<i32>} : memref<512x32xf32, #tpu.memory_space<vmem>>, vector<1x16xf32>,
        %get3A_472 = vector.shape_cast %get3A_471 : vector<1x16xf32> to vector<16xf32>
        %mul3A_473 = vector.broadcast %squeeze3A_434 : f32 to vector<16xf32>
        %mul3A_474 = arith.mulf %get3A_472, %mul3A_473 : vector<16xf32>
        %add3A_475 = arith.constant 0 : i32
        %add3A_476 = arith.addi %add3A_475, %add3A_432 : i32
        %swap3A_477 = arith.index_cast %add3A_476 : i32 to index
        %swap3A_478 = arith.constant 16 : index
        %swap3A_479 = tpu.vector_load %arg11[%swap3A_477, %swap3A_478] {strides = array<i32>} : memref<512x32xf32, #tpu.memory_space<vmem>>, vector<1x16xf32>,
        %swap3A_480 = vector.shape_cast %swap3A_479 : vector<1x16xf32> to vector<16xf32>
        %swap3A_481 = vector.shape_cast %mul3A_474 : vector<16xf32> to vector<1x16xf32>
        tpu.vector_store %arg11[%swap3A_477, %swap3A_478], %swap3A_481 {strides = array<i32>} : memref<512x32xf32, #tpu.memory_space<vmem>>, vector<1x16xf32>,
        %add3A_482 = arith.constant 128 : i32
        %add3A_483 = arith.addi %add3A_482, %add3A_432 : i32
        %get3A_484 = arith.index_cast %add3A_483 : i32 to index
        %get3A_485 = arith.constant 16 : index
        %get3A_486 = tpu.vector_load %arg11[%get3A_484, %get3A_485] {strides = array<i32>} : memref<512x32xf32, #tpu.memory_space<vmem>>, vector<1x16xf32>,
        %get3A_487 = vector.shape_cast %get3A_486 : vector<1x16xf32> to vector<16xf32>
        %add3A_488 = arith.addf %get3A_487, %mul3A_474 : vector<16xf32>
        %mul3A_489 = arith.constant 2.500000e-01 : f32
        %mul3A_490 = vector.broadcast %mul3A_489 : f32 to vector<16xf32>
        %mul3A_491 = arith.mulf %add3A_488, %mul3A_490 : vector<16xf32>
        %add3A_492 = arith.constant 128 : i32
        %add3A_493 = arith.addi %add3A_492, %add3A_432 : i32
        %swap3A_494 = arith.index_cast %add3A_493 : i32 to index
        %swap3A_495 = arith.constant 16 : index
        %swap3A_496 = tpu.vector_load %arg11[%swap3A_494, %swap3A_495] {strides = array<i32>} : memref<512x32xf32, #tpu.memory_space<vmem>>, vector<1x16xf32>,
        %swap3A_497 = vector.shape_cast %swap3A_496 : vector<1x16xf32> to vector<16xf32>
        %swap3A_498 = vector.shape_cast %mul3A_491 : vector<16xf32> to vector<1x16xf32>
        tpu.vector_store %arg11[%swap3A_494, %swap3A_495], %swap3A_498 {strides = array<i32>} : memref<512x32xf32, #tpu.memory_space<vmem>>, vector<1x16xf32>,
        %add3A_499 = arith.constant 3 : i32
        %add3A_500 = arith.addi %mul3A_291, %add3A_499 : i32
        %slice3A_501 = vector.extract_strided_slice %get3A_296 {offsets = [3], sizes = [1], strides = [1]} : vector<16xf32> to vector<1xf32>
        %squeeze3A_502 = vector.extract %slice3A_501[0] : f32 from vector<1xf32>
        %add3A_503 = arith.constant 0 : i32
        %add3A_504 = arith.addi %add3A_503, %add3A_500 : i32
        %get3A_505 = arith.index_cast %add3A_504 : i32 to index
        %get3A_506 = arith.constant 0 : index
        %get3A_507 = tpu.vector_load %arg11[%get3A_505, %get3A_506] {strides = array<i32>} : memref<512x32xf32, #tpu.memory_space<vmem>>, vector<1x16xf32>,
        %get3A_508 = vector.shape_cast %get3A_507 : vector<1x16xf32> to vector<16xf32>
        %mul3A_509 = vector.broadcast %squeeze3A_502 : f32 to vector<16xf32>
        %mul3A_510 = arith.mulf %get3A_508, %mul3A_509 : vector<16xf32>
        %add3A_511 = arith.constant 0 : i32
        %add3A_512 = arith.addi %add3A_511, %add3A_500 : i32
        %swap3A_513 = arith.index_cast %add3A_512 : i32 to index
        %swap3A_514 = arith.constant 0 : index
        %swap3A_515 = tpu.vector_load %arg11[%swap3A_513, %swap3A_514] {strides = array<i32>} : memref<512x32xf32, #tpu.memory_space<vmem>>, vector<1x16xf32>,
        %swap3A_516 = vector.shape_cast %swap3A_515 : vector<1x16xf32> to vector<16xf32>
        %swap3A_517 = vector.shape_cast %mul3A_510 : vector<16xf32> to vector<1x16xf32>
        tpu.vector_store %arg11[%swap3A_513, %swap3A_514], %swap3A_517 {strides = array<i32>} : memref<512x32xf32, #tpu.memory_space<vmem>>, vector<1x16xf32>,
        %add3A_518 = arith.constant 128 : i32
        %add3A_519 = arith.addi %add3A_518, %add3A_500 : i32
        %get3A_520 = arith.index_cast %add3A_519 : i32 to index
        %get3A_521 = arith.constant 0 : index
        %get3A_522 = tpu.vector_load %arg11[%get3A_520, %get3A_521] {strides = array<i32>} : memref<512x32xf32, #tpu.memory_space<vmem>>, vector<1x16xf32>,
        %get3A_523 = vector.shape_cast %get3A_522 : vector<1x16xf32> to vector<16xf32>
        %add3A_524 = arith.addf %get3A_523, %mul3A_510 : vector<16xf32>
        %mul3A_525 = arith.constant 2.500000e-01 : f32
        %mul3A_526 = vector.broadcast %mul3A_525 : f32 to vector<16xf32>
        %mul3A_527 = arith.mulf %add3A_524, %mul3A_526 : vector<16xf32>
        %add3A_528 = arith.constant 128 : i32
        %add3A_529 = arith.addi %add3A_528, %add3A_500 : i32
        %swap3A_530 = arith.index_cast %add3A_529 : i32 to index
        %swap3A_531 = arith.constant 0 : index
        %swap3A_532 = tpu.vector_load %arg11[%swap3A_530, %swap3A_531] {strides = array<i32>} : memref<512x32xf32, #tpu.memory_space<vmem>>, vector<1x16xf32>,
        %swap3A_533 = vector.shape_cast %swap3A_532 : vector<1x16xf32> to vector<16xf32>
        %swap3A_534 = vector.shape_cast %mul3A_527 : vector<16xf32> to vector<1x16xf32>
        tpu.vector_store %arg11[%swap3A_530, %swap3A_531], %swap3A_534 {strides = array<i32>} : memref<512x32xf32, #tpu.memory_space<vmem>>, vector<1x16xf32>,
        %add3A_535 = arith.constant 0 : i32
        %add3A_536 = arith.addi %add3A_535, %add3A_500 : i32
        %get3A_537 = arith.index_cast %add3A_536 : i32 to index
        %get3A_538 = arith.constant 16 : index
        %get3A_539 = tpu.vector_load %arg11[%get3A_537, %get3A_538] {strides = array<i32>} : memref<512x32xf32, #tpu.memory_space<vmem>>, vector<1x16xf32>,
        %get3A_540 = vector.shape_cast %get3A_539 : vector<1x16xf32> to vector<16xf32>
        %mul3A_541 = vector.broadcast %squeeze3A_502 : f32 to vector<16xf32>
        %mul3A_542 = arith.mulf %get3A_540, %mul3A_541 : vector<16xf32>
        %add3A_543 = arith.constant 0 : i32
        %add3A_544 = arith.addi %add3A_543, %add3A_500 : i32
        %swap3A_545 = arith.index_cast %add3A_544 : i32 to index
        %swap3A_546 = arith.constant 16 : index
        %swap3A_547 = tpu.vector_load %arg11[%swap3A_545, %swap3A_546] {strides = array<i32>} : memref<512x32xf32, #tpu.memory_space<vmem>>, vector<1x16xf32>,
        %swap3A_548 = vector.shape_cast %swap3A_547 : vector<1x16xf32> to vector<16xf32>
        %swap3A_549 = vector.shape_cast %mul3A_542 : vector<16xf32> to vector<1x16xf32>
        tpu.vector_store %arg11[%swap3A_545, %swap3A_546], %swap3A_549 {strides = array<i32>} : memref<512x32xf32, #tpu.memory_space<vmem>>, vector<1x16xf32>,
        %add3A_550 = arith.constant 128 : i32
        %add3A_551 = arith.addi %add3A_550, %add3A_500 : i32
        %get3A_552 = arith.index_cast %add3A_551 : i32 to index
        %get3A_553 = arith.constant 16 : index
        %get3A_554 = tpu.vector_load %arg11[%get3A_552, %get3A_553] {strides = array<i32>} : memref<512x32xf32, #tpu.memory_space<vmem>>, vector<1x16xf32>,
        %get3A_555 = vector.shape_cast %get3A_554 : vector<1x16xf32> to vector<16xf32>
        %add3A_556 = arith.addf %get3A_555, %mul3A_542 : vector<16xf32>
        %mul3A_557 = arith.constant 2.500000e-01 : f32
        %mul3A_558 = vector.broadcast %mul3A_557 : f32 to vector<16xf32>
        %mul3A_559 = arith.mulf %add3A_556, %mul3A_558 : vector<16xf32>
        %add3A_560 = arith.constant 128 : i32
        %add3A_561 = arith.addi %add3A_560, %add3A_500 : i32
        %swap3A_562 = arith.index_cast %add3A_561 : i32 to index
        %swap3A_563 = arith.constant 16 : index
        %swap3A_564 = tpu.vector_load %arg11[%swap3A_562, %swap3A_563] {strides = array<i32>} : memref<512x32xf32, #tpu.memory_space<vmem>>, vector<1x16xf32>,
        %swap3A_565 = vector.shape_cast %swap3A_564 : vector<1x16xf32> to vector<16xf32>
        %swap3A_566 = vector.shape_cast %mul3A_559 : vector<16xf32> to vector<1x16xf32>
        tpu.vector_store %arg11[%swap3A_562, %swap3A_563], %swap3A_566 {strides = array<i32>} : memref<512x32xf32, #tpu.memory_space<vmem>>, vector<1x16xf32>,
        %add3A_567 = arith.constant 4 : i32
        %add3A_568 = arith.addi %mul3A_291, %add3A_567 : i32
        %slice3A_569 = vector.extract_strided_slice %get3A_296 {offsets = [4], sizes = [1], strides = [1]} : vector<16xf32> to vector<1xf32>
        %squeeze3A_570 = vector.extract %slice3A_569[0] : f32 from vector<1xf32>
        %add3A_571 = arith.constant 0 : i32
        %add3A_572 = arith.addi %add3A_571, %add3A_568 : i32
        %get3A_573 = arith.index_cast %add3A_572 : i32 to index
        %get3A_574 = arith.constant 0 : index
        %get3A_575 = tpu.vector_load %arg11[%get3A_573, %get3A_574] {strides = array<i32>} : memref<512x32xf32, #tpu.memory_space<vmem>>, vector<1x16xf32>,
        %get3A_576 = vector.shape_cast %get3A_575 : vector<1x16xf32> to vector<16xf32>
        %mul3A_577 = vector.broadcast %squeeze3A_570 : f32 to vector<16xf32>
        %mul3A_578 = arith.mulf %get3A_576, %mul3A_577 : vector<16xf32>
        %add3A_579 = arith.constant 0 : i32
        %add3A_580 = arith.addi %add3A_579, %add3A_568 : i32
        %swap3A_581 = arith.index_cast %add3A_580 : i32 to index
        %swap3A_582 = arith.constant 0 : index
        %swap3A_583 = tpu.vector_load %arg11[%swap3A_581, %swap3A_582] {strides = array<i32>} : memref<512x32xf32, #tpu.memory_space<vmem>>, vector<1x16xf32>,
        %swap3A_584 = vector.shape_cast %swap3A_583 : vector<1x16xf32> to vector<16xf32>
        %swap3A_585 = vector.shape_cast %mul3A_578 : vector<16xf32> to vector<1x16xf32>
        tpu.vector_store %arg11[%swap3A_581, %swap3A_582], %swap3A_585 {strides = array<i32>} : memref<512x32xf32, #tpu.memory_space<vmem>>, vector<1x16xf32>,
        %add3A_586 = arith.constant 128 : i32
        %add3A_587 = arith.addi %add3A_586, %add3A_568 : i32
        %get3A_588 = arith.index_cast %add3A_587 : i32 to index
        %get3A_589 = arith.constant 0 : index
        %get3A_590 = tpu.vector_load %arg11[%get3A_588, %get3A_589] {strides = array<i32>} : memref<512x32xf32, #tpu.memory_space<vmem>>, vector<1x16xf32>,
        %get3A_591 = vector.shape_cast %get3A_590 : vector<1x16xf32> to vector<16xf32>
        %add3A_592 = arith.addf %get3A_591, %mul3A_578 : vector<16xf32>
        %mul3A_593 = arith.constant 2.500000e-01 : f32
        %mul3A_594 = vector.broadcast %mul3A_593 : f32 to vector<16xf32>
        %mul3A_595 = arith.mulf %add3A_592, %mul3A_594 : vector<16xf32>
        %add3A_596 = arith.constant 128 : i32
        %add3A_597 = arith.addi %add3A_596, %add3A_568 : i32
        %swap3A_598 = arith.index_cast %add3A_597 : i32 to index
        %swap3A_599 = arith.constant 0 : index
        %swap3A_600 = tpu.vector_load %arg11[%swap3A_598, %swap3A_599] {strides = array<i32>} : memref<512x32xf32, #tpu.memory_space<vmem>>, vector<1x16xf32>,
        %swap3A_601 = vector.shape_cast %swap3A_600 : vector<1x16xf32> to vector<16xf32>
        %swap3A_602 = vector.shape_cast %mul3A_595 : vector<16xf32> to vector<1x16xf32>
        tpu.vector_store %arg11[%swap3A_598, %swap3A_599], %swap3A_602 {strides = array<i32>} : memref<512x32xf32, #tpu.memory_space<vmem>>, vector<1x16xf32>,
        %add3A_603 = arith.constant 0 : i32
        %add3A_604 = arith.addi %add3A_603, %add3A_568 : i32
        %get3A_605 = arith.index_cast %add3A_604 : i32 to index
        %get3A_606 = arith.constant 16 : index
        %get3A_607 = tpu.vector_load %arg11[%get3A_605, %get3A_606] {strides = array<i32>} : memref<512x32xf32, #tpu.memory_space<vmem>>, vector<1x16xf32>,
        %get3A_608 = vector.shape_cast %get3A_607 : vector<1x16xf32> to vector<16xf32>
        %mul3A_609 = vector.broadcast %squeeze3A_570 : f32 to vector<16xf32>
        %mul3A_610 = arith.mulf %get3A_608, %mul3A_609 : vector<16xf32>
        %add3A_611 = arith.constant 0 : i32
        %add3A_612 = arith.addi %add3A_611, %add3A_568 : i32
        %swap3A_613 = arith.index_cast %add3A_612 : i32 to index
        %swap3A_614 = arith.constant 16 : index
        %swap3A_615 = tpu.vector_load %arg11[%swap3A_613, %swap3A_614] {strides = array<i32>} : memref<512x32xf32, #tpu.memory_space<vmem>>, vector<1x16xf32>,
        %swap3A_616 = vector.shape_cast %swap3A_615 : vector<1x16xf32> to vector<16xf32>
        %swap3A_617 = vector.shape_cast %mul3A_610 : vector<16xf32> to vector<1x16xf32>
        tpu.vector_store %arg11[%swap3A_613, %swap3A_614], %swap3A_617 {strides = array<i32>} : memref<512x32xf32, #tpu.memory_space<vmem>>, vector<1x16xf32>,
        %add3A_618 = arith.constant 128 : i32
        %add3A_619 = arith.addi %add3A_618, %add3A_568 : i32
        %get3A_620 = arith.index_cast %add3A_619 : i32 to index
        %get3A_621 = arith.constant 16 : index
        %get3A_622 = tpu.vector_load %arg11[%get3A_620, %get3A_621] {strides = array<i32>} : memref<512x32xf32, #tpu.memory_space<vmem>>, vector<1x16xf32>,
        %get3A_623 = vector.shape_cast %get3A_622 : vector<1x16xf32> to vector<16xf32>
        %add3A_624 = arith.addf %get3A_623, %mul3A_610 : vector<16xf32>
        %mul3A_625 = arith.constant 2.500000e-01 : f32
        %mul3A_626 = vector.broadcast %mul3A_625 : f32 to vector<16xf32>
        %mul3A_627 = arith.mulf %add3A_624, %mul3A_626 : vector<16xf32>
        %add3A_628 = arith.constant 128 : i32
        %add3A_629 = arith.addi %add3A_628, %add3A_568 : i32
        %swap3A_630 = arith.index_cast %add3A_629 : i32 to index
        %swap3A_631 = arith.constant 16 : index
        %swap3A_632 = tpu.vector_load %arg11[%swap3A_630, %swap3A_631] {strides = array<i32>} : memref<512x32xf32, #tpu.memory_space<vmem>>, vector<1x16xf32>,
        %swap3A_633 = vector.shape_cast %swap3A_632 : vector<1x16xf32> to vector<16xf32>
        %swap3A_634 = vector.shape_cast %mul3A_627 : vector<16xf32> to vector<1x16xf32>
        tpu.vector_store %arg11[%swap3A_630, %swap3A_631], %swap3A_634 {strides = array<i32>} : memref<512x32xf32, #tpu.memory_space<vmem>>, vector<1x16xf32>,
        %add3A_635 = arith.constant 5 : i32
        %add3A_636 = arith.addi %mul3A_291, %add3A_635 : i32
        %slice3A_637 = vector.extract_strided_slice %get3A_296 {offsets = [5], sizes = [1], strides = [1]} : vector<16xf32> to vector<1xf32>
        %squeeze3A_638 = vector.extract %slice3A_637[0] : f32 from vector<1xf32>
        %add3A_639 = arith.constant 0 : i32
        %add3A_640 = arith.addi %add3A_639, %add3A_636 : i32
        %get3A_641 = arith.index_cast %add3A_640 : i32 to index
        %get3A_642 = arith.constant 0 : index
        %get3A_643 = tpu.vector_load %arg11[%get3A_641, %get3A_642] {strides = array<i32>} : memref<512x32xf32, #tpu.memory_space<vmem>>, vector<1x16xf32>,
        %get3A_644 = vector.shape_cast %get3A_643 : vector<1x16xf32> to vector<16xf32>
        %mul3A_645 = vector.broadcast %squeeze3A_638 : f32 to vector<16xf32>
        %mul3A_646 = arith.mulf %get3A_644, %mul3A_645 : vector<16xf32>
        %add3A_647 = arith.constant 0 : i32
        %add3A_648 = arith.addi %add3A_647, %add3A_636 : i32
        %swap3A_649 = arith.index_cast %add3A_648 : i32 to index
        %swap3A_650 = arith.constant 0 : index
        %swap3A_651 = tpu.vector_load %arg11[%swap3A_649, %swap3A_650] {strides = array<i32>} : memref<512x32xf32, #tpu.memory_space<vmem>>, vector<1x16xf32>,
        %swap3A_652 = vector.shape_cast %swap3A_651 : vector<1x16xf32> to vector<16xf32>
        %swap3A_653 = vector.shape_cast %mul3A_646 : vector<16xf32> to vector<1x16xf32>
        tpu.vector_store %arg11[%swap3A_649, %swap3A_650], %swap3A_653 {strides = array<i32>} : memref<512x32xf32, #tpu.memory_space<vmem>>, vector<1x16xf32>,
        %add3A_654 = arith.constant 128 : i32
        %add3A_655 = arith.addi %add3A_654, %add3A_636 : i32
        %get3A_656 = arith.index_cast %add3A_655 : i32 to index
        %get3A_657 = arith.constant 0 : index
        %get3A_658 = tpu.vector_load %arg11[%get3A_656, %get3A_657] {strides = array<i32>} : memref<512x32xf32, #tpu.memory_space<vmem>>, vector<1x16xf32>,
        %get3A_659 = vector.shape_cast %get3A_658 : vector<1x16xf32> to vector<16xf32>
        %add3A_660 = arith.addf %get3A_659, %mul3A_646 : vector<16xf32>
        %mul3A_661 = arith.constant 2.500000e-01 : f32
        %mul3A_662 = vector.broadcast %mul3A_661 : f32 to vector<16xf32>
        %mul3A_663 = arith.mulf %add3A_660, %mul3A_662 : vector<16xf32>
        %add3A_664 = arith.constant 128 : i32
        %add3A_665 = arith.addi %add3A_664, %add3A_636 : i32
        %swap3A_666 = arith.index_cast %add3A_665 : i32 to index
        %swap3A_667 = arith.constant 0 : index
        %swap3A_668 = tpu.vector_load %arg11[%swap3A_666, %swap3A_667] {strides = array<i32>} : memref<512x32xf32, #tpu.memory_space<vmem>>, vector<1x16xf32>,
        %swap3A_669 = vector.shape_cast %swap3A_668 : vector<1x16xf32> to vector<16xf32>
        %swap3A_670 = vector.shape_cast %mul3A_663 : vector<16xf32> to vector<1x16xf32>
        tpu.vector_store %arg11[%swap3A_666, %swap3A_667], %swap3A_670 {strides = array<i32>} : memref<512x32xf32, #tpu.memory_space<vmem>>, vector<1x16xf32>,
        %add3A_671 = arith.constant 0 : i32
        %add3A_672 = arith.addi %add3A_671, %add3A_636 : i32
        %get3A_673 = arith.index_cast %add3A_672 : i32 to index
        %get3A_674 = arith.constant 16 : index
        %get3A_675 = tpu.vector_load %arg11[%get3A_673, %get3A_674] {strides = array<i32>} : memref<512x32xf32, #tpu.memory_space<vmem>>, vector<1x16xf32>,
        %get3A_676 = vector.shape_cast %get3A_675 : vector<1x16xf32> to vector<16xf32>
        %mul3A_677 = vector.broadcast %squeeze3A_638 : f32 to vector<16xf32>
        %mul3A_678 = arith.mulf %get3A_676, %mul3A_677 : vector<16xf32>
        %add3A_679 = arith.constant 0 : i32
        %add3A_680 = arith.addi %add3A_679, %add3A_636 : i32
        %swap3A_681 = arith.index_cast %add3A_680 : i32 to index
        %swap3A_682 = arith.constant 16 : index
        %swap3A_683 = tpu.vector_load %arg11[%swap3A_681, %swap3A_682] {strides = array<i32>} : memref<512x32xf32, #tpu.memory_space<vmem>>, vector<1x16xf32>,
        %swap3A_684 = vector.shape_cast %swap3A_683 : vector<1x16xf32> to vector<16xf32>
        %swap3A_685 = vector.shape_cast %mul3A_678 : vector<16xf32> to vector<1x16xf32>
        tpu.vector_store %arg11[%swap3A_681, %swap3A_682], %swap3A_685 {strides = array<i32>} : memref<512x32xf32, #tpu.memory_space<vmem>>, vector<1x16xf32>,
        %add3A_686 = arith.constant 128 : i32
        %add3A_687 = arith.addi %add3A_686, %add3A_636 : i32
        %get3A_688 = arith.index_cast %add3A_687 : i32 to index
        %get3A_689 = arith.constant 16 : index
        %get3A_690 = tpu.vector_load %arg11[%get3A_688, %get3A_689] {strides = array<i32>} : memref<512x32xf32, #tpu.memory_space<vmem>>, vector<1x16xf32>,
        %get3A_691 = vector.shape_cast %get3A_690 : vector<1x16xf32> to vector<16xf32>
        %add3A_692 = arith.addf %get3A_691, %mul3A_678 : vector<16xf32>
        %mul3A_693 = arith.constant 2.500000e-01 : f32
        %mul3A_694 = vector.broadcast %mul3A_693 : f32 to vector<16xf32>
        %mul3A_695 = arith.mulf %add3A_692, %mul3A_694 : vector<16xf32>
        %add3A_696 = arith.constant 128 : i32
        %add3A_697 = arith.addi %add3A_696, %add3A_636 : i32
        %swap3A_698 = arith.index_cast %add3A_697 : i32 to index
        %swap3A_699 = arith.constant 16 : index
        %swap3A_700 = tpu.vector_load %arg11[%swap3A_698, %swap3A_699] {strides = array<i32>} : memref<512x32xf32, #tpu.memory_space<vmem>>, vector<1x16xf32>,
        %swap3A_701 = vector.shape_cast %swap3A_700 : vector<1x16xf32> to vector<16xf32>
        %swap3A_702 = vector.shape_cast %mul3A_695 : vector<16xf32> to vector<1x16xf32>
        tpu.vector_store %arg11[%swap3A_698, %swap3A_699], %swap3A_702 {strides = array<i32>} : memref<512x32xf32, #tpu.memory_space<vmem>>, vector<1x16xf32>,
        %add3A_703 = arith.constant 6 : i32
        %add3A_704 = arith.addi %mul3A_291, %add3A_703 : i32
        %slice3A_705 = vector.extract_strided_slice %get3A_296 {offsets = [6], sizes = [1], strides = [1]} : vector<16xf32> to vector<1xf32>
        %squeeze3A_706 = vector.extract %slice3A_705[0] : f32 from vector<1xf32>
        %add3A_707 = arith.constant 0 : i32
        %add3A_708 = arith.addi %add3A_707, %add3A_704 : i32
        %get3A_709 = arith.index_cast %add3A_708 : i32 to index
        %get3A_710 = arith.constant 0 : index
        %get3A_711 = tpu.vector_load %arg11[%get3A_709, %get3A_710] {strides = array<i32>} : memref<512x32xf32, #tpu.memory_space<vmem>>, vector<1x16xf32>,
        %get3A_712 = vector.shape_cast %get3A_711 : vector<1x16xf32> to vector<16xf32>
        %mul3A_713 = vector.broadcast %squeeze3A_706 : f32 to vector<16xf32>
        %mul3A_714 = arith.mulf %get3A_712, %mul3A_713 : vector<16xf32>
        %add3A_715 = arith.constant 0 : i32
        %add3A_716 = arith.addi %add3A_715, %add3A_704 : i32
        %swap3A_717 = arith.index_cast %add3A_716 : i32 to index
        %swap3A_718 = arith.constant 0 : index
        %swap3A_719 = tpu.vector_load %arg11[%swap3A_717, %swap3A_718] {strides = array<i32>} : memref<512x32xf32, #tpu.memory_space<vmem>>, vector<1x16xf32>,
        %swap3A_720 = vector.shape_cast %swap3A_719 : vector<1x16xf32> to vector<16xf32>
        %swap3A_721 = vector.shape_cast %mul3A_714 : vector<16xf32> to vector<1x16xf32>
        tpu.vector_store %arg11[%swap3A_717, %swap3A_718], %swap3A_721 {strides = array<i32>} : memref<512x32xf32, #tpu.memory_space<vmem>>, vector<1x16xf32>,
        %add3A_722 = arith.constant 128 : i32
        %add3A_723 = arith.addi %add3A_722, %add3A_704 : i32
        %get3A_724 = arith.index_cast %add3A_723 : i32 to index
        %get3A_725 = arith.constant 0 : index
        %get3A_726 = tpu.vector_load %arg11[%get3A_724, %get3A_725] {strides = array<i32>} : memref<512x32xf32, #tpu.memory_space<vmem>>, vector<1x16xf32>,
        %get3A_727 = vector.shape_cast %get3A_726 : vector<1x16xf32> to vector<16xf32>
        %add3A_728 = arith.addf %get3A_727, %mul3A_714 : vector<16xf32>
        %mul3A_729 = arith.constant 2.500000e-01 : f32
        %mul3A_730 = vector.broadcast %mul3A_729 : f32 to vector<16xf32>
        %mul3A_731 = arith.mulf %add3A_728, %mul3A_730 : vector<16xf32>
        %add3A_732 = arith.constant 128 : i32
        %add3A_733 = arith.addi %add3A_732, %add3A_704 : i32
        %swap3A_734 = arith.index_cast %add3A_733 : i32 to index
        %swap3A_735 = arith.constant 0 : index
        %swap3A_736 = tpu.vector_load %arg11[%swap3A_734, %swap3A_735] {strides = array<i32>} : memref<512x32xf32, #tpu.memory_space<vmem>>, vector<1x16xf32>,
        %swap3A_737 = vector.shape_cast %swap3A_736 : vector<1x16xf32> to vector<16xf32>
        %swap3A_738 = vector.shape_cast %mul3A_731 : vector<16xf32> to vector<1x16xf32>
        tpu.vector_store %arg11[%swap3A_734, %swap3A_735], %swap3A_738 {strides = array<i32>} : memref<512x32xf32, #tpu.memory_space<vmem>>, vector<1x16xf32>,
        %add3A_739 = arith.constant 0 : i32
        %add3A_740 = arith.addi %add3A_739, %add3A_704 : i32
        %get3A_741 = arith.index_cast %add3A_740 : i32 to index
        %get3A_742 = arith.constant 16 : index
        %get3A_743 = tpu.vector_load %arg11[%get3A_741, %get3A_742] {strides = array<i32>} : memref<512x32xf32, #tpu.memory_space<vmem>>, vector<1x16xf32>,
        %get3A_744 = vector.shape_cast %get3A_743 : vector<1x16xf32> to vector<16xf32>
        %mul3A_745 = vector.broadcast %squeeze3A_706 : f32 to vector<16xf32>
        %mul3A_746 = arith.mulf %get3A_744, %mul3A_745 : vector<16xf32>
        %add3A_747 = arith.constant 0 : i32
        %add3A_748 = arith.addi %add3A_747, %add3A_704 : i32
        %swap3A_749 = arith.index_cast %add3A_748 : i32 to index
        %swap3A_750 = arith.constant 16 : index
        %swap3A_751 = tpu.vector_load %arg11[%swap3A_749, %swap3A_750] {strides = array<i32>} : memref<512x32xf32, #tpu.memory_space<vmem>>, vector<1x16xf32>,
        %swap3A_752 = vector.shape_cast %swap3A_751 : vector<1x16xf32> to vector<16xf32>
        %swap3A_753 = vector.shape_cast %mul3A_746 : vector<16xf32> to vector<1x16xf32>
        tpu.vector_store %arg11[%swap3A_749, %swap3A_750], %swap3A_753 {strides = array<i32>} : memref<512x32xf32, #tpu.memory_space<vmem>>, vector<1x16xf32>,
        %add3A_754 = arith.constant 128 : i32
        %add3A_755 = arith.addi %add3A_754, %add3A_704 : i32
        %get3A_756 = arith.index_cast %add3A_755 : i32 to index
        %get3A_757 = arith.constant 16 : index
        %get3A_758 = tpu.vector_load %arg11[%get3A_756, %get3A_757] {strides = array<i32>} : memref<512x32xf32, #tpu.memory_space<vmem>>, vector<1x16xf32>,
        %get3A_759 = vector.shape_cast %get3A_758 : vector<1x16xf32> to vector<16xf32>
        %add3A_760 = arith.addf %get3A_759, %mul3A_746 : vector<16xf32>
        %mul3A_761 = arith.constant 2.500000e-01 : f32
        %mul3A_762 = vector.broadcast %mul3A_761 : f32 to vector<16xf32>
        %mul3A_763 = arith.mulf %add3A_760, %mul3A_762 : vector<16xf32>
        %add3A_764 = arith.constant 128 : i32
        %add3A_765 = arith.addi %add3A_764, %add3A_704 : i32
        %swap3A_766 = arith.index_cast %add3A_765 : i32 to index
        %swap3A_767 = arith.constant 16 : index
        %swap3A_768 = tpu.vector_load %arg11[%swap3A_766, %swap3A_767] {strides = array<i32>} : memref<512x32xf32, #tpu.memory_space<vmem>>, vector<1x16xf32>,
        %swap3A_769 = vector.shape_cast %swap3A_768 : vector<1x16xf32> to vector<16xf32>
        %swap3A_770 = vector.shape_cast %mul3A_763 : vector<16xf32> to vector<1x16xf32>
        tpu.vector_store %arg11[%swap3A_766, %swap3A_767], %swap3A_770 {strides = array<i32>} : memref<512x32xf32, #tpu.memory_space<vmem>>, vector<1x16xf32>,
        %add3A_771 = arith.constant 7 : i32
        %add3A_772 = arith.addi %mul3A_291, %add3A_771 : i32
        %slice3A_773 = vector.extract_strided_slice %get3A_296 {offsets = [7], sizes = [1], strides = [1]} : vector<16xf32> to vector<1xf32>
        %squeeze3A_774 = vector.extract %slice3A_773[0] : f32 from vector<1xf32>
        %add3A_775 = arith.constant 0 : i32
        %add3A_776 = arith.addi %add3A_775, %add3A_772 : i32
        %get3A_777 = arith.index_cast %add3A_776 : i32 to index
        %get3A_778 = arith.constant 0 : index
        %get3A_779 = tpu.vector_load %arg11[%get3A_777, %get3A_778] {strides = array<i32>} : memref<512x32xf32, #tpu.memory_space<vmem>>, vector<1x16xf32>,
        %get3A_780 = vector.shape_cast %get3A_779 : vector<1x16xf32> to vector<16xf32>
        %mul3A_781 = vector.broadcast %squeeze3A_774 : f32 to vector<16xf32>
        %mul3A_782 = arith.mulf %get3A_780, %mul3A_781 : vector<16xf32>
        %add3A_783 = arith.constant 0 : i32
        %add3A_784 = arith.addi %add3A_783, %add3A_772 : i32
        %swap3A_785 = arith.index_cast %add3A_784 : i32 to index
        %swap3A_786 = arith.constant 0 : index
        %swap3A_787 = tpu.vector_load %arg11[%swap3A_785, %swap3A_786] {strides = array<i32>} : memref<512x32xf32, #tpu.memory_space<vmem>>, vector<1x16xf32>,
        %swap3A_788 = vector.shape_cast %swap3A_787 : vector<1x16xf32> to vector<16xf32>
        %swap3A_789 = vector.shape_cast %mul3A_782 : vector<16xf32> to vector<1x16xf32>
        tpu.vector_store %arg11[%swap3A_785, %swap3A_786], %swap3A_789 {strides = array<i32>} : memref<512x32xf32, #tpu.memory_space<vmem>>, vector<1x16xf32>,
        %add3A_790 = arith.constant 128 : i32
        %add3A_791 = arith.addi %add3A_790, %add3A_772 : i32
        %get3A_792 = arith.index_cast %add3A_791 : i32 to index
        %get3A_793 = arith.constant 0 : index
        %get3A_794 = tpu.vector_load %arg11[%get3A_792, %get3A_793] {strides = array<i32>} : memref<512x32xf32, #tpu.memory_space<vmem>>, vector<1x16xf32>,
        %get3A_795 = vector.shape_cast %get3A_794 : vector<1x16xf32> to vector<16xf32>
        %add3A_796 = arith.addf %get3A_795, %mul3A_782 : vector<16xf32>
        %mul3A_797 = arith.constant 2.500000e-01 : f32
        %mul3A_798 = vector.broadcast %mul3A_797 : f32 to vector<16xf32>
        %mul3A_799 = arith.mulf %add3A_796, %mul3A_798 : vector<16xf32>
        %add3A_800 = arith.constant 128 : i32
        %add3A_801 = arith.addi %add3A_800, %add3A_772 : i32
        %swap3A_802 = arith.index_cast %add3A_801 : i32 to index
        %swap3A_803 = arith.constant 0 : index
        %swap3A_804 = tpu.vector_load %arg11[%swap3A_802, %swap3A_803] {strides = array<i32>} : memref<512x32xf32, #tpu.memory_space<vmem>>, vector<1x16xf32>,
        %swap3A_805 = vector.shape_cast %swap3A_804 : vector<1x16xf32> to vector<16xf32>
        %swap3A_806 = vector.shape_cast %mul3A_799 : vector<16xf32> to vector<1x16xf32>
        tpu.vector_store %arg11[%swap3A_802, %swap3A_803], %swap3A_806 {strides = array<i32>} : memref<512x32xf32, #tpu.memory_space<vmem>>, vector<1x16xf32>,
        %add3A_807 = arith.constant 0 : i32
        %add3A_808 = arith.addi %add3A_807, %add3A_772 : i32
        %get3A_809 = arith.index_cast %add3A_808 : i32 to index
        %get3A_810 = arith.constant 16 : index
        %get3A_811 = tpu.vector_load %arg11[%get3A_809, %get3A_810] {strides = array<i32>} : memref<512x32xf32, #tpu.memory_space<vmem>>, vector<1x16xf32>,
        %get3A_812 = vector.shape_cast %get3A_811 : vector<1x16xf32> to vector<16xf32>
        %mul3A_813 = vector.broadcast %squeeze3A_774 : f32 to vector<16xf32>
        %mul3A_814 = arith.mulf %get3A_812, %mul3A_813 : vector<16xf32>
        %add3A_815 = arith.constant 0 : i32
        %add3A_816 = arith.addi %add3A_815, %add3A_772 : i32
        %swap3A_817 = arith.index_cast %add3A_816 : i32 to index
        %swap3A_818 = arith.constant 16 : index
        %swap3A_819 = tpu.vector_load %arg11[%swap3A_817, %swap3A_818] {strides = array<i32>} : memref<512x32xf32, #tpu.memory_space<vmem>>, vector<1x16xf32>,
        %swap3A_820 = vector.shape_cast %swap3A_819 : vector<1x16xf32> to vector<16xf32>
        %swap3A_821 = vector.shape_cast %mul3A_814 : vector<16xf32> to vector<1x16xf32>
        tpu.vector_store %arg11[%swap3A_817, %swap3A_818], %swap3A_821 {strides = array<i32>} : memref<512x32xf32, #tpu.memory_space<vmem>>, vector<1x16xf32>,
        %add3A_822 = arith.constant 128 : i32
        %add3A_823 = arith.addi %add3A_822, %add3A_772 : i32
        %get3A_824 = arith.index_cast %add3A_823 : i32 to index
        %get3A_825 = arith.constant 16 : index
        %get3A_826 = tpu.vector_load %arg11[%get3A_824, %get3A_825] {strides = array<i32>} : memref<512x32xf32, #tpu.memory_space<vmem>>, vector<1x16xf32>,
        %get3A_827 = vector.shape_cast %get3A_826 : vector<1x16xf32> to vector<16xf32>
        %add3A_828 = arith.addf %get3A_827, %mul3A_814 : vector<16xf32>
        %mul3A_829 = arith.constant 2.500000e-01 : f32
        %mul3A_830 = vector.broadcast %mul3A_829 : f32 to vector<16xf32>
        %mul3A_831 = arith.mulf %add3A_828, %mul3A_830 : vector<16xf32>
        %add3A_832 = arith.constant 128 : i32
        %add3A_833 = arith.addi %add3A_832, %add3A_772 : i32
        %swap3A_834 = arith.index_cast %add3A_833 : i32 to index
        %swap3A_835 = arith.constant 16 : index
        %swap3A_836 = tpu.vector_load %arg11[%swap3A_834, %swap3A_835] {strides = array<i32>} : memref<512x32xf32, #tpu.memory_space<vmem>>, vector<1x16xf32>,
        %swap3A_837 = vector.shape_cast %swap3A_836 : vector<1x16xf32> to vector<16xf32>
        %swap3A_838 = vector.shape_cast %mul3A_831 : vector<16xf32> to vector<1x16xf32>
        tpu.vector_store %arg11[%swap3A_834, %swap3A_835], %swap3A_838 {strides = array<i32>} : memref<512x32xf32, #tpu.memory_space<vmem>>, vector<1x16xf32>,
        %add3A_839 = arith.constant 8 : i32
        %add3A_840 = arith.addi %mul3A_291, %add3A_839 : i32
        %slice3A_841 = vector.extract_strided_slice %get3A_296 {offsets = [8], sizes = [1], strides = [1]} : vector<16xf32> to vector<1xf32>
        %squeeze3A_842 = vector.extract %slice3A_841[0] : f32 from vector<1xf32>
        %add3A_843 = arith.constant 0 : i32
        %add3A_844 = arith.addi %add3A_843, %add3A_840 : i32
        %get3A_845 = arith.index_cast %add3A_844 : i32 to index
        %get3A_846 = arith.constant 0 : index
        %get3A_847 = tpu.vector_load %arg11[%get3A_845, %get3A_846] {strides = array<i32>} : memref<512x32xf32, #tpu.memory_space<vmem>>, vector<1x16xf32>,
        %get3A_848 = vector.shape_cast %get3A_847 : vector<1x16xf32> to vector<16xf32>
        %mul3A_849 = vector.broadcast %squeeze3A_842 : f32 to vector<16xf32>
        %mul3A_850 = arith.mulf %get3A_848, %mul3A_849 : vector<16xf32>
        %add3A_851 = arith.constant 0 : i32
        %add3A_852 = arith.addi %add3A_851, %add3A_840 : i32
        %swap3A_853 = arith.index_cast %add3A_852 : i32 to index
        %swap3A_854 = arith.constant 0 : index
        %swap3A_855 = tpu.vector_load %arg11[%swap3A_853, %swap3A_854] {strides = array<i32>} : memref<512x32xf32, #tpu.memory_space<vmem>>, vector<1x16xf32>,
        %swap3A_856 = vector.shape_cast %swap3A_855 : vector<1x16xf32> to vector<16xf32>
        %swap3A_857 = vector.shape_cast %mul3A_850 : vector<16xf32> to vector<1x16xf32>
        tpu.vector_store %arg11[%swap3A_853, %swap3A_854], %swap3A_857 {strides = array<i32>} : memref<512x32xf32, #tpu.memory_space<vmem>>, vector<1x16xf32>,
        %add3A_858 = arith.constant 128 : i32
        %add3A_859 = arith.addi %add3A_858, %add3A_840 : i32
        %get3A_860 = arith.index_cast %add3A_859 : i32 to index
        %get3A_861 = arith.constant 0 : index
        %get3A_862 = tpu.vector_load %arg11[%get3A_860, %get3A_861] {strides = array<i32>} : memref<512x32xf32, #tpu.memory_space<vmem>>, vector<1x16xf32>,
        %get3A_863 = vector.shape_cast %get3A_862 : vector<1x16xf32> to vector<16xf32>
        %add3A_864 = arith.addf %get3A_863, %mul3A_850 : vector<16xf32>
        %mul3A_865 = arith.constant 2.500000e-01 : f32
        %mul3A_866 = vector.broadcast %mul3A_865 : f32 to vector<16xf32>
        %mul3A_867 = arith.mulf %add3A_864, %mul3A_866 : vector<16xf32>
        %add3A_868 = arith.constant 128 : i32
        %add3A_869 = arith.addi %add3A_868, %add3A_840 : i32
        %swap3A_870 = arith.index_cast %add3A_869 : i32 to index
        %swap3A_871 = arith.constant 0 : index
        %swap3A_872 = tpu.vector_load %arg11[%swap3A_870, %swap3A_871] {strides = array<i32>} : memref<512x32xf32, #tpu.memory_space<vmem>>, vector<1x16xf32>,
        %swap3A_873 = vector.shape_cast %swap3A_872 : vector<1x16xf32> to vector<16xf32>
        %swap3A_874 = vector.shape_cast %mul3A_867 : vector<16xf32> to vector<1x16xf32>
        tpu.vector_store %arg11[%swap3A_870, %swap3A_871], %swap3A_874 {strides = array<i32>} : memref<512x32xf32, #tpu.memory_space<vmem>>, vector<1x16xf32>,
        %add3A_875 = arith.constant 0 : i32
        %add3A_876 = arith.addi %add3A_875, %add3A_840 : i32
        %get3A_877 = arith.index_cast %add3A_876 : i32 to index
        %get3A_878 = arith.constant 16 : index
        %get3A_879 = tpu.vector_load %arg11[%get3A_877, %get3A_878] {strides = array<i32>} : memref<512x32xf32, #tpu.memory_space<vmem>>, vector<1x16xf32>,
        %get3A_880 = vector.shape_cast %get3A_879 : vector<1x16xf32> to vector<16xf32>
        %mul3A_881 = vector.broadcast %squeeze3A_842 : f32 to vector<16xf32>
        %mul3A_882 = arith.mulf %get3A_880, %mul3A_881 : vector<16xf32>
        %add3A_883 = arith.constant 0 : i32
        %add3A_884 = arith.addi %add3A_883, %add3A_840 : i32
        %swap3A_885 = arith.index_cast %add3A_884 : i32 to index
        %swap3A_886 = arith.constant 16 : index
        %swap3A_887 = tpu.vector_load %arg11[%swap3A_885, %swap3A_886] {strides = array<i32>} : memref<512x32xf32, #tpu.memory_space<vmem>>, vector<1x16xf32>,
        %swap3A_888 = vector.shape_cast %swap3A_887 : vector<1x16xf32> to vector<16xf32>
        %swap3A_889 = vector.shape_cast %mul3A_882 : vector<16xf32> to vector<1x16xf32>
        tpu.vector_store %arg11[%swap3A_885, %swap3A_886], %swap3A_889 {strides = array<i32>} : memref<512x32xf32, #tpu.memory_space<vmem>>, vector<1x16xf32>,
        %add3A_890 = arith.constant 128 : i32
        %add3A_891 = arith.addi %add3A_890, %add3A_840 : i32
        %get3A_892 = arith.index_cast %add3A_891 : i32 to index
        %get3A_893 = arith.constant 16 : index
        %get3A_894 = tpu.vector_load %arg11[%get3A_892, %get3A_893] {strides = array<i32>} : memref<512x32xf32, #tpu.memory_space<vmem>>, vector<1x16xf32>,
        %get3A_895 = vector.shape_cast %get3A_894 : vector<1x16xf32> to vector<16xf32>
        %add3A_896 = arith.addf %get3A_895, %mul3A_882 : vector<16xf32>
        %mul3A_897 = arith.constant 2.500000e-01 : f32
        %mul3A_898 = vector.broadcast %mul3A_897 : f32 to vector<16xf32>
        %mul3A_899 = arith.mulf %add3A_896, %mul3A_898 : vector<16xf32>
        %add3A_900 = arith.constant 128 : i32
        %add3A_901 = arith.addi %add3A_900, %add3A_840 : i32
        %swap3A_902 = arith.index_cast %add3A_901 : i32 to index
        %swap3A_903 = arith.constant 16 : index
        %swap3A_904 = tpu.vector_load %arg11[%swap3A_902, %swap3A_903] {strides = array<i32>} : memref<512x32xf32, #tpu.memory_space<vmem>>, vector<1x16xf32>,
        %swap3A_905 = vector.shape_cast %swap3A_904 : vector<1x16xf32> to vector<16xf32>
        %swap3A_906 = vector.shape_cast %mul3A_899 : vector<16xf32> to vector<1x16xf32>
        tpu.vector_store %arg11[%swap3A_902, %swap3A_903], %swap3A_906 {strides = array<i32>} : memref<512x32xf32, #tpu.memory_space<vmem>>, vector<1x16xf32>,
        %add3A_907 = arith.constant 9 : i32
        %add3A_908 = arith.addi %mul3A_291, %add3A_907 : i32
        %slice3A_909 = vector.extract_strided_slice %get3A_296 {offsets = [9], sizes = [1], strides = [1]} : vector<16xf32> to vector<1xf32>
        %squeeze3A_910 = vector.extract %slice3A_909[0] : f32 from vector<1xf32>
        %add3A_911 = arith.constant 0 : i32
        %add3A_912 = arith.addi %add3A_911, %add3A_908 : i32
        %get3A_913 = arith.index_cast %add3A_912 : i32 to index
        %get3A_914 = arith.constant 0 : index
        %get3A_915 = tpu.vector_load %arg11[%get3A_913, %get3A_914] {strides = array<i32>} : memref<512x32xf32, #tpu.memory_space<vmem>>, vector<1x16xf32>,
        %get3A_916 = vector.shape_cast %get3A_915 : vector<1x16xf32> to vector<16xf32>
        %mul3A_917 = vector.broadcast %squeeze3A_910 : f32 to vector<16xf32>
        %mul3A_918 = arith.mulf %get3A_916, %mul3A_917 : vector<16xf32>
        %add3A_919 = arith.constant 0 : i32
        %add3A_920 = arith.addi %add3A_919, %add3A_908 : i32
        %swap3A_921 = arith.index_cast %add3A_920 : i32 to index
        %swap3A_922 = arith.constant 0 : index
        %swap3A_923 = tpu.vector_load %arg11[%swap3A_921, %swap3A_922] {strides = array<i32>} : memref<512x32xf32, #tpu.memory_space<vmem>>, vector<1x16xf32>,
        %swap3A_924 = vector.shape_cast %swap3A_923 : vector<1x16xf32> to vector<16xf32>
        %swap3A_925 = vector.shape_cast %mul3A_918 : vector<16xf32> to vector<1x16xf32>
        tpu.vector_store %arg11[%swap3A_921, %swap3A_922], %swap3A_925 {strides = array<i32>} : memref<512x32xf32, #tpu.memory_space<vmem>>, vector<1x16xf32>,
        %add3A_926 = arith.constant 128 : i32
        %add3A_927 = arith.addi %add3A_926, %add3A_908 : i32
        %get3A_928 = arith.index_cast %add3A_927 : i32 to index
        %get3A_929 = arith.constant 0 : index
        %get3A_930 = tpu.vector_load %arg11[%get3A_928, %get3A_929] {strides = array<i32>} : memref<512x32xf32, #tpu.memory_space<vmem>>, vector<1x16xf32>,
        %get3A_931 = vector.shape_cast %get3A_930 : vector<1x16xf32> to vector<16xf32>
        %add3A_932 = arith.addf %get3A_931, %mul3A_918 : vector<16xf32>
        %mul3A_933 = arith.constant 2.500000e-01 : f32
        %mul3A_934 = vector.broadcast %mul3A_933 : f32 to vector<16xf32>
        %mul3A_935 = arith.mulf %add3A_932, %mul3A_934 : vector<16xf32>
        %add3A_936 = arith.constant 128 : i32
        %add3A_937 = arith.addi %add3A_936, %add3A_908 : i32
        %swap3A_938 = arith.index_cast %add3A_937 : i32 to index
        %swap3A_939 = arith.constant 0 : index
        %swap3A_940 = tpu.vector_load %arg11[%swap3A_938, %swap3A_939] {strides = array<i32>} : memref<512x32xf32, #tpu.memory_space<vmem>>, vector<1x16xf32>,
        %swap3A_941 = vector.shape_cast %swap3A_940 : vector<1x16xf32> to vector<16xf32>
        %swap3A_942 = vector.shape_cast %mul3A_935 : vector<16xf32> to vector<1x16xf32>
        tpu.vector_store %arg11[%swap3A_938, %swap3A_939], %swap3A_942 {strides = array<i32>} : memref<512x32xf32, #tpu.memory_space<vmem>>, vector<1x16xf32>,
        %add3A_943 = arith.constant 0 : i32
        %add3A_944 = arith.addi %add3A_943, %add3A_908 : i32
        %get3A_945 = arith.index_cast %add3A_944 : i32 to index
        %get3A_946 = arith.constant 16 : index
        %get3A_947 = tpu.vector_load %arg11[%get3A_945, %get3A_946] {strides = array<i32>} : memref<512x32xf32, #tpu.memory_space<vmem>>, vector<1x16xf32>,
        %get3A_948 = vector.shape_cast %get3A_947 : vector<1x16xf32> to vector<16xf32>
        %mul3A_949 = vector.broadcast %squeeze3A_910 : f32 to vector<16xf32>
        %mul3A_950 = arith.mulf %get3A_948, %mul3A_949 : vector<16xf32>
        %add3A_951 = arith.constant 0 : i32
        %add3A_952 = arith.addi %add3A_951, %add3A_908 : i32
        %swap3A_953 = arith.index_cast %add3A_952 : i32 to index
        %swap3A_954 = arith.constant 16 : index
        %swap3A_955 = tpu.vector_load %arg11[%swap3A_953, %swap3A_954] {strides = array<i32>} : memref<512x32xf32, #tpu.memory_space<vmem>>, vector<1x16xf32>,
        %swap3A_956 = vector.shape_cast %swap3A_955 : vector<1x16xf32> to vector<16xf32>
        %swap3A_957 = vector.shape_cast %mul3A_950 : vector<16xf32> to vector<1x16xf32>
        tpu.vector_store %arg11[%swap3A_953, %swap3A_954], %swap3A_957 {strides = array<i32>} : memref<512x32xf32, #tpu.memory_space<vmem>>, vector<1x16xf32>,
        %add3A_958 = arith.constant 128 : i32
        %add3A_959 = arith.addi %add3A_958, %add3A_908 : i32
        %get3A_960 = arith.index_cast %add3A_959 : i32 to index
        %get3A_961 = arith.constant 16 : index
        %get3A_962 = tpu.vector_load %arg11[%get3A_960, %get3A_961] {strides = array<i32>} : memref<512x32xf32, #tpu.memory_space<vmem>>, vector<1x16xf32>,
        %get3A_963 = vector.shape_cast %get3A_962 : vector<1x16xf32> to vector<16xf32>
        %add3A_964 = arith.addf %get3A_963, %mul3A_950 : vector<16xf32>
        %mul3A_965 = arith.constant 2.500000e-01 : f32
        %mul3A_966 = vector.broadcast %mul3A_965 : f32 to vector<16xf32>
        %mul3A_967 = arith.mulf %add3A_964, %mul3A_966 : vector<16xf32>
        %add3A_968 = arith.constant 128 : i32
        %add3A_969 = arith.addi %add3A_968, %add3A_908 : i32
        %swap3A_970 = arith.index_cast %add3A_969 : i32 to index
        %swap3A_971 = arith.constant 16 : index
        %swap3A_972 = tpu.vector_load %arg11[%swap3A_970, %swap3A_971] {strides = array<i32>} : memref<512x32xf32, #tpu.memory_space<vmem>>, vector<1x16xf32>,
        %swap3A_973 = vector.shape_cast %swap3A_972 : vector<1x16xf32> to vector<16xf32>
        %swap3A_974 = vector.shape_cast %mul3A_967 : vector<16xf32> to vector<1x16xf32>
        tpu.vector_store %arg11[%swap3A_970, %swap3A_971], %swap3A_974 {strides = array<i32>} : memref<512x32xf32, #tpu.memory_space<vmem>>, vector<1x16xf32>,
        %add3A_975 = arith.constant 10 : i32
        %add3A_976 = arith.addi %mul3A_291, %add3A_975 : i32
        %slice3A_977 = vector.extract_strided_slice %get3A_296 {offsets = [10], sizes = [1], strides = [1]} : vector<16xf32> to vector<1xf32>
        %squeeze3A_978 = vector.extract %slice3A_977[0] : f32 from vector<1xf32>
        %add3A_979 = arith.constant 0 : i32
        %add3A_980 = arith.addi %add3A_979, %add3A_976 : i32
        %get3A_981 = arith.index_cast %add3A_980 : i32 to index
        %get3A_982 = arith.constant 0 : index
        %get3A_983 = tpu.vector_load %arg11[%get3A_981, %get3A_982] {strides = array<i32>} : memref<512x32xf32, #tpu.memory_space<vmem>>, vector<1x16xf32>,
        %get3A_984 = vector.shape_cast %get3A_983 : vector<1x16xf32> to vector<16xf32>
        %mul3A_985 = vector.broadcast %squeeze3A_978 : f32 to vector<16xf32>
        %mul3A_986 = arith.mulf %get3A_984, %mul3A_985 : vector<16xf32>
        %add3A_987 = arith.constant 0 : i32
        %add3A_988 = arith.addi %add3A_987, %add3A_976 : i32
        %swap3A_989 = arith.index_cast %add3A_988 : i32 to index
        %swap3A_990 = arith.constant 0 : index
        %swap3A_991 = tpu.vector_load %arg11[%swap3A_989, %swap3A_990] {strides = array<i32>} : memref<512x32xf32, #tpu.memory_space<vmem>>, vector<1x16xf32>,
        %swap3A_992 = vector.shape_cast %swap3A_991 : vector<1x16xf32> to vector<16xf32>
        %swap3A_993 = vector.shape_cast %mul3A_986 : vector<16xf32> to vector<1x16xf32>
        tpu.vector_store %arg11[%swap3A_989, %swap3A_990], %swap3A_993 {strides = array<i32>} : memref<512x32xf32, #tpu.memory_space<vmem>>, vector<1x16xf32>,
        %add3A_994 = arith.constant 128 : i32
        %add3A_995 = arith.addi %add3A_994, %add3A_976 : i32
        %get3A_996 = arith.index_cast %add3A_995 : i32 to index
        %get3A_997 = arith.constant 0 : index
        %get3A_998 = tpu.vector_load %arg11[%get3A_996, %get3A_997] {strides = array<i32>} : memref<512x32xf32, #tpu.memory_space<vmem>>, vector<1x16xf32>,
        %get3A_999 = vector.shape_cast %get3A_998 : vector<1x16xf32> to vector<16xf32>
        %add3A_1000 = arith.addf %get3A_999, %mul3A_986 : vector<16xf32>
        %mul3A_1001 = arith.constant 2.500000e-01 : f32
        %mul3A_1002 = vector.broadcast %mul3A_1001 : f32 to vector<16xf32>
        %mul3A_1003 = arith.mulf %add3A_1000, %mul3A_1002 : vector<16xf32>
        %add3A_1004 = arith.constant 128 : i32
        %add3A_1005 = arith.addi %add3A_1004, %add3A_976 : i32
        %swap3A_1006 = arith.index_cast %add3A_1005 : i32 to index
        %swap3A_1007 = arith.constant 0 : index
        %swap3A_1008 = tpu.vector_load %arg11[%swap3A_1006, %swap3A_1007] {strides = array<i32>} : memref<512x32xf32, #tpu.memory_space<vmem>>, vector<1x16xf32>,
        %swap3A_1009 = vector.shape_cast %swap3A_1008 : vector<1x16xf32> to vector<16xf32>
        %swap3A_1010 = vector.shape_cast %mul3A_1003 : vector<16xf32> to vector<1x16xf32>
        tpu.vector_store %arg11[%swap3A_1006, %swap3A_1007], %swap3A_1010 {strides = array<i32>} : memref<512x32xf32, #tpu.memory_space<vmem>>, vector<1x16xf32>,
        %add3A_1011 = arith.constant 0 : i32
        %add3A_1012 = arith.addi %add3A_1011, %add3A_976 : i32
        %get3A_1013 = arith.index_cast %add3A_1012 : i32 to index
        %get3A_1014 = arith.constant 16 : index
        %get3A_1015 = tpu.vector_load %arg11[%get3A_1013, %get3A_1014] {strides = array<i32>} : memref<512x32xf32, #tpu.memory_space<vmem>>, vector<1x16xf32>,
        %get3A_1016 = vector.shape_cast %get3A_1015 : vector<1x16xf32> to vector<16xf32>
        %mul3A_1017 = vector.broadcast %squeeze3A_978 : f32 to vector<16xf32>
        %mul3A_1018 = arith.mulf %get3A_1016, %mul3A_1017 : vector<16xf32>
        %add3A_1019 = arith.constant 0 : i32
        %add3A_1020 = arith.addi %add3A_1019, %add3A_976 : i32
        %swap3A_1021 = arith.index_cast %add3A_1020 : i32 to index
        %swap3A_1022 = arith.constant 16 : index
        %swap3A_1023 = tpu.vector_load %arg11[%swap3A_1021, %swap3A_1022] {strides = array<i32>} : memref<512x32xf32, #tpu.memory_space<vmem>>, vector<1x16xf32>,
        %swap3A_1024 = vector.shape_cast %swap3A_1023 : vector<1x16xf32> to vector<16xf32>
        %swap3A_1025 = vector.shape_cast %mul3A_1018 : vector<16xf32> to vector<1x16xf32>
        tpu.vector_store %arg11[%swap3A_1021, %swap3A_1022], %swap3A_1025 {strides = array<i32>} : memref<512x32xf32, #tpu.memory_space<vmem>>, vector<1x16xf32>,
        %add3A_1026 = arith.constant 128 : i32
        %add3A_1027 = arith.addi %add3A_1026, %add3A_976 : i32
        %get3A_1028 = arith.index_cast %add3A_1027 : i32 to index
        %get3A_1029 = arith.constant 16 : index
        %get3A_1030 = tpu.vector_load %arg11[%get3A_1028, %get3A_1029] {strides = array<i32>} : memref<512x32xf32, #tpu.memory_space<vmem>>, vector<1x16xf32>,
        %get3A_1031 = vector.shape_cast %get3A_1030 : vector<1x16xf32> to vector<16xf32>
        %add3A_1032 = arith.addf %get3A_1031, %mul3A_1018 : vector<16xf32>
        %mul3A_1033 = arith.constant 2.500000e-01 : f32
        %mul3A_1034 = vector.broadcast %mul3A_1033 : f32 to vector<16xf32>
        %mul3A_1035 = arith.mulf %add3A_1032, %mul3A_1034 : vector<16xf32>
        %add3A_1036 = arith.constant 128 : i32
        %add3A_1037 = arith.addi %add3A_1036, %add3A_976 : i32
        %swap3A_1038 = arith.index_cast %add3A_1037 : i32 to index
        %swap3A_1039 = arith.constant 16 : index
        %swap3A_1040 = tpu.vector_load %arg11[%swap3A_1038, %swap3A_1039] {strides = array<i32>} : memref<512x32xf32, #tpu.memory_space<vmem>>, vector<1x16xf32>,
        %swap3A_1041 = vector.shape_cast %swap3A_1040 : vector<1x16xf32> to vector<16xf32>
        %swap3A_1042 = vector.shape_cast %mul3A_1035 : vector<16xf32> to vector<1x16xf32>
        tpu.vector_store %arg11[%swap3A_1038, %swap3A_1039], %swap3A_1042 {strides = array<i32>} : memref<512x32xf32, #tpu.memory_space<vmem>>, vector<1x16xf32>,
        %add3A_1043 = arith.constant 11 : i32
        %add3A_1044 = arith.addi %mul3A_291, %add3A_1043 : i32
        %slice3A_1045 = vector.extract_strided_slice %get3A_296 {offsets = [11], sizes = [1], strides = [1]} : vector<16xf32> to vector<1xf32>
        %squeeze3A_1046 = vector.extract %slice3A_1045[0] : f32 from vector<1xf32>
        %add3A_1047 = arith.constant 0 : i32
        %add3A_1048 = arith.addi %add3A_1047, %add3A_1044 : i32
        %get3A_1049 = arith.index_cast %add3A_1048 : i32 to index
        %get3A_1050 = arith.constant 0 : index
        %get3A_1051 = tpu.vector_load %arg11[%get3A_1049, %get3A_1050] {strides = array<i32>} : memref<512x32xf32, #tpu.memory_space<vmem>>, vector<1x16xf32>,
        %get3A_1052 = vector.shape_cast %get3A_1051 : vector<1x16xf32> to vector<16xf32>
        %mul3A_1053 = vector.broadcast %squeeze3A_1046 : f32 to vector<16xf32>
        %mul3A_1054 = arith.mulf %get3A_1052, %mul3A_1053 : vector<16xf32>
        %add3A_1055 = arith.constant 0 : i32
        %add3A_1056 = arith.addi %add3A_1055, %add3A_1044 : i32
        %swap3A_1057 = arith.index_cast %add3A_1056 : i32 to index
        %swap3A_1058 = arith.constant 0 : index
        %swap3A_1059 = tpu.vector_load %arg11[%swap3A_1057, %swap3A_1058] {strides = array<i32>} : memref<512x32xf32, #tpu.memory_space<vmem>>, vector<1x16xf32>,
        %swap3A_1060 = vector.shape_cast %swap3A_1059 : vector<1x16xf32> to vector<16xf32>
        %swap3A_1061 = vector.shape_cast %mul3A_1054 : vector<16xf32> to vector<1x16xf32>
        tpu.vector_store %arg11[%swap3A_1057, %swap3A_1058], %swap3A_1061 {strides = array<i32>} : memref<512x32xf32, #tpu.memory_space<vmem>>, vector<1x16xf32>,
        %add3A_1062 = arith.constant 128 : i32
        %add3A_1063 = arith.addi %add3A_1062, %add3A_1044 : i32
        %get3A_1064 = arith.index_cast %add3A_1063 : i32 to index
        %get3A_1065 = arith.constant 0 : index
        %get3A_1066 = tpu.vector_load %arg11[%get3A_1064, %get3A_1065] {strides = array<i32>} : memref<512x32xf32, #tpu.memory_space<vmem>>, vector<1x16xf32>,
        %get3A_1067 = vector.shape_cast %get3A_1066 : vector<1x16xf32> to vector<16xf32>
        %add3A_1068 = arith.addf %get3A_1067, %mul3A_1054 : vector<16xf32>
        %mul3A_1069 = arith.constant 2.500000e-01 : f32
        %mul3A_1070 = vector.broadcast %mul3A_1069 : f32 to vector<16xf32>
        %mul3A_1071 = arith.mulf %add3A_1068, %mul3A_1070 : vector<16xf32>
        %add3A_1072 = arith.constant 128 : i32
        %add3A_1073 = arith.addi %add3A_1072, %add3A_1044 : i32
        %swap3A_1074 = arith.index_cast %add3A_1073 : i32 to index
        %swap3A_1075 = arith.constant 0 : index
        %swap3A_1076 = tpu.vector_load %arg11[%swap3A_1074, %swap3A_1075] {strides = array<i32>} : memref<512x32xf32, #tpu.memory_space<vmem>>, vector<1x16xf32>,
        %swap3A_1077 = vector.shape_cast %swap3A_1076 : vector<1x16xf32> to vector<16xf32>
        %swap3A_1078 = vector.shape_cast %mul3A_1071 : vector<16xf32> to vector<1x16xf32>
        tpu.vector_store %arg11[%swap3A_1074, %swap3A_1075], %swap3A_1078 {strides = array<i32>} : memref<512x32xf32, #tpu.memory_space<vmem>>, vector<1x16xf32>,
        %add3A_1079 = arith.constant 0 : i32
        %add3A_1080 = arith.addi %add3A_1079, %add3A_1044 : i32
        %get3A_1081 = arith.index_cast %add3A_1080 : i32 to index
        %get3A_1082 = arith.constant 16 : index
        %get3A_1083 = tpu.vector_load %arg11[%get3A_1081, %get3A_1082] {strides = array<i32>} : memref<512x32xf32, #tpu.memory_space<vmem>>, vector<1x16xf32>,
        %get3A_1084 = vector.shape_cast %get3A_1083 : vector<1x16xf32> to vector<16xf32>
        %mul3A_1085 = vector.broadcast %squeeze3A_1046 : f32 to vector<16xf32>
        %mul3A_1086 = arith.mulf %get3A_1084, %mul3A_1085 : vector<16xf32>
        %add3A_1087 = arith.constant 0 : i32
        %add3A_1088 = arith.addi %add3A_1087, %add3A_1044 : i32
        %swap3A_1089 = arith.index_cast %add3A_1088 : i32 to index
        %swap3A_1090 = arith.constant 16 : index
        %swap3A_1091 = tpu.vector_load %arg11[%swap3A_1089, %swap3A_1090] {strides = array<i32>} : memref<512x32xf32, #tpu.memory_space<vmem>>, vector<1x16xf32>,
        %swap3A_1092 = vector.shape_cast %swap3A_1091 : vector<1x16xf32> to vector<16xf32>
        %swap3A_1093 = vector.shape_cast %mul3A_1086 : vector<16xf32> to vector<1x16xf32>
        tpu.vector_store %arg11[%swap3A_1089, %swap3A_1090], %swap3A_1093 {strides = array<i32>} : memref<512x32xf32, #tpu.memory_space<vmem>>, vector<1x16xf32>,
        %add3A_1094 = arith.constant 128 : i32
        %add3A_1095 = arith.addi %add3A_1094, %add3A_1044 : i32
        %get3A_1096 = arith.index_cast %add3A_1095 : i32 to index
        %get3A_1097 = arith.constant 16 : index
        %get3A_1098 = tpu.vector_load %arg11[%get3A_1096, %get3A_1097] {strides = array<i32>} : memref<512x32xf32, #tpu.memory_space<vmem>>, vector<1x16xf32>,
        %get3A_1099 = vector.shape_cast %get3A_1098 : vector<1x16xf32> to vector<16xf32>
        %add3A_1100 = arith.addf %get3A_1099, %mul3A_1086 : vector<16xf32>
        %mul3A_1101 = arith.constant 2.500000e-01 : f32
        %mul3A_1102 = vector.broadcast %mul3A_1101 : f32 to vector<16xf32>
        %mul3A_1103 = arith.mulf %add3A_1100, %mul3A_1102 : vector<16xf32>
        %add3A_1104 = arith.constant 128 : i32
        %add3A_1105 = arith.addi %add3A_1104, %add3A_1044 : i32
        %swap3A_1106 = arith.index_cast %add3A_1105 : i32 to index
        %swap3A_1107 = arith.constant 16 : index
        %swap3A_1108 = tpu.vector_load %arg11[%swap3A_1106, %swap3A_1107] {strides = array<i32>} : memref<512x32xf32, #tpu.memory_space<vmem>>, vector<1x16xf32>,
        %swap3A_1109 = vector.shape_cast %swap3A_1108 : vector<1x16xf32> to vector<16xf32>
        %swap3A_1110 = vector.shape_cast %mul3A_1103 : vector<16xf32> to vector<1x16xf32>
        tpu.vector_store %arg11[%swap3A_1106, %swap3A_1107], %swap3A_1110 {strides = array<i32>} : memref<512x32xf32, #tpu.memory_space<vmem>>, vector<1x16xf32>,
        %add3A_1111 = arith.constant 12 : i32
        %add3A_1112 = arith.addi %mul3A_291, %add3A_1111 : i32
        %slice3A_1113 = vector.extract_strided_slice %get3A_296 {offsets = [12], sizes = [1], strides = [1]} : vector<16xf32> to vector<1xf32>
        %squeeze3A_1114 = vector.extract %slice3A_1113[0] : f32 from vector<1xf32>
        %add3A_1115 = arith.constant 0 : i32
        %add3A_1116 = arith.addi %add3A_1115, %add3A_1112 : i32
        %get3A_1117 = arith.index_cast %add3A_1116 : i32 to index
        %get3A_1118 = arith.constant 0 : index
        %get3A_1119 = tpu.vector_load %arg11[%get3A_1117, %get3A_1118] {strides = array<i32>} : memref<512x32xf32, #tpu.memory_space<vmem>>, vector<1x16xf32>,
        %get3A_1120 = vector.shape_cast %get3A_1119 : vector<1x16xf32> to vector<16xf32>
        %mul3A_1121 = vector.broadcast %squeeze3A_1114 : f32 to vector<16xf32>
        %mul3A_1122 = arith.mulf %get3A_1120, %mul3A_1121 : vector<16xf32>
        %add3A_1123 = arith.constant 0 : i32
        %add3A_1124 = arith.addi %add3A_1123, %add3A_1112 : i32
        %swap3A_1125 = arith.index_cast %add3A_1124 : i32 to index
        %swap3A_1126 = arith.constant 0 : index
        %swap3A_1127 = tpu.vector_load %arg11[%swap3A_1125, %swap3A_1126] {strides = array<i32>} : memref<512x32xf32, #tpu.memory_space<vmem>>, vector<1x16xf32>,
        %swap3A_1128 = vector.shape_cast %swap3A_1127 : vector<1x16xf32> to vector<16xf32>
        %swap3A_1129 = vector.shape_cast %mul3A_1122 : vector<16xf32> to vector<1x16xf32>
        tpu.vector_store %arg11[%swap3A_1125, %swap3A_1126], %swap3A_1129 {strides = array<i32>} : memref<512x32xf32, #tpu.memory_space<vmem>>, vector<1x16xf32>,
        %add3A_1130 = arith.constant 128 : i32
        %add3A_1131 = arith.addi %add3A_1130, %add3A_1112 : i32
        %get3A_1132 = arith.index_cast %add3A_1131 : i32 to index
        %get3A_1133 = arith.constant 0 : index
        %get3A_1134 = tpu.vector_load %arg11[%get3A_1132, %get3A_1133] {strides = array<i32>} : memref<512x32xf32, #tpu.memory_space<vmem>>, vector<1x16xf32>,
        %get3A_1135 = vector.shape_cast %get3A_1134 : vector<1x16xf32> to vector<16xf32>
        %add3A_1136 = arith.addf %get3A_1135, %mul3A_1122 : vector<16xf32>
        %mul3A_1137 = arith.constant 2.500000e-01 : f32
        %mul3A_1138 = vector.broadcast %mul3A_1137 : f32 to vector<16xf32>
        %mul3A_1139 = arith.mulf %add3A_1136, %mul3A_1138 : vector<16xf32>
        %add3A_1140 = arith.constant 128 : i32
        %add3A_1141 = arith.addi %add3A_1140, %add3A_1112 : i32
        %swap3A_1142 = arith.index_cast %add3A_1141 : i32 to index
        %swap3A_1143 = arith.constant 0 : index
        %swap3A_1144 = tpu.vector_load %arg11[%swap3A_1142, %swap3A_1143] {strides = array<i32>} : memref<512x32xf32, #tpu.memory_space<vmem>>, vector<1x16xf32>,
        %swap3A_1145 = vector.shape_cast %swap3A_1144 : vector<1x16xf32> to vector<16xf32>
        %swap3A_1146 = vector.shape_cast %mul3A_1139 : vector<16xf32> to vector<1x16xf32>
        tpu.vector_store %arg11[%swap3A_1142, %swap3A_1143], %swap3A_1146 {strides = array<i32>} : memref<512x32xf32, #tpu.memory_space<vmem>>, vector<1x16xf32>,
        %add3A_1147 = arith.constant 0 : i32
        %add3A_1148 = arith.addi %add3A_1147, %add3A_1112 : i32
        %get3A_1149 = arith.index_cast %add3A_1148 : i32 to index
        %get3A_1150 = arith.constant 16 : index
        %get3A_1151 = tpu.vector_load %arg11[%get3A_1149, %get3A_1150] {strides = array<i32>} : memref<512x32xf32, #tpu.memory_space<vmem>>, vector<1x16xf32>,
        %get3A_1152 = vector.shape_cast %get3A_1151 : vector<1x16xf32> to vector<16xf32>
        %mul3A_1153 = vector.broadcast %squeeze3A_1114 : f32 to vector<16xf32>
        %mul3A_1154 = arith.mulf %get3A_1152, %mul3A_1153 : vector<16xf32>
        %add3A_1155 = arith.constant 0 : i32
        %add3A_1156 = arith.addi %add3A_1155, %add3A_1112 : i32
        %swap3A_1157 = arith.index_cast %add3A_1156 : i32 to index
        %swap3A_1158 = arith.constant 16 : index
        %swap3A_1159 = tpu.vector_load %arg11[%swap3A_1157, %swap3A_1158] {strides = array<i32>} : memref<512x32xf32, #tpu.memory_space<vmem>>, vector<1x16xf32>,
        %swap3A_1160 = vector.shape_cast %swap3A_1159 : vector<1x16xf32> to vector<16xf32>
        %swap3A_1161 = vector.shape_cast %mul3A_1154 : vector<16xf32> to vector<1x16xf32>
        tpu.vector_store %arg11[%swap3A_1157, %swap3A_1158], %swap3A_1161 {strides = array<i32>} : memref<512x32xf32, #tpu.memory_space<vmem>>, vector<1x16xf32>,
        %add3A_1162 = arith.constant 128 : i32
        %add3A_1163 = arith.addi %add3A_1162, %add3A_1112 : i32
        %get3A_1164 = arith.index_cast %add3A_1163 : i32 to index
        %get3A_1165 = arith.constant 16 : index
        %get3A_1166 = tpu.vector_load %arg11[%get3A_1164, %get3A_1165] {strides = array<i32>} : memref<512x32xf32, #tpu.memory_space<vmem>>, vector<1x16xf32>,
        %get3A_1167 = vector.shape_cast %get3A_1166 : vector<1x16xf32> to vector<16xf32>
        %add3A_1168 = arith.addf %get3A_1167, %mul3A_1154 : vector<16xf32>
        %mul3A_1169 = arith.constant 2.500000e-01 : f32
        %mul3A_1170 = vector.broadcast %mul3A_1169 : f32 to vector<16xf32>
        %mul3A_1171 = arith.mulf %add3A_1168, %mul3A_1170 : vector<16xf32>
        %add3A_1172 = arith.constant 128 : i32
        %add3A_1173 = arith.addi %add3A_1172, %add3A_1112 : i32
        %swap3A_1174 = arith.index_cast %add3A_1173 : i32 to index
        %swap3A_1175 = arith.constant 16 : index
        %swap3A_1176 = tpu.vector_load %arg11[%swap3A_1174, %swap3A_1175] {strides = array<i32>} : memref<512x32xf32, #tpu.memory_space<vmem>>, vector<1x16xf32>,
        %swap3A_1177 = vector.shape_cast %swap3A_1176 : vector<1x16xf32> to vector<16xf32>
        %swap3A_1178 = vector.shape_cast %mul3A_1171 : vector<16xf32> to vector<1x16xf32>
        tpu.vector_store %arg11[%swap3A_1174, %swap3A_1175], %swap3A_1178 {strides = array<i32>} : memref<512x32xf32, #tpu.memory_space<vmem>>, vector<1x16xf32>,
        %add3A_1179 = arith.constant 13 : i32
        %add3A_1180 = arith.addi %mul3A_291, %add3A_1179 : i32
        %slice3A_1181 = vector.extract_strided_slice %get3A_296 {offsets = [13], sizes = [1], strides = [1]} : vector<16xf32> to vector<1xf32>
        %squeeze3A_1182 = vector.extract %slice3A_1181[0] : f32 from vector<1xf32>
        %add3A_1183 = arith.constant 0 : i32
        %add3A_1184 = arith.addi %add3A_1183, %add3A_1180 : i32
        %get3A_1185 = arith.index_cast %add3A_1184 : i32 to index
        %get3A_1186 = arith.constant 0 : index
        %get3A_1187 = tpu.vector_load %arg11[%get3A_1185, %get3A_1186] {strides = array<i32>} : memref<512x32xf32, #tpu.memory_space<vmem>>, vector<1x16xf32>,
        %get3A_1188 = vector.shape_cast %get3A_1187 : vector<1x16xf32> to vector<16xf32>
        %mul3A_1189 = vector.broadcast %squeeze3A_1182 : f32 to vector<16xf32>
        %mul3A_1190 = arith.mulf %get3A_1188, %mul3A_1189 : vector<16xf32>
        %add3A_1191 = arith.constant 0 : i32
        %add3A_1192 = arith.addi %add3A_1191, %add3A_1180 : i32
        %swap3A_1193 = arith.index_cast %add3A_1192 : i32 to index
        %swap3A_1194 = arith.constant 0 : index
        %swap3A_1195 = tpu.vector_load %arg11[%swap3A_1193, %swap3A_1194] {strides = array<i32>} : memref<512x32xf32, #tpu.memory_space<vmem>>, vector<1x16xf32>,
        %swap3A_1196 = vector.shape_cast %swap3A_1195 : vector<1x16xf32> to vector<16xf32>
        %swap3A_1197 = vector.shape_cast %mul3A_1190 : vector<16xf32> to vector<1x16xf32>
        tpu.vector_store %arg11[%swap3A_1193, %swap3A_1194], %swap3A_1197 {strides = array<i32>} : memref<512x32xf32, #tpu.memory_space<vmem>>, vector<1x16xf32>,
        %add3A_1198 = arith.constant 128 : i32
        %add3A_1199 = arith.addi %add3A_1198, %add3A_1180 : i32
        %get3A_1200 = arith.index_cast %add3A_1199 : i32 to index
        %get3A_1201 = arith.constant 0 : index
        %get3A_1202 = tpu.vector_load %arg11[%get3A_1200, %get3A_1201] {strides = array<i32>} : memref<512x32xf32, #tpu.memory_space<vmem>>, vector<1x16xf32>,
        %get3A_1203 = vector.shape_cast %get3A_1202 : vector<1x16xf32> to vector<16xf32>
        %add3A_1204 = arith.addf %get3A_1203, %mul3A_1190 : vector<16xf32>
        %mul3A_1205 = arith.constant 2.500000e-01 : f32
        %mul3A_1206 = vector.broadcast %mul3A_1205 : f32 to vector<16xf32>
        %mul3A_1207 = arith.mulf %add3A_1204, %mul3A_1206 : vector<16xf32>
        %add3A_1208 = arith.constant 128 : i32
        %add3A_1209 = arith.addi %add3A_1208, %add3A_1180 : i32
        %swap3A_1210 = arith.index_cast %add3A_1209 : i32 to index
        %swap3A_1211 = arith.constant 0 : index
        %swap3A_1212 = tpu.vector_load %arg11[%swap3A_1210, %swap3A_1211] {strides = array<i32>} : memref<512x32xf32, #tpu.memory_space<vmem>>, vector<1x16xf32>,
        %swap3A_1213 = vector.shape_cast %swap3A_1212 : vector<1x16xf32> to vector<16xf32>
        %swap3A_1214 = vector.shape_cast %mul3A_1207 : vector<16xf32> to vector<1x16xf32>
        tpu.vector_store %arg11[%swap3A_1210, %swap3A_1211], %swap3A_1214 {strides = array<i32>} : memref<512x32xf32, #tpu.memory_space<vmem>>, vector<1x16xf32>,
        %add3A_1215 = arith.constant 0 : i32
        %add3A_1216 = arith.addi %add3A_1215, %add3A_1180 : i32
        %get3A_1217 = arith.index_cast %add3A_1216 : i32 to index
        %get3A_1218 = arith.constant 16 : index
        %get3A_1219 = tpu.vector_load %arg11[%get3A_1217, %get3A_1218] {strides = array<i32>} : memref<512x32xf32, #tpu.memory_space<vmem>>, vector<1x16xf32>,
        %get3A_1220 = vector.shape_cast %get3A_1219 : vector<1x16xf32> to vector<16xf32>
        %mul3A_1221 = vector.broadcast %squeeze3A_1182 : f32 to vector<16xf32>
        %mul3A_1222 = arith.mulf %get3A_1220, %mul3A_1221 : vector<16xf32>
        %add3A_1223 = arith.constant 0 : i32
        %add3A_1224 = arith.addi %add3A_1223, %add3A_1180 : i32
        %swap3A_1225 = arith.index_cast %add3A_1224 : i32 to index
        %swap3A_1226 = arith.constant 16 : index
        %swap3A_1227 = tpu.vector_load %arg11[%swap3A_1225, %swap3A_1226] {strides = array<i32>} : memref<512x32xf32, #tpu.memory_space<vmem>>, vector<1x16xf32>,
        %swap3A_1228 = vector.shape_cast %swap3A_1227 : vector<1x16xf32> to vector<16xf32>
        %swap3A_1229 = vector.shape_cast %mul3A_1222 : vector<16xf32> to vector<1x16xf32>
        tpu.vector_store %arg11[%swap3A_1225, %swap3A_1226], %swap3A_1229 {strides = array<i32>} : memref<512x32xf32, #tpu.memory_space<vmem>>, vector<1x16xf32>,
        %add3A_1230 = arith.constant 128 : i32
        %add3A_1231 = arith.addi %add3A_1230, %add3A_1180 : i32
        %get3A_1232 = arith.index_cast %add3A_1231 : i32 to index
        %get3A_1233 = arith.constant 16 : index
        %get3A_1234 = tpu.vector_load %arg11[%get3A_1232, %get3A_1233] {strides = array<i32>} : memref<512x32xf32, #tpu.memory_space<vmem>>, vector<1x16xf32>,
        %get3A_1235 = vector.shape_cast %get3A_1234 : vector<1x16xf32> to vector<16xf32>
        %add3A_1236 = arith.addf %get3A_1235, %mul3A_1222 : vector<16xf32>
        %mul3A_1237 = arith.constant 2.500000e-01 : f32
        %mul3A_1238 = vector.broadcast %mul3A_1237 : f32 to vector<16xf32>
        %mul3A_1239 = arith.mulf %add3A_1236, %mul3A_1238 : vector<16xf32>
        %add3A_1240 = arith.constant 128 : i32
        %add3A_1241 = arith.addi %add3A_1240, %add3A_1180 : i32
        %swap3A_1242 = arith.index_cast %add3A_1241 : i32 to index
        %swap3A_1243 = arith.constant 16 : index
        %swap3A_1244 = tpu.vector_load %arg11[%swap3A_1242, %swap3A_1243] {strides = array<i32>} : memref<512x32xf32, #tpu.memory_space<vmem>>, vector<1x16xf32>,
        %swap3A_1245 = vector.shape_cast %swap3A_1244 : vector<1x16xf32> to vector<16xf32>
        %swap3A_1246 = vector.shape_cast %mul3A_1239 : vector<16xf32> to vector<1x16xf32>
        tpu.vector_store %arg11[%swap3A_1242, %swap3A_1243], %swap3A_1246 {strides = array<i32>} : memref<512x32xf32, #tpu.memory_space<vmem>>, vector<1x16xf32>,
        %add3A_1247 = arith.constant 14 : i32
        %add3A_1248 = arith.addi %mul3A_291, %add3A_1247 : i32
        %slice3A_1249 = vector.extract_strided_slice %get3A_296 {offsets = [14], sizes = [1], strides = [1]} : vector<16xf32> to vector<1xf32>
        %squeeze3A_1250 = vector.extract %slice3A_1249[0] : f32 from vector<1xf32>
        %add3A_1251 = arith.constant 0 : i32
        %add3A_1252 = arith.addi %add3A_1251, %add3A_1248 : i32
        %get3A_1253 = arith.index_cast %add3A_1252 : i32 to index
        %get3A_1254 = arith.constant 0 : index
        %get3A_1255 = tpu.vector_load %arg11[%get3A_1253, %get3A_1254] {strides = array<i32>} : memref<512x32xf32, #tpu.memory_space<vmem>>, vector<1x16xf32>,
        %get3A_1256 = vector.shape_cast %get3A_1255 : vector<1x16xf32> to vector<16xf32>
        %mul3A_1257 = vector.broadcast %squeeze3A_1250 : f32 to vector<16xf32>
        %mul3A_1258 = arith.mulf %get3A_1256, %mul3A_1257 : vector<16xf32>
        %add3A_1259 = arith.constant 0 : i32
        %add3A_1260 = arith.addi %add3A_1259, %add3A_1248 : i32
        %swap3A_1261 = arith.index_cast %add3A_1260 : i32 to index
        %swap3A_1262 = arith.constant 0 : index
        %swap3A_1263 = tpu.vector_load %arg11[%swap3A_1261, %swap3A_1262] {strides = array<i32>} : memref<512x32xf32, #tpu.memory_space<vmem>>, vector<1x16xf32>,
        %swap3A_1264 = vector.shape_cast %swap3A_1263 : vector<1x16xf32> to vector<16xf32>
        %swap3A_1265 = vector.shape_cast %mul3A_1258 : vector<16xf32> to vector<1x16xf32>
        tpu.vector_store %arg11[%swap3A_1261, %swap3A_1262], %swap3A_1265 {strides = array<i32>} : memref<512x32xf32, #tpu.memory_space<vmem>>, vector<1x16xf32>,
        %add3A_1266 = arith.constant 128 : i32
        %add3A_1267 = arith.addi %add3A_1266, %add3A_1248 : i32
        %get3A_1268 = arith.index_cast %add3A_1267 : i32 to index
        %get3A_1269 = arith.constant 0 : index
        %get3A_1270 = tpu.vector_load %arg11[%get3A_1268, %get3A_1269] {strides = array<i32>} : memref<512x32xf32, #tpu.memory_space<vmem>>, vector<1x16xf32>,
        %get3A_1271 = vector.shape_cast %get3A_1270 : vector<1x16xf32> to vector<16xf32>
        %add3A_1272 = arith.addf %get3A_1271, %mul3A_1258 : vector<16xf32>
        %mul3A_1273 = arith.constant 2.500000e-01 : f32
        %mul3A_1274 = vector.broadcast %mul3A_1273 : f32 to vector<16xf32>
        %mul3A_1275 = arith.mulf %add3A_1272, %mul3A_1274 : vector<16xf32>
        %add3A_1276 = arith.constant 128 : i32
        %add3A_1277 = arith.addi %add3A_1276, %add3A_1248 : i32
        %swap3A_1278 = arith.index_cast %add3A_1277 : i32 to index
        %swap3A_1279 = arith.constant 0 : index
        %swap3A_1280 = tpu.vector_load %arg11[%swap3A_1278, %swap3A_1279] {strides = array<i32>} : memref<512x32xf32, #tpu.memory_space<vmem>>, vector<1x16xf32>,
        %swap3A_1281 = vector.shape_cast %swap3A_1280 : vector<1x16xf32> to vector<16xf32>
        %swap3A_1282 = vector.shape_cast %mul3A_1275 : vector<16xf32> to vector<1x16xf32>
        tpu.vector_store %arg11[%swap3A_1278, %swap3A_1279], %swap3A_1282 {strides = array<i32>} : memref<512x32xf32, #tpu.memory_space<vmem>>, vector<1x16xf32>,
        %add3A_1283 = arith.constant 0 : i32
        %add3A_1284 = arith.addi %add3A_1283, %add3A_1248 : i32
        %get3A_1285 = arith.index_cast %add3A_1284 : i32 to index
        %get3A_1286 = arith.constant 16 : index
        %get3A_1287 = tpu.vector_load %arg11[%get3A_1285, %get3A_1286] {strides = array<i32>} : memref<512x32xf32, #tpu.memory_space<vmem>>, vector<1x16xf32>,
        %get3A_1288 = vector.shape_cast %get3A_1287 : vector<1x16xf32> to vector<16xf32>
        %mul3A_1289 = vector.broadcast %squeeze3A_1250 : f32 to vector<16xf32>
        %mul3A_1290 = arith.mulf %get3A_1288, %mul3A_1289 : vector<16xf32>
        %add3A_1291 = arith.constant 0 : i32
        %add3A_1292 = arith.addi %add3A_1291, %add3A_1248 : i32
        %swap3A_1293 = arith.index_cast %add3A_1292 : i32 to index
        %swap3A_1294 = arith.constant 16 : index
        %swap3A_1295 = tpu.vector_load %arg11[%swap3A_1293, %swap3A_1294] {strides = array<i32>} : memref<512x32xf32, #tpu.memory_space<vmem>>, vector<1x16xf32>,
        %swap3A_1296 = vector.shape_cast %swap3A_1295 : vector<1x16xf32> to vector<16xf32>
        %swap3A_1297 = vector.shape_cast %mul3A_1290 : vector<16xf32> to vector<1x16xf32>
        tpu.vector_store %arg11[%swap3A_1293, %swap3A_1294], %swap3A_1297 {strides = array<i32>} : memref<512x32xf32, #tpu.memory_space<vmem>>, vector<1x16xf32>,
        %add3A_1298 = arith.constant 128 : i32
        %add3A_1299 = arith.addi %add3A_1298, %add3A_1248 : i32
        %get3A_1300 = arith.index_cast %add3A_1299 : i32 to index
        %get3A_1301 = arith.constant 16 : index
        %get3A_1302 = tpu.vector_load %arg11[%get3A_1300, %get3A_1301] {strides = array<i32>} : memref<512x32xf32, #tpu.memory_space<vmem>>, vector<1x16xf32>,
        %get3A_1303 = vector.shape_cast %get3A_1302 : vector<1x16xf32> to vector<16xf32>
        %add3A_1304 = arith.addf %get3A_1303, %mul3A_1290 : vector<16xf32>
        %mul3A_1305 = arith.constant 2.500000e-01 : f32
        %mul3A_1306 = vector.broadcast %mul3A_1305 : f32 to vector<16xf32>
        %mul3A_1307 = arith.mulf %add3A_1304, %mul3A_1306 : vector<16xf32>
        %add3A_1308 = arith.constant 128 : i32
        %add3A_1309 = arith.addi %add3A_1308, %add3A_1248 : i32
        %swap3A_1310 = arith.index_cast %add3A_1309 : i32 to index
        %swap3A_1311 = arith.constant 16 : index
        %swap3A_1312 = tpu.vector_load %arg11[%swap3A_1310, %swap3A_1311] {strides = array<i32>} : memref<512x32xf32, #tpu.memory_space<vmem>>, vector<1x16xf32>,
        %swap3A_1313 = vector.shape_cast %swap3A_1312 : vector<1x16xf32> to vector<16xf32>
        %swap3A_1314 = vector.shape_cast %mul3A_1307 : vector<16xf32> to vector<1x16xf32>
        tpu.vector_store %arg11[%swap3A_1310, %swap3A_1311], %swap3A_1314 {strides = array<i32>} : memref<512x32xf32, #tpu.memory_space<vmem>>, vector<1x16xf32>,
        %add3A_1315 = arith.constant 15 : i32
        %add3A_1316 = arith.addi %mul3A_291, %add3A_1315 : i32
        %slice3A_1317 = vector.extract_strided_slice %get3A_296 {offsets = [15], sizes = [1], strides = [1]} : vector<16xf32> to vector<1xf32>
        %squeeze3A_1318 = vector.extract %slice3A_1317[0] : f32 from vector<1xf32>
        %add3A_1319 = arith.constant 0 : i32
        %add3A_1320 = arith.addi %add3A_1319, %add3A_1316 : i32
        %get3A_1321 = arith.index_cast %add3A_1320 : i32 to index
        %get3A_1322 = arith.constant 0 : index
        %get3A_1323 = tpu.vector_load %arg11[%get3A_1321, %get3A_1322] {strides = array<i32>} : memref<512x32xf32, #tpu.memory_space<vmem>>, vector<1x16xf32>,
        %get3A_1324 = vector.shape_cast %get3A_1323 : vector<1x16xf32> to vector<16xf32>
        %mul3A_1325 = vector.broadcast %squeeze3A_1318 : f32 to vector<16xf32>
        %mul3A_1326 = arith.mulf %get3A_1324, %mul3A_1325 : vector<16xf32>
        %add3A_1327 = arith.constant 0 : i32
        %add3A_1328 = arith.addi %add3A_1327, %add3A_1316 : i32
        %swap3A_1329 = arith.index_cast %add3A_1328 : i32 to index
        %swap3A_1330 = arith.constant 0 : index
        %swap3A_1331 = tpu.vector_load %arg11[%swap3A_1329, %swap3A_1330] {strides = array<i32>} : memref<512x32xf32, #tpu.memory_space<vmem>>, vector<1x16xf32>,
        %swap3A_1332 = vector.shape_cast %swap3A_1331 : vector<1x16xf32> to vector<16xf32>
        %swap3A_1333 = vector.shape_cast %mul3A_1326 : vector<16xf32> to vector<1x16xf32>
        tpu.vector_store %arg11[%swap3A_1329, %swap3A_1330], %swap3A_1333 {strides = array<i32>} : memref<512x32xf32, #tpu.memory_space<vmem>>, vector<1x16xf32>,
        %add3A_1334 = arith.constant 128 : i32
        %add3A_1335 = arith.addi %add3A_1334, %add3A_1316 : i32
        %get3A_1336 = arith.index_cast %add3A_1335 : i32 to index
        %get3A_1337 = arith.constant 0 : index
        %get3A_1338 = tpu.vector_load %arg11[%get3A_1336, %get3A_1337] {strides = array<i32>} : memref<512x32xf32, #tpu.memory_space<vmem>>, vector<1x16xf32>,
        %get3A_1339 = vector.shape_cast %get3A_1338 : vector<1x16xf32> to vector<16xf32>
        %add3A_1340 = arith.addf %get3A_1339, %mul3A_1326 : vector<16xf32>
        %mul3A_1341 = arith.constant 2.500000e-01 : f32
        %mul3A_1342 = vector.broadcast %mul3A_1341 : f32 to vector<16xf32>
        %mul3A_1343 = arith.mulf %add3A_1340, %mul3A_1342 : vector<16xf32>
        %add3A_1344 = arith.constant 128 : i32
        %add3A_1345 = arith.addi %add3A_1344, %add3A_1316 : i32
        %swap3A_1346 = arith.index_cast %add3A_1345 : i32 to index
        %swap3A_1347 = arith.constant 0 : index
        %swap3A_1348 = tpu.vector_load %arg11[%swap3A_1346, %swap3A_1347] {strides = array<i32>} : memref<512x32xf32, #tpu.memory_space<vmem>>, vector<1x16xf32>,
        %swap3A_1349 = vector.shape_cast %swap3A_1348 : vector<1x16xf32> to vector<16xf32>
        %swap3A_1350 = vector.shape_cast %mul3A_1343 : vector<16xf32> to vector<1x16xf32>
        tpu.vector_store %arg11[%swap3A_1346, %swap3A_1347], %swap3A_1350 {strides = array<i32>} : memref<512x32xf32, #tpu.memory_space<vmem>>, vector<1x16xf32>,
        %add3A_1351 = arith.constant 0 : i32
        %add3A_1352 = arith.addi %add3A_1351, %add3A_1316 : i32
        %get3A_1353 = arith.index_cast %add3A_1352 : i32 to index
        %get3A_1354 = arith.constant 16 : index
        %get3A_1355 = tpu.vector_load %arg11[%get3A_1353, %get3A_1354] {strides = array<i32>} : memref<512x32xf32, #tpu.memory_space<vmem>>, vector<1x16xf32>,
        %get3A_1356 = vector.shape_cast %get3A_1355 : vector<1x16xf32> to vector<16xf32>
        %mul3A_1357 = vector.broadcast %squeeze3A_1318 : f32 to vector<16xf32>
        %mul3A_1358 = arith.mulf %get3A_1356, %mul3A_1357 : vector<16xf32>
        %add3A_1359 = arith.constant 0 : i32
        %add3A_1360 = arith.addi %add3A_1359, %add3A_1316 : i32
        %swap3A_1361 = arith.index_cast %add3A_1360 : i32 to index
        %swap3A_1362 = arith.constant 16 : index
        %swap3A_1363 = tpu.vector_load %arg11[%swap3A_1361, %swap3A_1362] {strides = array<i32>} : memref<512x32xf32, #tpu.memory_space<vmem>>, vector<1x16xf32>,
        %swap3A_1364 = vector.shape_cast %swap3A_1363 : vector<1x16xf32> to vector<16xf32>
        %swap3A_1365 = vector.shape_cast %mul3A_1358 : vector<16xf32> to vector<1x16xf32>
        tpu.vector_store %arg11[%swap3A_1361, %swap3A_1362], %swap3A_1365 {strides = array<i32>} : memref<512x32xf32, #tpu.memory_space<vmem>>, vector<1x16xf32>,
        %add3A_1366 = arith.constant 128 : i32
        %add3A_1367 = arith.addi %add3A_1366, %add3A_1316 : i32
        %get3A_1368 = arith.index_cast %add3A_1367 : i32 to index
        %get3A_1369 = arith.constant 16 : index
        %get3A_1370 = tpu.vector_load %arg11[%get3A_1368, %get3A_1369] {strides = array<i32>} : memref<512x32xf32, #tpu.memory_space<vmem>>, vector<1x16xf32>,
        %get3A_1371 = vector.shape_cast %get3A_1370 : vector<1x16xf32> to vector<16xf32>
        %add3A_1372 = arith.addf %get3A_1371, %mul3A_1358 : vector<16xf32>
        %mul3A_1373 = arith.constant 2.500000e-01 : f32
        %mul3A_1374 = vector.broadcast %mul3A_1373 : f32 to vector<16xf32>
        %mul3A_1375 = arith.mulf %add3A_1372, %mul3A_1374 : vector<16xf32>
        %add3A_1376 = arith.constant 128 : i32
        %add3A_1377 = arith.addi %add3A_1376, %add3A_1316 : i32
        %swap3A_1378 = arith.index_cast %add3A_1377 : i32 to index
        %swap3A_1379 = arith.constant 16 : index
        %swap3A_1380 = tpu.vector_load %arg11[%swap3A_1378, %swap3A_1379] {strides = array<i32>} : memref<512x32xf32, #tpu.memory_space<vmem>>, vector<1x16xf32>,
        %swap3A_1381 = vector.shape_cast %swap3A_1380 : vector<1x16xf32> to vector<16xf32>
        %swap3A_1382 = vector.shape_cast %mul3A_1375 : vector<16xf32> to vector<1x16xf32>
        tpu.vector_store %arg11[%swap3A_1378, %swap3A_1379], %swap3A_1382 {strides = array<i32>} : memref<512x32xf32, #tpu.memory_space<vmem>>, vector<1x16xf32>,
      }
      %scan3A_288 = arith.constant 8 : i32
      "tpu.region"() ({
        %run_scoped3A = tpu.sem_alloc : memref<!tpu.dma_semaphore, #tpu.memory_space<semaphore_mem>>
        %dma_start3A_289 = arith.constant 128 : i32
        %dma_start3A_290 = arith.constant 0 : i32
        %dma_start3A_291 = tpu.memref_slice %arg11[%dma_start3A_289, %dma_start3A_290] : memref<512x32xf32, #tpu.memory_space<vmem>> -> memref<128x32xf32, #tpu.memory_space<vmem>>
        %dma_start3A_292 = arith.constant 0 : i32
        %dma_start3A_293 = tpu.memref_slice %arg5[%add3A_279, %dma_start3A_292] : memref<102400x32xf32, #tpu.memory_space<hbm>> -> memref<128x32xf32, #tpu.memory_space<hbm>>
        %dma_start3A_294 = arith.constant 0 : i32
        %dma_start3A_295 = tpu.memref_slice %arg5[%add3A_279, %dma_start3A_294] : memref<102400x32xf32, #tpu.memory_space<hbm>> -> memref<128x32xf32, #tpu.memory_space<hbm>>
        %dma_start3A_296 = arith.constant 128 : i32
        %dma_start3A_297 = arith.constant 0 : i32
        %dma_start3A_298 = tpu.memref_slice %arg11[%dma_start3A_296, %dma_start3A_297] : memref<512x32xf32, #tpu.memory_space<vmem>> -> memref<128x32xf32, #tpu.memory_space<vmem>>
        tpu.enqueue_dma source(%dma_start3A_298 : memref<128x32xf32, #tpu.memory_space<vmem>>) target(%dma_start3A_295 : memref<128x32xf32, #tpu.memory_space<hbm>>) target_semaphore(%run_scoped3A : memref<!tpu.dma_semaphore, #tpu.memory_space<semaphore_mem>>)
        %dma_wait3A_299 = arith.constant 128 : i32
        %dma_wait3A_300 = arith.constant 0 : i32
        %dma_wait3A_301 = tpu.memref_slice %arg11[%dma_wait3A_299, %dma_wait3A_300] : memref<512x32xf32, #tpu.memory_space<vmem>> -> memref<128x32xf32, #tpu.memory_space<vmem>>
        %dma_wait3A_302 = arith.constant 0 : i32
        %dma_wait3A_303 = tpu.memref_slice %arg5[%add3A_279, %dma_wait3A_302] : memref<102400x32xf32, #tpu.memory_space<hbm>> -> memref<128x32xf32, #tpu.memory_space<hbm>>
        %dma_wait3A_304 = arith.constant 0 : i32
        %dma_wait3A_305 = tpu.memref_slice %arg5[%add3A_279, %dma_wait3A_304] : memref<102400x32xf32, #tpu.memory_space<hbm>> -> memref<128x32xf32, #tpu.memory_space<hbm>>
        %dma_wait3A_306 = arith.constant 128 : i32
        %dma_wait3A_307 = arith.constant 0 : i32
        %dma_wait3A_308 = tpu.memref_slice %arg11[%dma_wait3A_306, %dma_wait3A_307] : memref<512x32xf32, #tpu.memory_space<vmem>> -> memref<128x32xf32, #tpu.memory_space<vmem>>
        tpu.wait_dma2 semaphore(%run_scoped3A : memref<!tpu.dma_semaphore, #tpu.memory_space<semaphore_mem>>) src(%dma_wait3A_308 : memref<128x32xf32, #tpu.memory_space<vmem>>) dst(%dma_wait3A_305 : memref<128x32xf32, #tpu.memory_space<hbm>>)
        tpu.yield
      }) : () -> ()
    }
    %scan3A_275 = arith.constant 25 : i32
    return
  }
}

</mosaic_0001>

<sc_bundles>
// kernel: kernel.3.cloned.1.call-start
scs
__scs_entry_jumppad:
0x0: {  	(pc) =	sbr.rel $0x88, $3  }
0x1: {  	(tag) =	ssettag $0x0;
	lr =	simm.s32 $0x1  }
0x2: {  	[smem:$0x3F9F] =	sst lr;
	_ =	strace $0xD0000000  }
0x3: {  	_ = 	snop  }
0x4: {  	_ = 	snop  }
0x5: {  	_ = 	snop  }
0x6: {  	_ = 	snop  }
0x7: {  	_ = 	snop  }
__scs_overlays_trampoline_lowered:
0x8: {  	[smem:$0x3FAE] =	sst s0  }
0x9: {  	[smem:$0x3FAF] =	sst s1  }
0xa: {  	[smem:$0x3FB0] =	sst s2  }
0xb: {  	[smem:$0x3FB1] =	sst s3  }
0xc: {  	[smem:$0x3FB2] =	sst s4  }
0xd: {  	[smem:$0x3FB3] =	sst s5  }
0xe: {  	[smem:$0x3FB4] =	sst s6  }
0xf: {  	[smem:$0x3FB5] =	sst s7  }
0x10: {  	[smem:$0x3FB6] =	sst s8  }
0x11: {  	[smem:$0x3FB7] =	sst s9;
	s0 =	simm.s32 @!p0 $0x0  }
0x12: {  	s1 =	sld [smem:$0x3F9D];
	s0 =	simm.s32 @p0 $0x1  }
0x13: {  	[smem:$0x3FB8] =	sst s0;
	s0 =	simm.s32 @!p1 $0x0  }
0x14: {  	s2 =	sld [smem:$0x3F9C];
	s0 =	simm.s32 @p1 $0x1  }
0x15: {  	[smem:$0x3FB9] =	sst s0;
	s0 =	simm.s32 @!p2 $0x0  }
0x16: {  	s3 =	sld [smem:$0x3FDB];
	s0 =	simm.s32 @p2 $0x1  }
0x17: {  	s4 =	simm.s32 $0x1BF5;
	[smem:$0x3FBB] =	sst s0  }
0x18: {  	s0 =	sld [smem:$0x3F9E];
	_ =	swait.ge [sflag:s4], $0x0  }
0x19: {  	s7 =	sld [smem:$0x3F9F]  }
0x1a: {  	s8 =	sadd.s32 $0xFFFFE003, lr  }
0x1b: {  	s9 =	sadd.s32 $0xFFFFFEF7, lr;
	s5 =	simm.s32 $0xFFFFFFFF;
	p2 =	slt.u32 s8, $0xFFFFF086  }
0x1c: {  	p1 =	slt.u32 s9, $0xF7A;
	s5 =	simm.s32 @!p2 $0x0  }
0x1d: {  	s5 =	simm.s32 @p1 $0x1;
	p0 =	seq.s32 s7, s2  }
0x1e: {  	s7 =	smul.u32 @!p0 $0xF7A, s2;
	p2 =	seq.s32 @!p0 s5, $0x0  }
0x1f: {  	s9 =	smul.u32 $0xF7A, s1;
	s8 =	simm.s32 @!p0 $0x1BF5;
	p2 =	por !p2, p0  }
0x20: {  	[sflag:s8] =	ssyncset.s32 @!p0 $0xFFFFF086;
	s6 =	sadd.s32 @!p0 s3, s7;
	s7 =	simm.s32 @!p0 $0x108  }
0x21: {  	s3 =	sadd.s32 s3, s9;
	s6 =	sadd.s32 @!p0 $0x88, s6;
	s7 =	simm.s32 @p2 $0x1082  }
0x22: {  	[simem:s7], [sflag:s8] =	dma.local @!p0 [hbm:s6], $0xF7A  }
0x23: {  	s9 =	sor.u32 $0xD0000000, s2;
	s6 =	simm.s32 $0x108;
	_ =	swait.ge @!p0 [sflag:s8], $0x0  }
0x24: {  	s3 =	sadd.s32 $0x88, s3;
	s6 =	simm.s32 @!p1 $0x1082;
	[sflag:s4] =	ssyncset.s32 $0xFFFFF086  }
0x25: {  	[simem:s6], [sflag:s4] =	dma.local [hbm:s3], $0xF7A  }
0x26: {  	[smem:$0x3F9F] =	sst s1;
	(tag) =	ssettag s2;
	_ =	strace s9  }
0x27: {  	s1 =	sld [smem:$0x3FAF]  }
0x28: {  	s2 =	sld [smem:$0x3FB0]  }
0x29: {  	s4 =	sld [smem:$0x3FB2]  }
0x2a: {  	p0 =	seq.s32 s5, $0x0;
	s5 =	sld [smem:$0x3FB3]  }
0x2b: {  	s6 =	sld [smem:$0x3FB4]  }
0x2c: {  	s7 =	sld [smem:$0x3FB5]  }
0x2d: {  	s3 =	simm.s32 $0x108;
	s8 =	sld [smem:$0x3FB6]  }
0x2e: {  	s3 =	simm.s32 @!p0 $0x1082;
	s9 =	sld [smem:$0x3FB7]  }
0x2f: {  	lr =	sadd.s32 s0, s3;
	s0 =	sld [smem:$0x3FAE]  }
0x30: {  	s3 =	sld [smem:$0x3FB1]  }
0x31: {  	[smem:$0x3FBA] =	sst s10  }
0x32: {  	s10 =	sld [smem:$0x3FB8];
	_ =	sdelay $0x3  }
0x33: {  	p0 =	seq.s32 s10, $0x1;
	s10 =	sld [smem:$0x3FBA];
	_ =	sdelay $0x3  }
0x34: {  	[smem:$0x3FBA] =	sst s10  }
0x35: {  	s10 =	sld [smem:$0x3FB9];
	_ =	sdelay $0x3  }
0x36: {  	p1 =	seq.s32 s10, $0x1;
	s10 =	sld [smem:$0x3FBA];
	_ =	sdelay $0x3  }
0x37: {  	[smem:$0x3FBA] =	sst s10  }
0x38: {  	s10 =	sld [smem:$0x3FBB]  }
0x39: {  	_ = 	snop;
	(pc) =	sbr.ind lr, $3  }
0x3a: {  	_ = 	snop  }
0x3b: {  	_ = 	snop  }
0x3c: {  	p2 =	seq.s32 s10, $0x1;
	s10 =	sld [smem:$0x3FBA]  }
0x3d: {  	_ =	shalt  }
0x3e: {  	_ =	shalt  }
0x3f: {  	_ =	shalt  }
0x40: {  	_ =	shalt  }
0x41: {  	_ =	shalt  }
0x42: {  	_ =	shalt  }
0x43: {  	_ =	shalt  }
0x44: {  	_ =	shalt  }
0x45: {  	_ =	shalt  }
0x46: {  	_ =	shalt  }
0x47: {  	_ =	shalt  }
0x48: {  	_ =	shalt  }
0x49: {  	_ =	shalt  }
0x4a: {  	_ =	shalt  }
0x4b: {  	_ =	shalt  }
0x4c: {  	_ =	shalt  }
0x4d: {  	_ =	shalt  }
0x4e: {  	_ =	shalt  }
0x4f: {  	_ =	shalt  }
0x50: {  	_ =	shalt  }
0x51: {  	_ =	shalt  }
0x52: {  	_ =	shalt  }
0x53: {  	_ =	shalt  }
0x54: {  	_ =	shalt  }
0x55: {  	_ =	shalt  }
0x56: {  	_ =	shalt  }
0x57: {  	_ =	shalt  }
0x58: {  	_ =	shalt  }
0x59: {  	_ =	shalt  }
0x5a: {  	_ =	shalt  }
0x5b: {  	_ =	shalt  }
0x5c: {  	_ =	shalt  }
0x5d: {  	_ =	shalt  }
0x5e: {  	_ =	shalt  }
0x5f: {  	_ =	shalt  }
0x60: {  	_ =	shalt  }
0x61: {  	_ =	shalt  }
0x62: {  	_ =	shalt  }
0x63: {  	_ =	shalt  }
0x64: {  	_ =	shalt  }
0x65: {  	_ =	shalt  }
0x66: {  	_ =	shalt  }
0x67: {  	_ =	shalt  }
0x68: {  	_ =	shalt  }
0x69: {  	_ =	shalt  }
0x6a: {  	_ =	shalt  }
0x6b: {  	_ =	shalt  }
0x6c: {  	_ =	shalt  }
0x6d: {  	_ =	shalt  }
0x6e: {  	_ =	shalt  }
0x6f: {  	_ =	shalt  }
0x70: {  	_ =	shalt  }
0x71: {  	_ =	shalt  }
0x72: {  	_ =	shalt  }
0x73: {  	_ =	shalt  }
0x74: {  	_ =	shalt  }
0x75: {  	_ =	shalt  }
0x76: {  	_ =	shalt  }
0x77: {  	_ =	shalt  }
0x78: {  	_ =	shalt  }
0x79: {  	_ =	shalt  }
0x7a: {  	_ =	shalt  }
0x7b: {  	_ =	shalt  }
0x7c: {  	_ =	shalt  }
0x7d: {  	_ =	shalt  }
0x7e: {  	_ =	shalt  }
0x7f: {  	_ =	shalt  }
0x80: {  	_ =	shalt  }
0x81: {  	_ =	shalt  }
0x82: {  	_ =	shalt  }
0x83: {  	_ =	shalt  }
0x84: {  	_ =	shalt  }
0x85: {  	_ =	shalt  }
0x86: {  	_ =	shalt  }
0x87: {  	_ =	shalt  }
.Lfunc_end0:
.L_simem_size_0:
called_computation_lowered:
.L_overlay_start_0:
0x88: {  	s2 =	sld [smem:$0x3FD9]  }
0x89: {  	s3 =	sld [smem:$0x3FFE];
	_ =	sdelay $0x1  }
0x8a: {  	s1 =	srdreg.scid  }
0x8b: {  	s0 =	sand.u32 $0x1, s1  }
0x8c: {  	s17 =	sshll.u32 s0, $0xA;
	s2 =	sadd.s32 s3, s2  }
0x8d: {  	s2 =	sadd.s32 s2, s17  }
0x8e: {  	[smem:$0x3FC6] =	sst s2  }
0x8f: {  	_ = 	snop  }
0x90: {  	s2 =	sld [smem:$0x3FD0];
	(tm) =	ssettm $0x1  }
0x91: {  	s18 =	sld [smem:$0x3FFB];
	_ =	sdelay $0x3  }
0x92: {  	_ =	strace s18  }
0x93: {  	s3 =	sld [smem:$0x3FFC];
	_ =	sdelay $0x3  }
0x94: {  	_ =	strace s3  }
0x95: {  	s3 =	sld [smem:$0x3FFD];
	_ =	sdelay $0x3  }
0x96: {  	_ =	strace s3  }
0x97: {  	_ =	strace $0x8FFFFFFF  }
0x98: {  	s19 =	sld [smem:$0x3FDB];
	_ =	sdelay $0x1  }
0x99: {  	s4 =	simm.s32 $_scs_section_size  }
0x9a: {  	s5 =	simm.s32 $_size__tile_overlayer_lowered;
	s6 =	simm.s32 $_tile_overlayer_lowered  }
0x9b: {  	s22 =	simm.s32 $0x1BFF;
	s21 =	sshll.u32 s6, $0x1;
	s3 =	sadd.s32 s4, s19  }
0x9c: {  	s7 =	simm.s32 $0x0;
	s20 =	sshll.u32 s5, $0x1;
	s5 =	sadd.s32 s21, s3  }
0x9d: {  	[timem:s7], [sflag:s22] =	dma.local [hbm:s5], s20  }
0x9e: {  	_ =	swait.ge [sflag:s22], s20  }
0x9f: {  	s4 =	ssub.s32 $0x0, s20;
	[sflag:s22] =	ssyncset.done $0x0  }
0xa0: {  	[sflag:s22] =	ssyncadd.s32 s4;
	_ =	sdelay $0x1  }
0xa1: {  	s23 =	simm.s32 $0x1B8B  }
0xa2: {  	_ =	swait.ge [sflag:s23], $0x1  }
0xa3: {  	[sflag:s23] =	ssyncset.done $0x0  }
0xa4: {  	s25 =	simm.s32 $0x1B8E;
	s24 =	sld [smem:$0x3FFE];
	[sflag:s23] =	ssyncadd.s32 $0xFFFFFFFF  }
0xa5: {  	s26 =	simm.s32 $execute0_lowered;
	[smem:$0x3FD2] =	sst s25  }
0xa6: {  	s5 =	sshll.u32 s26, $0x1;
	_ =	strace $0x80000046;
	[dreg:$0x1] =	wrdreg $0xFFFFFFFF  }
0xa7: {  	s28 =	simm.s32 $_size_execute0_lowered;
	s3 =	sadd.s32 s3, s5;
	[dreg:$0x0] =	wrdreg $0x0  }
0xa8: {  	s5 =	sshll.u32 s28, $0x1;
	[dreg:$0x2] =	wrdreg s3  }
0xa9: {  	[dreg:$0x3] =	wrdreg s5  }
0xaa: {  	[dreg:$0x4] =	wrdreg $0xC0  }
0xab: {  	_ =	task [dreg:s7], $0x5FFFF  }
0xac: {  	[dreg:$0x1] =	wrdreg $0xFFFFFFFF  }
0xad: {  	[dreg:$0x0] =	wrdreg $0x60  }
0xae: {  	[dreg:$0x2] =	wrdreg s2  }
0xaf: {  	[dreg:$0x3] =	wrdreg s24  }
0xb0: {  	[dreg:$0x4] =	wrdreg $0x0  }
0xb1: {  	[dreg:$0x5] =	wrdreg $0x190000  }
0xb2: {  	[dreg:$0x6] =	wrdreg $0x9  }
0xb3: {  	_ =	task.clear_ibuf [dreg:s7], $0x7FFFF;
	_ =	strace $0x90000046  }
0xb4: {  	s29 =	simm.s32 $0x9;
	_ =	strace $0x80000048  }
0xb5: {  	_ =	swait.ge [sflag:s29], $0x1  }
0xb6: {  	[sflag:s29] =	ssyncadd.s32 $0xFFFFFFFF  }
0xb7: {  	_ =	strace $0x90000048  }
0xb8: {  	_ =	sfence  }
0xb9: {  	s30 =	sld [smem:$0x0];
	_ =	sdelay $0x2  }
0xba: {  	s31 =	sshll.u32 s1, $0xD;
	s1 =	sshrl.u32 s1, $0x2  }
0xbb: {  	s3 =	sand.u32 $0x4000, s31;
	s1 =	sadd.s32 s1, s30  }
0xbc: {  	s0 =	sor.u32 s3, s0;
	s1 =	sshll.u32 s1, $0x11  }
0xbd: {  	s0 =	sor.u32 s1, s0  }
0xbe: {  	s0 =	sadd.s32 $0x8F2B, s0  }
0xbf: {  	[sflag:s0] =	ssyncadd.remote.s32 $0x1  }
0xc0: {  	_ =	sfence.sel $0xFFFF  }
0xc1: {  	[dreg:$0x0] =	wrdreg $0xFFFFFFFF;
	(pc) =	sbr.abs _section_cstart, $3  }
0xc2: {  	[dreg:$0x1] =	wrdreg $0xFFFFFFFF  }
0xc3: {  	_ =	task.clear_ibuf [dreg:s7], $0x2FFFF;
	_ =	strace $0x9FFFFFFF  }
0xc4: {  	(tm) =	ssettm $0x7FFFFFFF  }
0xc5: {  	_ =	shalt  }
tec
execute0_lowered:
.L_overlay_start_1:
0x0: {  	(tag) =	ssettag $0x1  }
0x1: {  	s1 =	rddreg [dreg:$0x0]  }
0x2: {  	s0 =	rddreg [dreg:$0x1];
	s16 =	stileid.u32  }
0x3: {  	s3 =	rddreg [dreg:$0x2];
	s7 =	smul.u32 $0x1900, s16  }
0x4: {  	s2 =	srdreg.scid;
	s6 =	smul.u32 $0xC80, s16  }
0x5: {  	s4 =	rddreg [dreg:$0x3];
	s12 =	smul.u32 $0xC800, s16  }
0x6: {  	s5 =	simm.s32 $0x0;
	s18 =	simm.s32 $0x1E480;
	s22 =	smul.u32 $0x3200, s16  }
0x7: {  	s30 =	simm.s32 $0x1B480;
	s2 =	sand.u32 $0x1, s2;
	s24 =	smul.u32 $0x64000, s16  }
0x8: {  	s31 =	simm.s32 $0x3;
	[smem:$0x7FF] =	sst s5;
	s11 =	smul.u32 $0x32000, s2  }
0x9: {  	s8 =	sadd.s32 $0x19600, s0;
	_ =	strace $0x80000047;
	s9 =	smul.u32 $0xC8000, s2  }
0xa: {  	s10 =	ssub.s32 $0x2, s2;
	s2 =	smul.u32 $0xC800, s2;
	s13 =	sadd.s32 s7, s0  }
0xb: {  	s7 =	sadd.s32 $0x7D600, s0;
	s15 =	sshrl.u32 s10, $0x1;
	s19 =	sadd.s32 s6, s4  }
0xc: {  	s28 =	sshrl.u32 s24, $0x2;
	s24 =	simm.s32 $0x4;
	s14 =	sadd.s32 s11, s0  }
0xd: {  	s15 =	ssub.s32 s10, s15;
	s9 =	sadd.s32 s12, s9;
	s10 =	sadd.s32 s6, s2  }
0xe: {  	[dreg:$0x5] =	wrdreg s19;
	s12 =	smul.u32 $0x190, s16;
	s17 =	sadd.s32 $0x600, s13  }
0xf: {  	s21 =	sadd.s32 $0x620, s13;
	s23 =	sadd.s32 s11, s7;
	s25 =	sadd.s32 s11, s8  }
0x10: {  	s29 =	sadd.s32 s28, s3;
	s11 =	simm.s32 $0x0;
	[dreg:$0x7] =	wrdreg s17  }
0x11: {  	s20 =	sshrl.u32 s9, $0x3;
	[dreg:$0x9] =	wrdreg s21;
	s17 =	sadd.s32 $0x640, s0  }
0x12: {  	s15 =	smax.u32 s15, $0x1;
	s19 =	sadd.s32 s22, s23;
	s26 =	sadd.s32 s22, s14  }
0x13: {  	[dreg:$0xb] =	wrdreg s29;
	s23 =	simm.s32 $0x1A480;
	s0 =	simm.s32 $0x1  }
0x14: {  	s2 =	sadd.s32 s1, s20;
	[dreg:$0xa] =	wrdreg s15;
	s20 =	sadd.s32 s22, s25  }
0x15: {  	s21 =	sadd.s32 $0x190600, s26;
	[dreg:$0x6] =	wrdreg s2;
	s2 =	sadd.s32 $0x20, s2  }
0x16: {  	v0 =	vimm.f32 $1.000000000e+00;
	v1 =	vimm.f32 $0.0e+00;
	s25 =	simm.s32 $0x1C480;
	s26 =	simm.s32 $0x80;
	[dreg:$0x8] =	wrdreg s2  }
.LBB2_1:
0x17: {  	[tilespmem:$0x1E480] =	vst v0  }
0x18: {  	[tilespmem:$0x1E490] =	vst v0  }
0x19: {  	[tilespmem:$0x1E4A0] =	vst v0  }
0x1a: {  	[tilespmem:$0x1E4B0] =	vst v0  }
0x1b: {  	[tilespmem:$0x1E4C0] =	vst v0  }
0x1c: {  	[tilespmem:$0x1E4D0] =	vst v0  }
0x1d: {  	[tilespmem:$0x1E4E0] =	vst v0  }
0x1e: {  	[dreg:$0xc] =	wrdreg s11;
	[tilespmem:$0x1E4F0] =	vst v0;
	s11 =	simm.s32 $0x40;
	s13 =	simm.s32 $0x0  }
.LBB2_2:
0x1f: {  	p0 =	sne.s32 s11, $0x31C0;
	[tilespmem:s13+$0x1E500] =	vst v1;
	s13 =	smov.u32 s11;
	s11 =	sadd.s32 $0x40, s11  }
.Ltmp0:
0x20: {  	(pc) =	sbr.rel @p0 .LBB2_2-.Ltmp0, $2  }
0x21: {  	_ =	sdelay $0x2  }
0x22: {  	s13 =	sshra.s32 s13, $0x2  }
0x23: {  	[tilespmem:s13+$0x1E500] =	vst v1;
	s11 =	simm.s32 $0x80;
	s13 =	simm.s32 $0x0  }
.LBB2_4:
0x24: {  	p0 =	sne.s32 s11, $0x3F80;
	[tilespmem:s13+$0x1C480] =	vst v1;
	s14 =	smov.u32 s11;
	s11 =	sadd.s32 $0x80, s11  }
.Ltmp1:
0x25: {  	[tilespmem:s13+$0x1C490] =	vst v1;
	(pc) =	sbr.rel @p0 .LBB2_4-.Ltmp1, $2  }
0x26: {  	_ =	sdelay $0x2  }
0x27: {  	s13 =	sshra.s32 s14, $0x2  }
0x28: {  	[tilespmem:s13+$0x1C480] =	vst v1  }
0x29: {  	[tilespmem:s13+$0x1C490] =	vst v1;
	s11 =	sadd.s32 $0x0, s21  }
0x2a: {  	[tilespmem:s23], [sflag:$0x4] =	stream.linear.gather [hbm4b:s11+s5], $0x1000, $0x38;
	[tilespmem:$0x1F180] =	vst v63  }
0x2b: {  	_ =	swait.ge [sflag:s24], $0x1000  }
0x2c: {  	[sflag:s24] =	ssyncset.done $0x0  }
0x2d: {  	s28 =	sadd.s32 $0x0, s20;
	[sflag:s24] =	ssyncadd.s32 $0xFFFFF000  }
0x2e: {  	[hbm4b:s28+s5] =	stream.linear.scatter [tilespmem:s23], [sflag:$0x4], $0x1000, $0x38;
	[tilespmem:$0x1F180] =	vst v63  }
0x2f: {  	_ =	swait.ge [sflag:s24], $0x1000  }
0x30: {  	[sflag:s24] =	ssyncset.done $0x0  }
0x31: {  	s29 =	sadd.s32 $0x0, s19;
	[sflag:s24] =	ssyncadd.s32 $0xFFFFF000  }
0x32: {  	[hbm4b:s29+s5] =	stream.linear.scatter [tilespmem:s23], [sflag:$0x4], $0x1000, $0x38;
	[tilespmem:$0x1F180] =	vst v63  }
0x33: {  	_ =	swait.ge [sflag:s24], $0x1000  }
0x34: {  	[sflag:s24] =	ssyncset.done $0x0  }
0x35: {  	s2 =	rddreg [dreg:$0xb];
	[sflag:s24] =	ssyncadd.s32 $0xFFFFF000  }
0x36: {  	[spmem:s2] =	stream.linear.scatter [tilespmem:s25], [sflag:$0x4], $0x1000, $0x38;
	[tilespmem:$0x1F180] =	vst v63  }
0x37: {  	s13 =	simm.s32 $0x200;
	_ =	swait.ge [sflag:s24], $0x1000  }
0x38: {  	s14 =	simm.s32 $0x400;
	s11 =	sadd.s32 $0x1000, s2;
	[sflag:s24] =	ssyncset.done $0x0  }
.LBB2_6:
0x39: {  	s15 =	sadd.s32 s13, s21  }
0x3a: {  	[sflag:s24] =	ssyncadd.s32 $0xFFFFF000;
	s16 =	smov.u32 s14;
	s22 =	sadd.s32 $0x200, s14  }
0x3b: {  	[tilespmem:s23], [sflag:$0x4] =	stream.linear.gather [hbm4b:s15+s5], $0x1000, $0x38;
	[tilespmem:$0x1F180] =	vst v63  }
0x3c: {  	p0 =	sne.s32 s14, $0x3000;
	_ =	swait.ge [sflag:s24], $0x1000  }
0x3d: {  	[sflag:s24] =	ssyncset.done $0x0  }
0x3e: {  	s14 =	sadd.s32 s13, s20;
	[sflag:s24] =	ssyncadd.s32 $0xFFFFF000  }
0x3f: {  	[hbm4b:s14+s5] =	stream.linear.scatter [tilespmem:s23], [sflag:$0x4], $0x1000, $0x38;
	[tilespmem:$0x1F180] =	vst v63  }
0x40: {  	_ =	swait.ge [sflag:s24], $0x1000  }
0x41: {  	[sflag:s24] =	ssyncset.done $0x0  }
0x42: {  	s14 =	sadd.s32 s13, s19;
	s13 =	smov.u32 s16;
	[sflag:s24] =	ssyncadd.s32 $0xFFFFF000  }
0x43: {  	[hbm4b:s14+s5] =	stream.linear.scatter [tilespmem:s23], [sflag:$0x4], $0x1000, $0x38;
	[tilespmem:$0x1F180] =	vst v63  }
0x44: {  	_ =	swait.ge [sflag:s24], $0x1000  }
.Ltmp2:
0x45: {  	[sflag:s24] =	ssyncset.done $0x0;
	(pc) =	sbr.rel @p0 .LBB2_6-.Ltmp2, $4  }
0x46: {  	[sflag:s24] =	ssyncadd.s32 $0xFFFFF000  }
0x47: {  	[spmem:s11] =	stream.linear.scatter [tilespmem:s25], [sflag:$0x4], $0x1000, $0x38;
	[tilespmem:$0x1F180] =	vst v63  }
0x48: {  	_ =	swait.ge [sflag:s24], $0x1000  }
0x49: {  	s14 =	smov.u32 s22;
	s11 =	sadd.s32 $0x1000, s11;
	[sflag:s24] =	ssyncset.done $0x0  }
0x4a: {  	s14 =	sadd.s32 s13, s21;
	[sflag:s24] =	ssyncadd.s32 $0xFFFFF000  }
0x4b: {  	[tilespmem:s23], [sflag:$0x4] =	stream.linear.gather [hbm4b:s14+s5], $0x1000, $0x38;
	[tilespmem:$0x1F180] =	vst v63  }
0x4c: {  	_ =	swait.ge [sflag:s24], $0x1000  }
0x4d: {  	[sflag:s24] =	ssyncset.done $0x0  }
0x4e: {  	s2 =	sadd.s32 s13, s20;
	[sflag:s24] =	ssyncadd.s32 $0xFFFFF000  }
0x4f: {  	[hbm4b:s2+s5] =	stream.linear.scatter [tilespmem:s23], [sflag:$0x4], $0x1000, $0x38;
	[tilespmem:$0x1F180] =	vst v63  }
0x50: {  	_ =	swait.ge [sflag:s24], $0x1000  }
0x51: {  	[sflag:s24] =	ssyncset.done $0x0  }
0x52: {  	s15 =	sadd.s32 s13, s19;
	[sflag:s24] =	ssyncadd.s32 $0xFFFFF000  }
0x53: {  	[hbm4b:s15+s5] =	stream.linear.scatter [tilespmem:s23], [sflag:$0x4], $0x1000, $0x38;
	[tilespmem:$0x1F180] =	vst v63  }
0x54: {  	_ =	swait.ge [sflag:s24], $0x1000  }
0x55: {  	[sflag:s24] =	ssyncset.done $0x0  }
0x56: {  	[sflag:s24] =	ssyncadd.s32 $0xFFFFF000  }
0x57: {  	[spmem:s11] =	stream.linear.scatter [tilespmem:s25], [sflag:$0x4], $0x1000, $0x38;
	[tilespmem:$0x1F180] =	vst v63  }
0x58: {  	_ =	swait.ge [sflag:s24], $0x1000  }
0x59: {  	[sflag:s24] =	ssyncset.done $0x0  }
0x5a: {  	s16 =	simm.s32 $0x1E500;
	s2 =	rddreg [dreg:$0x5];
	[sflag:s24] =	ssyncadd.s32 $0xFFFFF000  }
0x5b: {  	[spmem:s2] =	stream.linear.scatter [tilespmem:s16], [sflag:$0x4], $0xC80, $0x38;
	[tilespmem:$0x1F180] =	vst v63  }
0x5c: {  	_ =	swait.ge [sflag:s24], $0xC80  }
0x5d: {  	[sflag:s24] =	ssyncset.done $0x0  }
0x5e: {  	[sflag:s24] =	ssyncadd.s32 $0xFFFFF380  }
0x5f: {  	[bflag:$0x0] =	sbarrier.arrive $0xFFFF  }
0x60: {  	s13 =	simm.s32 $0x19C80;
	s11 =	simm.s32 $0x0;
	s22 =	rddreg [dreg:$0x6]  }
0x61: {  	[tilespmem:s13], [sflag:$0x4] =	stream.linear.gather [hbm4b:s22+s11], $0x100, $0x38;
	[tilespmem:$0x1F180] =	vst v63  }
0x62: {  	_ =	swait.ge [sflag:s24], $0x100  }
0x63: {  	[sflag:s24] =	ssyncset.done $0x0  }
0x64: {  	s29 =	simm.s32 $0x1A080;
	s28 =	rddreg [dreg:$0x7];
	[sflag:s24] =	ssyncadd.s32 $0xFFFFFF00  }
0x65: {  	[tilespmem:s29], [sflag:$0x4] =	stream.linear.gather [hbm4b:s28+s11], $0x100, $0x38;
	[tilespmem:$0x1F180] =	vst v63  }
0x66: {  	_ =	swait.ge [sflag:s24], $0x100  }
0x67: {  	[sflag:s24] =	ssyncset.done $0x0  }
0x68: {  	s16 =	simm.s32 $0x19D80;
	s15 =	rddreg [dreg:$0x8];
	[sflag:s24] =	ssyncadd.s32 $0xFFFFFF00  }
0x69: {  	[tilespmem:s16], [sflag:$0x3] =	stream.linear.gather [hbm4b:s15+s11], $0x100, $0x38;
	[tilespmem:$0x1F180] =	vst v63  }
.Ltmp3:
0x6a: {  	_ = 	snop;
	(pc) =	sbr.rel .LBB2_8-.Ltmp3, $4  }
0x6b: {  	s28 =	simm.s32 $0x1A180;
	s22 =	rddreg [dreg:$0x9]  }
0x6c: {  	[tilespmem:s28], [sflag:$0x3] =	stream.linear.gather [hbm4b:s22+s11], $0x100, $0x38;
	[tilespmem:$0x1F180] =	vst v63  }
0x6d: {  	s29 =	simm.s32 $0x100  }
0x6e: {  	[tilespmem:s23], [sflag:$0x1] =	stream.indirect.gather [hbm4b:s8+s29], $0x20, s13, s29, $0xb8;
	[tilespmem:$0x1F180] =	vst v63  }
.LBB2_10:
0x6f: {  	s14 =	sshll.u32 s11, $0x1  }
0x70: {  	p0 =	sgt.u32 s11, $0xC5;
	s15 =	sshll.u32 s11, $0xA;
	_ =	swait.ge [sflag:s0], $0x2000  }
0x71: {  	s16 =	sshll.u32 @!p0 s14, $0x7;
	s15 =	sand.u32 $0xC00, s15;
	[sflag:s0] =	ssyncset.done $0x0  }
0x72: {  	s29 =	simm.s32 @!p0 $0x0;
	s14 =	sadd.s32 @!p0 s12, s14;
	s16 =	sadd.s32 @!p0 $0x200, s16  }
0x73: {  	s22 =	sxor.u32 @!p0 $0x800, s15;
	[sflag:s0] =	ssyncadd.s32 $0xFFFFE000;
	s28 =	sadd.s32 @!p0 s9, s16  }
0x74: {  	s14 =	sshll.u32 @!p0 s14, $0x4;
	s22 =	sshrl.u32 @!p0 s22, $0x2;
	s28 =	sshrl.u32 @!p0 s28, $0x3  }
0x75: {  	s16 =	sand.u32 @!p0 $0x300, s16;
	s22 =	sadd.s32 @!p0 $0x19C80, s22;
	s28 =	sadd.s32 @!p0 s1, s28  }
0x76: {  	[tilespmem:s22], [sflag:$0x3] =	stream.linear.gather @!p0 [hbm4b:s28+s29], $0x100, $0x38;
	[tilespmem:$0x1F180] =	vst v63  }
0x77: {  	s14 =	sadd.s32 @!p0 s14, s17;
	s16 =	sor.u32 @!p0 $0x1A080, s16  }
0x78: {  	[tilespmem:s16], [sflag:$0x3] =	stream.linear.gather @!p0 [hbm4b:s14+s29], $0x100, $0x38;
	[tilespmem:$0x1F180] =	vst v63  }
0x79: {  	s16 =	sshll.u32 s11, $0xD  }
0x7a: {  	s22 =	sshrl.u32 s15, $0x2;
	s11 =	sand.u32 $0x2000, s16  }
0x7b: {  	s29 =	sadd.s32 $0x1A080, s22;
	s28 =	sadd.s32 $0x1A480, s11  }
0x7c: {  	[spmem:s3] =	stream.indirect.scatter.add.f32 [tilespmem:s28], [sflag:$0x2], $0x20, s29, s26, $0xb8;
	[tilespmem:$0x1F180] =	vst v63  }
0x7d: {  	p0 =	slt.u32 s13, $0xC8  }
0x7e: {  	[spmem:s4] =	stream.indirect.scatter.add.f32 [tilespmem:s18], [sflag:$0x2], $0x1, s29, s26, $0xb8;
	[tilespmem:$0x1F180] =	vst v63  }
.Ltmp4:
0x7f: {  	_ = 	snop;
	(pc) =	sbr.rel @!p0 .LBB2_11-.Ltmp4, $4  }
0x80: {  	s14 =	sadd.s32 $0x1A100, s22;
	s11 =	sadd.s32 $0x1B480, s11  }
0x81: {  	[spmem:s3] =	stream.indirect.scatter.add.f32 [tilespmem:s11], [sflag:$0x2], $0x20, s14, s26, $0xb8;
	[tilespmem:$0x1F180] =	vst v63  }
0x82: {  	s11 =	smov.u32 s13  }
0x83: {  	[spmem:s4] =	stream.indirect.scatter.add.f32 [tilespmem:s18], [sflag:$0x2], $0x1, s14, s26, $0xb8;
	[tilespmem:$0x1F180] =	vst v63  }
.LBB2_8:
0x84: {  	p0 =	seq.s32 s11, $0x0  }
0x85: {  	s13 =	simm.s32 @!p0 $0x2;
	p1 =	seq.s32 @!p0 s11, $0xC7  }
0x86: {  	_ =	swait.ge @!p0 [sflag:s13], $0x2000;
	p1 =	por p0, !p1  }
.Ltmp5:
0x87: {  	[sflag:s13] =	ssyncset.done @!p0 $0x0;
	(pc) =	sbr.rel @!p1 .LBB2_10-.Ltmp5, $4  }
0x88: {  	[sflag:s13] =	ssyncadd.s32 @!p0 $0xFFFFE000  }
0x89: {  	_ =	swait.ge @!p0 [sflag:s13], $0x100  }
0x8a: {  	[sflag:s13] =	ssyncset.done @!p0 $0x0  }
0x8b: {  	[sflag:s13] =	ssyncadd.s32 @!p0 $0xFFFFFF00;
	s13 =	simm.s32 @!p0 $0xC8  }
0x8c: {  	s13 =	sadd.s32 @!p0 $0x1, s11  }
.Ltmp6:
0x8d: {  	_ =	swait.ge [sflag:s31], $0x200;
	s13 =	simm.s32 @p0 $0x1;
	(pc) =	sbr.rel .LBB2_10-.Ltmp6, $4  }
0x8e: {  	s2 =	simm.s32 $0x100;
	s14 =	sshll.u32 s13, $0xD;
	s15 =	sshll.u32 s13, $0x8  }
0x8f: {  	[sflag:s31] =	ssyncset.done $0x0;
	s14 =	sand.u32 $0x2000, s14;
	s15 =	sand.u32 $0x300, s15  }
0x90: {  	[sflag:s31] =	ssyncadd.s32 $0xFFFFFE00;
	s14 =	sadd.s32 $0x1A480, s14;
	s15 =	sor.u32 $0x19C80, s15  }
0x91: {  	[tilespmem:s14], [sflag:$0x1] =	stream.indirect.gather [hbm4b:s8+s2], $0x20, s15, s2, $0xb8;
	[tilespmem:$0x1F180] =	vst v63  }
.LBB2_11:
0x92: {  	s2 =	simm.s32 $0x2  }
0x93: {  	_ =	swait.ge [sflag:s2], $0x2000  }
0x94: {  	[sflag:s2] =	ssyncset.done $0x0  }
0x95: {  	[sflag:s2] =	ssyncadd.s32 $0xFFFFE000  }
0x96: {  	_ =	swait.ge [sflag:s2], $0x100  }
0x97: {  	[sflag:s2] =	ssyncset.done $0x0  }
0x98: {  	[sflag:s2] =	ssyncadd.s32 $0xFFFFFF00  }
0x99: {  	[bflag:$0x0] =	sbarrier.arrive $0xFFFF  }
0x9a: {  	s11 =	simm.s32 $0x1E500;
	s29 =	rddreg [dreg:$0x5]  }
0x9b: {  	[tilespmem:s11], [sflag:$0x4] =	stream.linear.gather [spmem:s29], $0xC80, $0x38;
	[tilespmem:$0x1F180] =	vst v63  }
0x9c: {  	_ =	swait.ge [sflag:s24], $0xC80  }
0x9d: {  	s13 =	simm.s32 $0x0;
	[sflag:s24] =	ssyncset.done $0x0  }
0x9e: {  	s14 =	simm.s32 $0x40;
	s11 =	simm.s32 $0x0;
	[sflag:s24] =	ssyncadd.s32 $0xFFFFF380  }
.LBB2_12:
0x9f: {  	p0 =	sne.s32 s14, $0x31C0;
	v2 =	vld [tilespmem:s13+$0x1E500];
	_ =	sdelay $0x4  }
0xa0: {  	(erf) = vrcp.f32 v2;
	_ =	sdelay $0x6  }
.Ltmp7:
0xa1: {  	(pc) =	sbr.rel @p0 .LBB2_12-.Ltmp7, $4  }
0xa2: {  	_ = 	snop  }
0xa3: {  	vm0 =	vgt.f32 v2, $0.0e+00;
	v2 =	vpop (erf)  }
0xa4: {  	v2 =	vnsel vm0, $0x0, v2  }
0xa5: {  	[tilespmem:s13+$0x1E500] =	vst v2;
	s13 =	sshra.s32 s14, $0x2;
	s14 =	sadd.s32 $0x40, s14  }
0xa6: {  	v2 =	vld [tilespmem:s13+$0x1E500];
	_ =	sdelay $0x4  }
0xa7: {  	(erf) = vrcp.f32 v2;
	_ =	sdelay $0x8  }
0xa8: {  	vm0 =	vgt.f32 v2, $0.0e+00;
	v2 =	vpop (erf)  }
0xa9: {  	v2 =	vnsel vm0, $0x0, v2  }
0xaa: {  	[tilespmem:s13+$0x1E500] =	vst v2  }
.LBB2_14:
0xab: {  	p0 =	sne.s32 s11, $0x3F80  }
.Ltmp8:
0xac: {  	_ = 	snop;
	(pc) =	sbr.rel @p0 .LBB2_14-.Ltmp8, $4  }
0xad: {  	_ = 	snop  }
0xae: {  	s13 =	sshra.s32 s11, $0x2  }
0xaf: {  	[tilespmem:s13+$0x1C480] =	vst v1  }
0xb0: {  	s11 =	sadd.s32 $0x80, s11;
	[tilespmem:s13+$0x1C490] =	vst v1  }
0xb1: {  	s14 =	simm.s32 $0x0;
	s15 =	simm.s32 $0x1E500;
	s16 =	simm.s32 $0x0  }
.LBB2_16:
0xb2: {  	s11 =	sshll.u32 s16, $0x7  }
0xb3: {  	s13 =	sadd.s32 s6, s11  }
0xb4: {  	s13 =	sshll.u32 s13, $0x5  }
0xb5: {  	s13 =	sand.u32 $0x3FFFFFE0, s13  }
0xb6: {  	s13 =	sadd.s32 s13, s3  }
0xb7: {  	[tilespmem:s23], [sflag:$0x4] =	stream.linear.gather [spmem:s13], $0x1000, $0x38;
	[tilespmem:$0x1F180] =	vst v63  }
0xb8: {  	s11 =	sadd.s32 s10, s11;
	_ =	swait.ge [sflag:s24], $0x1000  }
0xb9: {  	s22 =	sshll.u32 s11, $0x2;
	[sflag:s24] =	ssyncset.done $0x0  }
0xba: {  	s29 =	simm.s32 $0x1B480;
	s28 =	sadd.s32 s7, s22;
	[sflag:s24] =	ssyncadd.s32 $0xFFFFF000  }
0xbb: {  	v2 =	vmov s15;
	[tilespmem:s29], [sflag:$0x4] =	stream.linear.gather [hbm4b:s28+s14], $0x1000, $0x38;
	[tilespmem:$0x1F180] =	vst v63  }
0xbc: {  	_ =	swait.ge [sflag:s24], $0x1000  }
0xbd: {  	[sflag:s24] =	ssyncset.done $0x0  }
0xbe: {  	s11 =	simm.s32 $0x0;
	[sflag:s24] =	ssyncadd.s32 $0xFFFFF000  }
.LBB2_17:
0xbf: {  	s2 =	sshra.s32 s11, $0x2  }
0xc0: {  	v3 =	vld.idx.msk [tilespmem:v2+s2+$0x0 ss:$0x1], $0xffff;
	_ =	sdelay $0x1  }
0xc1: {  	v4 =	vld [tilespmem:s29+$0xFFFFF000];
	_ =	sdelay $0x1  }
0xc2: {  	v5 =	vld [tilespmem:s29+$0x0]  }
0xc3: {  	v44 =	vld [tilespmem:s29+$0xFFFFF010];
	v6 =	vbroadcast v3, $0x0  }
0xc4: {  	v45 =	vld [tilespmem:s29+$0x10]  }
0xc5: {  	v46 =	vld [tilespmem:s29+$0xFFFFF020];
	v4 =	vmul.f32 v6, v4;
	_ =	sdelay $0x1  }
0xc6: {  	v47 =	vld [tilespmem:s29+$0x20];
	[tilespmem:s29+$0xFFFFF000] =	vst v4;
	v4 =	vadd.f32 v5, v4  }
0xc7: {  	v49 =	vld [tilespmem:s29+$0xFFFFF030];
	v48 =	vbroadcast v3, $0x1;
	v5 =	vmul.f32 v44, v6  }
0xc8: {  	v50 =	vld [tilespmem:s29+$0x30];
	[tilespmem:s29+$0x0] =	vst v4  }
0xc9: {  	v51 =	vld [tilespmem:s29+$0xFFFFF040];
	[tilespmem:s29+$0xFFFFF010] =	vst v5;
	v4 =	vadd.f32 v45, v5;
	v5 =	vmul.f32 v46, v48;
	_ =	sdelay $0x1  }
0xca: {  	v52 =	vld [tilespmem:s29+$0x40];
	[tilespmem:s29+$0x10] =	vst v4;
	v4 =	vadd.f32 v47, v5  }
0xcb: {  	v54 =	vld [tilespmem:s29+$0xFFFFF050];
	v53 =	vbroadcast v3, $0x2;
	[tilespmem:s29+$0xFFFFF020] =	vst v5;
	v5 =	vmul.f32 v49, v48  }
0xcc: {  	v55 =	vld [tilespmem:s29+$0x50];
	[tilespmem:s29+$0x20] =	vst v4  }
0xcd: {  	v56 =	vld [tilespmem:s29+$0xFFFFF060];
	[tilespmem:s29+$0xFFFFF030] =	vst v5;
	v4 =	vadd.f32 v50, v5;
	v5 =	vmul.f32 v51, v53;
	_ =	sdelay $0x1  }
0xce: {  	v57 =	vld [tilespmem:s29+$0x60];
	[tilespmem:s29+$0x30] =	vst v4;
	v4 =	vadd.f32 v52, v5  }
0xcf: {  	v59 =	vld [tilespmem:s29+$0xFFFFF070];
	v58 =	vbroadcast v3, $0x3;
	[tilespmem:s29+$0xFFFFF040] =	vst v5;
	v5 =	vmul.f32 v54, v53  }
0xd0: {  	v60 =	vld [tilespmem:s29+$0x70];
	[tilespmem:s29+$0x40] =	vst v4  }
0xd1: {  	v61 =	vld [tilespmem:s29+$0xFFFFF080];
	[tilespmem:s29+$0xFFFFF050] =	vst v5;
	v4 =	vadd.f32 v55, v5;
	v5 =	vmul.f32 v56, v58;
	_ =	sdelay $0x1  }
0xd2: {  	v62 =	vld [tilespmem:s29+$0x80];
	[tilespmem:s29+$0x50] =	vst v4;
	v4 =	vadd.f32 v57, v5  }
0xd3: {  	v8 =	vld [tilespmem:s29+$0xFFFFF090];
	v63 =	vbroadcast v3, $0x4;
	[tilespmem:s29+$0xFFFFF060] =	vst v5;
	v5 =	vmul.f32 v59, v58  }
0xd4: {  	v9 =	vld [tilespmem:s29+$0x90];
	[tilespmem:s29+$0x60] =	vst v4  }
0xd5: {  	v10 =	vld [tilespmem:s29+$0xFFFFF0A0];
	[tilespmem:s29+$0xFFFFF070] =	vst v5;
	v4 =	vadd.f32 v60, v5;
	v5 =	vmul.f32 v61, v63;
	_ =	sdelay $0x1  }
0xd6: {  	v11 =	vld [tilespmem:s29+$0xA0];
	[tilespmem:s29+$0x70] =	vst v4;
	v4 =	vadd.f32 v62, v5  }
0xd7: {  	v13 =	vld [tilespmem:s29+$0xFFFFF0B0];
	v12 =	vbroadcast v3, $0x5;
	[tilespmem:s29+$0xFFFFF080] =	vst v5;
	v5 =	vmul.f32 v8, v63  }
0xd8: {  	v14 =	vld [tilespmem:s29+$0xB0];
	[tilespmem:s29+$0x80] =	vst v4  }
0xd9: {  	v15 =	vld [tilespmem:s29+$0xFFFFF0C0];
	[tilespmem:s29+$0xFFFFF090] =	vst v5;
	v4 =	vadd.f32 v9, v5;
	v5 =	vmul.f32 v10, v12;
	_ =	sdelay $0x1  }
0xda: {  	v16 =	vld [tilespmem:s29+$0xC0];
	[tilespmem:s29+$0x90] =	vst v4;
	v4 =	vadd.f32 v11, v5  }
0xdb: {  	v18 =	vld [tilespmem:s29+$0xFFFFF0D0];
	v17 =	vbroadcast v3, $0x6;
	[tilespmem:s29+$0xFFFFF0A0] =	vst v5;
	v5 =	vmul.f32 v13, v12  }
0xdc: {  	v19 =	vld [tilespmem:s29+$0xD0];
	[tilespmem:s29+$0xA0] =	vst v4  }
0xdd: {  	v20 =	vld [tilespmem:s29+$0xFFFFF0E0];
	[tilespmem:s29+$0xFFFFF0B0] =	vst v5;
	v4 =	vadd.f32 v14, v5;
	v5 =	vmul.f32 v15, v17;
	_ =	sdelay $0x1  }
0xde: {  	v21 =	vld [tilespmem:s29+$0xE0];
	[tilespmem:s29+$0xB0] =	vst v4;
	v4 =	vadd.f32 v16, v5  }
0xdf: {  	v23 =	vld [tilespmem:s29+$0xFFFFF0F0];
	v22 =	vbroadcast v3, $0x7;
	[tilespmem:s29+$0xFFFFF0C0] =	vst v5;
	v5 =	vmul.f32 v18, v17  }
0xe0: {  	v24 =	vld [tilespmem:s29+$0xF0];
	[tilespmem:s29+$0xC0] =	vst v4  }
0xe1: {  	v25 =	vld [tilespmem:s29+$0xFFFFF100];
	[tilespmem:s29+$0xFFFFF0D0] =	vst v5;
	v4 =	vadd.f32 v19, v5;
	v5 =	vmul.f32 v20, v22;
	_ =	sdelay $0x1  }
0xe2: {  	v26 =	vld [tilespmem:s29+$0x100];
	[tilespmem:s29+$0xD0] =	vst v4;
	v4 =	vadd.f32 v21, v5  }
0xe3: {  	v28 =	vld [tilespmem:s29+$0xFFFFF110];
	v27 =	vbroadcast v3, $0x8;
	[tilespmem:s29+$0xFFFFF0E0] =	vst v5;
	v5 =	vmul.f32 v23, v22  }
0xe4: {  	v29 =	vld [tilespmem:s29+$0x110];
	[tilespmem:s29+$0xE0] =	vst v4  }
0xe5: {  	v30 =	vld [tilespmem:s29+$0xFFFFF120];
	[tilespmem:s29+$0xFFFFF0F0] =	vst v5;
	v4 =	vadd.f32 v24, v5;
	v5 =	vmul.f32 v25, v27;
	_ =	sdelay $0x1  }
0xe6: {  	v31 =	vld [tilespmem:s29+$0x120];
	[tilespmem:s29+$0xF0] =	vst v4;
	v4 =	vadd.f32 v26, v5  }
0xe7: {  	v33 =	vld [tilespmem:s29+$0xFFFFF130];
	v32 =	vbroadcast v3, $0x9;
	[tilespmem:s29+$0xFFFFF100] =	vst v5;
	v5 =	vmul.f32 v28, v27  }
0xe8: {  	v34 =	vld [tilespmem:s29+$0x130];
	[tilespmem:s29+$0x100] =	vst v4  }
0xe9: {  	v35 =	vld [tilespmem:s29+$0xFFFFF140];
	[tilespmem:s29+$0xFFFFF110] =	vst v5;
	v4 =	vadd.f32 v29, v5;
	v5 =	vmul.f32 v30, v32;
	_ =	sdelay $0x1  }
0xea: {  	v36 =	vld [tilespmem:s29+$0x140];
	[tilespmem:s29+$0x110] =	vst v4;
	v4 =	vadd.f32 v31, v5  }
0xeb: {  	v38 =	vld [tilespmem:s29+$0xFFFFF150];
	v37 =	vbroadcast v3, $0xA;
	[tilespmem:s29+$0xFFFFF120] =	vst v5;
	v5 =	vmul.f32 v33, v32  }
0xec: {  	v39 =	vld [tilespmem:s29+$0x150];
	[tilespmem:s29+$0x120] =	vst v4  }
0xed: {  	v40 =	vld [tilespmem:s29+$0xFFFFF160];
	[tilespmem:s29+$0xFFFFF130] =	vst v5;
	v4 =	vadd.f32 v34, v5;
	v5 =	vmul.f32 v35, v37;
	_ =	sdelay $0x1  }
0xee: {  	v41 =	vld [tilespmem:s29+$0x160];
	[tilespmem:s29+$0x130] =	vst v4;
	v4 =	vadd.f32 v36, v5  }
0xef: {  	v43 =	vld [tilespmem:s29+$0xFFFFF170];
	v42 =	vbroadcast v3, $0xB;
	[tilespmem:s29+$0xFFFFF140] =	vst v5;
	v5 =	vmul.f32 v38, v37  }
0xf0: {  	v44 =	vld [tilespmem:s29+$0x170];
	[tilespmem:s29+$0x140] =	vst v4  }
0xf1: {  	v45 =	vld [tilespmem:s29+$0xFFFFF180];
	[tilespmem:s29+$0xFFFFF150] =	vst v5;
	v4 =	vadd.f32 v39, v5;
	v5 =	vmul.f32 v40, v42;
	_ =	sdelay $0x1  }
0xf2: {  	v46 =	vld [tilespmem:s29+$0x180];
	[tilespmem:s29+$0x150] =	vst v4;
	v4 =	vadd.f32 v41, v5  }
0xf3: {  	v47 =	vbroadcast v3, $0xC;
	v48 =	vld [tilespmem:s29+$0xFFFFF190];
	[tilespmem:s29+$0xFFFFF160] =	vst v5;
	v5 =	vmul.f32 v43, v42  }
0xf4: {  	v49 =	vld [tilespmem:s29+$0x190];
	[tilespmem:s29+$0x160] =	vst v4  }
0xf5: {  	v50 =	vld [tilespmem:s29+$0xFFFFF1A0];
	[tilespmem:s29+$0xFFFFF170] =	vst v5;
	v4 =	vadd.f32 v44, v5;
	v5 =	vmul.f32 v45, v47;
	_ =	sdelay $0x1  }
0xf6: {  	v51 =	vld [tilespmem:s29+$0x1A0];
	[tilespmem:s29+$0x170] =	vst v4;
	v4 =	vadd.f32 v46, v5  }
0xf7: {  	v52 =	vbroadcast v3, $0xD;
	v53 =	vld [tilespmem:s29+$0xFFFFF1B0];
	[tilespmem:s29+$0xFFFFF180] =	vst v5;
	v5 =	vmul.f32 v48, v47  }
0xf8: {  	v54 =	vld [tilespmem:s29+$0x1B0];
	[tilespmem:s29+$0x180] =	vst v4  }
0xf9: {  	v55 =	vld [tilespmem:s29+$0xFFFFF1C0];
	[tilespmem:s29+$0xFFFFF190] =	vst v5;
	v4 =	vadd.f32 v49, v5;
	v5 =	vmul.f32 v50, v52;
	_ =	sdelay $0x1  }
0xfa: {  	v56 =	vld [tilespmem:s29+$0x1C0];
	[tilespmem:s29+$0x190] =	vst v4;
	v4 =	vadd.f32 v51, v5  }
0xfb: {  	v57 =	vbroadcast v3, $0xE;
	v58 =	vld [tilespmem:s29+$0xFFFFF1D0];
	[tilespmem:s29+$0xFFFFF1A0] =	vst v5;
	v5 =	vmul.f32 v53, v52  }
0xfc: {  	v59 =	vld [tilespmem:s29+$0x1D0];
	[tilespmem:s29+$0x1A0] =	vst v4  }
0xfd: {  	v60 =	vld [tilespmem:s29+$0xFFFFF1E0];
	[tilespmem:s29+$0xFFFFF1B0] =	vst v5;
	v4 =	vadd.f32 v54, v5;
	v5 =	vmul.f32 v55, v57  }
0xfe: {  	v61 =	vld [tilespmem:s29+$0x1E0]  }
0xff: {  	v62 =	vld [tilespmem:s29+$0xFFFFF1F0];
	[tilespmem:s29+$0x1B0] =	vst v4;
	v4 =	vadd.f32 v56, v5  }
0x100: {  	v3 =	vbroadcast v3, $0xF;
	[tilespmem:s29+$0xFFFFF1C0] =	vst v5;
	v5 =	vmul.f32 v58, v57  }
0x101: {  	v63 =	vld [tilespmem:s29+$0x1F0];
	[tilespmem:s29+$0x1C0] =	vst v4  }
0x102: {  	[tilespmem:s29+$0xFFFFF1D0] =	vst v5;
	v4 =	vadd.f32 v59, v5;
	v5 =	vmul.f32 v60, v3  }
0x103: {  	p0 =	sne.s32 s11, $0x1C0  }
.Ltmp9:
0x104: {  	v3 =	vmul.f32 v62, v3;
	[tilespmem:s29+$0x1D0] =	vst v4;
	v4 =	vadd.f32 v61, v5;
	(pc) =	sbr.rel @p0 .LBB2_17-.Ltmp9, $4  }
0x105: {  	[tilespmem:s29+$0xFFFFF1E0] =	vst v5  }
0x106: {  	[tilespmem:s29+$0x1E0] =	vst v4;
	v4 =	vadd.f32 v63, v3  }
0x107: {  	[tilespmem:s29+$0xFFFFF1F0] =	vst v3  }
0x108: {  	s11 =	sadd.s32 $0x40, s11;
	[tilespmem:s29+$0x1F0] =	vst v4;
	s29 =	sadd.s32 $0x200, s29  }
0x109: {  	[hbm4b:s28+s5] =	stream.linear.scatter [tilespmem:s30], [sflag:$0x4], $0x1000, $0x38;
	[tilespmem:$0x1F180] =	vst v63  }
0x10a: {  	_ =	swait.ge [sflag:s24], $0x1000  }
0x10b: {  	[sflag:s24] =	ssyncset.done $0x0  }
0x10c: {  	s2 =	sadd.s32 s8, s22;
	[sflag:s24] =	ssyncadd.s32 $0xFFFFF000  }
0x10d: {  	[hbm4b:s2+s5] =	stream.linear.scatter [tilespmem:s23], [sflag:$0x4], $0x1000, $0x38;
	[tilespmem:$0x1F180] =	vst v63  }
0x10e: {  	s16 =	sadd.s32 $0x1, s16;
	_ =	swait.ge [sflag:s24], $0x1000  }
0x10f: {  	p0 =	sne.s32 s16, $0x19;
	[sflag:s24] =	ssyncset.done $0x0  }
.Ltmp10:
0x110: {  	[sflag:s24] =	ssyncadd.s32 $0xFFFFF000;
	(pc) =	sbr.rel @p0 .LBB2_16-.Ltmp10, $4  }
0x111: {  	[spmem:s13] =	stream.linear.scatter [tilespmem:s25], [sflag:$0x4], $0x1000, $0x38;
	[tilespmem:$0x1F180] =	vst v63  }
0x112: {  	_ =	swait.ge [sflag:s24], $0x1000  }
0x113: {  	[sflag:s24] =	ssyncset.done $0x0  }
0x114: {  	s15 =	sadd.s32 $0x80, s15;
	[sflag:s24] =	ssyncadd.s32 $0xFFFFF000  }
0x115: {  	[bflag:$0x0] =	sbarrier.arrive $0xFFFF  }
0x116: {  	s11 =	simm.s32 $0x0;
	s13 =	simm.s32 $0x19C80;
	s2 =	rddreg [dreg:$0x6]  }
0x117: {  	[tilespmem:s13], [sflag:$0x4] =	stream.linear.gather [hbm4b:s2+s11], $0x100, $0x38;
	[tilespmem:$0x1F180] =	vst v63  }
0x118: {  	_ =	swait.ge [sflag:s24], $0x100  }
0x119: {  	[sflag:s24] =	ssyncset.done $0x0  }
0x11a: {  	s14 =	simm.s32 $0x1A080;
	s29 =	rddreg [dreg:$0x7];
	[sflag:s24] =	ssyncadd.s32 $0xFFFFFF00  }
0x11b: {  	[tilespmem:s14], [sflag:$0x4] =	stream.linear.gather [hbm4b:s29+s11], $0x100, $0x38;
	[tilespmem:$0x1F180] =	vst v63  }
0x11c: {  	_ =	swait.ge [sflag:s24], $0x100  }
0x11d: {  	[sflag:s24] =	ssyncset.done $0x0  }
0x11e: {  	s16 =	simm.s32 $0x19D80;
	s15 =	rddreg [dreg:$0x8];
	[sflag:s24] =	ssyncadd.s32 $0xFFFFFF00  }
0x11f: {  	[tilespmem:s16], [sflag:$0x3] =	stream.linear.gather [hbm4b:s15+s11], $0x100, $0x38;
	[tilespmem:$0x1F180] =	vst v63  }
.Ltmp11:
0x120: {  	_ = 	snop;
	(pc) =	sbr.rel .LBB2_20-.Ltmp11, $4  }
0x121: {  	s28 =	simm.s32 $0x1A180;
	s22 =	rddreg [dreg:$0x9]  }
0x122: {  	[tilespmem:s28], [sflag:$0x3] =	stream.linear.gather [hbm4b:s22+s11], $0x100, $0x38;
	[tilespmem:$0x1F180] =	vst v63  }
0x123: {  	s29 =	simm.s32 $0x100  }
0x124: {  	[tilespmem:s23], [sflag:$0x1] =	stream.indirect.gather [hbm4b:s8+s29], $0x20, s13, s29, $0xb8;
	[tilespmem:$0x1F180] =	vst v63  }
.LBB2_22:
0x125: {  	s2 =	sshll.u32 s11, $0x1  }
0x126: {  	p0 =	sgt.u32 s11, $0xC5;
	s14 =	sshll.u32 s11, $0xA;
	_ =	swait.ge [sflag:s0], $0x2000  }
0x127: {  	s15 =	sshll.u32 @!p0 s2, $0x7;
	s14 =	sand.u32 $0xC00, s14;
	[sflag:s0] =	ssyncset.done $0x0  }
0x128: {  	s28 =	simm.s32 @!p0 $0x0;
	s2 =	sadd.s32 @!p0 s12, s2;
	s15 =	sadd.s32 @!p0 $0x200, s15  }
0x129: {  	s16 =	sxor.u32 @!p0 $0x800, s14;
	[sflag:s0] =	ssyncadd.s32 $0xFFFFE000;
	s22 =	sadd.s32 @!p0 s9, s15  }
0x12a: {  	s2 =	sshll.u32 @!p0 s2, $0x4;
	s16 =	sshrl.u32 @!p0 s16, $0x2;
	s22 =	sshrl.u32 @!p0 s22, $0x3  }
0x12b: {  	s15 =	sand.u32 @!p0 $0x300, s15;
	s16 =	sadd.s32 @!p0 $0x19C80, s16;
	s22 =	sadd.s32 @!p0 s1, s22  }
0x12c: {  	[tilespmem:s16], [sflag:$0x3] =	stream.linear.gather @!p0 [hbm4b:s22+s28], $0x100, $0x38;
	[tilespmem:$0x1F180] =	vst v63  }
0x12d: {  	s2 =	sadd.s32 @!p0 s2, s17;
	s15 =	sor.u32 @!p0 $0x1A080, s15;
	s16 =	sshll.u32 s11, $0xD  }
0x12e: {  	[tilespmem:s15], [sflag:$0x3] =	stream.linear.gather @!p0 [hbm4b:s2+s28], $0x100, $0x38;
	[tilespmem:$0x1F180] =	vst v63  }
0x12f: {  	s22 =	sshrl.u32 s14, $0x2;
	s2 =	sand.u32 $0x2000, s16;
	p0 =	slt.u32 s13, $0xC8  }
.Ltmp12:
0x130: {  	s29 =	sadd.s32 $0x1A080, s22;
	s28 =	sadd.s32 $0x1A480, s2;
	(pc) =	sbr.rel @!p0 .LBB2_23-.Ltmp12, $4  }
0x131: {  	[spmem:s3] =	stream.indirect.scatter.add.f32 [tilespmem:s28], [sflag:$0x2], $0x20, s29, s26, $0xb8;
	[tilespmem:$0x1F180] =	vst v63  }
0x132: {  	s11 =	sadd.s32 $0x1A100, s22;
	s2 =	sadd.s32 $0x1B480, s2  }
0x133: {  	[spmem:s3] =	stream.indirect.scatter.add.f32 [tilespmem:s2], [sflag:$0x2], $0x20, s11, s26, $0xb8;
	[tilespmem:$0x1F180] =	vst v63  }
0x134: {  	s11 =	smov.u32 s13  }
.LBB2_20:
0x135: {  	p0 =	seq.s32 s11, $0x0  }
0x136: {  	p1 =	seq.s32 @!p0 s11, $0xC7  }
0x137: {  	p1 =	por p0, !p1  }
.Ltmp13:
0x138: {  	_ = 	snop;
	(pc) =	sbr.rel @!p1 .LBB2_22-.Ltmp13, $4  }
0x139: {  	s2 =	simm.s32 @!p0 $0x2  }
0x13a: {  	_ =	swait.ge @!p0 [sflag:s2], $0x2000  }
0x13b: {  	[sflag:s2] =	ssyncset.done @!p0 $0x0  }
0x13c: {  	s13 =	simm.s32 @!p0 $0xC8;
	[sflag:s2] =	ssyncadd.s32 @!p0 $0xFFFFE000  }
0x13d: {  	s13 =	sadd.s32 @!p0 $0x1, s11  }
.Ltmp14:
0x13e: {  	_ =	swait.ge [sflag:s31], $0x200;
	s13 =	simm.s32 @p0 $0x1;
	(pc) =	sbr.rel .LBB2_22-.Ltmp14, $4  }
0x13f: {  	s15 =	simm.s32 $0x100;
	s2 =	sshll.u32 s13, $0xD;
	s14 =	sshll.u32 s13, $0x8  }
0x140: {  	[sflag:s31] =	ssyncset.done $0x0;
	s2 =	sand.u32 $0x2000, s2;
	s14 =	sand.u32 $0x300, s14  }
0x141: {  	[sflag:s31] =	ssyncadd.s32 $0xFFFFFE00;
	s2 =	sadd.s32 $0x1A480, s2;
	s14 =	sor.u32 $0x19C80, s14  }
0x142: {  	[tilespmem:s2], [sflag:$0x1] =	stream.indirect.gather [hbm4b:s8+s15], $0x20, s14, s15, $0xb8;
	[tilespmem:$0x1F180] =	vst v63  }
.LBB2_23:
0x143: {  	s2 =	simm.s32 $0x2  }
0x144: {  	_ =	swait.ge [sflag:s2], $0x2000  }
0x145: {  	[sflag:s2] =	ssyncset.done $0x0  }
0x146: {  	[sflag:s2] =	ssyncadd.s32 $0xFFFFE000  }
0x147: {  	s14 =	simm.s32 $0x0;
	s11 =	simm.s32 $0x0;
	[bflag:$0x0] =	sbarrier.arrive $0xFFFF  }
.LBB2_24:
0x148: {  	p0 =	sne.s32 s11, $0x3F80  }
.Ltmp15:
0x149: {  	_ = 	snop;
	(pc) =	sbr.rel @p0 .LBB2_24-.Ltmp15, $4  }
0x14a: {  	_ = 	snop  }
0x14b: {  	s2 =	sshra.s32 s11, $0x2  }
0x14c: {  	[tilespmem:s2+$0x1C480] =	vst v1  }
0x14d: {  	s11 =	sadd.s32 $0x80, s11;
	[tilespmem:s2+$0x1C490] =	vst v1  }
0x14e: {  	s15 =	simm.s32 $0x1E500  }
.LBB2_26:
0x14f: {  	s2 =	sshll.u32 s14, $0x7  }
0x150: {  	s11 =	sadd.s32 s6, s2  }
0x151: {  	s11 =	sshll.u32 s11, $0x5  }
0x152: {  	s11 =	sand.u32 $0x3FFFFFE0, s11  }
0x153: {  	s13 =	sadd.s32 s11, s3  }
0x154: {  	[tilespmem:s23], [sflag:$0x4] =	stream.linear.gather [spmem:s13], $0x1000, $0x38;
	[tilespmem:$0x1F180] =	vst v63  }
0x155: {  	s2 =	sadd.s32 s10, s2;
	_ =	swait.ge [sflag:s24], $0x1000  }
0x156: {  	s28 =	simm.s32 $0x0;
	s16 =	sshll.u32 s2, $0x2;
	[sflag:s24] =	ssyncset.done $0x0  }
0x157: {  	s29 =	simm.s32 $0x1B480;
	s22 =	sadd.s32 s7, s16;
	[sflag:s24] =	ssyncadd.s32 $0xFFFFF000  }
0x158: {  	v2 =	vmov s15;
	[tilespmem:s29], [sflag:$0x4] =	stream.linear.gather [hbm4b:s22+s28], $0x1000, $0x38;
	[tilespmem:$0x1F180] =	vst v63  }
0x159: {  	_ =	swait.ge [sflag:s24], $0x1000  }
0x15a: {  	[sflag:s24] =	ssyncset.done $0x0  }
0x15b: {  	[sflag:s24] =	ssyncadd.s32 $0xFFFFF000  }
.LBB2_27:
0x15c: {  	s2 =	sshra.s32 s28, $0x2  }
0x15d: {  	v3 =	vld.idx.msk [tilespmem:v2+s2+$0x0 ss:$0x1], $0xffff;
	_ =	sdelay $0x1  }
0x15e: {  	v4 =	vld [tilespmem:s29+$0xFFFFF000];
	_ =	sdelay $0x1  }
0x15f: {  	v5 =	vld [tilespmem:s29+$0x0]  }
0x160: {  	v44 =	vld [tilespmem:s29+$0xFFFFF010];
	v6 =	vbroadcast v3, $0x0  }
0x161: {  	v45 =	vld [tilespmem:s29+$0x10]  }
0x162: {  	v46 =	vld [tilespmem:s29+$0xFFFFF020];
	v4 =	vmul.f32 v6, v4;
	_ =	sdelay $0x1  }
0x163: {  	v47 =	vld [tilespmem:s29+$0x20];
	[tilespmem:s29+$0xFFFFF000] =	vst v4;
	v4 =	vadd.f32 v5, v4  }
0x164: {  	v49 =	vld [tilespmem:s29+$0xFFFFF030];
	v48 =	vbroadcast v3, $0x1;
	v5 =	vmul.f32 v44, v6  }
0x165: {  	v50 =	vld [tilespmem:s29+$0x30];
	[tilespmem:s29+$0x0] =	vst v4  }
0x166: {  	v51 =	vld [tilespmem:s29+$0xFFFFF040];
	[tilespmem:s29+$0xFFFFF010] =	vst v5;
	v4 =	vadd.f32 v45, v5;
	v5 =	vmul.f32 v46, v48;
	_ =	sdelay $0x1  }
0x167: {  	v52 =	vld [tilespmem:s29+$0x40];
	[tilespmem:s29+$0x10] =	vst v4;
	v4 =	vadd.f32 v47, v5  }
0x168: {  	v54 =	vld [tilespmem:s29+$0xFFFFF050];
	v53 =	vbroadcast v3, $0x2;
	[tilespmem:s29+$0xFFFFF020] =	vst v5;
	v5 =	vmul.f32 v49, v48  }
0x169: {  	v55 =	vld [tilespmem:s29+$0x50];
	[tilespmem:s29+$0x20] =	vst v4  }
0x16a: {  	v56 =	vld [tilespmem:s29+$0xFFFFF060];
	[tilespmem:s29+$0xFFFFF030] =	vst v5;
	v4 =	vadd.f32 v50, v5;
	v5 =	vmul.f32 v51, v53;
	_ =	sdelay $0x1  }
0x16b: {  	v57 =	vld [tilespmem:s29+$0x60];
	[tilespmem:s29+$0x30] =	vst v4;
	v4 =	vadd.f32 v52, v5  }
0x16c: {  	v59 =	vld [tilespmem:s29+$0xFFFFF070];
	v58 =	vbroadcast v3, $0x3;
	[tilespmem:s29+$0xFFFFF040] =	vst v5;
	v5 =	vmul.f32 v54, v53  }
0x16d: {  	v60 =	vld [tilespmem:s29+$0x70];
	[tilespmem:s29+$0x40] =	vst v4  }
0x16e: {  	v61 =	vld [tilespmem:s29+$0xFFFFF080];
	[tilespmem:s29+$0xFFFFF050] =	vst v5;
	v4 =	vadd.f32 v55, v5;
	v5 =	vmul.f32 v56, v58;
	_ =	sdelay $0x1  }
0x16f: {  	v62 =	vld [tilespmem:s29+$0x80];
	[tilespmem:s29+$0x50] =	vst v4;
	v4 =	vadd.f32 v57, v5  }
0x170: {  	v8 =	vld [tilespmem:s29+$0xFFFFF090];
	v63 =	vbroadcast v3, $0x4;
	[tilespmem:s29+$0xFFFFF060] =	vst v5;
	v5 =	vmul.f32 v59, v58  }
0x171: {  	v9 =	vld [tilespmem:s29+$0x90];
	[tilespmem:s29+$0x60] =	vst v4  }
0x172: {  	v10 =	vld [tilespmem:s29+$0xFFFFF0A0];
	[tilespmem:s29+$0xFFFFF070] =	vst v5;
	v4 =	vadd.f32 v60, v5;
	v5 =	vmul.f32 v61, v63;
	_ =	sdelay $0x1  }
0x173: {  	v11 =	vld [tilespmem:s29+$0xA0];
	[tilespmem:s29+$0x70] =	vst v4;
	v4 =	vadd.f32 v62, v5  }
0x174: {  	v13 =	vld [tilespmem:s29+$0xFFFFF0B0];
	v12 =	vbroadcast v3, $0x5;
	[tilespmem:s29+$0xFFFFF080] =	vst v5;
	v5 =	vmul.f32 v8, v63  }
0x175: {  	v14 =	vld [tilespmem:s29+$0xB0];
	[tilespmem:s29+$0x80] =	vst v4  }
0x176: {  	v15 =	vld [tilespmem:s29+$0xFFFFF0C0];
	[tilespmem:s29+$0xFFFFF090] =	vst v5;
	v4 =	vadd.f32 v9, v5;
	v5 =	vmul.f32 v10, v12;
	_ =	sdelay $0x1  }
0x177: {  	v16 =	vld [tilespmem:s29+$0xC0];
	[tilespmem:s29+$0x90] =	vst v4;
	v4 =	vadd.f32 v11, v5  }
0x178: {  	v18 =	vld [tilespmem:s29+$0xFFFFF0D0];
	v17 =	vbroadcast v3, $0x6;
	[tilespmem:s29+$0xFFFFF0A0] =	vst v5;
	v5 =	vmul.f32 v13, v12  }
0x179: {  	v19 =	vld [tilespmem:s29+$0xD0];
	[tilespmem:s29+$0xA0] =	vst v4  }
0x17a: {  	v20 =	vld [tilespmem:s29+$0xFFFFF0E0];
	[tilespmem:s29+$0xFFFFF0B0] =	vst v5;
	v4 =	vadd.f32 v14, v5;
	v5 =	vmul.f32 v15, v17;
	_ =	sdelay $0x1  }
0x17b: {  	v21 =	vld [tilespmem:s29+$0xE0];
	[tilespmem:s29+$0xB0] =	vst v4;
	v4 =	vadd.f32 v16, v5  }
0x17c: {  	v23 =	vld [tilespmem:s29+$0xFFFFF0F0];
	v22 =	vbroadcast v3, $0x7;
	[tilespmem:s29+$0xFFFFF0C0] =	vst v5;
	v5 =	vmul.f32 v18, v17  }
0x17d: {  	v24 =	vld [tilespmem:s29+$0xF0];
	[tilespmem:s29+$0xC0] =	vst v4  }
0x17e: {  	v25 =	vld [tilespmem:s29+$0xFFFFF100];
	[tilespmem:s29+$0xFFFFF0D0] =	vst v5;
	v4 =	vadd.f32 v19, v5;
	v5 =	vmul.f32 v20, v22;
	_ =	sdelay $0x1  }
0x17f: {  	v26 =	vld [tilespmem:s29+$0x100];
	[tilespmem:s29+$0xD0] =	vst v4;
	v4 =	vadd.f32 v21, v5  }
0x180: {  	v28 =	vld [tilespmem:s29+$0xFFFFF110];
	v27 =	vbroadcast v3, $0x8;
	[tilespmem:s29+$0xFFFFF0E0] =	vst v5;
	v5 =	vmul.f32 v23, v22  }
0x181: {  	v29 =	vld [tilespmem:s29+$0x110];
	[tilespmem:s29+$0xE0] =	vst v4  }
0x182: {  	v30 =	vld [tilespmem:s29+$0xFFFFF120];
	[tilespmem:s29+$0xFFFFF0F0] =	vst v5;
	v4 =	vadd.f32 v24, v5;
	v5 =	vmul.f32 v25, v27;
	_ =	sdelay $0x1  }
0x183: {  	v31 =	vld [tilespmem:s29+$0x120];
	[tilespmem:s29+$0xF0] =	vst v4;
	v4 =	vadd.f32 v26, v5  }
0x184: {  	v33 =	vld [tilespmem:s29+$0xFFFFF130];
	v32 =	vbroadcast v3, $0x9;
	[tilespmem:s29+$0xFFFFF100] =	vst v5;
	v5 =	vmul.f32 v28, v27  }
0x185: {  	v34 =	vld [tilespmem:s29+$0x130];
	[tilespmem:s29+$0x100] =	vst v4  }
0x186: {  	v35 =	vld [tilespmem:s29+$0xFFFFF140];
	[tilespmem:s29+$0xFFFFF110] =	vst v5;
	v4 =	vadd.f32 v29, v5;
	v5 =	vmul.f32 v30, v32;
	_ =	sdelay $0x1  }
0x187: {  	v36 =	vld [tilespmem:s29+$0x140];
	[tilespmem:s29+$0x110] =	vst v4;
	v4 =	vadd.f32 v31, v5  }
0x188: {  	v38 =	vld [tilespmem:s29+$0xFFFFF150];
	v37 =	vbroadcast v3, $0xA;
	[tilespmem:s29+$0xFFFFF120] =	vst v5;
	v5 =	vmul.f32 v33, v32  }
0x189: {  	v39 =	vld [tilespmem:s29+$0x150];
	[tilespmem:s29+$0x120] =	vst v4  }
0x18a: {  	v40 =	vld [tilespmem:s29+$0xFFFFF160];
	[tilespmem:s29+$0xFFFFF130] =	vst v5;
	v4 =	vadd.f32 v34, v5;
	v5 =	vmul.f32 v35, v37;
	_ =	sdelay $0x1  }
0x18b: {  	v41 =	vld [tilespmem:s29+$0x160];
	[tilespmem:s29+$0x130] =	vst v4;
	v4 =	vadd.f32 v36, v5  }
0x18c: {  	v43 =	vld [tilespmem:s29+$0xFFFFF170];
	v42 =	vbroadcast v3, $0xB;
	[tilespmem:s29+$0xFFFFF140] =	vst v5;
	v5 =	vmul.f32 v38, v37  }
0x18d: {  	v44 =	vld [tilespmem:s29+$0x170];
	[tilespmem:s29+$0x140] =	vst v4  }
0x18e: {  	v45 =	vld [tilespmem:s29+$0xFFFFF180];
	[tilespmem:s29+$0xFFFFF150] =	vst v5;
	v4 =	vadd.f32 v39, v5;
	v5 =	vmul.f32 v40, v42;
	_ =	sdelay $0x1  }
0x18f: {  	v46 =	vld [tilespmem:s29+$0x180];
	[tilespmem:s29+$0x150] =	vst v4;
	v4 =	vadd.f32 v41, v5  }
0x190: {  	v47 =	vbroadcast v3, $0xC;
	v48 =	vld [tilespmem:s29+$0xFFFFF190];
	[tilespmem:s29+$0xFFFFF160] =	vst v5;
	v5 =	vmul.f32 v43, v42  }
0x191: {  	v49 =	vld [tilespmem:s29+$0x190];
	[tilespmem:s29+$0x160] =	vst v4  }
0x192: {  	v50 =	vld [tilespmem:s29+$0xFFFFF1A0];
	[tilespmem:s29+$0xFFFFF170] =	vst v5;
	v4 =	vadd.f32 v44, v5;
	v5 =	vmul.f32 v45, v47;
	_ =	sdelay $0x1  }
0x193: {  	v51 =	vld [tilespmem:s29+$0x1A0];
	[tilespmem:s29+$0x170] =	vst v4;
	v4 =	vadd.f32 v46, v5  }
0x194: {  	v52 =	vbroadcast v3, $0xD;
	v53 =	vld [tilespmem:s29+$0xFFFFF1B0];
	[tilespmem:s29+$0xFFFFF180] =	vst v5;
	v5 =	vmul.f32 v48, v47  }
0x195: {  	v54 =	vld [tilespmem:s29+$0x1B0];
	[tilespmem:s29+$0x180] =	vst v4  }
0x196: {  	v55 =	vld [tilespmem:s29+$0xFFFFF1C0];
	[tilespmem:s29+$0xFFFFF190] =	vst v5;
	v4 =	vadd.f32 v49, v5;
	v5 =	vmul.f32 v50, v52;
	_ =	sdelay $0x1  }
0x197: {  	v56 =	vld [tilespmem:s29+$0x1C0];
	[tilespmem:s29+$0x190] =	vst v4;
	v4 =	vadd.f32 v51, v5  }
0x198: {  	v57 =	vbroadcast v3, $0xE;
	v58 =	vld [tilespmem:s29+$0xFFFFF1D0];
	[tilespmem:s29+$0xFFFFF1A0] =	vst v5;
	v5 =	vmul.f32 v53, v52  }
0x199: {  	v59 =	vld [tilespmem:s29+$0x1D0];
	[tilespmem:s29+$0x1A0] =	vst v4  }
0x19a: {  	v60 =	vld [tilespmem:s29+$0xFFFFF1E0];
	[tilespmem:s29+$0xFFFFF1B0] =	vst v5;
	v4 =	vadd.f32 v54, v5;
	v5 =	vmul.f32 v55, v57  }
0x19b: {  	v61 =	vld [tilespmem:s29+$0x1E0]  }
0x19c: {  	v62 =	vld [tilespmem:s29+$0xFFFFF1F0];
	[tilespmem:s29+$0x1B0] =	vst v4;
	v4 =	vadd.f32 v56, v5  }
0x19d: {  	v3 =	vbroadcast v3, $0xF;
	[tilespmem:s29+$0xFFFFF1C0] =	vst v5;
	v5 =	vmul.f32 v58, v57  }
0x19e: {  	v63 =	vld [tilespmem:s29+$0x1F0];
	[tilespmem:s29+$0x1C0] =	vst v4  }
0x19f: {  	[tilespmem:s29+$0xFFFFF1D0] =	vst v5;
	v4 =	vadd.f32 v59, v5;
	v5 =	vmul.f32 v60, v3  }
0x1a0: {  	p0 =	sne.s32 s28, $0x1C0  }
.Ltmp16:
0x1a1: {  	v3 =	vmul.f32 v62, v3;
	[tilespmem:s29+$0x1D0] =	vst v4;
	v4 =	vadd.f32 v61, v5;
	(pc) =	sbr.rel @p0 .LBB2_27-.Ltmp16, $4  }
0x1a2: {  	[tilespmem:s29+$0xFFFFF1E0] =	vst v5  }
0x1a3: {  	[tilespmem:s29+$0x1E0] =	vst v4;
	v4 =	vadd.f32 v63, v3  }
0x1a4: {  	[tilespmem:s29+$0xFFFFF1F0] =	vst v3  }
0x1a5: {  	s28 =	sadd.s32 $0x40, s28;
	[tilespmem:s29+$0x1F0] =	vst v4;
	s29 =	sadd.s32 $0x200, s29  }
0x1a6: {  	[hbm4b:s22+s5] =	stream.linear.scatter [tilespmem:s30], [sflag:$0x4], $0x1000, $0x38;
	[tilespmem:$0x1F180] =	vst v63  }
0x1a7: {  	_ =	swait.ge [sflag:s24], $0x1000  }
0x1a8: {  	[sflag:s24] =	ssyncset.done $0x0  }
0x1a9: {  	s2 =	sadd.s32 s8, s16;
	[sflag:s24] =	ssyncadd.s32 $0xFFFFF000  }
0x1aa: {  	[hbm4b:s2+s5] =	stream.linear.scatter [tilespmem:s23], [sflag:$0x4], $0x1000, $0x38;
	[tilespmem:$0x1F180] =	vst v63  }
0x1ab: {  	s14 =	sadd.s32 $0x1, s14;
	_ =	swait.ge [sflag:s24], $0x1000  }
0x1ac: {  	p0 =	sne.s32 s14, $0x19;
	[sflag:s24] =	ssyncset.done $0x0  }
.Ltmp17:
0x1ad: {  	[sflag:s24] =	ssyncadd.s32 $0xFFFFF000;
	(pc) =	sbr.rel @p0 .LBB2_26-.Ltmp17, $4  }
0x1ae: {  	[spmem:s13] =	stream.linear.scatter [tilespmem:s25], [sflag:$0x4], $0x1000, $0x38;
	[tilespmem:$0x1F180] =	vst v63  }
0x1af: {  	_ =	swait.ge [sflag:s24], $0x1000  }
0x1b0: {  	[sflag:s24] =	ssyncset.done $0x0  }
0x1b1: {  	s15 =	sadd.s32 $0x80, s15;
	[sflag:s24] =	ssyncadd.s32 $0xFFFFF000  }
0x1b2: {  	[bflag:$0x0] =	sbarrier.arrive $0xFFFF  }
0x1b3: {  	s11 =	simm.s32 $0x0;
	s13 =	simm.s32 $0x19C80;
	s2 =	rddreg [dreg:$0x6]  }
0x1b4: {  	[tilespmem:s13], [sflag:$0x4] =	stream.linear.gather [hbm4b:s2+s11], $0x100, $0x38;
	[tilespmem:$0x1F180] =	vst v63  }
0x1b5: {  	_ =	swait.ge [sflag:s24], $0x100  }
0x1b6: {  	[sflag:s24] =	ssyncset.done $0x0  }
0x1b7: {  	s14 =	simm.s32 $0x1A080;
	s29 =	rddreg [dreg:$0x7];
	[sflag:s24] =	ssyncadd.s32 $0xFFFFFF00  }
0x1b8: {  	[tilespmem:s14], [sflag:$0x4] =	stream.linear.gather [hbm4b:s29+s11], $0x100, $0x38;
	[tilespmem:$0x1F180] =	vst v63  }
0x1b9: {  	_ =	swait.ge [sflag:s24], $0x100  }
0x1ba: {  	[sflag:s24] =	ssyncset.done $0x0  }
0x1bb: {  	s16 =	simm.s32 $0x19D80;
	s15 =	rddreg [dreg:$0x8];
	[sflag:s24] =	ssyncadd.s32 $0xFFFFFF00  }
0x1bc: {  	[tilespmem:s16], [sflag:$0x3] =	stream.linear.gather [hbm4b:s15+s11], $0x100, $0x38;
	[tilespmem:$0x1F180] =	vst v63  }
.Ltmp18:
0x1bd: {  	_ = 	snop;
	(pc) =	sbr.rel .LBB2_30-.Ltmp18, $4  }
0x1be: {  	s28 =	simm.s32 $0x1A180;
	s22 =	rddreg [dreg:$0x9]  }
0x1bf: {  	[tilespmem:s28], [sflag:$0x3] =	stream.linear.gather [hbm4b:s22+s11], $0x100, $0x38;
	[tilespmem:$0x1F180] =	vst v63  }
0x1c0: {  	s29 =	simm.s32 $0x100  }
0x1c1: {  	[tilespmem:s23], [sflag:$0x1] =	stream.indirect.gather [hbm4b:s8+s29], $0x20, s13, s29, $0xb8;
	[tilespmem:$0x1F180] =	vst v63  }
.LBB2_32:
0x1c2: {  	s2 =	sshll.u32 s11, $0x1  }
0x1c3: {  	p0 =	sgt.u32 s11, $0xC5;
	s14 =	sshll.u32 s11, $0xA;
	_ =	swait.ge [sflag:s0], $0x2000  }
0x1c4: {  	s15 =	sshll.u32 @!p0 s2, $0x7;
	s14 =	sand.u32 $0xC00, s14;
	[sflag:s0] =	ssyncset.done $0x0  }
0x1c5: {  	s28 =	simm.s32 @!p0 $0x0;
	s2 =	sadd.s32 @!p0 s12, s2;
	s15 =	sadd.s32 @!p0 $0x200, s15  }
0x1c6: {  	s16 =	sxor.u32 @!p0 $0x800, s14;
	[sflag:s0] =	ssyncadd.s32 $0xFFFFE000;
	s22 =	sadd.s32 @!p0 s9, s15  }
0x1c7: {  	s2 =	sshll.u32 @!p0 s2, $0x4;
	s16 =	sshrl.u32 @!p0 s16, $0x2;
	s22 =	sshrl.u32 @!p0 s22, $0x3  }
0x1c8: {  	s15 =	sand.u32 @!p0 $0x300, s15;
	s16 =	sadd.s32 @!p0 $0x19C80, s16;
	s22 =	sadd.s32 @!p0 s1, s22  }
0x1c9: {  	[tilespmem:s16], [sflag:$0x3] =	stream.linear.gather @!p0 [hbm4b:s22+s28], $0x100, $0x38;
	[tilespmem:$0x1F180] =	vst v63  }
0x1ca: {  	s2 =	sadd.s32 @!p0 s2, s17;
	s15 =	sor.u32 @!p0 $0x1A080, s15;
	s16 =	sshll.u32 s11, $0xD  }
0x1cb: {  	[tilespmem:s15], [sflag:$0x3] =	stream.linear.gather @!p0 [hbm4b:s2+s28], $0x100, $0x38;
	[tilespmem:$0x1F180] =	vst v63  }
0x1cc: {  	s22 =	sshrl.u32 s14, $0x2;
	s2 =	sand.u32 $0x2000, s16;
	p0 =	slt.u32 s13, $0xC8  }
.Ltmp19:
0x1cd: {  	s29 =	sadd.s32 $0x1A080, s22;
	s28 =	sadd.s32 $0x1A480, s2;
	(pc) =	sbr.rel @!p0 .LBB2_33-.Ltmp19, $4  }
0x1ce: {  	[spmem:s3] =	stream.indirect.scatter.add.f32 [tilespmem:s28], [sflag:$0x2], $0x20, s29, s26, $0xb8;
	[tilespmem:$0x1F180] =	vst v63  }
0x1cf: {  	s11 =	sadd.s32 $0x1A100, s22;
	s2 =	sadd.s32 $0x1B480, s2  }
0x1d0: {  	[spmem:s3] =	stream.indirect.scatter.add.f32 [tilespmem:s2], [sflag:$0x2], $0x20, s11, s26, $0xb8;
	[tilespmem:$0x1F180] =	vst v63  }
0x1d1: {  	s11 =	smov.u32 s13  }
.LBB2_30:
0x1d2: {  	p0 =	seq.s32 s11, $0x0  }
0x1d3: {  	p1 =	seq.s32 @!p0 s11, $0xC7  }
0x1d4: {  	p1 =	por p0, !p1  }
.Ltmp20:
0x1d5: {  	_ = 	snop;
	(pc) =	sbr.rel @!p1 .LBB2_32-.Ltmp20, $4  }
0x1d6: {  	s2 =	simm.s32 @!p0 $0x2  }
0x1d7: {  	_ =	swait.ge @!p0 [sflag:s2], $0x2000  }
0x1d8: {  	[sflag:s2] =	ssyncset.done @!p0 $0x0  }
0x1d9: {  	s13 =	simm.s32 @!p0 $0xC8;
	[sflag:s2] =	ssyncadd.s32 @!p0 $0xFFFFE000  }
0x1da: {  	s13 =	sadd.s32 @!p0 $0x1, s11  }
.Ltmp21:
0x1db: {  	_ =	swait.ge [sflag:s31], $0x200;
	s13 =	simm.s32 @p0 $0x1;
	(pc) =	sbr.rel .LBB2_32-.Ltmp21, $4  }
0x1dc: {  	s15 =	simm.s32 $0x100;
	s2 =	sshll.u32 s13, $0xD;
	s14 =	sshll.u32 s13, $0x8  }
0x1dd: {  	[sflag:s31] =	ssyncset.done $0x0;
	s2 =	sand.u32 $0x2000, s2;
	s14 =	sand.u32 $0x300, s14  }
0x1de: {  	[sflag:s31] =	ssyncadd.s32 $0xFFFFFE00;
	s2 =	sadd.s32 $0x1A480, s2;
	s14 =	sor.u32 $0x19C80, s14  }
0x1df: {  	[tilespmem:s2], [sflag:$0x1] =	stream.indirect.gather [hbm4b:s8+s15], $0x20, s14, s15, $0xb8;
	[tilespmem:$0x1F180] =	vst v63  }
.LBB2_33:
0x1e0: {  	s2 =	simm.s32 $0x2  }
0x1e1: {  	_ =	swait.ge [sflag:s2], $0x2000  }
0x1e2: {  	[sflag:s2] =	ssyncset.done $0x0  }
0x1e3: {  	s22 =	simm.s32 $0x0;
	[sflag:s2] =	ssyncadd.s32 $0xFFFFE000  }
0x1e4: {  	s14 =	simm.s32 $0x1E500;
	s15 =	simm.s32 $0x0;
	[bflag:$0x0] =	sbarrier.arrive $0xFFFF  }
.LBB2_34:
0x1e5: {  	s2 =	sshll.u32 s15, $0x7  }
0x1e6: {  	s11 =	sadd.s32 s6, s2  }
0x1e7: {  	s11 =	sshll.u32 s11, $0x5  }
0x1e8: {  	s11 =	sand.u32 $0x3FFFFFE0, s11  }
0x1e9: {  	s11 =	sadd.s32 s11, s3  }
0x1ea: {  	[tilespmem:s23], [sflag:$0x4] =	stream.linear.gather [spmem:s11], $0x1000, $0x38;
	[tilespmem:$0x1F180] =	vst v63  }
0x1eb: {  	s2 =	sadd.s32 s10, s2;
	_ =	swait.ge [sflag:s24], $0x1000  }
0x1ec: {  	s2 =	sshll.u32 s2, $0x2;
	[sflag:s24] =	ssyncset.done $0x0  }
0x1ed: {  	s13 =	simm.s32 $0x1B480;
	s16 =	sadd.s32 s7, s2;
	[sflag:s24] =	ssyncadd.s32 $0xFFFFF000  }
0x1ee: {  	v2 =	vmov s14;
	[tilespmem:s13], [sflag:$0x4] =	stream.linear.gather [hbm4b:s16+s22], $0x1000, $0x38;
	[tilespmem:$0x1F180] =	vst v63  }
0x1ef: {  	_ =	swait.ge [sflag:s24], $0x1000  }
0x1f0: {  	[sflag:s24] =	ssyncset.done $0x0  }
0x1f1: {  	s28 =	simm.s32 $0x0;
	[sflag:s24] =	ssyncadd.s32 $0xFFFFF000  }
.LBB2_35:
0x1f2: {  	s2 =	sshra.s32 s28, $0x2  }
0x1f3: {  	v3 =	vld.idx.msk [tilespmem:v2+s2+$0x0 ss:$0x1], $0xffff;
	_ =	sdelay $0x1  }
0x1f4: {  	v4 =	vld [tilespmem:s13+$0xFFFFF000];
	_ =	sdelay $0x1  }
0x1f5: {  	v5 =	vld [tilespmem:s13+$0x0]  }
0x1f6: {  	v6 =	vbroadcast v3, $0x0  }
0x1f7: {  	v44 =	vld [tilespmem:s13+$0xFFFFF010]  }
0x1f8: {  	v4 =	vmul.f32 v6, v4  }
0x1f9: {  	v45 =	vld [tilespmem:s13+$0x10]  }
0x1fa: {  	v5 =	vadd.f32 v5, v4  }
0x1fb: {  	v46 =	vld [tilespmem:s13+$0xFFFFF020]  }
0x1fc: {  	v43 =	vmul.f32 $2.500000000e-01, v5;
	v5 =	vmul.f32 v44, v6  }
0x1fd: {  	v47 =	vld [tilespmem:s13+$0x20]  }
0x1fe: {  	v48 =	vbroadcast v3, $0x1;
	[tilespmem:s13+$0xFFFFF000] =	vst v4;
	v4 =	vadd.f32 v45, v5  }
0x1ff: {  	v49 =	vld [tilespmem:s13+$0xFFFFF030]  }
0x200: {  	[tilespmem:s13+$0xFFFFF010] =	vst v5;
	v5 =	vmul.f32 v46, v48;
	v4 =	vmul.f32 $2.500000000e-01, v4  }
0x201: {  	v50 =	vld [tilespmem:s13+$0x30]  }
0x202: {  	[tilespmem:s13+$0x10] =	vst v4;
	v4 =	vadd.f32 v47, v5  }
0x203: {  	v51 =	vld [tilespmem:s13+$0xFFFFF040]  }
0x204: {  	[tilespmem:s13+$0xFFFFF020] =	vst v5;
	v5 =	vmul.f32 v49, v48;
	v4 =	vmul.f32 $2.500000000e-01, v4  }
0x205: {  	v52 =	vld [tilespmem:s13+$0x40]  }
0x206: {  	v53 =	vbroadcast v3, $0x2;
	[tilespmem:s13+$0x20] =	vst v4;
	v4 =	vadd.f32 v50, v5  }
0x207: {  	v54 =	vld [tilespmem:s13+$0xFFFFF050]  }
0x208: {  	[tilespmem:s13+$0xFFFFF030] =	vst v5;
	v5 =	vmul.f32 v51, v53;
	v4 =	vmul.f32 $2.500000000e-01, v4  }
0x209: {  	v55 =	vld [tilespmem:s13+$0x50]  }
0x20a: {  	[tilespmem:s13+$0x30] =	vst v4;
	v4 =	vadd.f32 v52, v5  }
0x20b: {  	v56 =	vld [tilespmem:s13+$0xFFFFF060]  }
0x20c: {  	[tilespmem:s13+$0xFFFFF040] =	vst v5;
	v5 =	vmul.f32 v54, v53;
	v4 =	vmul.f32 $2.500000000e-01, v4  }
0x20d: {  	v57 =	vld [tilespmem:s13+$0x60]  }
0x20e: {  	v58 =	vbroadcast v3, $0x3;
	[tilespmem:s13+$0x40] =	vst v4;
	v4 =	vadd.f32 v55, v5  }
0x20f: {  	v59 =	vld [tilespmem:s13+$0xFFFFF070]  }
0x210: {  	[tilespmem:s13+$0xFFFFF050] =	vst v5;
	v5 =	vmul.f32 v56, v58;
	v4 =	vmul.f32 $2.500000000e-01, v4  }
0x211: {  	v60 =	vld [tilespmem:s13+$0x70]  }
0x212: {  	[tilespmem:s13+$0x50] =	vst v4;
	v4 =	vadd.f32 v57, v5  }
0x213: {  	v61 =	vld [tilespmem:s13+$0xFFFFF080]  }
0x214: {  	[tilespmem:s13+$0xFFFFF060] =	vst v5;
	v5 =	vmul.f32 v59, v58;
	v4 =	vmul.f32 $2.500000000e-01, v4  }
0x215: {  	v62 =	vld [tilespmem:s13+$0x80]  }
0x216: {  	v63 =	vbroadcast v3, $0x4;
	[tilespmem:s13+$0x60] =	vst v4;
	v4 =	vadd.f32 v60, v5  }
0x217: {  	v8 =	vld [tilespmem:s13+$0xFFFFF090]  }
0x218: {  	[tilespmem:s13+$0xFFFFF070] =	vst v5;
	v5 =	vmul.f32 v61, v63;
	v4 =	vmul.f32 $2.500000000e-01, v4  }
0x219: {  	v9 =	vld [tilespmem:s13+$0x90]  }
0x21a: {  	[tilespmem:s13+$0x70] =	vst v4;
	v4 =	vadd.f32 v62, v5  }
0x21b: {  	v10 =	vld [tilespmem:s13+$0xFFFFF0A0]  }
0x21c: {  	[tilespmem:s13+$0xFFFFF080] =	vst v5;
	v5 =	vmul.f32 v8, v63;
	v4 =	vmul.f32 $2.500000000e-01, v4  }
0x21d: {  	v11 =	vld [tilespmem:s13+$0xA0]  }
0x21e: {  	v12 =	vbroadcast v3, $0x5;
	[tilespmem:s13+$0x80] =	vst v4;
	v4 =	vadd.f32 v9, v5  }
0x21f: {  	v13 =	vld [tilespmem:s13+$0xFFFFF0B0]  }
0x220: {  	[tilespmem:s13+$0xFFFFF090] =	vst v5;
	v5 =	vmul.f32 v10, v12;
	v4 =	vmul.f32 $2.500000000e-01, v4  }
0x221: {  	v14 =	vld [tilespmem:s13+$0xB0]  }
0x222: {  	[tilespmem:s13+$0x90] =	vst v4;
	v4 =	vadd.f32 v11, v5  }
0x223: {  	v15 =	vld [tilespmem:s13+$0xFFFFF0C0]  }
0x224: {  	[tilespmem:s13+$0xFFFFF0A0] =	vst v5;
	v5 =	vmul.f32 v13, v12;
	v4 =	vmul.f32 $2.500000000e-01, v4  }
0x225: {  	v16 =	vld [tilespmem:s13+$0xC0]  }
0x226: {  	v17 =	vbroadcast v3, $0x6;
	[tilespmem:s13+$0xA0] =	vst v4;
	v4 =	vadd.f32 v14, v5  }
0x227: {  	v18 =	vld [tilespmem:s13+$0xFFFFF0D0]  }
0x228: {  	[tilespmem:s13+$0xFFFFF0B0] =	vst v5;
	v5 =	vmul.f32 v15, v17;
	v4 =	vmul.f32 $2.500000000e-01, v4  }
0x229: {  	v19 =	vld [tilespmem:s13+$0xD0]  }
0x22a: {  	[tilespmem:s13+$0xB0] =	vst v4;
	v4 =	vadd.f32 v16, v5  }
0x22b: {  	v20 =	vld [tilespmem:s13+$0xFFFFF0E0]  }
0x22c: {  	[tilespmem:s13+$0xFFFFF0C0] =	vst v5;
	v5 =	vmul.f32 v18, v17;
	v4 =	vmul.f32 $2.500000000e-01, v4  }
0x22d: {  	v21 =	vld [tilespmem:s13+$0xE0]  }
0x22e: {  	v22 =	vbroadcast v3, $0x7;
	[tilespmem:s13+$0xC0] =	vst v4;
	v4 =	vadd.f32 v19, v5  }
0x22f: {  	v23 =	vld [tilespmem:s13+$0xFFFFF0F0]  }
0x230: {  	[tilespmem:s13+$0xFFFFF0D0] =	vst v5;
	v5 =	vmul.f32 v20, v22;
	v4 =	vmul.f32 $2.500000000e-01, v4  }
0x231: {  	v24 =	vld [tilespmem:s13+$0xF0]  }
0x232: {  	[tilespmem:s13+$0xD0] =	vst v4;
	v4 =	vadd.f32 v21, v5  }
0x233: {  	v25 =	vld [tilespmem:s13+$0xFFFFF100]  }
0x234: {  	[tilespmem:s13+$0xFFFFF0E0] =	vst v5;
	v5 =	vmul.f32 v23, v22;
	v4 =	vmul.f32 $2.500000000e-01, v4  }
0x235: {  	v26 =	vld [tilespmem:s13+$0x100]  }
0x236: {  	v27 =	vbroadcast v3, $0x8;
	[tilespmem:s13+$0xE0] =	vst v4;
	v4 =	vadd.f32 v24, v5  }
0x237: {  	v28 =	vld [tilespmem:s13+$0xFFFFF110]  }
0x238: {  	[tilespmem:s13+$0xFFFFF0F0] =	vst v5;
	v5 =	vmul.f32 v25, v27;
	v4 =	vmul.f32 $2.500000000e-01, v4  }
0x239: {  	v29 =	vld [tilespmem:s13+$0x110]  }
0x23a: {  	[tilespmem:s13+$0xF0] =	vst v4;
	v4 =	vadd.f32 v26, v5  }
0x23b: {  	v30 =	vld [tilespmem:s13+$0xFFFFF120]  }
0x23c: {  	[tilespmem:s13+$0xFFFFF100] =	vst v5;
	v5 =	vmul.f32 v28, v27;
	v4 =	vmul.f32 $2.500000000e-01, v4  }
0x23d: {  	v31 =	vld [tilespmem:s13+$0x120]  }
0x23e: {  	v32 =	vbroadcast v3, $0x9;
	[tilespmem:s13+$0x100] =	vst v4;
	v4 =	vadd.f32 v29, v5  }
0x23f: {  	v33 =	vld [tilespmem:s13+$0xFFFFF130]  }
0x240: {  	[tilespmem:s13+$0xFFFFF110] =	vst v5;
	v5 =	vmul.f32 v30, v32;
	v4 =	vmul.f32 $2.500000000e-01, v4  }
0x241: {  	v34 =	vld [tilespmem:s13+$0x130]  }
0x242: {  	[tilespmem:s13+$0x110] =	vst v4;
	v4 =	vadd.f32 v31, v5  }
0x243: {  	v35 =	vld [tilespmem:s13+$0xFFFFF140]  }
0x244: {  	[tilespmem:s13+$0xFFFFF120] =	vst v5;
	v5 =	vmul.f32 v33, v32;
	v4 =	vmul.f32 $2.500000000e-01, v4  }
0x245: {  	v36 =	vld [tilespmem:s13+$0x140]  }
0x246: {  	v37 =	vbroadcast v3, $0xA;
	[tilespmem:s13+$0x120] =	vst v4;
	v4 =	vadd.f32 v34, v5  }
0x247: {  	v38 =	vld [tilespmem:s13+$0xFFFFF150]  }
0x248: {  	[tilespmem:s13+$0xFFFFF130] =	vst v5;
	v5 =	vmul.f32 v35, v37;
	v4 =	vmul.f32 $2.500000000e-01, v4  }
0x249: {  	v39 =	vld [tilespmem:s13+$0x150]  }
0x24a: {  	[tilespmem:s13+$0x130] =	vst v4;
	v4 =	vadd.f32 v36, v5  }
0x24b: {  	v40 =	vld [tilespmem:s13+$0xFFFFF160]  }
0x24c: {  	[tilespmem:s13+$0xFFFFF140] =	vst v5;
	v5 =	vmul.f32 v38, v37;
	v4 =	vmul.f32 $2.500000000e-01, v4  }
0x24d: {  	v41 =	vld [tilespmem:s13+$0x160]  }
0x24e: {  	v42 =	vbroadcast v3, $0xB;
	[tilespmem:s13+$0x140] =	vst v4;
	v4 =	vadd.f32 v39, v5  }
0x24f: {  	[tilespmem:s13+$0x0] =	vst v43;
	v43 =	vld [tilespmem:s13+$0xFFFFF170]  }
0x250: {  	[tilespmem:s13+$0xFFFFF150] =	vst v5;
	v5 =	vmul.f32 v40, v42;
	v4 =	vmul.f32 $2.500000000e-01, v4  }
0x251: {  	v44 =	vld [tilespmem:s13+$0x170]  }
0x252: {  	[tilespmem:s13+$0x150] =	vst v4;
	v4 =	vadd.f32 v41, v5  }
0x253: {  	v45 =	vld [tilespmem:s13+$0xFFFFF180]  }
0x254: {  	[tilespmem:s13+$0xFFFFF160] =	vst v5;
	v5 =	vmul.f32 v43, v42;
	v4 =	vmul.f32 $2.500000000e-01, v4  }
0x255: {  	v46 =	vld [tilespmem:s13+$0x180]  }
0x256: {  	v47 =	vbroadcast v3, $0xC;
	[tilespmem:s13+$0x160] =	vst v4;
	v4 =	vadd.f32 v44, v5  }
0x257: {  	v48 =	vld [tilespmem:s13+$0xFFFFF190]  }
0x258: {  	[tilespmem:s13+$0xFFFFF170] =	vst v5;
	v5 =	vmul.f32 v45, v47;
	v4 =	vmul.f32 $2.500000000e-01, v4  }
0x259: {  	v49 =	vld [tilespmem:s13+$0x190]  }
0x25a: {  	[tilespmem:s13+$0x170] =	vst v4;
	v4 =	vadd.f32 v46, v5  }
0x25b: {  	v50 =	vld [tilespmem:s13+$0xFFFFF1A0]  }
0x25c: {  	[tilespmem:s13+$0xFFFFF180] =	vst v5;
	v5 =	vmul.f32 v48, v47;
	v4 =	vmul.f32 $2.500000000e-01, v4  }
0x25d: {  	v51 =	vld [tilespmem:s13+$0x1A0]  }
0x25e: {  	v52 =	vbroadcast v3, $0xD;
	[tilespmem:s13+$0x180] =	vst v4;
	v4 =	vadd.f32 v49, v5  }
0x25f: {  	v53 =	vld [tilespmem:s13+$0xFFFFF1B0]  }
0x260: {  	[tilespmem:s13+$0xFFFFF190] =	vst v5;
	v5 =	vmul.f32 v50, v52;
	v4 =	vmul.f32 $2.500000000e-01, v4  }
0x261: {  	v54 =	vld [tilespmem:s13+$0x1B0]  }
0x262: {  	[tilespmem:s13+$0x190] =	vst v4;
	v4 =	vadd.f32 v51, v5  }
0x263: {  	v55 =	vld [tilespmem:s13+$0xFFFFF1C0]  }
0x264: {  	[tilespmem:s13+$0xFFFFF1A0] =	vst v5;
	v5 =	vmul.f32 v53, v52;
	v4 =	vmul.f32 $2.500000000e-01, v4  }
0x265: {  	v56 =	vld [tilespmem:s13+$0x1C0]  }
0x266: {  	v57 =	vbroadcast v3, $0xE;
	[tilespmem:s13+$0x1A0] =	vst v4;
	v4 =	vadd.f32 v54, v5  }
0x267: {  	v58 =	vld [tilespmem:s13+$0xFFFFF1D0]  }
0x268: {  	[tilespmem:s13+$0xFFFFF1B0] =	vst v5;
	v5 =	vmul.f32 v55, v57;
	v4 =	vmul.f32 $2.500000000e-01, v4  }
0x269: {  	v59 =	vld [tilespmem:s13+$0x1D0]  }
0x26a: {  	[tilespmem:s13+$0x1B0] =	vst v4;
	v4 =	vadd.f32 v56, v5  }
0x26b: {  	v60 =	vld [tilespmem:s13+$0xFFFFF1E0]  }
0x26c: {  	[tilespmem:s13+$0xFFFFF1C0] =	vst v5;
	v5 =	vmul.f32 v58, v57;
	v4 =	vmul.f32 $2.500000000e-01, v4  }
0x26d: {  	v61 =	vld [tilespmem:s13+$0x1E0]  }
0x26e: {  	v3 =	vbroadcast v3, $0xF;
	[tilespmem:s13+$0x1C0] =	vst v4;
	v4 =	vadd.f32 v59, v5  }
0x26f: {  	v62 =	vld [tilespmem:s13+$0xFFFFF1F0]  }
0x270: {  	[tilespmem:s13+$0xFFFFF1D0] =	vst v5;
	v5 =	vmul.f32 v60, v3;
	v4 =	vmul.f32 $2.500000000e-01, v4  }
0x271: {  	v63 =	vld [tilespmem:s13+$0x1F0]  }
0x272: {  	[tilespmem:s13+$0x1D0] =	vst v4;
	v4 =	vadd.f32 v61, v5;
	_ =	sdelay $0x1  }
0x273: {  	v3 =	vmul.f32 v62, v3;
	v4 =	vmul.f32 $2.500000000e-01, v4  }
0x274: {  	p0 =	sne.s32 s28, $0x1C0  }
.Ltmp22:
0x275: {  	[tilespmem:s13+$0x1E0] =	vst v4;
	v4 =	vadd.f32 v63, v3;
	(pc) =	sbr.rel @p0 .LBB2_35-.Ltmp22, $4  }
0x276: {  	_ = 	snop  }
0x277: {  	[tilespmem:s13+$0xFFFFF1E0] =	vst v5;
	v4 =	vmul.f32 $2.500000000e-01, v4  }
0x278: {  	[tilespmem:s13+$0xFFFFF1F0] =	vst v3  }
0x279: {  	s28 =	sadd.s32 $0x40, s28;
	[tilespmem:s13+$0x1F0] =	vst v4;
	s13 =	sadd.s32 $0x200, s13  }
0x27a: {  	s15 =	sadd.s32 $0x1, s15  }
0x27b: {  	p0 =	sne.s32 s15, $0x19  }
.Ltmp23:
0x27c: {  	_ = 	snop;
	(pc) =	sbr.rel @p0 .LBB2_34-.Ltmp23, $4  }
0x27d: {  	[hbm4b:s16+s5] =	stream.linear.scatter [tilespmem:s30], [sflag:$0x4], $0x1000, $0x38;
	[tilespmem:$0x1F180] =	vst v63  }
0x27e: {  	_ =	swait.ge [sflag:s24], $0x1000  }
0x27f: {  	[sflag:s24] =	ssyncset.done $0x0  }
0x280: {  	s14 =	sadd.s32 $0x80, s14;
	[sflag:s24] =	ssyncadd.s32 $0xFFFFF000  }
0x281: {  	s11 =	rddreg [dreg:$0xc]  }
0x282: {  	s2 =	rddreg [dreg:$0xa];
	s11 =	sadd.s32 $0x1, s11  }
0x283: {  	p0 =	sne.s32 s11, s2  }
.Ltmp24:
0x284: {  	_ = 	snop;
	(pc) =	sbr.rel @p0 .LBB2_1-.Ltmp24, $1  }
0x285: {  	_ =	sdelay $0x3  }
0x286: {  	_ =	sfence.sel $0x180000  }
0x287: {  	[bflag:$0x0] =	sbarrier.arrive $0xFFFF  }
0x288: {  	_ =	strace $0x90000047  }
0x289: {  	s0 =	stileid.u32;
	[bflag:$0x2] =	sbarrier.arrive $0xFFFF  }
0x28a: {  	p0 =	sne.s32 s0, $0x0;
	s0 =	rddreg [dreg:$0x4]  }
0x28b: {  	s0 =	sadd.s32 @!p0 $0x100000, s0  }
0x28c: {  	[sflag:s0] =	ssyncadd.tile.s32 @!p0 $0x1;
	_ =	shalt  }
.Lfunc_end2:
_tile_overlayer_lowered:
.L_overlay_start_2:
0x28d: {  	(tag) =	ssettag $0x2  }
0x28e: {  	s0 =	rddreg [dreg:$0x0];
	s2 =	stileid.u32  }
0x28f: {  	s1 =	rddreg [dreg:$0x1];
	p0 =	sne.s32 s2, $0x0  }
0x290: {  	s3 =	rddreg [dreg:$0x2];
	[bflag:$0x3] =	sbarrier.arrive $0xFFFF;
	s2 =	simm.s32 @!p0 $0x1C04  }
0x291: {  	[timem:s3], [sflag:s2] =	dma.local @!p0 [hbm:s0], s1  }
0x292: {  	s0 =	simm.s32 @!p0 $0x4  }
0x293: {  	_ =	swait.ge @!p0 [sflag:s0], s1  }
0x294: {  	s1 =	ssub.s32 @!p0 $0x0, s1;
	[sflag:s0] =	ssyncset.done @!p0 $0x0  }
0x295: {  	[sflag:s0] =	ssyncadd.s32 @!p0 s1  }
0x296: {  	[bflag:$0x3] =	sbarrier.arrive $0xFFFF  }
0x297: {  	_ =	shalt  }

</sc_bundles>
